<compile_context>
chip_gen: v7x
topology: tpu7x:2x2x1
jax: 0.10.2.dev20260603
libtpu: 0.0.44.dev20260713+nightly
codegen_flags: <defaults>
</compile_context>

<pallas_src>
import jax
import jax.numpy as jnp
from jax import lax
from jax.experimental import pallas as pl
from jax.experimental.pallas import tpu as pltpu
from jax.experimental.pallas import tpu_sc as plsc

VOCAB = 1000000
DIM = 32
BATCH = 16384
SEQ = 50
TOTAL = BATCH * SEQ
NUM_WORKERS = 32
CHUNK = 512
PER_WORKER = SEQ

_mesh = plsc.VectorSubcoreMesh(core_axis_name="c", subcore_axis_name="s")


@pl.kernel(
    out_type=jax.ShapeDtypeStruct((TOTAL * DIM,), jnp.float32),
    mesh=_mesh,
    scratch_types=[
        pltpu.VMEM((SEQ, CHUNK), jnp.int32),
        pltpu.VMEM((CHUNK, DIM), jnp.float32),
        pltpu.VMEM((CHUNK, DIM), jnp.float32),
        pltpu.VMEM((CHUNK * DIM,), jnp.float32),
        pltpu.VMEM((CHUNK * DIM,), jnp.float32),
        pltpu.SemaphoreType.DMA,
        pltpu.SemaphoreType.DMA,
        pltpu.SemaphoreType.DMA,
        pltpu.SemaphoreType.DMA,
        pltpu.SemaphoreType.DMA,
    ],
    compiler_params=pltpu.CompilerParams(use_tc_tiling_on_sc=False,
                                         needs_layout_passes=False),
)
def _gather_all(idx_hbm, table_hbm, out_hbm, idx_all, rows0, rows1,
                trans0, trans1, g0, g1, s0, s1, isem):
    wid = lax.axis_index("s") * 2 + lax.axis_index("c")

    for l in range(SEQ):
        pltpu.async_copy(
            idx_hbm.at[pl.ds(l, 1), pl.ds(wid * CHUNK, CHUNK)],
            idx_all.at[pl.ds(l, 1)], isem)
    pltpu.make_async_copy(
        idx_hbm.at[pl.ds(0, SEQ), pl.ds(0, CHUNK)], idx_all, isem).wait()

    rows = [rows0, rows1]
    trans = [trans0, trans1]
    gsem = [g0, g1]
    ssem = [s0, s1]
    iota16 = lax.iota(jnp.int32, 16)

    def start_gather(j, buf):
        pltpu.async_copy(table_hbm.at[idx_all.at[j]], rows[buf], gsem[buf])

    def wait_gather(buf):
        pltpu.make_async_copy(
            table_hbm.at[pl.ds(0, CHUNK)], rows[buf], gsem[buf]).wait()

    def drain_stores(buf):
        pltpu.make_async_copy(
            out_hbm.at[pl.ds(0, CHUNK * DIM)], trans[buf], ssem[buf]).wait()

    def do_chunk(j, buf):
        rbuf = rows[buf]
        tbuf = trans[buf]

        def diag(d0, carry):
            dm = (d0 + iota16) & 31
            dpat = ((dm >> 3) << 12) + ((dm & 7) << 7) + iota16
            for g16 in range(32):
                row = iota16 + g16 * 16
                vec = plsc.load_gather(rbuf, [row, dm])
                dst = dpat + ((g16 // 8) * 1024 + (g16 % 8) * 16)
                plsc.store_scatter(tbuf, [dst], vec)
            return carry

        lax.fori_loop(0, 32, diag, 0)

        for td in range(4):
            out_off = ((j * 4 + td) * 128 + wid * 4) * 1024
            pltpu.async_copy(
                tbuf.at[pl.ds(td * 4096, 4096)],
                out_hbm.at[pl.ds(out_off, 4096)], ssem[buf])

    start_gather(0, 0)

    def body(j2, carry):
        a = 2 * j2
        start_gather(a + 1, 1)
        wait_gather(0)

        @pl.when(j2 > 0)
        def _():
            drain_stores(0)
        do_chunk(a, 0)
        start_gather(a + 2, 0)

        wait_gather(1)

        @pl.when(j2 > 0)
        def _():
            drain_stores(1)
        do_chunk(a + 1, 1)
        return carry

    lax.fori_loop(0, (PER_WORKER - 2) // 2, body, 0)

    start_gather(PER_WORKER - 1, 1)
    wait_gather(0)
    drain_stores(0)
    do_chunk(PER_WORKER - 2, 0)
    wait_gather(1)
    drain_stores(1)
    do_chunk(PER_WORKER - 1, 1)
    drain_stores(0)
    drain_stores(1)


def kernel(token_ids, table):
    out = _gather_all(token_ids.T, table)
    out5 = out.reshape(SEQ, DIM // 8, BATCH // 128, 8, 128)
    return out5.transpose(2, 4, 0, 1, 3).reshape(BATCH, SEQ, DIM)

# --- scband reference (transcript-rebuilt; emitter-appended) ---
"""Pipeline reference for scband-cllmembedding-31490700214960 (READ-ONLY COPY).

The authoritative reference and input builder live on the scoring server;
editing this copy changes nothing except your own understanding.
"""

import jax, jax.numpy as jnp
import numpy as np

VOCAB = 1000000
DIM = 32
B = 16384
L = 50

def setup_inputs(seed: int = 0) -> dict:
    key = jax.random.key(seed)
    k1, k2 = jax.random.split(key)
    token_ids = jax.random.randint(k1, (B, L), 0, VOCAB, dtype=jnp.int64 if jax.config.jax_enable_x64 else jnp.int32)
    table = jax.random.normal(k2, (VOCAB, DIM), dtype=jnp.float32)
    return {"token_ids": token_ids, "table": table}

def reference(token_ids, table):
    # Faithful translation of nn.Embedding forward: gather rows of the table.
    return jnp.take(table, token_ids, axis=0)

if __name__ == "__main__":
    import jax
    _d = setup_inputs()
    print(jax.jit(kernel)(*tuple(_d.values())))

</pallas_src>

<mosaic_0001>
#map = affine_map<(d0, d1) -> (0, 0)>
#map1 = affine_map<(d0, d1) -> (0)>
module attributes {stable_mosaic.version = 14 : i64} {
  func.func @_gather_all(%arg0: i32, %arg1: i32, %arg2: memref<50x16384xi32, #tpu.memory_space<hbm>>, %arg3: memref<1000000x32xf32, #tpu.memory_space<hbm>>, %arg4: memref<26214400xf32, #tpu.memory_space<hbm>>, %arg5: memref<50x512xi32, #tpu.memory_space<vmem>>, %arg6: memref<512x32xf32, #tpu.memory_space<vmem>>, %arg7: memref<512x32xf32, #tpu.memory_space<vmem>>, %arg8: memref<16384xf32, #tpu.memory_space<vmem>>, %arg9: memref<16384xf32, #tpu.memory_space<vmem>>, %arg10: memref<!tpu.dma_semaphore, #tpu.memory_space<semaphore_mem>>, %arg11: memref<!tpu.dma_semaphore, #tpu.memory_space<semaphore_mem>>, %arg12: memref<!tpu.dma_semaphore, #tpu.memory_space<semaphore_mem>>, %arg13: memref<!tpu.dma_semaphore, #tpu.memory_space<semaphore_mem>>, %arg14: memref<!tpu.dma_semaphore, #tpu.memory_space<semaphore_mem>>) attributes {dimension_semantics = [#tpu.dimension_semantics<core_parallel>, #tpu.dimension_semantics<subcore_parallel>], iteration_bounds = array<i64: 2, 16>, scalar_prefetch = 0 : i64, scratch_operands = 10 : i64, tpu.core_type = #tpu.core_type<sc_vector_subcore>, window_params = [{transform_indices = #map}, {transform_indices = #map}, {transform_indices = #map1}]} {
    %mul3A = arith.constant 2 : i32
    %mul3A_0 = arith.muli %arg1, %mul3A : i32
    %add3A = arith.addi %mul3A_0, %arg0 : i32
    %mul3A_1 = arith.constant 512 : i32
    %mul3A_2 = arith.muli %add3A, %mul3A_1 : i32
    %dma_start3A = arith.constant 0 : i32
    %dma_start3A_3 = arith.constant 0 : i32
    %dma_start3A_4 = tpu.memref_slice %arg5[%dma_start3A, %dma_start3A_3] : memref<50x512xi32, #tpu.memory_space<vmem>> -> memref<1x512xi32, #tpu.memory_space<vmem>>
    %dma_start3A_5 = arith.constant 0 : i32
    %dma_start3A_6 = tpu.memref_slice %arg2[%dma_start3A_5, %mul3A_2] : memref<50x16384xi32, #tpu.memory_space<hbm>> -> memref<1x512xi32, #tpu.memory_space<hbm>>
    %dma_start3A_7 = arith.constant 0 : i32
    %dma_start3A_8 = arith.constant 0 : i32
    %dma_start3A_9 = tpu.memref_slice %arg5[%dma_start3A_7, %dma_start3A_8] : memref<50x512xi32, #tpu.memory_space<vmem>> -> memref<1x512xi32, #tpu.memory_space<vmem>>
    %dma_start3A_10 = arith.constant 0 : i32
    %dma_start3A_11 = tpu.memref_slice %arg2[%dma_start3A_10, %mul3A_2] : memref<50x16384xi32, #tpu.memory_space<hbm>> -> memref<1x512xi32, #tpu.memory_space<hbm>>
    tpu.enqueue_dma source(%dma_start3A_11 : memref<1x512xi32, #tpu.memory_space<hbm>>) target(%dma_start3A_9 : memref<1x512xi32, #tpu.memory_space<vmem>>) target_semaphore(%arg14 : memref<!tpu.dma_semaphore, #tpu.memory_space<semaphore_mem>>)
    %mul3A_12 = arith.constant 512 : i32
    %mul3A_13 = arith.muli %add3A, %mul3A_12 : i32
    %dma_start3A_14 = arith.constant 1 : i32
    %dma_start3A_15 = arith.constant 0 : i32
    %dma_start3A_16 = tpu.memref_slice %arg5[%dma_start3A_14, %dma_start3A_15] : memref<50x512xi32, #tpu.memory_space<vmem>> -> memref<1x512xi32, #tpu.memory_space<vmem>>
    %dma_start3A_17 = arith.constant 1 : i32
    %dma_start3A_18 = tpu.memref_slice %arg2[%dma_start3A_17, %mul3A_13] : memref<50x16384xi32, #tpu.memory_space<hbm>> -> memref<1x512xi32, #tpu.memory_space<hbm>>
    %dma_start3A_19 = arith.constant 1 : i32
    %dma_start3A_20 = arith.constant 0 : i32
    %dma_start3A_21 = tpu.memref_slice %arg5[%dma_start3A_19, %dma_start3A_20] : memref<50x512xi32, #tpu.memory_space<vmem>> -> memref<1x512xi32, #tpu.memory_space<vmem>>
    %dma_start3A_22 = arith.constant 1 : i32
    %dma_start3A_23 = tpu.memref_slice %arg2[%dma_start3A_22, %mul3A_13] : memref<50x16384xi32, #tpu.memory_space<hbm>> -> memref<1x512xi32, #tpu.memory_space<hbm>>
    tpu.enqueue_dma source(%dma_start3A_23 : memref<1x512xi32, #tpu.memory_space<hbm>>) target(%dma_start3A_21 : memref<1x512xi32, #tpu.memory_space<vmem>>) target_semaphore(%arg14 : memref<!tpu.dma_semaphore, #tpu.memory_space<semaphore_mem>>)
    %mul3A_24 = arith.constant 512 : i32
    %mul3A_25 = arith.muli %add3A, %mul3A_24 : i32
    %dma_start3A_26 = arith.constant 2 : i32
    %dma_start3A_27 = arith.constant 0 : i32
    %dma_start3A_28 = tpu.memref_slice %arg5[%dma_start3A_26, %dma_start3A_27] : memref<50x512xi32, #tpu.memory_space<vmem>> -> memref<1x512xi32, #tpu.memory_space<vmem>>
    %dma_start3A_29 = arith.constant 2 : i32
    %dma_start3A_30 = tpu.memref_slice %arg2[%dma_start3A_29, %mul3A_25] : memref<50x16384xi32, #tpu.memory_space<hbm>> -> memref<1x512xi32, #tpu.memory_space<hbm>>
    %dma_start3A_31 = arith.constant 2 : i32
    %dma_start3A_32 = arith.constant 0 : i32
    %dma_start3A_33 = tpu.memref_slice %arg5[%dma_start3A_31, %dma_start3A_32] : memref<50x512xi32, #tpu.memory_space<vmem>> -> memref<1x512xi32, #tpu.memory_space<vmem>>
    %dma_start3A_34 = arith.constant 2 : i32
    %dma_start3A_35 = tpu.memref_slice %arg2[%dma_start3A_34, %mul3A_25] : memref<50x16384xi32, #tpu.memory_space<hbm>> -> memref<1x512xi32, #tpu.memory_space<hbm>>
    tpu.enqueue_dma source(%dma_start3A_35 : memref<1x512xi32, #tpu.memory_space<hbm>>) target(%dma_start3A_33 : memref<1x512xi32, #tpu.memory_space<vmem>>) target_semaphore(%arg14 : memref<!tpu.dma_semaphore, #tpu.memory_space<semaphore_mem>>)
    %mul3A_36 = arith.constant 512 : i32
    %mul3A_37 = arith.muli %add3A, %mul3A_36 : i32
    %dma_start3A_38 = arith.constant 3 : i32
    %dma_start3A_39 = arith.constant 0 : i32
    %dma_start3A_40 = tpu.memref_slice %arg5[%dma_start3A_38, %dma_start3A_39] : memref<50x512xi32, #tpu.memory_space<vmem>> -> memref<1x512xi32, #tpu.memory_space<vmem>>
    %dma_start3A_41 = arith.constant 3 : i32
    %dma_start3A_42 = tpu.memref_slice %arg2[%dma_start3A_41, %mul3A_37] : memref<50x16384xi32, #tpu.memory_space<hbm>> -> memref<1x512xi32, #tpu.memory_space<hbm>>
    %dma_start3A_43 = arith.constant 3 : i32
    %dma_start3A_44 = arith.constant 0 : i32
    %dma_start3A_45 = tpu.memref_slice %arg5[%dma_start3A_43, %dma_start3A_44] : memref<50x512xi32, #tpu.memory_space<vmem>> -> memref<1x512xi32, #tpu.memory_space<vmem>>
    %dma_start3A_46 = arith.constant 3 : i32
    %dma_start3A_47 = tpu.memref_slice %arg2[%dma_start3A_46, %mul3A_37] : memref<50x16384xi32, #tpu.memory_space<hbm>> -> memref<1x512xi32, #tpu.memory_space<hbm>>
    tpu.enqueue_dma source(%dma_start3A_47 : memref<1x512xi32, #tpu.memory_space<hbm>>) target(%dma_start3A_45 : memref<1x512xi32, #tpu.memory_space<vmem>>) target_semaphore(%arg14 : memref<!tpu.dma_semaphore, #tpu.memory_space<semaphore_mem>>)
    %mul3A_48 = arith.constant 512 : i32
    %mul3A_49 = arith.muli %add3A, %mul3A_48 : i32
    %dma_start3A_50 = arith.constant 4 : i32
    %dma_start3A_51 = arith.constant 0 : i32
    %dma_start3A_52 = tpu.memref_slice %arg5[%dma_start3A_50, %dma_start3A_51] : memref<50x512xi32, #tpu.memory_space<vmem>> -> memref<1x512xi32, #tpu.memory_space<vmem>>
    %dma_start3A_53 = arith.constant 4 : i32
    %dma_start3A_54 = tpu.memref_slice %arg2[%dma_start3A_53, %mul3A_49] : memref<50x16384xi32, #tpu.memory_space<hbm>> -> memref<1x512xi32, #tpu.memory_space<hbm>>
    %dma_start3A_55 = arith.constant 4 : i32
    %dma_start3A_56 = arith.constant 0 : i32
    %dma_start3A_57 = tpu.memref_slice %arg5[%dma_start3A_55, %dma_start3A_56] : memref<50x512xi32, #tpu.memory_space<vmem>> -> memref<1x512xi32, #tpu.memory_space<vmem>>
    %dma_start3A_58 = arith.constant 4 : i32
    %dma_start3A_59 = tpu.memref_slice %arg2[%dma_start3A_58, %mul3A_49] : memref<50x16384xi32, #tpu.memory_space<hbm>> -> memref<1x512xi32, #tpu.memory_space<hbm>>
    tpu.enqueue_dma source(%dma_start3A_59 : memref<1x512xi32, #tpu.memory_space<hbm>>) target(%dma_start3A_57 : memref<1x512xi32, #tpu.memory_space<vmem>>) target_semaphore(%arg14 : memref<!tpu.dma_semaphore, #tpu.memory_space<semaphore_mem>>)
    %mul3A_60 = arith.constant 512 : i32
    %mul3A_61 = arith.muli %add3A, %mul3A_60 : i32
    %dma_start3A_62 = arith.constant 5 : i32
    %dma_start3A_63 = arith.constant 0 : i32
    %dma_start3A_64 = tpu.memref_slice %arg5[%dma_start3A_62, %dma_start3A_63] : memref<50x512xi32, #tpu.memory_space<vmem>> -> memref<1x512xi32, #tpu.memory_space<vmem>>
    %dma_start3A_65 = arith.constant 5 : i32
    %dma_start3A_66 = tpu.memref_slice %arg2[%dma_start3A_65, %mul3A_61] : memref<50x16384xi32, #tpu.memory_space<hbm>> -> memref<1x512xi32, #tpu.memory_space<hbm>>
    %dma_start3A_67 = arith.constant 5 : i32
    %dma_start3A_68 = arith.constant 0 : i32
    %dma_start3A_69 = tpu.memref_slice %arg5[%dma_start3A_67, %dma_start3A_68] : memref<50x512xi32, #tpu.memory_space<vmem>> -> memref<1x512xi32, #tpu.memory_space<vmem>>
    %dma_start3A_70 = arith.constant 5 : i32
    %dma_start3A_71 = tpu.memref_slice %arg2[%dma_start3A_70, %mul3A_61] : memref<50x16384xi32, #tpu.memory_space<hbm>> -> memref<1x512xi32, #tpu.memory_space<hbm>>
    tpu.enqueue_dma source(%dma_start3A_71 : memref<1x512xi32, #tpu.memory_space<hbm>>) target(%dma_start3A_69 : memref<1x512xi32, #tpu.memory_space<vmem>>) target_semaphore(%arg14 : memref<!tpu.dma_semaphore, #tpu.memory_space<semaphore_mem>>)
    %mul3A_72 = arith.constant 512 : i32
    %mul3A_73 = arith.muli %add3A, %mul3A_72 : i32
    %dma_start3A_74 = arith.constant 6 : i32
    %dma_start3A_75 = arith.constant 0 : i32
    %dma_start3A_76 = tpu.memref_slice %arg5[%dma_start3A_74, %dma_start3A_75] : memref<50x512xi32, #tpu.memory_space<vmem>> -> memref<1x512xi32, #tpu.memory_space<vmem>>
    %dma_start3A_77 = arith.constant 6 : i32
    %dma_start3A_78 = tpu.memref_slice %arg2[%dma_start3A_77, %mul3A_73] : memref<50x16384xi32, #tpu.memory_space<hbm>> -> memref<1x512xi32, #tpu.memory_space<hbm>>
    %dma_start3A_79 = arith.constant 6 : i32
    %dma_start3A_80 = arith.constant 0 : i32
    %dma_start3A_81 = tpu.memref_slice %arg5[%dma_start3A_79, %dma_start3A_80] : memref<50x512xi32, #tpu.memory_space<vmem>> -> memref<1x512xi32, #tpu.memory_space<vmem>>
    %dma_start3A_82 = arith.constant 6 : i32
    %dma_start3A_83 = tpu.memref_slice %arg2[%dma_start3A_82, %mul3A_73] : memref<50x16384xi32, #tpu.memory_space<hbm>> -> memref<1x512xi32, #tpu.memory_space<hbm>>
    tpu.enqueue_dma source(%dma_start3A_83 : memref<1x512xi32, #tpu.memory_space<hbm>>) target(%dma_start3A_81 : memref<1x512xi32, #tpu.memory_space<vmem>>) target_semaphore(%arg14 : memref<!tpu.dma_semaphore, #tpu.memory_space<semaphore_mem>>)
    %mul3A_84 = arith.constant 512 : i32
    %mul3A_85 = arith.muli %add3A, %mul3A_84 : i32
    %dma_start3A_86 = arith.constant 7 : i32
    %dma_start3A_87 = arith.constant 0 : i32
    %dma_start3A_88 = tpu.memref_slice %arg5[%dma_start3A_86, %dma_start3A_87] : memref<50x512xi32, #tpu.memory_space<vmem>> -> memref<1x512xi32, #tpu.memory_space<vmem>>
    %dma_start3A_89 = arith.constant 7 : i32
    %dma_start3A_90 = tpu.memref_slice %arg2[%dma_start3A_89, %mul3A_85] : memref<50x16384xi32, #tpu.memory_space<hbm>> -> memref<1x512xi32, #tpu.memory_space<hbm>>
    %dma_start3A_91 = arith.constant 7 : i32
    %dma_start3A_92 = arith.constant 0 : i32
    %dma_start3A_93 = tpu.memref_slice %arg5[%dma_start3A_91, %dma_start3A_92] : memref<50x512xi32, #tpu.memory_space<vmem>> -> memref<1x512xi32, #tpu.memory_space<vmem>>
    %dma_start3A_94 = arith.constant 7 : i32
    %dma_start3A_95 = tpu.memref_slice %arg2[%dma_start3A_94, %mul3A_85] : memref<50x16384xi32, #tpu.memory_space<hbm>> -> memref<1x512xi32, #tpu.memory_space<hbm>>
    tpu.enqueue_dma source(%dma_start3A_95 : memref<1x512xi32, #tpu.memory_space<hbm>>) target(%dma_start3A_93 : memref<1x512xi32, #tpu.memory_space<vmem>>) target_semaphore(%arg14 : memref<!tpu.dma_semaphore, #tpu.memory_space<semaphore_mem>>)
    %mul3A_96 = arith.constant 512 : i32
    %mul3A_97 = arith.muli %add3A, %mul3A_96 : i32
    %dma_start3A_98 = arith.constant 8 : i32
    %dma_start3A_99 = arith.constant 0 : i32
    %dma_start3A_100 = tpu.memref_slice %arg5[%dma_start3A_98, %dma_start3A_99] : memref<50x512xi32, #tpu.memory_space<vmem>> -> memref<1x512xi32, #tpu.memory_space<vmem>>
    %dma_start3A_101 = arith.constant 8 : i32
    %dma_start3A_102 = tpu.memref_slice %arg2[%dma_start3A_101, %mul3A_97] : memref<50x16384xi32, #tpu.memory_space<hbm>> -> memref<1x512xi32, #tpu.memory_space<hbm>>
    %dma_start3A_103 = arith.constant 8 : i32
    %dma_start3A_104 = arith.constant 0 : i32
    %dma_start3A_105 = tpu.memref_slice %arg5[%dma_start3A_103, %dma_start3A_104] : memref<50x512xi32, #tpu.memory_space<vmem>> -> memref<1x512xi32, #tpu.memory_space<vmem>>
    %dma_start3A_106 = arith.constant 8 : i32
    %dma_start3A_107 = tpu.memref_slice %arg2[%dma_start3A_106, %mul3A_97] : memref<50x16384xi32, #tpu.memory_space<hbm>> -> memref<1x512xi32, #tpu.memory_space<hbm>>
    tpu.enqueue_dma source(%dma_start3A_107 : memref<1x512xi32, #tpu.memory_space<hbm>>) target(%dma_start3A_105 : memref<1x512xi32, #tpu.memory_space<vmem>>) target_semaphore(%arg14 : memref<!tpu.dma_semaphore, #tpu.memory_space<semaphore_mem>>)
    %mul3A_108 = arith.constant 512 : i32
    %mul3A_109 = arith.muli %add3A, %mul3A_108 : i32
    %dma_start3A_110 = arith.constant 9 : i32
    %dma_start3A_111 = arith.constant 0 : i32
    %dma_start3A_112 = tpu.memref_slice %arg5[%dma_start3A_110, %dma_start3A_111] : memref<50x512xi32, #tpu.memory_space<vmem>> -> memref<1x512xi32, #tpu.memory_space<vmem>>
    %dma_start3A_113 = arith.constant 9 : i32
    %dma_start3A_114 = tpu.memref_slice %arg2[%dma_start3A_113, %mul3A_109] : memref<50x16384xi32, #tpu.memory_space<hbm>> -> memref<1x512xi32, #tpu.memory_space<hbm>>
    %dma_start3A_115 = arith.constant 9 : i32
    %dma_start3A_116 = arith.constant 0 : i32
    %dma_start3A_117 = tpu.memref_slice %arg5[%dma_start3A_115, %dma_start3A_116] : memref<50x512xi32, #tpu.memory_space<vmem>> -> memref<1x512xi32, #tpu.memory_space<vmem>>
    %dma_start3A_118 = arith.constant 9 : i32
    %dma_start3A_119 = tpu.memref_slice %arg2[%dma_start3A_118, %mul3A_109] : memref<50x16384xi32, #tpu.memory_space<hbm>> -> memref<1x512xi32, #tpu.memory_space<hbm>>
    tpu.enqueue_dma source(%dma_start3A_119 : memref<1x512xi32, #tpu.memory_space<hbm>>) target(%dma_start3A_117 : memref<1x512xi32, #tpu.memory_space<vmem>>) target_semaphore(%arg14 : memref<!tpu.dma_semaphore, #tpu.memory_space<semaphore_mem>>)
    %mul3A_120 = arith.constant 512 : i32
    %mul3A_121 = arith.muli %add3A, %mul3A_120 : i32
    %dma_start3A_122 = arith.constant 10 : i32
    %dma_start3A_123 = arith.constant 0 : i32
    %dma_start3A_124 = tpu.memref_slice %arg5[%dma_start3A_122, %dma_start3A_123] : memref<50x512xi32, #tpu.memory_space<vmem>> -> memref<1x512xi32, #tpu.memory_space<vmem>>
    %dma_start3A_125 = arith.constant 10 : i32
    %dma_start3A_126 = tpu.memref_slice %arg2[%dma_start3A_125, %mul3A_121] : memref<50x16384xi32, #tpu.memory_space<hbm>> -> memref<1x512xi32, #tpu.memory_space<hbm>>
    %dma_start3A_127 = arith.constant 10 : i32
    %dma_start3A_128 = arith.constant 0 : i32
    %dma_start3A_129 = tpu.memref_slice %arg5[%dma_start3A_127, %dma_start3A_128] : memref<50x512xi32, #tpu.memory_space<vmem>> -> memref<1x512xi32, #tpu.memory_space<vmem>>
    %dma_start3A_130 = arith.constant 10 : i32
    %dma_start3A_131 = tpu.memref_slice %arg2[%dma_start3A_130, %mul3A_121] : memref<50x16384xi32, #tpu.memory_space<hbm>> -> memref<1x512xi32, #tpu.memory_space<hbm>>
    tpu.enqueue_dma source(%dma_start3A_131 : memref<1x512xi32, #tpu.memory_space<hbm>>) target(%dma_start3A_129 : memref<1x512xi32, #tpu.memory_space<vmem>>) target_semaphore(%arg14 : memref<!tpu.dma_semaphore, #tpu.memory_space<semaphore_mem>>)
    %mul3A_132 = arith.constant 512 : i32
    %mul3A_133 = arith.muli %add3A, %mul3A_132 : i32
    %dma_start3A_134 = arith.constant 11 : i32
    %dma_start3A_135 = arith.constant 0 : i32
    %dma_start3A_136 = tpu.memref_slice %arg5[%dma_start3A_134, %dma_start3A_135] : memref<50x512xi32, #tpu.memory_space<vmem>> -> memref<1x512xi32, #tpu.memory_space<vmem>>
    %dma_start3A_137 = arith.constant 11 : i32
    %dma_start3A_138 = tpu.memref_slice %arg2[%dma_start3A_137, %mul3A_133] : memref<50x16384xi32, #tpu.memory_space<hbm>> -> memref<1x512xi32, #tpu.memory_space<hbm>>
    %dma_start3A_139 = arith.constant 11 : i32
    %dma_start3A_140 = arith.constant 0 : i32
    %dma_start3A_141 = tpu.memref_slice %arg5[%dma_start3A_139, %dma_start3A_140] : memref<50x512xi32, #tpu.memory_space<vmem>> -> memref<1x512xi32, #tpu.memory_space<vmem>>
    %dma_start3A_142 = arith.constant 11 : i32
    %dma_start3A_143 = tpu.memref_slice %arg2[%dma_start3A_142, %mul3A_133] : memref<50x16384xi32, #tpu.memory_space<hbm>> -> memref<1x512xi32, #tpu.memory_space<hbm>>
    tpu.enqueue_dma source(%dma_start3A_143 : memref<1x512xi32, #tpu.memory_space<hbm>>) target(%dma_start3A_141 : memref<1x512xi32, #tpu.memory_space<vmem>>) target_semaphore(%arg14 : memref<!tpu.dma_semaphore, #tpu.memory_space<semaphore_mem>>)
    %mul3A_144 = arith.constant 512 : i32
    %mul3A_145 = arith.muli %add3A, %mul3A_144 : i32
    %dma_start3A_146 = arith.constant 12 : i32
    %dma_start3A_147 = arith.constant 0 : i32
    %dma_start3A_148 = tpu.memref_slice %arg5[%dma_start3A_146, %dma_start3A_147] : memref<50x512xi32, #tpu.memory_space<vmem>> -> memref<1x512xi32, #tpu.memory_space<vmem>>
    %dma_start3A_149 = arith.constant 12 : i32
    %dma_start3A_150 = tpu.memref_slice %arg2[%dma_start3A_149, %mul3A_145] : memref<50x16384xi32, #tpu.memory_space<hbm>> -> memref<1x512xi32, #tpu.memory_space<hbm>>
    %dma_start3A_151 = arith.constant 12 : i32
    %dma_start3A_152 = arith.constant 0 : i32
    %dma_start3A_153 = tpu.memref_slice %arg5[%dma_start3A_151, %dma_start3A_152] : memref<50x512xi32, #tpu.memory_space<vmem>> -> memref<1x512xi32, #tpu.memory_space<vmem>>
    %dma_start3A_154 = arith.constant 12 : i32
    %dma_start3A_155 = tpu.memref_slice %arg2[%dma_start3A_154, %mul3A_145] : memref<50x16384xi32, #tpu.memory_space<hbm>> -> memref<1x512xi32, #tpu.memory_space<hbm>>
    tpu.enqueue_dma source(%dma_start3A_155 : memref<1x512xi32, #tpu.memory_space<hbm>>) target(%dma_start3A_153 : memref<1x512xi32, #tpu.memory_space<vmem>>) target_semaphore(%arg14 : memref<!tpu.dma_semaphore, #tpu.memory_space<semaphore_mem>>)
    %mul3A_156 = arith.constant 512 : i32
    %mul3A_157 = arith.muli %add3A, %mul3A_156 : i32
    %dma_start3A_158 = arith.constant 13 : i32
    %dma_start3A_159 = arith.constant 0 : i32
    %dma_start3A_160 = tpu.memref_slice %arg5[%dma_start3A_158, %dma_start3A_159] : memref<50x512xi32, #tpu.memory_space<vmem>> -> memref<1x512xi32, #tpu.memory_space<vmem>>
    %dma_start3A_161 = arith.constant 13 : i32
    %dma_start3A_162 = tpu.memref_slice %arg2[%dma_start3A_161, %mul3A_157] : memref<50x16384xi32, #tpu.memory_space<hbm>> -> memref<1x512xi32, #tpu.memory_space<hbm>>
    %dma_start3A_163 = arith.constant 13 : i32
    %dma_start3A_164 = arith.constant 0 : i32
    %dma_start3A_165 = tpu.memref_slice %arg5[%dma_start3A_163, %dma_start3A_164] : memref<50x512xi32, #tpu.memory_space<vmem>> -> memref<1x512xi32, #tpu.memory_space<vmem>>
    %dma_start3A_166 = arith.constant 13 : i32
    %dma_start3A_167 = tpu.memref_slice %arg2[%dma_start3A_166, %mul3A_157] : memref<50x16384xi32, #tpu.memory_space<hbm>> -> memref<1x512xi32, #tpu.memory_space<hbm>>
    tpu.enqueue_dma source(%dma_start3A_167 : memref<1x512xi32, #tpu.memory_space<hbm>>) target(%dma_start3A_165 : memref<1x512xi32, #tpu.memory_space<vmem>>) target_semaphore(%arg14 : memref<!tpu.dma_semaphore, #tpu.memory_space<semaphore_mem>>)
    %mul3A_168 = arith.constant 512 : i32
    %mul3A_169 = arith.muli %add3A, %mul3A_168 : i32
    %dma_start3A_170 = arith.constant 14 : i32
    %dma_start3A_171 = arith.constant 0 : i32
    %dma_start3A_172 = tpu.memref_slice %arg5[%dma_start3A_170, %dma_start3A_171] : memref<50x512xi32, #tpu.memory_space<vmem>> -> memref<1x512xi32, #tpu.memory_space<vmem>>
    %dma_start3A_173 = arith.constant 14 : i32
    %dma_start3A_174 = tpu.memref_slice %arg2[%dma_start3A_173, %mul3A_169] : memref<50x16384xi32, #tpu.memory_space<hbm>> -> memref<1x512xi32, #tpu.memory_space<hbm>>
    %dma_start3A_175 = arith.constant 14 : i32
    %dma_start3A_176 = arith.constant 0 : i32
    %dma_start3A_177 = tpu.memref_slice %arg5[%dma_start3A_175, %dma_start3A_176] : memref<50x512xi32, #tpu.memory_space<vmem>> -> memref<1x512xi32, #tpu.memory_space<vmem>>
    %dma_start3A_178 = arith.constant 14 : i32
    %dma_start3A_179 = tpu.memref_slice %arg2[%dma_start3A_178, %mul3A_169] : memref<50x16384xi32, #tpu.memory_space<hbm>> -> memref<1x512xi32, #tpu.memory_space<hbm>>
    tpu.enqueue_dma source(%dma_start3A_179 : memref<1x512xi32, #tpu.memory_space<hbm>>) target(%dma_start3A_177 : memref<1x512xi32, #tpu.memory_space<vmem>>) target_semaphore(%arg14 : memref<!tpu.dma_semaphore, #tpu.memory_space<semaphore_mem>>)
    %mul3A_180 = arith.constant 512 : i32
    %mul3A_181 = arith.muli %add3A, %mul3A_180 : i32
    %dma_start3A_182 = arith.constant 15 : i32
    %dma_start3A_183 = arith.constant 0 : i32
    %dma_start3A_184 = tpu.memref_slice %arg5[%dma_start3A_182, %dma_start3A_183] : memref<50x512xi32, #tpu.memory_space<vmem>> -> memref<1x512xi32, #tpu.memory_space<vmem>>
    %dma_start3A_185 = arith.constant 15 : i32
    %dma_start3A_186 = tpu.memref_slice %arg2[%dma_start3A_185, %mul3A_181] : memref<50x16384xi32, #tpu.memory_space<hbm>> -> memref<1x512xi32, #tpu.memory_space<hbm>>
    %dma_start3A_187 = arith.constant 15 : i32
    %dma_start3A_188 = arith.constant 0 : i32
    %dma_start3A_189 = tpu.memref_slice %arg5[%dma_start3A_187, %dma_start3A_188] : memref<50x512xi32, #tpu.memory_space<vmem>> -> memref<1x512xi32, #tpu.memory_space<vmem>>
    %dma_start3A_190 = arith.constant 15 : i32
    %dma_start3A_191 = tpu.memref_slice %arg2[%dma_start3A_190, %mul3A_181] : memref<50x16384xi32, #tpu.memory_space<hbm>> -> memref<1x512xi32, #tpu.memory_space<hbm>>
    tpu.enqueue_dma source(%dma_start3A_191 : memref<1x512xi32, #tpu.memory_space<hbm>>) target(%dma_start3A_189 : memref<1x512xi32, #tpu.memory_space<vmem>>) target_semaphore(%arg14 : memref<!tpu.dma_semaphore, #tpu.memory_space<semaphore_mem>>)
    %mul3A_192 = arith.constant 512 : i32
    %mul3A_193 = arith.muli %add3A, %mul3A_192 : i32
    %dma_start3A_194 = arith.constant 16 : i32
    %dma_start3A_195 = arith.constant 0 : i32
    %dma_start3A_196 = tpu.memref_slice %arg5[%dma_start3A_194, %dma_start3A_195] : memref<50x512xi32, #tpu.memory_space<vmem>> -> memref<1x512xi32, #tpu.memory_space<vmem>>
    %dma_start3A_197 = arith.constant 16 : i32
    %dma_start3A_198 = tpu.memref_slice %arg2[%dma_start3A_197, %mul3A_193] : memref<50x16384xi32, #tpu.memory_space<hbm>> -> memref<1x512xi32, #tpu.memory_space<hbm>>
    %dma_start3A_199 = arith.constant 16 : i32
    %dma_start3A_200 = arith.constant 0 : i32
    %dma_start3A_201 = tpu.memref_slice %arg5[%dma_start3A_199, %dma_start3A_200] : memref<50x512xi32, #tpu.memory_space<vmem>> -> memref<1x512xi32, #tpu.memory_space<vmem>>
    %dma_start3A_202 = arith.constant 16 : i32
    %dma_start3A_203 = tpu.memref_slice %arg2[%dma_start3A_202, %mul3A_193] : memref<50x16384xi32, #tpu.memory_space<hbm>> -> memref<1x512xi32, #tpu.memory_space<hbm>>
    tpu.enqueue_dma source(%dma_start3A_203 : memref<1x512xi32, #tpu.memory_space<hbm>>) target(%dma_start3A_201 : memref<1x512xi32, #tpu.memory_space<vmem>>) target_semaphore(%arg14 : memref<!tpu.dma_semaphore, #tpu.memory_space<semaphore_mem>>)
    %mul3A_204 = arith.constant 512 : i32
    %mul3A_205 = arith.muli %add3A, %mul3A_204 : i32
    %dma_start3A_206 = arith.constant 17 : i32
    %dma_start3A_207 = arith.constant 0 : i32
    %dma_start3A_208 = tpu.memref_slice %arg5[%dma_start3A_206, %dma_start3A_207] : memref<50x512xi32, #tpu.memory_space<vmem>> -> memref<1x512xi32, #tpu.memory_space<vmem>>
    %dma_start3A_209 = arith.constant 17 : i32
    %dma_start3A_210 = tpu.memref_slice %arg2[%dma_start3A_209, %mul3A_205] : memref<50x16384xi32, #tpu.memory_space<hbm>> -> memref<1x512xi32, #tpu.memory_space<hbm>>
    %dma_start3A_211 = arith.constant 17 : i32
    %dma_start3A_212 = arith.constant 0 : i32
    %dma_start3A_213 = tpu.memref_slice %arg5[%dma_start3A_211, %dma_start3A_212] : memref<50x512xi32, #tpu.memory_space<vmem>> -> memref<1x512xi32, #tpu.memory_space<vmem>>
    %dma_start3A_214 = arith.constant 17 : i32
    %dma_start3A_215 = tpu.memref_slice %arg2[%dma_start3A_214, %mul3A_205] : memref<50x16384xi32, #tpu.memory_space<hbm>> -> memref<1x512xi32, #tpu.memory_space<hbm>>
    tpu.enqueue_dma source(%dma_start3A_215 : memref<1x512xi32, #tpu.memory_space<hbm>>) target(%dma_start3A_213 : memref<1x512xi32, #tpu.memory_space<vmem>>) target_semaphore(%arg14 : memref<!tpu.dma_semaphore, #tpu.memory_space<semaphore_mem>>)
    %mul3A_216 = arith.constant 512 : i32
    %mul3A_217 = arith.muli %add3A, %mul3A_216 : i32
    %dma_start3A_218 = arith.constant 18 : i32
    %dma_start3A_219 = arith.constant 0 : i32
    %dma_start3A_220 = tpu.memref_slice %arg5[%dma_start3A_218, %dma_start3A_219] : memref<50x512xi32, #tpu.memory_space<vmem>> -> memref<1x512xi32, #tpu.memory_space<vmem>>
    %dma_start3A_221 = arith.constant 18 : i32
    %dma_start3A_222 = tpu.memref_slice %arg2[%dma_start3A_221, %mul3A_217] : memref<50x16384xi32, #tpu.memory_space<hbm>> -> memref<1x512xi32, #tpu.memory_space<hbm>>
    %dma_start3A_223 = arith.constant 18 : i32
    %dma_start3A_224 = arith.constant 0 : i32
    %dma_start3A_225 = tpu.memref_slice %arg5[%dma_start3A_223, %dma_start3A_224] : memref<50x512xi32, #tpu.memory_space<vmem>> -> memref<1x512xi32, #tpu.memory_space<vmem>>
    %dma_start3A_226 = arith.constant 18 : i32
    %dma_start3A_227 = tpu.memref_slice %arg2[%dma_start3A_226, %mul3A_217] : memref<50x16384xi32, #tpu.memory_space<hbm>> -> memref<1x512xi32, #tpu.memory_space<hbm>>
    tpu.enqueue_dma source(%dma_start3A_227 : memref<1x512xi32, #tpu.memory_space<hbm>>) target(%dma_start3A_225 : memref<1x512xi32, #tpu.memory_space<vmem>>) target_semaphore(%arg14 : memref<!tpu.dma_semaphore, #tpu.memory_space<semaphore_mem>>)
    %mul3A_228 = arith.constant 512 : i32
    %mul3A_229 = arith.muli %add3A, %mul3A_228 : i32
    %dma_start3A_230 = arith.constant 19 : i32
    %dma_start3A_231 = arith.constant 0 : i32
    %dma_start3A_232 = tpu.memref_slice %arg5[%dma_start3A_230, %dma_start3A_231] : memref<50x512xi32, #tpu.memory_space<vmem>> -> memref<1x512xi32, #tpu.memory_space<vmem>>
    %dma_start3A_233 = arith.constant 19 : i32
    %dma_start3A_234 = tpu.memref_slice %arg2[%dma_start3A_233, %mul3A_229] : memref<50x16384xi32, #tpu.memory_space<hbm>> -> memref<1x512xi32, #tpu.memory_space<hbm>>
    %dma_start3A_235 = arith.constant 19 : i32
    %dma_start3A_236 = arith.constant 0 : i32
    %dma_start3A_237 = tpu.memref_slice %arg5[%dma_start3A_235, %dma_start3A_236] : memref<50x512xi32, #tpu.memory_space<vmem>> -> memref<1x512xi32, #tpu.memory_space<vmem>>
    %dma_start3A_238 = arith.constant 19 : i32
    %dma_start3A_239 = tpu.memref_slice %arg2[%dma_start3A_238, %mul3A_229] : memref<50x16384xi32, #tpu.memory_space<hbm>> -> memref<1x512xi32, #tpu.memory_space<hbm>>
    tpu.enqueue_dma source(%dma_start3A_239 : memref<1x512xi32, #tpu.memory_space<hbm>>) target(%dma_start3A_237 : memref<1x512xi32, #tpu.memory_space<vmem>>) target_semaphore(%arg14 : memref<!tpu.dma_semaphore, #tpu.memory_space<semaphore_mem>>)
    %mul3A_240 = arith.constant 512 : i32
    %mul3A_241 = arith.muli %add3A, %mul3A_240 : i32
    %dma_start3A_242 = arith.constant 20 : i32
    %dma_start3A_243 = arith.constant 0 : i32
    %dma_start3A_244 = tpu.memref_slice %arg5[%dma_start3A_242, %dma_start3A_243] : memref<50x512xi32, #tpu.memory_space<vmem>> -> memref<1x512xi32, #tpu.memory_space<vmem>>
    %dma_start3A_245 = arith.constant 20 : i32
    %dma_start3A_246 = tpu.memref_slice %arg2[%dma_start3A_245, %mul3A_241] : memref<50x16384xi32, #tpu.memory_space<hbm>> -> memref<1x512xi32, #tpu.memory_space<hbm>>
    %dma_start3A_247 = arith.constant 20 : i32
    %dma_start3A_248 = arith.constant 0 : i32
    %dma_start3A_249 = tpu.memref_slice %arg5[%dma_start3A_247, %dma_start3A_248] : memref<50x512xi32, #tpu.memory_space<vmem>> -> memref<1x512xi32, #tpu.memory_space<vmem>>
    %dma_start3A_250 = arith.constant 20 : i32
    %dma_start3A_251 = tpu.memref_slice %arg2[%dma_start3A_250, %mul3A_241] : memref<50x16384xi32, #tpu.memory_space<hbm>> -> memref<1x512xi32, #tpu.memory_space<hbm>>
    tpu.enqueue_dma source(%dma_start3A_251 : memref<1x512xi32, #tpu.memory_space<hbm>>) target(%dma_start3A_249 : memref<1x512xi32, #tpu.memory_space<vmem>>) target_semaphore(%arg14 : memref<!tpu.dma_semaphore, #tpu.memory_space<semaphore_mem>>)
    %mul3A_252 = arith.constant 512 : i32
    %mul3A_253 = arith.muli %add3A, %mul3A_252 : i32
    %dma_start3A_254 = arith.constant 21 : i32
    %dma_start3A_255 = arith.constant 0 : i32
    %dma_start3A_256 = tpu.memref_slice %arg5[%dma_start3A_254, %dma_start3A_255] : memref<50x512xi32, #tpu.memory_space<vmem>> -> memref<1x512xi32, #tpu.memory_space<vmem>>
    %dma_start3A_257 = arith.constant 21 : i32
    %dma_start3A_258 = tpu.memref_slice %arg2[%dma_start3A_257, %mul3A_253] : memref<50x16384xi32, #tpu.memory_space<hbm>> -> memref<1x512xi32, #tpu.memory_space<hbm>>
    %dma_start3A_259 = arith.constant 21 : i32
    %dma_start3A_260 = arith.constant 0 : i32
    %dma_start3A_261 = tpu.memref_slice %arg5[%dma_start3A_259, %dma_start3A_260] : memref<50x512xi32, #tpu.memory_space<vmem>> -> memref<1x512xi32, #tpu.memory_space<vmem>>
    %dma_start3A_262 = arith.constant 21 : i32
    %dma_start3A_263 = tpu.memref_slice %arg2[%dma_start3A_262, %mul3A_253] : memref<50x16384xi32, #tpu.memory_space<hbm>> -> memref<1x512xi32, #tpu.memory_space<hbm>>
    tpu.enqueue_dma source(%dma_start3A_263 : memref<1x512xi32, #tpu.memory_space<hbm>>) target(%dma_start3A_261 : memref<1x512xi32, #tpu.memory_space<vmem>>) target_semaphore(%arg14 : memref<!tpu.dma_semaphore, #tpu.memory_space<semaphore_mem>>)
    %mul3A_264 = arith.constant 512 : i32
    %mul3A_265 = arith.muli %add3A, %mul3A_264 : i32
    %dma_start3A_266 = arith.constant 22 : i32
    %dma_start3A_267 = arith.constant 0 : i32
    %dma_start3A_268 = tpu.memref_slice %arg5[%dma_start3A_266, %dma_start3A_267] : memref<50x512xi32, #tpu.memory_space<vmem>> -> memref<1x512xi32, #tpu.memory_space<vmem>>
    %dma_start3A_269 = arith.constant 22 : i32
    %dma_start3A_270 = tpu.memref_slice %arg2[%dma_start3A_269, %mul3A_265] : memref<50x16384xi32, #tpu.memory_space<hbm>> -> memref<1x512xi32, #tpu.memory_space<hbm>>
    %dma_start3A_271 = arith.constant 22 : i32
    %dma_start3A_272 = arith.constant 0 : i32
    %dma_start3A_273 = tpu.memref_slice %arg5[%dma_start3A_271, %dma_start3A_272] : memref<50x512xi32, #tpu.memory_space<vmem>> -> memref<1x512xi32, #tpu.memory_space<vmem>>
    %dma_start3A_274 = arith.constant 22 : i32
    %dma_start3A_275 = tpu.memref_slice %arg2[%dma_start3A_274, %mul3A_265] : memref<50x16384xi32, #tpu.memory_space<hbm>> -> memref<1x512xi32, #tpu.memory_space<hbm>>
    tpu.enqueue_dma source(%dma_start3A_275 : memref<1x512xi32, #tpu.memory_space<hbm>>) target(%dma_start3A_273 : memref<1x512xi32, #tpu.memory_space<vmem>>) target_semaphore(%arg14 : memref<!tpu.dma_semaphore, #tpu.memory_space<semaphore_mem>>)
    %mul3A_276 = arith.constant 512 : i32
    %mul3A_277 = arith.muli %add3A, %mul3A_276 : i32
    %dma_start3A_278 = arith.constant 23 : i32
    %dma_start3A_279 = arith.constant 0 : i32
    %dma_start3A_280 = tpu.memref_slice %arg5[%dma_start3A_278, %dma_start3A_279] : memref<50x512xi32, #tpu.memory_space<vmem>> -> memref<1x512xi32, #tpu.memory_space<vmem>>
    %dma_start3A_281 = arith.constant 23 : i32
    %dma_start3A_282 = tpu.memref_slice %arg2[%dma_start3A_281, %mul3A_277] : memref<50x16384xi32, #tpu.memory_space<hbm>> -> memref<1x512xi32, #tpu.memory_space<hbm>>
    %dma_start3A_283 = arith.constant 23 : i32
    %dma_start3A_284 = arith.constant 0 : i32
    %dma_start3A_285 = tpu.memref_slice %arg5[%dma_start3A_283, %dma_start3A_284] : memref<50x512xi32, #tpu.memory_space<vmem>> -> memref<1x512xi32, #tpu.memory_space<vmem>>
    %dma_start3A_286 = arith.constant 23 : i32
    %dma_start3A_287 = tpu.memref_slice %arg2[%dma_start3A_286, %mul3A_277] : memref<50x16384xi32, #tpu.memory_space<hbm>> -> memref<1x512xi32, #tpu.memory_space<hbm>>
    tpu.enqueue_dma source(%dma_start3A_287 : memref<1x512xi32, #tpu.memory_space<hbm>>) target(%dma_start3A_285 : memref<1x512xi32, #tpu.memory_space<vmem>>) target_semaphore(%arg14 : memref<!tpu.dma_semaphore, #tpu.memory_space<semaphore_mem>>)
    %mul3A_288 = arith.constant 512 : i32
    %mul3A_289 = arith.muli %add3A, %mul3A_288 : i32
    %dma_start3A_290 = arith.constant 24 : i32
    %dma_start3A_291 = arith.constant 0 : i32
    %dma_start3A_292 = tpu.memref_slice %arg5[%dma_start3A_290, %dma_start3A_291] : memref<50x512xi32, #tpu.memory_space<vmem>> -> memref<1x512xi32, #tpu.memory_space<vmem>>
    %dma_start3A_293 = arith.constant 24 : i32
    %dma_start3A_294 = tpu.memref_slice %arg2[%dma_start3A_293, %mul3A_289] : memref<50x16384xi32, #tpu.memory_space<hbm>> -> memref<1x512xi32, #tpu.memory_space<hbm>>
    %dma_start3A_295 = arith.constant 24 : i32
    %dma_start3A_296 = arith.constant 0 : i32
    %dma_start3A_297 = tpu.memref_slice %arg5[%dma_start3A_295, %dma_start3A_296] : memref<50x512xi32, #tpu.memory_space<vmem>> -> memref<1x512xi32, #tpu.memory_space<vmem>>
    %dma_start3A_298 = arith.constant 24 : i32
    %dma_start3A_299 = tpu.memref_slice %arg2[%dma_start3A_298, %mul3A_289] : memref<50x16384xi32, #tpu.memory_space<hbm>> -> memref<1x512xi32, #tpu.memory_space<hbm>>
    tpu.enqueue_dma source(%dma_start3A_299 : memref<1x512xi32, #tpu.memory_space<hbm>>) target(%dma_start3A_297 : memref<1x512xi32, #tpu.memory_space<vmem>>) target_semaphore(%arg14 : memref<!tpu.dma_semaphore, #tpu.memory_space<semaphore_mem>>)
    %mul3A_300 = arith.constant 512 : i32
    %mul3A_301 = arith.muli %add3A, %mul3A_300 : i32
    %dma_start3A_302 = arith.constant 25 : i32
    %dma_start3A_303 = arith.constant 0 : i32
    %dma_start3A_304 = tpu.memref_slice %arg5[%dma_start3A_302, %dma_start3A_303] : memref<50x512xi32, #tpu.memory_space<vmem>> -> memref<1x512xi32, #tpu.memory_space<vmem>>
    %dma_start3A_305 = arith.constant 25 : i32
    %dma_start3A_306 = tpu.memref_slice %arg2[%dma_start3A_305, %mul3A_301] : memref<50x16384xi32, #tpu.memory_space<hbm>> -> memref<1x512xi32, #tpu.memory_space<hbm>>
    %dma_start3A_307 = arith.constant 25 : i32
    %dma_start3A_308 = arith.constant 0 : i32
    %dma_start3A_309 = tpu.memref_slice %arg5[%dma_start3A_307, %dma_start3A_308] : memref<50x512xi32, #tpu.memory_space<vmem>> -> memref<1x512xi32, #tpu.memory_space<vmem>>
    %dma_start3A_310 = arith.constant 25 : i32
    %dma_start3A_311 = tpu.memref_slice %arg2[%dma_start3A_310, %mul3A_301] : memref<50x16384xi32, #tpu.memory_space<hbm>> -> memref<1x512xi32, #tpu.memory_space<hbm>>
    tpu.enqueue_dma source(%dma_start3A_311 : memref<1x512xi32, #tpu.memory_space<hbm>>) target(%dma_start3A_309 : memref<1x512xi32, #tpu.memory_space<vmem>>) target_semaphore(%arg14 : memref<!tpu.dma_semaphore, #tpu.memory_space<semaphore_mem>>)
    %mul3A_312 = arith.constant 512 : i32
    %mul3A_313 = arith.muli %add3A, %mul3A_312 : i32
    %dma_start3A_314 = arith.constant 26 : i32
    %dma_start3A_315 = arith.constant 0 : i32
    %dma_start3A_316 = tpu.memref_slice %arg5[%dma_start3A_314, %dma_start3A_315] : memref<50x512xi32, #tpu.memory_space<vmem>> -> memref<1x512xi32, #tpu.memory_space<vmem>>
    %dma_start3A_317 = arith.constant 26 : i32
    %dma_start3A_318 = tpu.memref_slice %arg2[%dma_start3A_317, %mul3A_313] : memref<50x16384xi32, #tpu.memory_space<hbm>> -> memref<1x512xi32, #tpu.memory_space<hbm>>
    %dma_start3A_319 = arith.constant 26 : i32
    %dma_start3A_320 = arith.constant 0 : i32
    %dma_start3A_321 = tpu.memref_slice %arg5[%dma_start3A_319, %dma_start3A_320] : memref<50x512xi32, #tpu.memory_space<vmem>> -> memref<1x512xi32, #tpu.memory_space<vmem>>
    %dma_start3A_322 = arith.constant 26 : i32
    %dma_start3A_323 = tpu.memref_slice %arg2[%dma_start3A_322, %mul3A_313] : memref<50x16384xi32, #tpu.memory_space<hbm>> -> memref<1x512xi32, #tpu.memory_space<hbm>>
    tpu.enqueue_dma source(%dma_start3A_323 : memref<1x512xi32, #tpu.memory_space<hbm>>) target(%dma_start3A_321 : memref<1x512xi32, #tpu.memory_space<vmem>>) target_semaphore(%arg14 : memref<!tpu.dma_semaphore, #tpu.memory_space<semaphore_mem>>)
    %mul3A_324 = arith.constant 512 : i32
    %mul3A_325 = arith.muli %add3A, %mul3A_324 : i32
    %dma_start3A_326 = arith.constant 27 : i32
    %dma_start3A_327 = arith.constant 0 : i32
    %dma_start3A_328 = tpu.memref_slice %arg5[%dma_start3A_326, %dma_start3A_327] : memref<50x512xi32, #tpu.memory_space<vmem>> -> memref<1x512xi32, #tpu.memory_space<vmem>>
    %dma_start3A_329 = arith.constant 27 : i32
    %dma_start3A_330 = tpu.memref_slice %arg2[%dma_start3A_329, %mul3A_325] : memref<50x16384xi32, #tpu.memory_space<hbm>> -> memref<1x512xi32, #tpu.memory_space<hbm>>
    %dma_start3A_331 = arith.constant 27 : i32
    %dma_start3A_332 = arith.constant 0 : i32
    %dma_start3A_333 = tpu.memref_slice %arg5[%dma_start3A_331, %dma_start3A_332] : memref<50x512xi32, #tpu.memory_space<vmem>> -> memref<1x512xi32, #tpu.memory_space<vmem>>
    %dma_start3A_334 = arith.constant 27 : i32
    %dma_start3A_335 = tpu.memref_slice %arg2[%dma_start3A_334, %mul3A_325] : memref<50x16384xi32, #tpu.memory_space<hbm>> -> memref<1x512xi32, #tpu.memory_space<hbm>>
    tpu.enqueue_dma source(%dma_start3A_335 : memref<1x512xi32, #tpu.memory_space<hbm>>) target(%dma_start3A_333 : memref<1x512xi32, #tpu.memory_space<vmem>>) target_semaphore(%arg14 : memref<!tpu.dma_semaphore, #tpu.memory_space<semaphore_mem>>)
    %mul3A_336 = arith.constant 512 : i32
    %mul3A_337 = arith.muli %add3A, %mul3A_336 : i32
    %dma_start3A_338 = arith.constant 28 : i32
    %dma_start3A_339 = arith.constant 0 : i32
    %dma_start3A_340 = tpu.memref_slice %arg5[%dma_start3A_338, %dma_start3A_339] : memref<50x512xi32, #tpu.memory_space<vmem>> -> memref<1x512xi32, #tpu.memory_space<vmem>>
    %dma_start3A_341 = arith.constant 28 : i32
    %dma_start3A_342 = tpu.memref_slice %arg2[%dma_start3A_341, %mul3A_337] : memref<50x16384xi32, #tpu.memory_space<hbm>> -> memref<1x512xi32, #tpu.memory_space<hbm>>
    %dma_start3A_343 = arith.constant 28 : i32
    %dma_start3A_344 = arith.constant 0 : i32
    %dma_start3A_345 = tpu.memref_slice %arg5[%dma_start3A_343, %dma_start3A_344] : memref<50x512xi32, #tpu.memory_space<vmem>> -> memref<1x512xi32, #tpu.memory_space<vmem>>
    %dma_start3A_346 = arith.constant 28 : i32
    %dma_start3A_347 = tpu.memref_slice %arg2[%dma_start3A_346, %mul3A_337] : memref<50x16384xi32, #tpu.memory_space<hbm>> -> memref<1x512xi32, #tpu.memory_space<hbm>>
    tpu.enqueue_dma source(%dma_start3A_347 : memref<1x512xi32, #tpu.memory_space<hbm>>) target(%dma_start3A_345 : memref<1x512xi32, #tpu.memory_space<vmem>>) target_semaphore(%arg14 : memref<!tpu.dma_semaphore, #tpu.memory_space<semaphore_mem>>)
    %mul3A_348 = arith.constant 512 : i32
    %mul3A_349 = arith.muli %add3A, %mul3A_348 : i32
    %dma_start3A_350 = arith.constant 29 : i32
    %dma_start3A_351 = arith.constant 0 : i32
    %dma_start3A_352 = tpu.memref_slice %arg5[%dma_start3A_350, %dma_start3A_351] : memref<50x512xi32, #tpu.memory_space<vmem>> -> memref<1x512xi32, #tpu.memory_space<vmem>>
    %dma_start3A_353 = arith.constant 29 : i32
    %dma_start3A_354 = tpu.memref_slice %arg2[%dma_start3A_353, %mul3A_349] : memref<50x16384xi32, #tpu.memory_space<hbm>> -> memref<1x512xi32, #tpu.memory_space<hbm>>
    %dma_start3A_355 = arith.constant 29 : i32
    %dma_start3A_356 = arith.constant 0 : i32
    %dma_start3A_357 = tpu.memref_slice %arg5[%dma_start3A_355, %dma_start3A_356] : memref<50x512xi32, #tpu.memory_space<vmem>> -> memref<1x512xi32, #tpu.memory_space<vmem>>
    %dma_start3A_358 = arith.constant 29 : i32
    %dma_start3A_359 = tpu.memref_slice %arg2[%dma_start3A_358, %mul3A_349] : memref<50x16384xi32, #tpu.memory_space<hbm>> -> memref<1x512xi32, #tpu.memory_space<hbm>>
    tpu.enqueue_dma source(%dma_start3A_359 : memref<1x512xi32, #tpu.memory_space<hbm>>) target(%dma_start3A_357 : memref<1x512xi32, #tpu.memory_space<vmem>>) target_semaphore(%arg14 : memref<!tpu.dma_semaphore, #tpu.memory_space<semaphore_mem>>)
    %mul3A_360 = arith.constant 512 : i32
    %mul3A_361 = arith.muli %add3A, %mul3A_360 : i32
    %dma_start3A_362 = arith.constant 30 : i32
    %dma_start3A_363 = arith.constant 0 : i32
    %dma_start3A_364 = tpu.memref_slice %arg5[%dma_start3A_362, %dma_start3A_363] : memref<50x512xi32, #tpu.memory_space<vmem>> -> memref<1x512xi32, #tpu.memory_space<vmem>>
    %dma_start3A_365 = arith.constant 30 : i32
    %dma_start3A_366 = tpu.memref_slice %arg2[%dma_start3A_365, %mul3A_361] : memref<50x16384xi32, #tpu.memory_space<hbm>> -> memref<1x512xi32, #tpu.memory_space<hbm>>
    %dma_start3A_367 = arith.constant 30 : i32
    %dma_start3A_368 = arith.constant 0 : i32
    %dma_start3A_369 = tpu.memref_slice %arg5[%dma_start3A_367, %dma_start3A_368] : memref<50x512xi32, #tpu.memory_space<vmem>> -> memref<1x512xi32, #tpu.memory_space<vmem>>
    %dma_start3A_370 = arith.constant 30 : i32
    %dma_start3A_371 = tpu.memref_slice %arg2[%dma_start3A_370, %mul3A_361] : memref<50x16384xi32, #tpu.memory_space<hbm>> -> memref<1x512xi32, #tpu.memory_space<hbm>>
    tpu.enqueue_dma source(%dma_start3A_371 : memref<1x512xi32, #tpu.memory_space<hbm>>) target(%dma_start3A_369 : memref<1x512xi32, #tpu.memory_space<vmem>>) target_semaphore(%arg14 : memref<!tpu.dma_semaphore, #tpu.memory_space<semaphore_mem>>)
    %mul3A_372 = arith.constant 512 : i32
    %mul3A_373 = arith.muli %add3A, %mul3A_372 : i32
    %dma_start3A_374 = arith.constant 31 : i32
    %dma_start3A_375 = arith.constant 0 : i32
    %dma_start3A_376 = tpu.memref_slice %arg5[%dma_start3A_374, %dma_start3A_375] : memref<50x512xi32, #tpu.memory_space<vmem>> -> memref<1x512xi32, #tpu.memory_space<vmem>>
    %dma_start3A_377 = arith.constant 31 : i32
    %dma_start3A_378 = tpu.memref_slice %arg2[%dma_start3A_377, %mul3A_373] : memref<50x16384xi32, #tpu.memory_space<hbm>> -> memref<1x512xi32, #tpu.memory_space<hbm>>
    %dma_start3A_379 = arith.constant 31 : i32
    %dma_start3A_380 = arith.constant 0 : i32
    %dma_start3A_381 = tpu.memref_slice %arg5[%dma_start3A_379, %dma_start3A_380] : memref<50x512xi32, #tpu.memory_space<vmem>> -> memref<1x512xi32, #tpu.memory_space<vmem>>
    %dma_start3A_382 = arith.constant 31 : i32
    %dma_start3A_383 = tpu.memref_slice %arg2[%dma_start3A_382, %mul3A_373] : memref<50x16384xi32, #tpu.memory_space<hbm>> -> memref<1x512xi32, #tpu.memory_space<hbm>>
    tpu.enqueue_dma source(%dma_start3A_383 : memref<1x512xi32, #tpu.memory_space<hbm>>) target(%dma_start3A_381 : memref<1x512xi32, #tpu.memory_space<vmem>>) target_semaphore(%arg14 : memref<!tpu.dma_semaphore, #tpu.memory_space<semaphore_mem>>)
    %mul3A_384 = arith.constant 512 : i32
    %mul3A_385 = arith.muli %add3A, %mul3A_384 : i32
    %dma_start3A_386 = arith.constant 32 : i32
    %dma_start3A_387 = arith.constant 0 : i32
    %dma_start3A_388 = tpu.memref_slice %arg5[%dma_start3A_386, %dma_start3A_387] : memref<50x512xi32, #tpu.memory_space<vmem>> -> memref<1x512xi32, #tpu.memory_space<vmem>>
    %dma_start3A_389 = arith.constant 32 : i32
    %dma_start3A_390 = tpu.memref_slice %arg2[%dma_start3A_389, %mul3A_385] : memref<50x16384xi32, #tpu.memory_space<hbm>> -> memref<1x512xi32, #tpu.memory_space<hbm>>
    %dma_start3A_391 = arith.constant 32 : i32
    %dma_start3A_392 = arith.constant 0 : i32
    %dma_start3A_393 = tpu.memref_slice %arg5[%dma_start3A_391, %dma_start3A_392] : memref<50x512xi32, #tpu.memory_space<vmem>> -> memref<1x512xi32, #tpu.memory_space<vmem>>
    %dma_start3A_394 = arith.constant 32 : i32
    %dma_start3A_395 = tpu.memref_slice %arg2[%dma_start3A_394, %mul3A_385] : memref<50x16384xi32, #tpu.memory_space<hbm>> -> memref<1x512xi32, #tpu.memory_space<hbm>>
    tpu.enqueue_dma source(%dma_start3A_395 : memref<1x512xi32, #tpu.memory_space<hbm>>) target(%dma_start3A_393 : memref<1x512xi32, #tpu.memory_space<vmem>>) target_semaphore(%arg14 : memref<!tpu.dma_semaphore, #tpu.memory_space<semaphore_mem>>)
    %mul3A_396 = arith.constant 512 : i32
    %mul3A_397 = arith.muli %add3A, %mul3A_396 : i32
    %dma_start3A_398 = arith.constant 33 : i32
    %dma_start3A_399 = arith.constant 0 : i32
    %dma_start3A_400 = tpu.memref_slice %arg5[%dma_start3A_398, %dma_start3A_399] : memref<50x512xi32, #tpu.memory_space<vmem>> -> memref<1x512xi32, #tpu.memory_space<vmem>>
    %dma_start3A_401 = arith.constant 33 : i32
    %dma_start3A_402 = tpu.memref_slice %arg2[%dma_start3A_401, %mul3A_397] : memref<50x16384xi32, #tpu.memory_space<hbm>> -> memref<1x512xi32, #tpu.memory_space<hbm>>
    %dma_start3A_403 = arith.constant 33 : i32
    %dma_start3A_404 = arith.constant 0 : i32
    %dma_start3A_405 = tpu.memref_slice %arg5[%dma_start3A_403, %dma_start3A_404] : memref<50x512xi32, #tpu.memory_space<vmem>> -> memref<1x512xi32, #tpu.memory_space<vmem>>
    %dma_start3A_406 = arith.constant 33 : i32
    %dma_start3A_407 = tpu.memref_slice %arg2[%dma_start3A_406, %mul3A_397] : memref<50x16384xi32, #tpu.memory_space<hbm>> -> memref<1x512xi32, #tpu.memory_space<hbm>>
    tpu.enqueue_dma source(%dma_start3A_407 : memref<1x512xi32, #tpu.memory_space<hbm>>) target(%dma_start3A_405 : memref<1x512xi32, #tpu.memory_space<vmem>>) target_semaphore(%arg14 : memref<!tpu.dma_semaphore, #tpu.memory_space<semaphore_mem>>)
    %mul3A_408 = arith.constant 512 : i32
    %mul3A_409 = arith.muli %add3A, %mul3A_408 : i32
    %dma_start3A_410 = arith.constant 34 : i32
    %dma_start3A_411 = arith.constant 0 : i32
    %dma_start3A_412 = tpu.memref_slice %arg5[%dma_start3A_410, %dma_start3A_411] : memref<50x512xi32, #tpu.memory_space<vmem>> -> memref<1x512xi32, #tpu.memory_space<vmem>>
    %dma_start3A_413 = arith.constant 34 : i32
    %dma_start3A_414 = tpu.memref_slice %arg2[%dma_start3A_413, %mul3A_409] : memref<50x16384xi32, #tpu.memory_space<hbm>> -> memref<1x512xi32, #tpu.memory_space<hbm>>
    %dma_start3A_415 = arith.constant 34 : i32
    %dma_start3A_416 = arith.constant 0 : i32
    %dma_start3A_417 = tpu.memref_slice %arg5[%dma_start3A_415, %dma_start3A_416] : memref<50x512xi32, #tpu.memory_space<vmem>> -> memref<1x512xi32, #tpu.memory_space<vmem>>
    %dma_start3A_418 = arith.constant 34 : i32
    %dma_start3A_419 = tpu.memref_slice %arg2[%dma_start3A_418, %mul3A_409] : memref<50x16384xi32, #tpu.memory_space<hbm>> -> memref<1x512xi32, #tpu.memory_space<hbm>>
    tpu.enqueue_dma source(%dma_start3A_419 : memref<1x512xi32, #tpu.memory_space<hbm>>) target(%dma_start3A_417 : memref<1x512xi32, #tpu.memory_space<vmem>>) target_semaphore(%arg14 : memref<!tpu.dma_semaphore, #tpu.memory_space<semaphore_mem>>)
    %mul3A_420 = arith.constant 512 : i32
    %mul3A_421 = arith.muli %add3A, %mul3A_420 : i32
    %dma_start3A_422 = arith.constant 35 : i32
    %dma_start3A_423 = arith.constant 0 : i32
    %dma_start3A_424 = tpu.memref_slice %arg5[%dma_start3A_422, %dma_start3A_423] : memref<50x512xi32, #tpu.memory_space<vmem>> -> memref<1x512xi32, #tpu.memory_space<vmem>>
    %dma_start3A_425 = arith.constant 35 : i32
    %dma_start3A_426 = tpu.memref_slice %arg2[%dma_start3A_425, %mul3A_421] : memref<50x16384xi32, #tpu.memory_space<hbm>> -> memref<1x512xi32, #tpu.memory_space<hbm>>
    %dma_start3A_427 = arith.constant 35 : i32
    %dma_start3A_428 = arith.constant 0 : i32
    %dma_start3A_429 = tpu.memref_slice %arg5[%dma_start3A_427, %dma_start3A_428] : memref<50x512xi32, #tpu.memory_space<vmem>> -> memref<1x512xi32, #tpu.memory_space<vmem>>
    %dma_start3A_430 = arith.constant 35 : i32
    %dma_start3A_431 = tpu.memref_slice %arg2[%dma_start3A_430, %mul3A_421] : memref<50x16384xi32, #tpu.memory_space<hbm>> -> memref<1x512xi32, #tpu.memory_space<hbm>>
    tpu.enqueue_dma source(%dma_start3A_431 : memref<1x512xi32, #tpu.memory_space<hbm>>) target(%dma_start3A_429 : memref<1x512xi32, #tpu.memory_space<vmem>>) target_semaphore(%arg14 : memref<!tpu.dma_semaphore, #tpu.memory_space<semaphore_mem>>)
    %mul3A_432 = arith.constant 512 : i32
    %mul3A_433 = arith.muli %add3A, %mul3A_432 : i32
    %dma_start3A_434 = arith.constant 36 : i32
    %dma_start3A_435 = arith.constant 0 : i32
    %dma_start3A_436 = tpu.memref_slice %arg5[%dma_start3A_434, %dma_start3A_435] : memref<50x512xi32, #tpu.memory_space<vmem>> -> memref<1x512xi32, #tpu.memory_space<vmem>>
    %dma_start3A_437 = arith.constant 36 : i32
    %dma_start3A_438 = tpu.memref_slice %arg2[%dma_start3A_437, %mul3A_433] : memref<50x16384xi32, #tpu.memory_space<hbm>> -> memref<1x512xi32, #tpu.memory_space<hbm>>
    %dma_start3A_439 = arith.constant 36 : i32
    %dma_start3A_440 = arith.constant 0 : i32
    %dma_start3A_441 = tpu.memref_slice %arg5[%dma_start3A_439, %dma_start3A_440] : memref<50x512xi32, #tpu.memory_space<vmem>> -> memref<1x512xi32, #tpu.memory_space<vmem>>
    %dma_start3A_442 = arith.constant 36 : i32
    %dma_start3A_443 = tpu.memref_slice %arg2[%dma_start3A_442, %mul3A_433] : memref<50x16384xi32, #tpu.memory_space<hbm>> -> memref<1x512xi32, #tpu.memory_space<hbm>>
    tpu.enqueue_dma source(%dma_start3A_443 : memref<1x512xi32, #tpu.memory_space<hbm>>) target(%dma_start3A_441 : memref<1x512xi32, #tpu.memory_space<vmem>>) target_semaphore(%arg14 : memref<!tpu.dma_semaphore, #tpu.memory_space<semaphore_mem>>)
    %mul3A_444 = arith.constant 512 : i32
    %mul3A_445 = arith.muli %add3A, %mul3A_444 : i32
    %dma_start3A_446 = arith.constant 37 : i32
    %dma_start3A_447 = arith.constant 0 : i32
    %dma_start3A_448 = tpu.memref_slice %arg5[%dma_start3A_446, %dma_start3A_447] : memref<50x512xi32, #tpu.memory_space<vmem>> -> memref<1x512xi32, #tpu.memory_space<vmem>>
    %dma_start3A_449 = arith.constant 37 : i32
    %dma_start3A_450 = tpu.memref_slice %arg2[%dma_start3A_449, %mul3A_445] : memref<50x16384xi32, #tpu.memory_space<hbm>> -> memref<1x512xi32, #tpu.memory_space<hbm>>
    %dma_start3A_451 = arith.constant 37 : i32
    %dma_start3A_452 = arith.constant 0 : i32
    %dma_start3A_453 = tpu.memref_slice %arg5[%dma_start3A_451, %dma_start3A_452] : memref<50x512xi32, #tpu.memory_space<vmem>> -> memref<1x512xi32, #tpu.memory_space<vmem>>
    %dma_start3A_454 = arith.constant 37 : i32
    %dma_start3A_455 = tpu.memref_slice %arg2[%dma_start3A_454, %mul3A_445] : memref<50x16384xi32, #tpu.memory_space<hbm>> -> memref<1x512xi32, #tpu.memory_space<hbm>>
    tpu.enqueue_dma source(%dma_start3A_455 : memref<1x512xi32, #tpu.memory_space<hbm>>) target(%dma_start3A_453 : memref<1x512xi32, #tpu.memory_space<vmem>>) target_semaphore(%arg14 : memref<!tpu.dma_semaphore, #tpu.memory_space<semaphore_mem>>)
    %mul3A_456 = arith.constant 512 : i32
    %mul3A_457 = arith.muli %add3A, %mul3A_456 : i32
    %dma_start3A_458 = arith.constant 38 : i32
    %dma_start3A_459 = arith.constant 0 : i32
    %dma_start3A_460 = tpu.memref_slice %arg5[%dma_start3A_458, %dma_start3A_459] : memref<50x512xi32, #tpu.memory_space<vmem>> -> memref<1x512xi32, #tpu.memory_space<vmem>>
    %dma_start3A_461 = arith.constant 38 : i32
    %dma_start3A_462 = tpu.memref_slice %arg2[%dma_start3A_461, %mul3A_457] : memref<50x16384xi32, #tpu.memory_space<hbm>> -> memref<1x512xi32, #tpu.memory_space<hbm>>
    %dma_start3A_463 = arith.constant 38 : i32
    %dma_start3A_464 = arith.constant 0 : i32
    %dma_start3A_465 = tpu.memref_slice %arg5[%dma_start3A_463, %dma_start3A_464] : memref<50x512xi32, #tpu.memory_space<vmem>> -> memref<1x512xi32, #tpu.memory_space<vmem>>
    %dma_start3A_466 = arith.constant 38 : i32
    %dma_start3A_467 = tpu.memref_slice %arg2[%dma_start3A_466, %mul3A_457] : memref<50x16384xi32, #tpu.memory_space<hbm>> -> memref<1x512xi32, #tpu.memory_space<hbm>>
    tpu.enqueue_dma source(%dma_start3A_467 : memref<1x512xi32, #tpu.memory_space<hbm>>) target(%dma_start3A_465 : memref<1x512xi32, #tpu.memory_space<vmem>>) target_semaphore(%arg14 : memref<!tpu.dma_semaphore, #tpu.memory_space<semaphore_mem>>)
    %mul3A_468 = arith.constant 512 : i32
    %mul3A_469 = arith.muli %add3A, %mul3A_468 : i32
    %dma_start3A_470 = arith.constant 39 : i32
    %dma_start3A_471 = arith.constant 0 : i32
    %dma_start3A_472 = tpu.memref_slice %arg5[%dma_start3A_470, %dma_start3A_471] : memref<50x512xi32, #tpu.memory_space<vmem>> -> memref<1x512xi32, #tpu.memory_space<vmem>>
    %dma_start3A_473 = arith.constant 39 : i32
    %dma_start3A_474 = tpu.memref_slice %arg2[%dma_start3A_473, %mul3A_469] : memref<50x16384xi32, #tpu.memory_space<hbm>> -> memref<1x512xi32, #tpu.memory_space<hbm>>
    %dma_start3A_475 = arith.constant 39 : i32
    %dma_start3A_476 = arith.constant 0 : i32
    %dma_start3A_477 = tpu.memref_slice %arg5[%dma_start3A_475, %dma_start3A_476] : memref<50x512xi32, #tpu.memory_space<vmem>> -> memref<1x512xi32, #tpu.memory_space<vmem>>
    %dma_start3A_478 = arith.constant 39 : i32
    %dma_start3A_479 = tpu.memref_slice %arg2[%dma_start3A_478, %mul3A_469] : memref<50x16384xi32, #tpu.memory_space<hbm>> -> memref<1x512xi32, #tpu.memory_space<hbm>>
    tpu.enqueue_dma source(%dma_start3A_479 : memref<1x512xi32, #tpu.memory_space<hbm>>) target(%dma_start3A_477 : memref<1x512xi32, #tpu.memory_space<vmem>>) target_semaphore(%arg14 : memref<!tpu.dma_semaphore, #tpu.memory_space<semaphore_mem>>)
    %mul3A_480 = arith.constant 512 : i32
    %mul3A_481 = arith.muli %add3A, %mul3A_480 : i32
    %dma_start3A_482 = arith.constant 40 : i32
    %dma_start3A_483 = arith.constant 0 : i32
    %dma_start3A_484 = tpu.memref_slice %arg5[%dma_start3A_482, %dma_start3A_483] : memref<50x512xi32, #tpu.memory_space<vmem>> -> memref<1x512xi32, #tpu.memory_space<vmem>>
    %dma_start3A_485 = arith.constant 40 : i32
    %dma_start3A_486 = tpu.memref_slice %arg2[%dma_start3A_485, %mul3A_481] : memref<50x16384xi32, #tpu.memory_space<hbm>> -> memref<1x512xi32, #tpu.memory_space<hbm>>
    %dma_start3A_487 = arith.constant 40 : i32
    %dma_start3A_488 = arith.constant 0 : i32
    %dma_start3A_489 = tpu.memref_slice %arg5[%dma_start3A_487, %dma_start3A_488] : memref<50x512xi32, #tpu.memory_space<vmem>> -> memref<1x512xi32, #tpu.memory_space<vmem>>
    %dma_start3A_490 = arith.constant 40 : i32
    %dma_start3A_491 = tpu.memref_slice %arg2[%dma_start3A_490, %mul3A_481] : memref<50x16384xi32, #tpu.memory_space<hbm>> -> memref<1x512xi32, #tpu.memory_space<hbm>>
    tpu.enqueue_dma source(%dma_start3A_491 : memref<1x512xi32, #tpu.memory_space<hbm>>) target(%dma_start3A_489 : memref<1x512xi32, #tpu.memory_space<vmem>>) target_semaphore(%arg14 : memref<!tpu.dma_semaphore, #tpu.memory_space<semaphore_mem>>)
    %mul3A_492 = arith.constant 512 : i32
    %mul3A_493 = arith.muli %add3A, %mul3A_492 : i32
    %dma_start3A_494 = arith.constant 41 : i32
    %dma_start3A_495 = arith.constant 0 : i32
    %dma_start3A_496 = tpu.memref_slice %arg5[%dma_start3A_494, %dma_start3A_495] : memref<50x512xi32, #tpu.memory_space<vmem>> -> memref<1x512xi32, #tpu.memory_space<vmem>>
    %dma_start3A_497 = arith.constant 41 : i32
    %dma_start3A_498 = tpu.memref_slice %arg2[%dma_start3A_497, %mul3A_493] : memref<50x16384xi32, #tpu.memory_space<hbm>> -> memref<1x512xi32, #tpu.memory_space<hbm>>
    %dma_start3A_499 = arith.constant 41 : i32
    %dma_start3A_500 = arith.constant 0 : i32
    %dma_start3A_501 = tpu.memref_slice %arg5[%dma_start3A_499, %dma_start3A_500] : memref<50x512xi32, #tpu.memory_space<vmem>> -> memref<1x512xi32, #tpu.memory_space<vmem>>
    %dma_start3A_502 = arith.constant 41 : i32
    %dma_start3A_503 = tpu.memref_slice %arg2[%dma_start3A_502, %mul3A_493] : memref<50x16384xi32, #tpu.memory_space<hbm>> -> memref<1x512xi32, #tpu.memory_space<hbm>>
    tpu.enqueue_dma source(%dma_start3A_503 : memref<1x512xi32, #tpu.memory_space<hbm>>) target(%dma_start3A_501 : memref<1x512xi32, #tpu.memory_space<vmem>>) target_semaphore(%arg14 : memref<!tpu.dma_semaphore, #tpu.memory_space<semaphore_mem>>)
    %mul3A_504 = arith.constant 512 : i32
    %mul3A_505 = arith.muli %add3A, %mul3A_504 : i32
    %dma_start3A_506 = arith.constant 42 : i32
    %dma_start3A_507 = arith.constant 0 : i32
    %dma_start3A_508 = tpu.memref_slice %arg5[%dma_start3A_506, %dma_start3A_507] : memref<50x512xi32, #tpu.memory_space<vmem>> -> memref<1x512xi32, #tpu.memory_space<vmem>>
    %dma_start3A_509 = arith.constant 42 : i32
    %dma_start3A_510 = tpu.memref_slice %arg2[%dma_start3A_509, %mul3A_505] : memref<50x16384xi32, #tpu.memory_space<hbm>> -> memref<1x512xi32, #tpu.memory_space<hbm>>
    %dma_start3A_511 = arith.constant 42 : i32
    %dma_start3A_512 = arith.constant 0 : i32
    %dma_start3A_513 = tpu.memref_slice %arg5[%dma_start3A_511, %dma_start3A_512] : memref<50x512xi32, #tpu.memory_space<vmem>> -> memref<1x512xi32, #tpu.memory_space<vmem>>
    %dma_start3A_514 = arith.constant 42 : i32
    %dma_start3A_515 = tpu.memref_slice %arg2[%dma_start3A_514, %mul3A_505] : memref<50x16384xi32, #tpu.memory_space<hbm>> -> memref<1x512xi32, #tpu.memory_space<hbm>>
    tpu.enqueue_dma source(%dma_start3A_515 : memref<1x512xi32, #tpu.memory_space<hbm>>) target(%dma_start3A_513 : memref<1x512xi32, #tpu.memory_space<vmem>>) target_semaphore(%arg14 : memref<!tpu.dma_semaphore, #tpu.memory_space<semaphore_mem>>)
    %mul3A_516 = arith.constant 512 : i32
    %mul3A_517 = arith.muli %add3A, %mul3A_516 : i32
    %dma_start3A_518 = arith.constant 43 : i32
    %dma_start3A_519 = arith.constant 0 : i32
    %dma_start3A_520 = tpu.memref_slice %arg5[%dma_start3A_518, %dma_start3A_519] : memref<50x512xi32, #tpu.memory_space<vmem>> -> memref<1x512xi32, #tpu.memory_space<vmem>>
    %dma_start3A_521 = arith.constant 43 : i32
    %dma_start3A_522 = tpu.memref_slice %arg2[%dma_start3A_521, %mul3A_517] : memref<50x16384xi32, #tpu.memory_space<hbm>> -> memref<1x512xi32, #tpu.memory_space<hbm>>
    %dma_start3A_523 = arith.constant 43 : i32
    %dma_start3A_524 = arith.constant 0 : i32
    %dma_start3A_525 = tpu.memref_slice %arg5[%dma_start3A_523, %dma_start3A_524] : memref<50x512xi32, #tpu.memory_space<vmem>> -> memref<1x512xi32, #tpu.memory_space<vmem>>
    %dma_start3A_526 = arith.constant 43 : i32
    %dma_start3A_527 = tpu.memref_slice %arg2[%dma_start3A_526, %mul3A_517] : memref<50x16384xi32, #tpu.memory_space<hbm>> -> memref<1x512xi32, #tpu.memory_space<hbm>>
    tpu.enqueue_dma source(%dma_start3A_527 : memref<1x512xi32, #tpu.memory_space<hbm>>) target(%dma_start3A_525 : memref<1x512xi32, #tpu.memory_space<vmem>>) target_semaphore(%arg14 : memref<!tpu.dma_semaphore, #tpu.memory_space<semaphore_mem>>)
    %mul3A_528 = arith.constant 512 : i32
    %mul3A_529 = arith.muli %add3A, %mul3A_528 : i32
    %dma_start3A_530 = arith.constant 44 : i32
    %dma_start3A_531 = arith.constant 0 : i32
    %dma_start3A_532 = tpu.memref_slice %arg5[%dma_start3A_530, %dma_start3A_531] : memref<50x512xi32, #tpu.memory_space<vmem>> -> memref<1x512xi32, #tpu.memory_space<vmem>>
    %dma_start3A_533 = arith.constant 44 : i32
    %dma_start3A_534 = tpu.memref_slice %arg2[%dma_start3A_533, %mul3A_529] : memref<50x16384xi32, #tpu.memory_space<hbm>> -> memref<1x512xi32, #tpu.memory_space<hbm>>
    %dma_start3A_535 = arith.constant 44 : i32
    %dma_start3A_536 = arith.constant 0 : i32
    %dma_start3A_537 = tpu.memref_slice %arg5[%dma_start3A_535, %dma_start3A_536] : memref<50x512xi32, #tpu.memory_space<vmem>> -> memref<1x512xi32, #tpu.memory_space<vmem>>
    %dma_start3A_538 = arith.constant 44 : i32
    %dma_start3A_539 = tpu.memref_slice %arg2[%dma_start3A_538, %mul3A_529] : memref<50x16384xi32, #tpu.memory_space<hbm>> -> memref<1x512xi32, #tpu.memory_space<hbm>>
    tpu.enqueue_dma source(%dma_start3A_539 : memref<1x512xi32, #tpu.memory_space<hbm>>) target(%dma_start3A_537 : memref<1x512xi32, #tpu.memory_space<vmem>>) target_semaphore(%arg14 : memref<!tpu.dma_semaphore, #tpu.memory_space<semaphore_mem>>)
    %mul3A_540 = arith.constant 512 : i32
    %mul3A_541 = arith.muli %add3A, %mul3A_540 : i32
    %dma_start3A_542 = arith.constant 45 : i32
    %dma_start3A_543 = arith.constant 0 : i32
    %dma_start3A_544 = tpu.memref_slice %arg5[%dma_start3A_542, %dma_start3A_543] : memref<50x512xi32, #tpu.memory_space<vmem>> -> memref<1x512xi32, #tpu.memory_space<vmem>>
    %dma_start3A_545 = arith.constant 45 : i32
    %dma_start3A_546 = tpu.memref_slice %arg2[%dma_start3A_545, %mul3A_541] : memref<50x16384xi32, #tpu.memory_space<hbm>> -> memref<1x512xi32, #tpu.memory_space<hbm>>
    %dma_start3A_547 = arith.constant 45 : i32
    %dma_start3A_548 = arith.constant 0 : i32
    %dma_start3A_549 = tpu.memref_slice %arg5[%dma_start3A_547, %dma_start3A_548] : memref<50x512xi32, #tpu.memory_space<vmem>> -> memref<1x512xi32, #tpu.memory_space<vmem>>
    %dma_start3A_550 = arith.constant 45 : i32
    %dma_start3A_551 = tpu.memref_slice %arg2[%dma_start3A_550, %mul3A_541] : memref<50x16384xi32, #tpu.memory_space<hbm>> -> memref<1x512xi32, #tpu.memory_space<hbm>>
    tpu.enqueue_dma source(%dma_start3A_551 : memref<1x512xi32, #tpu.memory_space<hbm>>) target(%dma_start3A_549 : memref<1x512xi32, #tpu.memory_space<vmem>>) target_semaphore(%arg14 : memref<!tpu.dma_semaphore, #tpu.memory_space<semaphore_mem>>)
    %mul3A_552 = arith.constant 512 : i32
    %mul3A_553 = arith.muli %add3A, %mul3A_552 : i32
    %dma_start3A_554 = arith.constant 46 : i32
    %dma_start3A_555 = arith.constant 0 : i32
    %dma_start3A_556 = tpu.memref_slice %arg5[%dma_start3A_554, %dma_start3A_555] : memref<50x512xi32, #tpu.memory_space<vmem>> -> memref<1x512xi32, #tpu.memory_space<vmem>>
    %dma_start3A_557 = arith.constant 46 : i32
    %dma_start3A_558 = tpu.memref_slice %arg2[%dma_start3A_557, %mul3A_553] : memref<50x16384xi32, #tpu.memory_space<hbm>> -> memref<1x512xi32, #tpu.memory_space<hbm>>
    %dma_start3A_559 = arith.constant 46 : i32
    %dma_start3A_560 = arith.constant 0 : i32
    %dma_start3A_561 = tpu.memref_slice %arg5[%dma_start3A_559, %dma_start3A_560] : memref<50x512xi32, #tpu.memory_space<vmem>> -> memref<1x512xi32, #tpu.memory_space<vmem>>
    %dma_start3A_562 = arith.constant 46 : i32
    %dma_start3A_563 = tpu.memref_slice %arg2[%dma_start3A_562, %mul3A_553] : memref<50x16384xi32, #tpu.memory_space<hbm>> -> memref<1x512xi32, #tpu.memory_space<hbm>>
    tpu.enqueue_dma source(%dma_start3A_563 : memref<1x512xi32, #tpu.memory_space<hbm>>) target(%dma_start3A_561 : memref<1x512xi32, #tpu.memory_space<vmem>>) target_semaphore(%arg14 : memref<!tpu.dma_semaphore, #tpu.memory_space<semaphore_mem>>)
    %mul3A_564 = arith.constant 512 : i32
    %mul3A_565 = arith.muli %add3A, %mul3A_564 : i32
    %dma_start3A_566 = arith.constant 47 : i32
    %dma_start3A_567 = arith.constant 0 : i32
    %dma_start3A_568 = tpu.memref_slice %arg5[%dma_start3A_566, %dma_start3A_567] : memref<50x512xi32, #tpu.memory_space<vmem>> -> memref<1x512xi32, #tpu.memory_space<vmem>>
    %dma_start3A_569 = arith.constant 47 : i32
    %dma_start3A_570 = tpu.memref_slice %arg2[%dma_start3A_569, %mul3A_565] : memref<50x16384xi32, #tpu.memory_space<hbm>> -> memref<1x512xi32, #tpu.memory_space<hbm>>
    %dma_start3A_571 = arith.constant 47 : i32
    %dma_start3A_572 = arith.constant 0 : i32
    %dma_start3A_573 = tpu.memref_slice %arg5[%dma_start3A_571, %dma_start3A_572] : memref<50x512xi32, #tpu.memory_space<vmem>> -> memref<1x512xi32, #tpu.memory_space<vmem>>
    %dma_start3A_574 = arith.constant 47 : i32
    %dma_start3A_575 = tpu.memref_slice %arg2[%dma_start3A_574, %mul3A_565] : memref<50x16384xi32, #tpu.memory_space<hbm>> -> memref<1x512xi32, #tpu.memory_space<hbm>>
    tpu.enqueue_dma source(%dma_start3A_575 : memref<1x512xi32, #tpu.memory_space<hbm>>) target(%dma_start3A_573 : memref<1x512xi32, #tpu.memory_space<vmem>>) target_semaphore(%arg14 : memref<!tpu.dma_semaphore, #tpu.memory_space<semaphore_mem>>)
    %mul3A_576 = arith.constant 512 : i32
    %mul3A_577 = arith.muli %add3A, %mul3A_576 : i32
    %dma_start3A_578 = arith.constant 48 : i32
    %dma_start3A_579 = arith.constant 0 : i32
    %dma_start3A_580 = tpu.memref_slice %arg5[%dma_start3A_578, %dma_start3A_579] : memref<50x512xi32, #tpu.memory_space<vmem>> -> memref<1x512xi32, #tpu.memory_space<vmem>>
    %dma_start3A_581 = arith.constant 48 : i32
    %dma_start3A_582 = tpu.memref_slice %arg2[%dma_start3A_581, %mul3A_577] : memref<50x16384xi32, #tpu.memory_space<hbm>> -> memref<1x512xi32, #tpu.memory_space<hbm>>
    %dma_start3A_583 = arith.constant 48 : i32
    %dma_start3A_584 = arith.constant 0 : i32
    %dma_start3A_585 = tpu.memref_slice %arg5[%dma_start3A_583, %dma_start3A_584] : memref<50x512xi32, #tpu.memory_space<vmem>> -> memref<1x512xi32, #tpu.memory_space<vmem>>
    %dma_start3A_586 = arith.constant 48 : i32
    %dma_start3A_587 = tpu.memref_slice %arg2[%dma_start3A_586, %mul3A_577] : memref<50x16384xi32, #tpu.memory_space<hbm>> -> memref<1x512xi32, #tpu.memory_space<hbm>>
    tpu.enqueue_dma source(%dma_start3A_587 : memref<1x512xi32, #tpu.memory_space<hbm>>) target(%dma_start3A_585 : memref<1x512xi32, #tpu.memory_space<vmem>>) target_semaphore(%arg14 : memref<!tpu.dma_semaphore, #tpu.memory_space<semaphore_mem>>)
    %mul3A_588 = arith.constant 512 : i32
    %mul3A_589 = arith.muli %add3A, %mul3A_588 : i32
    %dma_start3A_590 = arith.constant 49 : i32
    %dma_start3A_591 = arith.constant 0 : i32
    %dma_start3A_592 = tpu.memref_slice %arg5[%dma_start3A_590, %dma_start3A_591] : memref<50x512xi32, #tpu.memory_space<vmem>> -> memref<1x512xi32, #tpu.memory_space<vmem>>
    %dma_start3A_593 = arith.constant 49 : i32
    %dma_start3A_594 = tpu.memref_slice %arg2[%dma_start3A_593, %mul3A_589] : memref<50x16384xi32, #tpu.memory_space<hbm>> -> memref<1x512xi32, #tpu.memory_space<hbm>>
    %dma_start3A_595 = arith.constant 49 : i32
    %dma_start3A_596 = arith.constant 0 : i32
    %dma_start3A_597 = tpu.memref_slice %arg5[%dma_start3A_595, %dma_start3A_596] : memref<50x512xi32, #tpu.memory_space<vmem>> -> memref<1x512xi32, #tpu.memory_space<vmem>>
    %dma_start3A_598 = arith.constant 49 : i32
    %dma_start3A_599 = tpu.memref_slice %arg2[%dma_start3A_598, %mul3A_589] : memref<50x16384xi32, #tpu.memory_space<hbm>> -> memref<1x512xi32, #tpu.memory_space<hbm>>
    tpu.enqueue_dma source(%dma_start3A_599 : memref<1x512xi32, #tpu.memory_space<hbm>>) target(%dma_start3A_597 : memref<1x512xi32, #tpu.memory_space<vmem>>) target_semaphore(%arg14 : memref<!tpu.dma_semaphore, #tpu.memory_space<semaphore_mem>>)
    %dma_wait3A = arith.constant 0 : i32
    %dma_wait3A_600 = arith.constant 0 : i32
    %dma_wait3A_601 = tpu.memref_slice %arg2[%dma_wait3A, %dma_wait3A_600] : memref<50x16384xi32, #tpu.memory_space<hbm>> -> memref<50x512xi32, #tpu.memory_space<hbm>>
    %dma_wait3A_602 = arith.constant 0 : i32
    %dma_wait3A_603 = arith.constant 0 : i32
    %dma_wait3A_604 = tpu.memref_slice %arg2[%dma_wait3A_602, %dma_wait3A_603] : memref<50x16384xi32, #tpu.memory_space<hbm>> -> memref<50x512xi32, #tpu.memory_space<hbm>>
    tpu.wait_dma2 semaphore(%arg14 : memref<!tpu.dma_semaphore, #tpu.memory_space<semaphore_mem>>) src(%dma_wait3A_604 : memref<50x512xi32, #tpu.memory_space<hbm>>) dst(%arg5 : memref<50x512xi32, #tpu.memory_space<vmem>>)
    %iota3A = tpu.iota {dimensions = array<i32: 0>} : vector<16xi32>
    %dma_start3A_605 = arith.constant 0 : i32
    %dma_start3A_606 = arith.constant 0 : i32
    %dma_start3A_607 = tpu.memref_slice %arg5[%dma_start3A_605, %dma_start3A_606] : memref<50x512xi32, #tpu.memory_space<vmem>> -> memref<1x512xi32, #tpu.memory_space<vmem>>
    %dma_start3A_608 = tpu.memref_squeeze %dma_start3A_607 : memref<1x512xi32, #tpu.memory_space<vmem>> -> memref<512xi32, #tpu.memory_space<vmem>>
    %dma_start3A_609 = arith.constant 0 : i32
    %dma_start3A_610 = arith.constant 0 : i32
    %dma_start3A_611 = tpu.memref_slice %arg3[%dma_start3A_609, %dma_start3A_610] : memref<1000000x32xf32, #tpu.memory_space<hbm>> -> memref<1000000x32xf32, #tpu.memory_space<hbm>>
    tpu.enqueue_indirect_dma source(%dma_start3A_611 : memref<1000000x32xf32, #tpu.memory_space<hbm>>) target(%arg6 : memref<512x32xf32, #tpu.memory_space<vmem>>) offsets(%dma_start3A_608 : memref<512xi32, #tpu.memory_space<vmem>>) semaphore(%arg10 : memref<!tpu.dma_semaphore, #tpu.memory_space<semaphore_mem>>)
    %scan3A = arith.constant 0 : i32
    %scan3A_612 = arith.constant 0 : i32
    %scan3A_613 = arith.constant 24 : i32
    %scan3A_614 = arith.addi %scan3A_612, %scan3A_613 : i32
    %scan3A_615 = arith.constant 1 : i32
    scf.for %scan3A_760 = %scan3A_612 to %scan3A_614 step %scan3A_615  : i32 {
      %mul3A_761 = arith.constant 2 : i32
      %mul3A_762 = arith.muli %mul3A_761, %scan3A_760 : i32
      %add3A_763 = arith.constant 1 : i32
      %add3A_764 = arith.addi %mul3A_762, %add3A_763 : i32
      %dma_start3A_765 = arith.constant 0 : i32
      %dma_start3A_766 = tpu.memref_slice %arg5[%add3A_764, %dma_start3A_765] : memref<50x512xi32, #tpu.memory_space<vmem>> -> memref<1x512xi32, #tpu.memory_space<vmem>>
      %dma_start3A_767 = tpu.memref_squeeze %dma_start3A_766 : memref<1x512xi32, #tpu.memory_space<vmem>> -> memref<512xi32, #tpu.memory_space<vmem>>
      %dma_start3A_768 = arith.constant 0 : i32
      %dma_start3A_769 = arith.constant 0 : i32
      %dma_start3A_770 = tpu.memref_slice %arg3[%dma_start3A_768, %dma_start3A_769] : memref<1000000x32xf32, #tpu.memory_space<hbm>> -> memref<1000000x32xf32, #tpu.memory_space<hbm>>
      tpu.enqueue_indirect_dma source(%dma_start3A_770 : memref<1000000x32xf32, #tpu.memory_space<hbm>>) target(%arg7 : memref<512x32xf32, #tpu.memory_space<vmem>>) offsets(%dma_start3A_767 : memref<512xi32, #tpu.memory_space<vmem>>) semaphore(%arg11 : memref<!tpu.dma_semaphore, #tpu.memory_space<semaphore_mem>>)
      %dma_wait3A_771 = arith.constant 0 : i32
      %dma_wait3A_772 = arith.constant 0 : i32
      %dma_wait3A_773 = tpu.memref_slice %arg3[%dma_wait3A_771, %dma_wait3A_772] : memref<1000000x32xf32, #tpu.memory_space<hbm>> -> memref<512x32xf32, #tpu.memory_space<hbm>>
      %dma_wait3A_774 = arith.constant 0 : i32
      %dma_wait3A_775 = arith.constant 0 : i32
      %dma_wait3A_776 = tpu.memref_slice %arg3[%dma_wait3A_774, %dma_wait3A_775] : memref<1000000x32xf32, #tpu.memory_space<hbm>> -> memref<512x32xf32, #tpu.memory_space<hbm>>
      tpu.wait_dma2 semaphore(%arg10 : memref<!tpu.dma_semaphore, #tpu.memory_space<semaphore_mem>>) src(%dma_wait3A_776 : memref<512x32xf32, #tpu.memory_space<hbm>>) dst(%arg6 : memref<512x32xf32, #tpu.memory_space<vmem>>)
      %gt3A = arith.constant 0 : i32
      %gt3A_777 = arith.cmpi sgt, %scan3A_760, %gt3A : i32
      %convert_element_type3A = arith.extui %gt3A_777 : i1 to i32
      %cond3A = arith.constant 0 : i32
      %cond3A_778 = arith.cmpi ne, %convert_element_type3A, %cond3A : i32
      scf.if %cond3A_778 {
        %dma_wait3A_948 = arith.constant 0 : i32
        %dma_wait3A_949 = tpu.memref_slice %arg4[%dma_wait3A_948] : memref<26214400xf32, #tpu.memory_space<hbm>> -> memref<16384xf32, #tpu.memory_space<hbm>>
        %dma_wait3A_950 = arith.constant 0 : i32
        %dma_wait3A_951 = tpu.memref_slice %arg4[%dma_wait3A_950] : memref<26214400xf32, #tpu.memory_space<hbm>> -> memref<16384xf32, #tpu.memory_space<hbm>>
        tpu.wait_dma2 semaphore(%arg12 : memref<!tpu.dma_semaphore, #tpu.memory_space<semaphore_mem>>) src(%dma_wait3A_951 : memref<16384xf32, #tpu.memory_space<hbm>>) dst(%arg8 : memref<16384xf32, #tpu.memory_space<vmem>>)
      } else {
      }
      %scan3A_779 = arith.constant 0 : i32
      %scan3A_780 = arith.constant 0 : i32
      %scan3A_781 = arith.constant 32 : i32
      %scan3A_782 = arith.addi %scan3A_780, %scan3A_781 : i32
      %scan3A_783 = arith.constant 1 : i32
      scf.for %scan3A_948 = %scan3A_780 to %scan3A_782 step %scan3A_783  : i32 {
        %add3A_949 = vector.broadcast %scan3A_948 : i32 to vector<16xi32>
        %add3A_950 = arith.addi %add3A_949, %iota3A : vector<16xi32>
        %and3A = arith.constant 31 : i32
        %and3A_951 = vector.broadcast %and3A : i32 to vector<16xi32>
        %and3A_952 = arith.andi %add3A_950, %and3A_951 : vector<16xi32>
        %shift_right_arithmetic3A = arith.constant 3 : i32
        %shift_right_arithmetic3A_953 = vector.broadcast %shift_right_arithmetic3A : i32 to vector<16xi32>
        %shift_right_arithmetic3A_954 = arith.shrsi %and3A_952, %shift_right_arithmetic3A_953 : vector<16xi32>
        %shift_left3A = arith.constant 12 : i32
        %shift_left3A_955 = vector.broadcast %shift_left3A : i32 to vector<16xi32>
        %shift_left3A_956 = arith.shli %shift_right_arithmetic3A_954, %shift_left3A_955 : vector<16xi32>
        %and3A_957 = arith.constant 7 : i32
        %and3A_958 = vector.broadcast %and3A_957 : i32 to vector<16xi32>
        %and3A_959 = arith.andi %and3A_952, %and3A_958 : vector<16xi32>
        %shift_left3A_960 = arith.constant 7 : i32
        %shift_left3A_961 = vector.broadcast %shift_left3A_960 : i32 to vector<16xi32>
        %shift_left3A_962 = arith.shli %and3A_959, %shift_left3A_961 : vector<16xi32>
        %add3A_963 = arith.addi %shift_left3A_956, %shift_left3A_962 : vector<16xi32>
        %add3A_964 = arith.addi %add3A_963, %iota3A : vector<16xi32>
        %add3A_965 = arith.constant 0 : i32
        %add3A_966 = vector.broadcast %add3A_965 : i32 to vector<16xi32>
        %add3A_967 = arith.addi %iota3A, %add3A_966 : vector<16xi32>
        %gather3A = tpu.vector_load_idx %arg6[%add3A_967, %and3A_952] : memref<512x32xf32, #tpu.memory_space<vmem>>[vector<16xi32>, vector<16xi32>], vector<16xf32>,
        %add3A_968 = arith.constant 0 : i32
        %add3A_969 = vector.broadcast %add3A_968 : i32 to vector<16xi32>
        %add3A_970 = arith.addi %add3A_964, %add3A_969 : vector<16xi32>
        tpu.vector_store_idx %arg8[%add3A_970], %gather3A : memref<16384xf32, #tpu.memory_space<vmem>>[vector<16xi32>], vector<16xf32>,
        %add3A_971 = arith.constant 16 : i32
        %add3A_972 = vector.broadcast %add3A_971 : i32 to vector<16xi32>
        %add3A_973 = arith.addi %iota3A, %add3A_972 : vector<16xi32>
        %gather3A_974 = tpu.vector_load_idx %arg6[%add3A_973, %and3A_952] : memref<512x32xf32, #tpu.memory_space<vmem>>[vector<16xi32>, vector<16xi32>], vector<16xf32>,
        %add3A_975 = arith.constant 16 : i32
        %add3A_976 = vector.broadcast %add3A_975 : i32 to vector<16xi32>
        %add3A_977 = arith.addi %add3A_964, %add3A_976 : vector<16xi32>
        tpu.vector_store_idx %arg8[%add3A_977], %gather3A_974 : memref<16384xf32, #tpu.memory_space<vmem>>[vector<16xi32>], vector<16xf32>,
        %add3A_978 = arith.constant 32 : i32
        %add3A_979 = vector.broadcast %add3A_978 : i32 to vector<16xi32>
        %add3A_980 = arith.addi %iota3A, %add3A_979 : vector<16xi32>
        %gather3A_981 = tpu.vector_load_idx %arg6[%add3A_980, %and3A_952] : memref<512x32xf32, #tpu.memory_space<vmem>>[vector<16xi32>, vector<16xi32>], vector<16xf32>,
        %add3A_982 = arith.constant 32 : i32
        %add3A_983 = vector.broadcast %add3A_982 : i32 to vector<16xi32>
        %add3A_984 = arith.addi %add3A_964, %add3A_983 : vector<16xi32>
        tpu.vector_store_idx %arg8[%add3A_984], %gather3A_981 : memref<16384xf32, #tpu.memory_space<vmem>>[vector<16xi32>], vector<16xf32>,
        %add3A_985 = arith.constant 48 : i32
        %add3A_986 = vector.broadcast %add3A_985 : i32 to vector<16xi32>
        %add3A_987 = arith.addi %iota3A, %add3A_986 : vector<16xi32>
        %gather3A_988 = tpu.vector_load_idx %arg6[%add3A_987, %and3A_952] : memref<512x32xf32, #tpu.memory_space<vmem>>[vector<16xi32>, vector<16xi32>], vector<16xf32>,
        %add3A_989 = arith.constant 48 : i32
        %add3A_990 = vector.broadcast %add3A_989 : i32 to vector<16xi32>
        %add3A_991 = arith.addi %add3A_964, %add3A_990 : vector<16xi32>
        tpu.vector_store_idx %arg8[%add3A_991], %gather3A_988 : memref<16384xf32, #tpu.memory_space<vmem>>[vector<16xi32>], vector<16xf32>,
        %add3A_992 = arith.constant 64 : i32
        %add3A_993 = vector.broadcast %add3A_992 : i32 to vector<16xi32>
        %add3A_994 = arith.addi %iota3A, %add3A_993 : vector<16xi32>
        %gather3A_995 = tpu.vector_load_idx %arg6[%add3A_994, %and3A_952] : memref<512x32xf32, #tpu.memory_space<vmem>>[vector<16xi32>, vector<16xi32>], vector<16xf32>,
        %add3A_996 = arith.constant 64 : i32
        %add3A_997 = vector.broadcast %add3A_996 : i32 to vector<16xi32>
        %add3A_998 = arith.addi %add3A_964, %add3A_997 : vector<16xi32>
        tpu.vector_store_idx %arg8[%add3A_998], %gather3A_995 : memref<16384xf32, #tpu.memory_space<vmem>>[vector<16xi32>], vector<16xf32>,
        %add3A_999 = arith.constant 80 : i32
        %add3A_1000 = vector.broadcast %add3A_999 : i32 to vector<16xi32>
        %add3A_1001 = arith.addi %iota3A, %add3A_1000 : vector<16xi32>
        %gather3A_1002 = tpu.vector_load_idx %arg6[%add3A_1001, %and3A_952] : memref<512x32xf32, #tpu.memory_space<vmem>>[vector<16xi32>, vector<16xi32>], vector<16xf32>,
        %add3A_1003 = arith.constant 80 : i32
        %add3A_1004 = vector.broadcast %add3A_1003 : i32 to vector<16xi32>
        %add3A_1005 = arith.addi %add3A_964, %add3A_1004 : vector<16xi32>
        tpu.vector_store_idx %arg8[%add3A_1005], %gather3A_1002 : memref<16384xf32, #tpu.memory_space<vmem>>[vector<16xi32>], vector<16xf32>,
        %add3A_1006 = arith.constant 96 : i32
        %add3A_1007 = vector.broadcast %add3A_1006 : i32 to vector<16xi32>
        %add3A_1008 = arith.addi %iota3A, %add3A_1007 : vector<16xi32>
        %gather3A_1009 = tpu.vector_load_idx %arg6[%add3A_1008, %and3A_952] : memref<512x32xf32, #tpu.memory_space<vmem>>[vector<16xi32>, vector<16xi32>], vector<16xf32>,
        %add3A_1010 = arith.constant 96 : i32
        %add3A_1011 = vector.broadcast %add3A_1010 : i32 to vector<16xi32>
        %add3A_1012 = arith.addi %add3A_964, %add3A_1011 : vector<16xi32>
        tpu.vector_store_idx %arg8[%add3A_1012], %gather3A_1009 : memref<16384xf32, #tpu.memory_space<vmem>>[vector<16xi32>], vector<16xf32>,
        %add3A_1013 = arith.constant 112 : i32
        %add3A_1014 = vector.broadcast %add3A_1013 : i32 to vector<16xi32>
        %add3A_1015 = arith.addi %iota3A, %add3A_1014 : vector<16xi32>
        %gather3A_1016 = tpu.vector_load_idx %arg6[%add3A_1015, %and3A_952] : memref<512x32xf32, #tpu.memory_space<vmem>>[vector<16xi32>, vector<16xi32>], vector<16xf32>,
        %add3A_1017 = arith.constant 112 : i32
        %add3A_1018 = vector.broadcast %add3A_1017 : i32 to vector<16xi32>
        %add3A_1019 = arith.addi %add3A_964, %add3A_1018 : vector<16xi32>
        tpu.vector_store_idx %arg8[%add3A_1019], %gather3A_1016 : memref<16384xf32, #tpu.memory_space<vmem>>[vector<16xi32>], vector<16xf32>,
        %add3A_1020 = arith.constant 128 : i32
        %add3A_1021 = vector.broadcast %add3A_1020 : i32 to vector<16xi32>
        %add3A_1022 = arith.addi %iota3A, %add3A_1021 : vector<16xi32>
        %gather3A_1023 = tpu.vector_load_idx %arg6[%add3A_1022, %and3A_952] : memref<512x32xf32, #tpu.memory_space<vmem>>[vector<16xi32>, vector<16xi32>], vector<16xf32>,
        %add3A_1024 = arith.constant 1024 : i32
        %add3A_1025 = vector.broadcast %add3A_1024 : i32 to vector<16xi32>
        %add3A_1026 = arith.addi %add3A_964, %add3A_1025 : vector<16xi32>
        tpu.vector_store_idx %arg8[%add3A_1026], %gather3A_1023 : memref<16384xf32, #tpu.memory_space<vmem>>[vector<16xi32>], vector<16xf32>,
        %add3A_1027 = arith.constant 144 : i32
        %add3A_1028 = vector.broadcast %add3A_1027 : i32 to vector<16xi32>
        %add3A_1029 = arith.addi %iota3A, %add3A_1028 : vector<16xi32>
        %gather3A_1030 = tpu.vector_load_idx %arg6[%add3A_1029, %and3A_952] : memref<512x32xf32, #tpu.memory_space<vmem>>[vector<16xi32>, vector<16xi32>], vector<16xf32>,
        %add3A_1031 = arith.constant 1040 : i32
        %add3A_1032 = vector.broadcast %add3A_1031 : i32 to vector<16xi32>
        %add3A_1033 = arith.addi %add3A_964, %add3A_1032 : vector<16xi32>
        tpu.vector_store_idx %arg8[%add3A_1033], %gather3A_1030 : memref<16384xf32, #tpu.memory_space<vmem>>[vector<16xi32>], vector<16xf32>,
        %add3A_1034 = arith.constant 160 : i32
        %add3A_1035 = vector.broadcast %add3A_1034 : i32 to vector<16xi32>
        %add3A_1036 = arith.addi %iota3A, %add3A_1035 : vector<16xi32>
        %gather3A_1037 = tpu.vector_load_idx %arg6[%add3A_1036, %and3A_952] : memref<512x32xf32, #tpu.memory_space<vmem>>[vector<16xi32>, vector<16xi32>], vector<16xf32>,
        %add3A_1038 = arith.constant 1056 : i32
        %add3A_1039 = vector.broadcast %add3A_1038 : i32 to vector<16xi32>
        %add3A_1040 = arith.addi %add3A_964, %add3A_1039 : vector<16xi32>
        tpu.vector_store_idx %arg8[%add3A_1040], %gather3A_1037 : memref<16384xf32, #tpu.memory_space<vmem>>[vector<16xi32>], vector<16xf32>,
        %add3A_1041 = arith.constant 176 : i32
        %add3A_1042 = vector.broadcast %add3A_1041 : i32 to vector<16xi32>
        %add3A_1043 = arith.addi %iota3A, %add3A_1042 : vector<16xi32>
        %gather3A_1044 = tpu.vector_load_idx %arg6[%add3A_1043, %and3A_952] : memref<512x32xf32, #tpu.memory_space<vmem>>[vector<16xi32>, vector<16xi32>], vector<16xf32>,
        %add3A_1045 = arith.constant 1072 : i32
        %add3A_1046 = vector.broadcast %add3A_1045 : i32 to vector<16xi32>
        %add3A_1047 = arith.addi %add3A_964, %add3A_1046 : vector<16xi32>
        tpu.vector_store_idx %arg8[%add3A_1047], %gather3A_1044 : memref<16384xf32, #tpu.memory_space<vmem>>[vector<16xi32>], vector<16xf32>,
        %add3A_1048 = arith.constant 192 : i32
        %add3A_1049 = vector.broadcast %add3A_1048 : i32 to vector<16xi32>
        %add3A_1050 = arith.addi %iota3A, %add3A_1049 : vector<16xi32>
        %gather3A_1051 = tpu.vector_load_idx %arg6[%add3A_1050, %and3A_952] : memref<512x32xf32, #tpu.memory_space<vmem>>[vector<16xi32>, vector<16xi32>], vector<16xf32>,
        %add3A_1052 = arith.constant 1088 : i32
        %add3A_1053 = vector.broadcast %add3A_1052 : i32 to vector<16xi32>
        %add3A_1054 = arith.addi %add3A_964, %add3A_1053 : vector<16xi32>
        tpu.vector_store_idx %arg8[%add3A_1054], %gather3A_1051 : memref<16384xf32, #tpu.memory_space<vmem>>[vector<16xi32>], vector<16xf32>,
        %add3A_1055 = arith.constant 208 : i32
        %add3A_1056 = vector.broadcast %add3A_1055 : i32 to vector<16xi32>
        %add3A_1057 = arith.addi %iota3A, %add3A_1056 : vector<16xi32>
        %gather3A_1058 = tpu.vector_load_idx %arg6[%add3A_1057, %and3A_952] : memref<512x32xf32, #tpu.memory_space<vmem>>[vector<16xi32>, vector<16xi32>], vector<16xf32>,
        %add3A_1059 = arith.constant 1104 : i32
        %add3A_1060 = vector.broadcast %add3A_1059 : i32 to vector<16xi32>
        %add3A_1061 = arith.addi %add3A_964, %add3A_1060 : vector<16xi32>
        tpu.vector_store_idx %arg8[%add3A_1061], %gather3A_1058 : memref<16384xf32, #tpu.memory_space<vmem>>[vector<16xi32>], vector<16xf32>,
        %add3A_1062 = arith.constant 224 : i32
        %add3A_1063 = vector.broadcast %add3A_1062 : i32 to vector<16xi32>
        %add3A_1064 = arith.addi %iota3A, %add3A_1063 : vector<16xi32>
        %gather3A_1065 = tpu.vector_load_idx %arg6[%add3A_1064, %and3A_952] : memref<512x32xf32, #tpu.memory_space<vmem>>[vector<16xi32>, vector<16xi32>], vector<16xf32>,
        %add3A_1066 = arith.constant 1120 : i32
        %add3A_1067 = vector.broadcast %add3A_1066 : i32 to vector<16xi32>
        %add3A_1068 = arith.addi %add3A_964, %add3A_1067 : vector<16xi32>
        tpu.vector_store_idx %arg8[%add3A_1068], %gather3A_1065 : memref<16384xf32, #tpu.memory_space<vmem>>[vector<16xi32>], vector<16xf32>,
        %add3A_1069 = arith.constant 240 : i32
        %add3A_1070 = vector.broadcast %add3A_1069 : i32 to vector<16xi32>
        %add3A_1071 = arith.addi %iota3A, %add3A_1070 : vector<16xi32>
        %gather3A_1072 = tpu.vector_load_idx %arg6[%add3A_1071, %and3A_952] : memref<512x32xf32, #tpu.memory_space<vmem>>[vector<16xi32>, vector<16xi32>], vector<16xf32>,
        %add3A_1073 = arith.constant 1136 : i32
        %add3A_1074 = vector.broadcast %add3A_1073 : i32 to vector<16xi32>
        %add3A_1075 = arith.addi %add3A_964, %add3A_1074 : vector<16xi32>
        tpu.vector_store_idx %arg8[%add3A_1075], %gather3A_1072 : memref<16384xf32, #tpu.memory_space<vmem>>[vector<16xi32>], vector<16xf32>,
        %add3A_1076 = arith.constant 256 : i32
        %add3A_1077 = vector.broadcast %add3A_1076 : i32 to vector<16xi32>
        %add3A_1078 = arith.addi %iota3A, %add3A_1077 : vector<16xi32>
        %gather3A_1079 = tpu.vector_load_idx %arg6[%add3A_1078, %and3A_952] : memref<512x32xf32, #tpu.memory_space<vmem>>[vector<16xi32>, vector<16xi32>], vector<16xf32>,
        %add3A_1080 = arith.constant 2048 : i32
        %add3A_1081 = vector.broadcast %add3A_1080 : i32 to vector<16xi32>
        %add3A_1082 = arith.addi %add3A_964, %add3A_1081 : vector<16xi32>
        tpu.vector_store_idx %arg8[%add3A_1082], %gather3A_1079 : memref<16384xf32, #tpu.memory_space<vmem>>[vector<16xi32>], vector<16xf32>,
        %add3A_1083 = arith.constant 272 : i32
        %add3A_1084 = vector.broadcast %add3A_1083 : i32 to vector<16xi32>
        %add3A_1085 = arith.addi %iota3A, %add3A_1084 : vector<16xi32>
        %gather3A_1086 = tpu.vector_load_idx %arg6[%add3A_1085, %and3A_952] : memref<512x32xf32, #tpu.memory_space<vmem>>[vector<16xi32>, vector<16xi32>], vector<16xf32>,
        %add3A_1087 = arith.constant 2064 : i32
        %add3A_1088 = vector.broadcast %add3A_1087 : i32 to vector<16xi32>
        %add3A_1089 = arith.addi %add3A_964, %add3A_1088 : vector<16xi32>
        tpu.vector_store_idx %arg8[%add3A_1089], %gather3A_1086 : memref<16384xf32, #tpu.memory_space<vmem>>[vector<16xi32>], vector<16xf32>,
        %add3A_1090 = arith.constant 288 : i32
        %add3A_1091 = vector.broadcast %add3A_1090 : i32 to vector<16xi32>
        %add3A_1092 = arith.addi %iota3A, %add3A_1091 : vector<16xi32>
        %gather3A_1093 = tpu.vector_load_idx %arg6[%add3A_1092, %and3A_952] : memref<512x32xf32, #tpu.memory_space<vmem>>[vector<16xi32>, vector<16xi32>], vector<16xf32>,
        %add3A_1094 = arith.constant 2080 : i32
        %add3A_1095 = vector.broadcast %add3A_1094 : i32 to vector<16xi32>
        %add3A_1096 = arith.addi %add3A_964, %add3A_1095 : vector<16xi32>
        tpu.vector_store_idx %arg8[%add3A_1096], %gather3A_1093 : memref<16384xf32, #tpu.memory_space<vmem>>[vector<16xi32>], vector<16xf32>,
        %add3A_1097 = arith.constant 304 : i32
        %add3A_1098 = vector.broadcast %add3A_1097 : i32 to vector<16xi32>
        %add3A_1099 = arith.addi %iota3A, %add3A_1098 : vector<16xi32>
        %gather3A_1100 = tpu.vector_load_idx %arg6[%add3A_1099, %and3A_952] : memref<512x32xf32, #tpu.memory_space<vmem>>[vector<16xi32>, vector<16xi32>], vector<16xf32>,
        %add3A_1101 = arith.constant 2096 : i32
        %add3A_1102 = vector.broadcast %add3A_1101 : i32 to vector<16xi32>
        %add3A_1103 = arith.addi %add3A_964, %add3A_1102 : vector<16xi32>
        tpu.vector_store_idx %arg8[%add3A_1103], %gather3A_1100 : memref<16384xf32, #tpu.memory_space<vmem>>[vector<16xi32>], vector<16xf32>,
        %add3A_1104 = arith.constant 320 : i32
        %add3A_1105 = vector.broadcast %add3A_1104 : i32 to vector<16xi32>
        %add3A_1106 = arith.addi %iota3A, %add3A_1105 : vector<16xi32>
        %gather3A_1107 = tpu.vector_load_idx %arg6[%add3A_1106, %and3A_952] : memref<512x32xf32, #tpu.memory_space<vmem>>[vector<16xi32>, vector<16xi32>], vector<16xf32>,
        %add3A_1108 = arith.constant 2112 : i32
        %add3A_1109 = vector.broadcast %add3A_1108 : i32 to vector<16xi32>
        %add3A_1110 = arith.addi %add3A_964, %add3A_1109 : vector<16xi32>
        tpu.vector_store_idx %arg8[%add3A_1110], %gather3A_1107 : memref<16384xf32, #tpu.memory_space<vmem>>[vector<16xi32>], vector<16xf32>,
        %add3A_1111 = arith.constant 336 : i32
        %add3A_1112 = vector.broadcast %add3A_1111 : i32 to vector<16xi32>
        %add3A_1113 = arith.addi %iota3A, %add3A_1112 : vector<16xi32>
        %gather3A_1114 = tpu.vector_load_idx %arg6[%add3A_1113, %and3A_952] : memref<512x32xf32, #tpu.memory_space<vmem>>[vector<16xi32>, vector<16xi32>], vector<16xf32>,
        %add3A_1115 = arith.constant 2128 : i32
        %add3A_1116 = vector.broadcast %add3A_1115 : i32 to vector<16xi32>
        %add3A_1117 = arith.addi %add3A_964, %add3A_1116 : vector<16xi32>
        tpu.vector_store_idx %arg8[%add3A_1117], %gather3A_1114 : memref<16384xf32, #tpu.memory_space<vmem>>[vector<16xi32>], vector<16xf32>,
        %add3A_1118 = arith.constant 352 : i32
        %add3A_1119 = vector.broadcast %add3A_1118 : i32 to vector<16xi32>
        %add3A_1120 = arith.addi %iota3A, %add3A_1119 : vector<16xi32>
        %gather3A_1121 = tpu.vector_load_idx %arg6[%add3A_1120, %and3A_952] : memref<512x32xf32, #tpu.memory_space<vmem>>[vector<16xi32>, vector<16xi32>], vector<16xf32>,
        %add3A_1122 = arith.constant 2144 : i32
        %add3A_1123 = vector.broadcast %add3A_1122 : i32 to vector<16xi32>
        %add3A_1124 = arith.addi %add3A_964, %add3A_1123 : vector<16xi32>
        tpu.vector_store_idx %arg8[%add3A_1124], %gather3A_1121 : memref<16384xf32, #tpu.memory_space<vmem>>[vector<16xi32>], vector<16xf32>,
        %add3A_1125 = arith.constant 368 : i32
        %add3A_1126 = vector.broadcast %add3A_1125 : i32 to vector<16xi32>
        %add3A_1127 = arith.addi %iota3A, %add3A_1126 : vector<16xi32>
        %gather3A_1128 = tpu.vector_load_idx %arg6[%add3A_1127, %and3A_952] : memref<512x32xf32, #tpu.memory_space<vmem>>[vector<16xi32>, vector<16xi32>], vector<16xf32>,
        %add3A_1129 = arith.constant 2160 : i32
        %add3A_1130 = vector.broadcast %add3A_1129 : i32 to vector<16xi32>
        %add3A_1131 = arith.addi %add3A_964, %add3A_1130 : vector<16xi32>
        tpu.vector_store_idx %arg8[%add3A_1131], %gather3A_1128 : memref<16384xf32, #tpu.memory_space<vmem>>[vector<16xi32>], vector<16xf32>,
        %add3A_1132 = arith.constant 384 : i32
        %add3A_1133 = vector.broadcast %add3A_1132 : i32 to vector<16xi32>
        %add3A_1134 = arith.addi %iota3A, %add3A_1133 : vector<16xi32>
        %gather3A_1135 = tpu.vector_load_idx %arg6[%add3A_1134, %and3A_952] : memref<512x32xf32, #tpu.memory_space<vmem>>[vector<16xi32>, vector<16xi32>], vector<16xf32>,
        %add3A_1136 = arith.constant 3072 : i32
        %add3A_1137 = vector.broadcast %add3A_1136 : i32 to vector<16xi32>
        %add3A_1138 = arith.addi %add3A_964, %add3A_1137 : vector<16xi32>
        tpu.vector_store_idx %arg8[%add3A_1138], %gather3A_1135 : memref<16384xf32, #tpu.memory_space<vmem>>[vector<16xi32>], vector<16xf32>,
        %add3A_1139 = arith.constant 400 : i32
        %add3A_1140 = vector.broadcast %add3A_1139 : i32 to vector<16xi32>
        %add3A_1141 = arith.addi %iota3A, %add3A_1140 : vector<16xi32>
        %gather3A_1142 = tpu.vector_load_idx %arg6[%add3A_1141, %and3A_952] : memref<512x32xf32, #tpu.memory_space<vmem>>[vector<16xi32>, vector<16xi32>], vector<16xf32>,
        %add3A_1143 = arith.constant 3088 : i32
        %add3A_1144 = vector.broadcast %add3A_1143 : i32 to vector<16xi32>
        %add3A_1145 = arith.addi %add3A_964, %add3A_1144 : vector<16xi32>
        tpu.vector_store_idx %arg8[%add3A_1145], %gather3A_1142 : memref<16384xf32, #tpu.memory_space<vmem>>[vector<16xi32>], vector<16xf32>,
        %add3A_1146 = arith.constant 416 : i32
        %add3A_1147 = vector.broadcast %add3A_1146 : i32 to vector<16xi32>
        %add3A_1148 = arith.addi %iota3A, %add3A_1147 : vector<16xi32>
        %gather3A_1149 = tpu.vector_load_idx %arg6[%add3A_1148, %and3A_952] : memref<512x32xf32, #tpu.memory_space<vmem>>[vector<16xi32>, vector<16xi32>], vector<16xf32>,
        %add3A_1150 = arith.constant 3104 : i32
        %add3A_1151 = vector.broadcast %add3A_1150 : i32 to vector<16xi32>
        %add3A_1152 = arith.addi %add3A_964, %add3A_1151 : vector<16xi32>
        tpu.vector_store_idx %arg8[%add3A_1152], %gather3A_1149 : memref<16384xf32, #tpu.memory_space<vmem>>[vector<16xi32>], vector<16xf32>,
        %add3A_1153 = arith.constant 432 : i32
        %add3A_1154 = vector.broadcast %add3A_1153 : i32 to vector<16xi32>
        %add3A_1155 = arith.addi %iota3A, %add3A_1154 : vector<16xi32>
        %gather3A_1156 = tpu.vector_load_idx %arg6[%add3A_1155, %and3A_952] : memref<512x32xf32, #tpu.memory_space<vmem>>[vector<16xi32>, vector<16xi32>], vector<16xf32>,
        %add3A_1157 = arith.constant 3120 : i32
        %add3A_1158 = vector.broadcast %add3A_1157 : i32 to vector<16xi32>
        %add3A_1159 = arith.addi %add3A_964, %add3A_1158 : vector<16xi32>
        tpu.vector_store_idx %arg8[%add3A_1159], %gather3A_1156 : memref<16384xf32, #tpu.memory_space<vmem>>[vector<16xi32>], vector<16xf32>,
        %add3A_1160 = arith.constant 448 : i32
        %add3A_1161 = vector.broadcast %add3A_1160 : i32 to vector<16xi32>
        %add3A_1162 = arith.addi %iota3A, %add3A_1161 : vector<16xi32>
        %gather3A_1163 = tpu.vector_load_idx %arg6[%add3A_1162, %and3A_952] : memref<512x32xf32, #tpu.memory_space<vmem>>[vector<16xi32>, vector<16xi32>], vector<16xf32>,
        %add3A_1164 = arith.constant 3136 : i32
        %add3A_1165 = vector.broadcast %add3A_1164 : i32 to vector<16xi32>
        %add3A_1166 = arith.addi %add3A_964, %add3A_1165 : vector<16xi32>
        tpu.vector_store_idx %arg8[%add3A_1166], %gather3A_1163 : memref<16384xf32, #tpu.memory_space<vmem>>[vector<16xi32>], vector<16xf32>,
        %add3A_1167 = arith.constant 464 : i32
        %add3A_1168 = vector.broadcast %add3A_1167 : i32 to vector<16xi32>
        %add3A_1169 = arith.addi %iota3A, %add3A_1168 : vector<16xi32>
        %gather3A_1170 = tpu.vector_load_idx %arg6[%add3A_1169, %and3A_952] : memref<512x32xf32, #tpu.memory_space<vmem>>[vector<16xi32>, vector<16xi32>], vector<16xf32>,
        %add3A_1171 = arith.constant 3152 : i32
        %add3A_1172 = vector.broadcast %add3A_1171 : i32 to vector<16xi32>
        %add3A_1173 = arith.addi %add3A_964, %add3A_1172 : vector<16xi32>
        tpu.vector_store_idx %arg8[%add3A_1173], %gather3A_1170 : memref<16384xf32, #tpu.memory_space<vmem>>[vector<16xi32>], vector<16xf32>,
        %add3A_1174 = arith.constant 480 : i32
        %add3A_1175 = vector.broadcast %add3A_1174 : i32 to vector<16xi32>
        %add3A_1176 = arith.addi %iota3A, %add3A_1175 : vector<16xi32>
        %gather3A_1177 = tpu.vector_load_idx %arg6[%add3A_1176, %and3A_952] : memref<512x32xf32, #tpu.memory_space<vmem>>[vector<16xi32>, vector<16xi32>], vector<16xf32>,
        %add3A_1178 = arith.constant 3168 : i32
        %add3A_1179 = vector.broadcast %add3A_1178 : i32 to vector<16xi32>
        %add3A_1180 = arith.addi %add3A_964, %add3A_1179 : vector<16xi32>
        tpu.vector_store_idx %arg8[%add3A_1180], %gather3A_1177 : memref<16384xf32, #tpu.memory_space<vmem>>[vector<16xi32>], vector<16xf32>,
        %add3A_1181 = arith.constant 496 : i32
        %add3A_1182 = vector.broadcast %add3A_1181 : i32 to vector<16xi32>
        %add3A_1183 = arith.addi %iota3A, %add3A_1182 : vector<16xi32>
        %gather3A_1184 = tpu.vector_load_idx %arg6[%add3A_1183, %and3A_952] : memref<512x32xf32, #tpu.memory_space<vmem>>[vector<16xi32>, vector<16xi32>], vector<16xf32>,
        %add3A_1185 = arith.constant 3184 : i32
        %add3A_1186 = vector.broadcast %add3A_1185 : i32 to vector<16xi32>
        %add3A_1187 = arith.addi %add3A_964, %add3A_1186 : vector<16xi32>
        tpu.vector_store_idx %arg8[%add3A_1187], %gather3A_1184 : memref<16384xf32, #tpu.memory_space<vmem>>[vector<16xi32>], vector<16xf32>,
      }
      %scan3A_784 = arith.constant 32 : i32
      %mul3A_785 = arith.constant 4 : i32
      %mul3A_786 = arith.muli %mul3A_762, %mul3A_785 : i32
      %add3A_787 = arith.constant 0 : i32
      %add3A_788 = arith.addi %mul3A_786, %add3A_787 : i32
      %mul3A_789 = arith.constant 128 : i32
      %mul3A_790 = arith.muli %add3A_788, %mul3A_789 : i32
      %mul3A_791 = arith.constant 4 : i32
      %mul3A_792 = arith.muli %add3A, %mul3A_791 : i32
      %add3A_793 = arith.addi %mul3A_790, %mul3A_792 : i32
      %mul3A_794 = arith.constant 1024 : i32
      %mul3A_795 = arith.muli %add3A_793, %mul3A_794 : i32
      %dma_start3A_796 = arith.constant 0 : i32
      %dma_start3A_797 = tpu.memref_slice %arg8[%dma_start3A_796] : memref<16384xf32, #tpu.memory_space<vmem>> -> memref<4096xf32, #tpu.memory_space<vmem>>
      %dma_start3A_798 = tpu.memref_slice %arg4[%mul3A_795] : memref<26214400xf32, #tpu.memory_space<hbm>> -> memref<4096xf32, #tpu.memory_space<hbm>>
      %dma_start3A_799 = tpu.memref_slice %arg4[%mul3A_795] : memref<26214400xf32, #tpu.memory_space<hbm>> -> memref<4096xf32, #tpu.memory_space<hbm>>
      %dma_start3A_800 = arith.constant 0 : i32
      %dma_start3A_801 = tpu.memref_slice %arg8[%dma_start3A_800] : memref<16384xf32, #tpu.memory_space<vmem>> -> memref<4096xf32, #tpu.memory_space<vmem>>
      tpu.enqueue_dma source(%dma_start3A_801 : memref<4096xf32, #tpu.memory_space<vmem>>) target(%dma_start3A_799 : memref<4096xf32, #tpu.memory_space<hbm>>) target_semaphore(%arg12 : memref<!tpu.dma_semaphore, #tpu.memory_space<semaphore_mem>>)
      %mul3A_802 = arith.constant 4 : i32
      %mul3A_803 = arith.muli %mul3A_762, %mul3A_802 : i32
      %add3A_804 = arith.constant 1 : i32
      %add3A_805 = arith.addi %mul3A_803, %add3A_804 : i32
      %mul3A_806 = arith.constant 128 : i32
      %mul3A_807 = arith.muli %add3A_805, %mul3A_806 : i32
      %mul3A_808 = arith.constant 4 : i32
      %mul3A_809 = arith.muli %add3A, %mul3A_808 : i32
      %add3A_810 = arith.addi %mul3A_807, %mul3A_809 : i32
      %mul3A_811 = arith.constant 1024 : i32
      %mul3A_812 = arith.muli %add3A_810, %mul3A_811 : i32
      %dma_start3A_813 = arith.constant 4096 : i32
      %dma_start3A_814 = tpu.memref_slice %arg8[%dma_start3A_813] : memref<16384xf32, #tpu.memory_space<vmem>> -> memref<4096xf32, #tpu.memory_space<vmem>>
      %dma_start3A_815 = tpu.memref_slice %arg4[%mul3A_812] : memref<26214400xf32, #tpu.memory_space<hbm>> -> memref<4096xf32, #tpu.memory_space<hbm>>
      %dma_start3A_816 = tpu.memref_slice %arg4[%mul3A_812] : memref<26214400xf32, #tpu.memory_space<hbm>> -> memref<4096xf32, #tpu.memory_space<hbm>>
      %dma_start3A_817 = arith.constant 4096 : i32
      %dma_start3A_818 = tpu.memref_slice %arg8[%dma_start3A_817] : memref<16384xf32, #tpu.memory_space<vmem>> -> memref<4096xf32, #tpu.memory_space<vmem>>
      tpu.enqueue_dma source(%dma_start3A_818 : memref<4096xf32, #tpu.memory_space<vmem>>) target(%dma_start3A_816 : memref<4096xf32, #tpu.memory_space<hbm>>) target_semaphore(%arg12 : memref<!tpu.dma_semaphore, #tpu.memory_space<semaphore_mem>>)
      %mul3A_819 = arith.constant 4 : i32
      %mul3A_820 = arith.muli %mul3A_762, %mul3A_819 : i32
      %add3A_821 = arith.constant 2 : i32
      %add3A_822 = arith.addi %mul3A_820, %add3A_821 : i32
      %mul3A_823 = arith.constant 128 : i32
      %mul3A_824 = arith.muli %add3A_822, %mul3A_823 : i32
      %mul3A_825 = arith.constant 4 : i32
      %mul3A_826 = arith.muli %add3A, %mul3A_825 : i32
      %add3A_827 = arith.addi %mul3A_824, %mul3A_826 : i32
      %mul3A_828 = arith.constant 1024 : i32
      %mul3A_829 = arith.muli %add3A_827, %mul3A_828 : i32
      %dma_start3A_830 = arith.constant 8192 : i32
      %dma_start3A_831 = tpu.memref_slice %arg8[%dma_start3A_830] : memref<16384xf32, #tpu.memory_space<vmem>> -> memref<4096xf32, #tpu.memory_space<vmem>>
      %dma_start3A_832 = tpu.memref_slice %arg4[%mul3A_829] : memref<26214400xf32, #tpu.memory_space<hbm>> -> memref<4096xf32, #tpu.memory_space<hbm>>
      %dma_start3A_833 = tpu.memref_slice %arg4[%mul3A_829] : memref<26214400xf32, #tpu.memory_space<hbm>> -> memref<4096xf32, #tpu.memory_space<hbm>>
      %dma_start3A_834 = arith.constant 8192 : i32
      %dma_start3A_835 = tpu.memref_slice %arg8[%dma_start3A_834] : memref<16384xf32, #tpu.memory_space<vmem>> -> memref<4096xf32, #tpu.memory_space<vmem>>
      tpu.enqueue_dma source(%dma_start3A_835 : memref<4096xf32, #tpu.memory_space<vmem>>) target(%dma_start3A_833 : memref<4096xf32, #tpu.memory_space<hbm>>) target_semaphore(%arg12 : memref<!tpu.dma_semaphore, #tpu.memory_space<semaphore_mem>>)
      %mul3A_836 = arith.constant 4 : i32
      %mul3A_837 = arith.muli %mul3A_762, %mul3A_836 : i32
      %add3A_838 = arith.constant 3 : i32
      %add3A_839 = arith.addi %mul3A_837, %add3A_838 : i32
      %mul3A_840 = arith.constant 128 : i32
      %mul3A_841 = arith.muli %add3A_839, %mul3A_840 : i32
      %mul3A_842 = arith.constant 4 : i32
      %mul3A_843 = arith.muli %add3A, %mul3A_842 : i32
      %add3A_844 = arith.addi %mul3A_841, %mul3A_843 : i32
      %mul3A_845 = arith.constant 1024 : i32
      %mul3A_846 = arith.muli %add3A_844, %mul3A_845 : i32
      %dma_start3A_847 = arith.constant 12288 : i32
      %dma_start3A_848 = tpu.memref_slice %arg8[%dma_start3A_847] : memref<16384xf32, #tpu.memory_space<vmem>> -> memref<4096xf32, #tpu.memory_space<vmem>>
      %dma_start3A_849 = tpu.memref_slice %arg4[%mul3A_846] : memref<26214400xf32, #tpu.memory_space<hbm>> -> memref<4096xf32, #tpu.memory_space<hbm>>
      %dma_start3A_850 = tpu.memref_slice %arg4[%mul3A_846] : memref<26214400xf32, #tpu.memory_space<hbm>> -> memref<4096xf32, #tpu.memory_space<hbm>>
      %dma_start3A_851 = arith.constant 12288 : i32
      %dma_start3A_852 = tpu.memref_slice %arg8[%dma_start3A_851] : memref<16384xf32, #tpu.memory_space<vmem>> -> memref<4096xf32, #tpu.memory_space<vmem>>
      tpu.enqueue_dma source(%dma_start3A_852 : memref<4096xf32, #tpu.memory_space<vmem>>) target(%dma_start3A_850 : memref<4096xf32, #tpu.memory_space<hbm>>) target_semaphore(%arg12 : memref<!tpu.dma_semaphore, #tpu.memory_space<semaphore_mem>>)
      %add3A_853 = arith.constant 2 : i32
      %add3A_854 = arith.addi %mul3A_762, %add3A_853 : i32
      %dma_start3A_855 = arith.constant 0 : i32
      %dma_start3A_856 = tpu.memref_slice %arg5[%add3A_854, %dma_start3A_855] : memref<50x512xi32, #tpu.memory_space<vmem>> -> memref<1x512xi32, #tpu.memory_space<vmem>>
      %dma_start3A_857 = tpu.memref_squeeze %dma_start3A_856 : memref<1x512xi32, #tpu.memory_space<vmem>> -> memref<512xi32, #tpu.memory_space<vmem>>
      %dma_start3A_858 = arith.constant 0 : i32
      %dma_start3A_859 = arith.constant 0 : i32
      %dma_start3A_860 = tpu.memref_slice %arg3[%dma_start3A_858, %dma_start3A_859] : memref<1000000x32xf32, #tpu.memory_space<hbm>> -> memref<1000000x32xf32, #tpu.memory_space<hbm>>
      tpu.enqueue_indirect_dma source(%dma_start3A_860 : memref<1000000x32xf32, #tpu.memory_space<hbm>>) target(%arg6 : memref<512x32xf32, #tpu.memory_space<vmem>>) offsets(%dma_start3A_857 : memref<512xi32, #tpu.memory_space<vmem>>) semaphore(%arg10 : memref<!tpu.dma_semaphore, #tpu.memory_space<semaphore_mem>>)
      %dma_wait3A_861 = arith.constant 0 : i32
      %dma_wait3A_862 = arith.constant 0 : i32
      %dma_wait3A_863 = tpu.memref_slice %arg3[%dma_wait3A_861, %dma_wait3A_862] : memref<1000000x32xf32, #tpu.memory_space<hbm>> -> memref<512x32xf32, #tpu.memory_space<hbm>>
      %dma_wait3A_864 = arith.constant 0 : i32
      %dma_wait3A_865 = arith.constant 0 : i32
      %dma_wait3A_866 = tpu.memref_slice %arg3[%dma_wait3A_864, %dma_wait3A_865] : memref<1000000x32xf32, #tpu.memory_space<hbm>> -> memref<512x32xf32, #tpu.memory_space<hbm>>
      tpu.wait_dma2 semaphore(%arg11 : memref<!tpu.dma_semaphore, #tpu.memory_space<semaphore_mem>>) src(%dma_wait3A_866 : memref<512x32xf32, #tpu.memory_space<hbm>>) dst(%arg7 : memref<512x32xf32, #tpu.memory_space<vmem>>)
      %gt3A_867 = arith.constant 0 : i32
      %gt3A_868 = arith.cmpi sgt, %scan3A_760, %gt3A_867 : i32
      %convert_element_type3A_869 = arith.extui %gt3A_868 : i1 to i32
      %cond3A_870 = arith.constant 0 : i32
      %cond3A_871 = arith.cmpi ne, %convert_element_type3A_869, %cond3A_870 : i32
      scf.if %cond3A_871 {
        %dma_wait3A_948 = arith.constant 0 : i32
        %dma_wait3A_949 = tpu.memref_slice %arg4[%dma_wait3A_948] : memref<26214400xf32, #tpu.memory_space<hbm>> -> memref<16384xf32, #tpu.memory_space<hbm>>
        %dma_wait3A_950 = arith.constant 0 : i32
        %dma_wait3A_951 = tpu.memref_slice %arg4[%dma_wait3A_950] : memref<26214400xf32, #tpu.memory_space<hbm>> -> memref<16384xf32, #tpu.memory_space<hbm>>
        tpu.wait_dma2 semaphore(%arg13 : memref<!tpu.dma_semaphore, #tpu.memory_space<semaphore_mem>>) src(%dma_wait3A_951 : memref<16384xf32, #tpu.memory_space<hbm>>) dst(%arg9 : memref<16384xf32, #tpu.memory_space<vmem>>)
      } else {
      }
      %add3A_872 = arith.constant 1 : i32
      %add3A_873 = arith.addi %mul3A_762, %add3A_872 : i32
      %scan3A_874 = arith.constant 0 : i32
      %scan3A_875 = arith.constant 0 : i32
      %scan3A_876 = arith.constant 32 : i32
      %scan3A_877 = arith.addi %scan3A_875, %scan3A_876 : i32
      %scan3A_878 = arith.constant 1 : i32
      scf.for %scan3A_948 = %scan3A_875 to %scan3A_877 step %scan3A_878  : i32 {
        %add3A_949 = vector.broadcast %scan3A_948 : i32 to vector<16xi32>
        %add3A_950 = arith.addi %add3A_949, %iota3A : vector<16xi32>
        %and3A = arith.constant 31 : i32
        %and3A_951 = vector.broadcast %and3A : i32 to vector<16xi32>
        %and3A_952 = arith.andi %add3A_950, %and3A_951 : vector<16xi32>
        %shift_right_arithmetic3A = arith.constant 3 : i32
        %shift_right_arithmetic3A_953 = vector.broadcast %shift_right_arithmetic3A : i32 to vector<16xi32>
        %shift_right_arithmetic3A_954 = arith.shrsi %and3A_952, %shift_right_arithmetic3A_953 : vector<16xi32>
        %shift_left3A = arith.constant 12 : i32
        %shift_left3A_955 = vector.broadcast %shift_left3A : i32 to vector<16xi32>
        %shift_left3A_956 = arith.shli %shift_right_arithmetic3A_954, %shift_left3A_955 : vector<16xi32>
        %and3A_957 = arith.constant 7 : i32
        %and3A_958 = vector.broadcast %and3A_957 : i32 to vector<16xi32>
        %and3A_959 = arith.andi %and3A_952, %and3A_958 : vector<16xi32>
        %shift_left3A_960 = arith.constant 7 : i32
        %shift_left3A_961 = vector.broadcast %shift_left3A_960 : i32 to vector<16xi32>
        %shift_left3A_962 = arith.shli %and3A_959, %shift_left3A_961 : vector<16xi32>
        %add3A_963 = arith.addi %shift_left3A_956, %shift_left3A_962 : vector<16xi32>
        %add3A_964 = arith.addi %add3A_963, %iota3A : vector<16xi32>
        %add3A_965 = arith.constant 0 : i32
        %add3A_966 = vector.broadcast %add3A_965 : i32 to vector<16xi32>
        %add3A_967 = arith.addi %iota3A, %add3A_966 : vector<16xi32>
        %gather3A = tpu.vector_load_idx %arg7[%add3A_967, %and3A_952] : memref<512x32xf32, #tpu.memory_space<vmem>>[vector<16xi32>, vector<16xi32>], vector<16xf32>,
        %add3A_968 = arith.constant 0 : i32
        %add3A_969 = vector.broadcast %add3A_968 : i32 to vector<16xi32>
        %add3A_970 = arith.addi %add3A_964, %add3A_969 : vector<16xi32>
        tpu.vector_store_idx %arg9[%add3A_970], %gather3A : memref<16384xf32, #tpu.memory_space<vmem>>[vector<16xi32>], vector<16xf32>,
        %add3A_971 = arith.constant 16 : i32
        %add3A_972 = vector.broadcast %add3A_971 : i32 to vector<16xi32>
        %add3A_973 = arith.addi %iota3A, %add3A_972 : vector<16xi32>
        %gather3A_974 = tpu.vector_load_idx %arg7[%add3A_973, %and3A_952] : memref<512x32xf32, #tpu.memory_space<vmem>>[vector<16xi32>, vector<16xi32>], vector<16xf32>,
        %add3A_975 = arith.constant 16 : i32
        %add3A_976 = vector.broadcast %add3A_975 : i32 to vector<16xi32>
        %add3A_977 = arith.addi %add3A_964, %add3A_976 : vector<16xi32>
        tpu.vector_store_idx %arg9[%add3A_977], %gather3A_974 : memref<16384xf32, #tpu.memory_space<vmem>>[vector<16xi32>], vector<16xf32>,
        %add3A_978 = arith.constant 32 : i32
        %add3A_979 = vector.broadcast %add3A_978 : i32 to vector<16xi32>
        %add3A_980 = arith.addi %iota3A, %add3A_979 : vector<16xi32>
        %gather3A_981 = tpu.vector_load_idx %arg7[%add3A_980, %and3A_952] : memref<512x32xf32, #tpu.memory_space<vmem>>[vector<16xi32>, vector<16xi32>], vector<16xf32>,
        %add3A_982 = arith.constant 32 : i32
        %add3A_983 = vector.broadcast %add3A_982 : i32 to vector<16xi32>
        %add3A_984 = arith.addi %add3A_964, %add3A_983 : vector<16xi32>
        tpu.vector_store_idx %arg9[%add3A_984], %gather3A_981 : memref<16384xf32, #tpu.memory_space<vmem>>[vector<16xi32>], vector<16xf32>,
        %add3A_985 = arith.constant 48 : i32
        %add3A_986 = vector.broadcast %add3A_985 : i32 to vector<16xi32>
        %add3A_987 = arith.addi %iota3A, %add3A_986 : vector<16xi32>
        %gather3A_988 = tpu.vector_load_idx %arg7[%add3A_987, %and3A_952] : memref<512x32xf32, #tpu.memory_space<vmem>>[vector<16xi32>, vector<16xi32>], vector<16xf32>,
        %add3A_989 = arith.constant 48 : i32
        %add3A_990 = vector.broadcast %add3A_989 : i32 to vector<16xi32>
        %add3A_991 = arith.addi %add3A_964, %add3A_990 : vector<16xi32>
        tpu.vector_store_idx %arg9[%add3A_991], %gather3A_988 : memref<16384xf32, #tpu.memory_space<vmem>>[vector<16xi32>], vector<16xf32>,
        %add3A_992 = arith.constant 64 : i32
        %add3A_993 = vector.broadcast %add3A_992 : i32 to vector<16xi32>
        %add3A_994 = arith.addi %iota3A, %add3A_993 : vector<16xi32>
        %gather3A_995 = tpu.vector_load_idx %arg7[%add3A_994, %and3A_952] : memref<512x32xf32, #tpu.memory_space<vmem>>[vector<16xi32>, vector<16xi32>], vector<16xf32>,
        %add3A_996 = arith.constant 64 : i32
        %add3A_997 = vector.broadcast %add3A_996 : i32 to vector<16xi32>
        %add3A_998 = arith.addi %add3A_964, %add3A_997 : vector<16xi32>
        tpu.vector_store_idx %arg9[%add3A_998], %gather3A_995 : memref<16384xf32, #tpu.memory_space<vmem>>[vector<16xi32>], vector<16xf32>,
        %add3A_999 = arith.constant 80 : i32
        %add3A_1000 = vector.broadcast %add3A_999 : i32 to vector<16xi32>
        %add3A_1001 = arith.addi %iota3A, %add3A_1000 : vector<16xi32>
        %gather3A_1002 = tpu.vector_load_idx %arg7[%add3A_1001, %and3A_952] : memref<512x32xf32, #tpu.memory_space<vmem>>[vector<16xi32>, vector<16xi32>], vector<16xf32>,
        %add3A_1003 = arith.constant 80 : i32
        %add3A_1004 = vector.broadcast %add3A_1003 : i32 to vector<16xi32>
        %add3A_1005 = arith.addi %add3A_964, %add3A_1004 : vector<16xi32>
        tpu.vector_store_idx %arg9[%add3A_1005], %gather3A_1002 : memref<16384xf32, #tpu.memory_space<vmem>>[vector<16xi32>], vector<16xf32>,
        %add3A_1006 = arith.constant 96 : i32
        %add3A_1007 = vector.broadcast %add3A_1006 : i32 to vector<16xi32>
        %add3A_1008 = arith.addi %iota3A, %add3A_1007 : vector<16xi32>
        %gather3A_1009 = tpu.vector_load_idx %arg7[%add3A_1008, %and3A_952] : memref<512x32xf32, #tpu.memory_space<vmem>>[vector<16xi32>, vector<16xi32>], vector<16xf32>,
        %add3A_1010 = arith.constant 96 : i32
        %add3A_1011 = vector.broadcast %add3A_1010 : i32 to vector<16xi32>
        %add3A_1012 = arith.addi %add3A_964, %add3A_1011 : vector<16xi32>
        tpu.vector_store_idx %arg9[%add3A_1012], %gather3A_1009 : memref<16384xf32, #tpu.memory_space<vmem>>[vector<16xi32>], vector<16xf32>,
        %add3A_1013 = arith.constant 112 : i32
        %add3A_1014 = vector.broadcast %add3A_1013 : i32 to vector<16xi32>
        %add3A_1015 = arith.addi %iota3A, %add3A_1014 : vector<16xi32>
        %gather3A_1016 = tpu.vector_load_idx %arg7[%add3A_1015, %and3A_952] : memref<512x32xf32, #tpu.memory_space<vmem>>[vector<16xi32>, vector<16xi32>], vector<16xf32>,
        %add3A_1017 = arith.constant 112 : i32
        %add3A_1018 = vector.broadcast %add3A_1017 : i32 to vector<16xi32>
        %add3A_1019 = arith.addi %add3A_964, %add3A_1018 : vector<16xi32>
        tpu.vector_store_idx %arg9[%add3A_1019], %gather3A_1016 : memref<16384xf32, #tpu.memory_space<vmem>>[vector<16xi32>], vector<16xf32>,
        %add3A_1020 = arith.constant 128 : i32
        %add3A_1021 = vector.broadcast %add3A_1020 : i32 to vector<16xi32>
        %add3A_1022 = arith.addi %iota3A, %add3A_1021 : vector<16xi32>
        %gather3A_1023 = tpu.vector_load_idx %arg7[%add3A_1022, %and3A_952] : memref<512x32xf32, #tpu.memory_space<vmem>>[vector<16xi32>, vector<16xi32>], vector<16xf32>,
        %add3A_1024 = arith.constant 1024 : i32
        %add3A_1025 = vector.broadcast %add3A_1024 : i32 to vector<16xi32>
        %add3A_1026 = arith.addi %add3A_964, %add3A_1025 : vector<16xi32>
        tpu.vector_store_idx %arg9[%add3A_1026], %gather3A_1023 : memref<16384xf32, #tpu.memory_space<vmem>>[vector<16xi32>], vector<16xf32>,
        %add3A_1027 = arith.constant 144 : i32
        %add3A_1028 = vector.broadcast %add3A_1027 : i32 to vector<16xi32>
        %add3A_1029 = arith.addi %iota3A, %add3A_1028 : vector<16xi32>
        %gather3A_1030 = tpu.vector_load_idx %arg7[%add3A_1029, %and3A_952] : memref<512x32xf32, #tpu.memory_space<vmem>>[vector<16xi32>, vector<16xi32>], vector<16xf32>,
        %add3A_1031 = arith.constant 1040 : i32
        %add3A_1032 = vector.broadcast %add3A_1031 : i32 to vector<16xi32>
        %add3A_1033 = arith.addi %add3A_964, %add3A_1032 : vector<16xi32>
        tpu.vector_store_idx %arg9[%add3A_1033], %gather3A_1030 : memref<16384xf32, #tpu.memory_space<vmem>>[vector<16xi32>], vector<16xf32>,
        %add3A_1034 = arith.constant 160 : i32
        %add3A_1035 = vector.broadcast %add3A_1034 : i32 to vector<16xi32>
        %add3A_1036 = arith.addi %iota3A, %add3A_1035 : vector<16xi32>
        %gather3A_1037 = tpu.vector_load_idx %arg7[%add3A_1036, %and3A_952] : memref<512x32xf32, #tpu.memory_space<vmem>>[vector<16xi32>, vector<16xi32>], vector<16xf32>,
        %add3A_1038 = arith.constant 1056 : i32
        %add3A_1039 = vector.broadcast %add3A_1038 : i32 to vector<16xi32>
        %add3A_1040 = arith.addi %add3A_964, %add3A_1039 : vector<16xi32>
        tpu.vector_store_idx %arg9[%add3A_1040], %gather3A_1037 : memref<16384xf32, #tpu.memory_space<vmem>>[vector<16xi32>], vector<16xf32>,
        %add3A_1041 = arith.constant 176 : i32
        %add3A_1042 = vector.broadcast %add3A_1041 : i32 to vector<16xi32>
        %add3A_1043 = arith.addi %iota3A, %add3A_1042 : vector<16xi32>
        %gather3A_1044 = tpu.vector_load_idx %arg7[%add3A_1043, %and3A_952] : memref<512x32xf32, #tpu.memory_space<vmem>>[vector<16xi32>, vector<16xi32>], vector<16xf32>,
        %add3A_1045 = arith.constant 1072 : i32
        %add3A_1046 = vector.broadcast %add3A_1045 : i32 to vector<16xi32>
        %add3A_1047 = arith.addi %add3A_964, %add3A_1046 : vector<16xi32>
        tpu.vector_store_idx %arg9[%add3A_1047], %gather3A_1044 : memref<16384xf32, #tpu.memory_space<vmem>>[vector<16xi32>], vector<16xf32>,
        %add3A_1048 = arith.constant 192 : i32
        %add3A_1049 = vector.broadcast %add3A_1048 : i32 to vector<16xi32>
        %add3A_1050 = arith.addi %iota3A, %add3A_1049 : vector<16xi32>
        %gather3A_1051 = tpu.vector_load_idx %arg7[%add3A_1050, %and3A_952] : memref<512x32xf32, #tpu.memory_space<vmem>>[vector<16xi32>, vector<16xi32>], vector<16xf32>,
        %add3A_1052 = arith.constant 1088 : i32
        %add3A_1053 = vector.broadcast %add3A_1052 : i32 to vector<16xi32>
        %add3A_1054 = arith.addi %add3A_964, %add3A_1053 : vector<16xi32>
        tpu.vector_store_idx %arg9[%add3A_1054], %gather3A_1051 : memref<16384xf32, #tpu.memory_space<vmem>>[vector<16xi32>], vector<16xf32>,
        %add3A_1055 = arith.constant 208 : i32
        %add3A_1056 = vector.broadcast %add3A_1055 : i32 to vector<16xi32>
        %add3A_1057 = arith.addi %iota3A, %add3A_1056 : vector<16xi32>
        %gather3A_1058 = tpu.vector_load_idx %arg7[%add3A_1057, %and3A_952] : memref<512x32xf32, #tpu.memory_space<vmem>>[vector<16xi32>, vector<16xi32>], vector<16xf32>,
        %add3A_1059 = arith.constant 1104 : i32
        %add3A_1060 = vector.broadcast %add3A_1059 : i32 to vector<16xi32>
        %add3A_1061 = arith.addi %add3A_964, %add3A_1060 : vector<16xi32>
        tpu.vector_store_idx %arg9[%add3A_1061], %gather3A_1058 : memref<16384xf32, #tpu.memory_space<vmem>>[vector<16xi32>], vector<16xf32>,
        %add3A_1062 = arith.constant 224 : i32
        %add3A_1063 = vector.broadcast %add3A_1062 : i32 to vector<16xi32>
        %add3A_1064 = arith.addi %iota3A, %add3A_1063 : vector<16xi32>
        %gather3A_1065 = tpu.vector_load_idx %arg7[%add3A_1064, %and3A_952] : memref<512x32xf32, #tpu.memory_space<vmem>>[vector<16xi32>, vector<16xi32>], vector<16xf32>,
        %add3A_1066 = arith.constant 1120 : i32
        %add3A_1067 = vector.broadcast %add3A_1066 : i32 to vector<16xi32>
        %add3A_1068 = arith.addi %add3A_964, %add3A_1067 : vector<16xi32>
        tpu.vector_store_idx %arg9[%add3A_1068], %gather3A_1065 : memref<16384xf32, #tpu.memory_space<vmem>>[vector<16xi32>], vector<16xf32>,
        %add3A_1069 = arith.constant 240 : i32
        %add3A_1070 = vector.broadcast %add3A_1069 : i32 to vector<16xi32>
        %add3A_1071 = arith.addi %iota3A, %add3A_1070 : vector<16xi32>
        %gather3A_1072 = tpu.vector_load_idx %arg7[%add3A_1071, %and3A_952] : memref<512x32xf32, #tpu.memory_space<vmem>>[vector<16xi32>, vector<16xi32>], vector<16xf32>,
        %add3A_1073 = arith.constant 1136 : i32
        %add3A_1074 = vector.broadcast %add3A_1073 : i32 to vector<16xi32>
        %add3A_1075 = arith.addi %add3A_964, %add3A_1074 : vector<16xi32>
        tpu.vector_store_idx %arg9[%add3A_1075], %gather3A_1072 : memref<16384xf32, #tpu.memory_space<vmem>>[vector<16xi32>], vector<16xf32>,
        %add3A_1076 = arith.constant 256 : i32
        %add3A_1077 = vector.broadcast %add3A_1076 : i32 to vector<16xi32>
        %add3A_1078 = arith.addi %iota3A, %add3A_1077 : vector<16xi32>
        %gather3A_1079 = tpu.vector_load_idx %arg7[%add3A_1078, %and3A_952] : memref<512x32xf32, #tpu.memory_space<vmem>>[vector<16xi32>, vector<16xi32>], vector<16xf32>,
        %add3A_1080 = arith.constant 2048 : i32
        %add3A_1081 = vector.broadcast %add3A_1080 : i32 to vector<16xi32>
        %add3A_1082 = arith.addi %add3A_964, %add3A_1081 : vector<16xi32>
        tpu.vector_store_idx %arg9[%add3A_1082], %gather3A_1079 : memref<16384xf32, #tpu.memory_space<vmem>>[vector<16xi32>], vector<16xf32>,
        %add3A_1083 = arith.constant 272 : i32
        %add3A_1084 = vector.broadcast %add3A_1083 : i32 to vector<16xi32>
        %add3A_1085 = arith.addi %iota3A, %add3A_1084 : vector<16xi32>
        %gather3A_1086 = tpu.vector_load_idx %arg7[%add3A_1085, %and3A_952] : memref<512x32xf32, #tpu.memory_space<vmem>>[vector<16xi32>, vector<16xi32>], vector<16xf32>,
        %add3A_1087 = arith.constant 2064 : i32
        %add3A_1088 = vector.broadcast %add3A_1087 : i32 to vector<16xi32>
        %add3A_1089 = arith.addi %add3A_964, %add3A_1088 : vector<16xi32>
        tpu.vector_store_idx %arg9[%add3A_1089], %gather3A_1086 : memref<16384xf32, #tpu.memory_space<vmem>>[vector<16xi32>], vector<16xf32>,
        %add3A_1090 = arith.constant 288 : i32
        %add3A_1091 = vector.broadcast %add3A_1090 : i32 to vector<16xi32>
        %add3A_1092 = arith.addi %iota3A, %add3A_1091 : vector<16xi32>
        %gather3A_1093 = tpu.vector_load_idx %arg7[%add3A_1092, %and3A_952] : memref<512x32xf32, #tpu.memory_space<vmem>>[vector<16xi32>, vector<16xi32>], vector<16xf32>,
        %add3A_1094 = arith.constant 2080 : i32
        %add3A_1095 = vector.broadcast %add3A_1094 : i32 to vector<16xi32>
        %add3A_1096 = arith.addi %add3A_964, %add3A_1095 : vector<16xi32>
        tpu.vector_store_idx %arg9[%add3A_1096], %gather3A_1093 : memref<16384xf32, #tpu.memory_space<vmem>>[vector<16xi32>], vector<16xf32>,
        %add3A_1097 = arith.constant 304 : i32
        %add3A_1098 = vector.broadcast %add3A_1097 : i32 to vector<16xi32>
        %add3A_1099 = arith.addi %iota3A, %add3A_1098 : vector<16xi32>
        %gather3A_1100 = tpu.vector_load_idx %arg7[%add3A_1099, %and3A_952] : memref<512x32xf32, #tpu.memory_space<vmem>>[vector<16xi32>, vector<16xi32>], vector<16xf32>,
        %add3A_1101 = arith.constant 2096 : i32
        %add3A_1102 = vector.broadcast %add3A_1101 : i32 to vector<16xi32>
        %add3A_1103 = arith.addi %add3A_964, %add3A_1102 : vector<16xi32>
        tpu.vector_store_idx %arg9[%add3A_1103], %gather3A_1100 : memref<16384xf32, #tpu.memory_space<vmem>>[vector<16xi32>], vector<16xf32>,
        %add3A_1104 = arith.constant 320 : i32
        %add3A_1105 = vector.broadcast %add3A_1104 : i32 to vector<16xi32>
        %add3A_1106 = arith.addi %iota3A, %add3A_1105 : vector<16xi32>
        %gather3A_1107 = tpu.vector_load_idx %arg7[%add3A_1106, %and3A_952] : memref<512x32xf32, #tpu.memory_space<vmem>>[vector<16xi32>, vector<16xi32>], vector<16xf32>,
        %add3A_1108 = arith.constant 2112 : i32
        %add3A_1109 = vector.broadcast %add3A_1108 : i32 to vector<16xi32>
        %add3A_1110 = arith.addi %add3A_964, %add3A_1109 : vector<16xi32>
        tpu.vector_store_idx %arg9[%add3A_1110], %gather3A_1107 : memref<16384xf32, #tpu.memory_space<vmem>>[vector<16xi32>], vector<16xf32>,
        %add3A_1111 = arith.constant 336 : i32
        %add3A_1112 = vector.broadcast %add3A_1111 : i32 to vector<16xi32>
        %add3A_1113 = arith.addi %iota3A, %add3A_1112 : vector<16xi32>
        %gather3A_1114 = tpu.vector_load_idx %arg7[%add3A_1113, %and3A_952] : memref<512x32xf32, #tpu.memory_space<vmem>>[vector<16xi32>, vector<16xi32>], vector<16xf32>,
        %add3A_1115 = arith.constant 2128 : i32
        %add3A_1116 = vector.broadcast %add3A_1115 : i32 to vector<16xi32>
        %add3A_1117 = arith.addi %add3A_964, %add3A_1116 : vector<16xi32>
        tpu.vector_store_idx %arg9[%add3A_1117], %gather3A_1114 : memref<16384xf32, #tpu.memory_space<vmem>>[vector<16xi32>], vector<16xf32>,
        %add3A_1118 = arith.constant 352 : i32
        %add3A_1119 = vector.broadcast %add3A_1118 : i32 to vector<16xi32>
        %add3A_1120 = arith.addi %iota3A, %add3A_1119 : vector<16xi32>
        %gather3A_1121 = tpu.vector_load_idx %arg7[%add3A_1120, %and3A_952] : memref<512x32xf32, #tpu.memory_space<vmem>>[vector<16xi32>, vector<16xi32>], vector<16xf32>,
        %add3A_1122 = arith.constant 2144 : i32
        %add3A_1123 = vector.broadcast %add3A_1122 : i32 to vector<16xi32>
        %add3A_1124 = arith.addi %add3A_964, %add3A_1123 : vector<16xi32>
        tpu.vector_store_idx %arg9[%add3A_1124], %gather3A_1121 : memref<16384xf32, #tpu.memory_space<vmem>>[vector<16xi32>], vector<16xf32>,
        %add3A_1125 = arith.constant 368 : i32
        %add3A_1126 = vector.broadcast %add3A_1125 : i32 to vector<16xi32>
        %add3A_1127 = arith.addi %iota3A, %add3A_1126 : vector<16xi32>
        %gather3A_1128 = tpu.vector_load_idx %arg7[%add3A_1127, %and3A_952] : memref<512x32xf32, #tpu.memory_space<vmem>>[vector<16xi32>, vector<16xi32>], vector<16xf32>,
        %add3A_1129 = arith.constant 2160 : i32
        %add3A_1130 = vector.broadcast %add3A_1129 : i32 to vector<16xi32>
        %add3A_1131 = arith.addi %add3A_964, %add3A_1130 : vector<16xi32>
        tpu.vector_store_idx %arg9[%add3A_1131], %gather3A_1128 : memref<16384xf32, #tpu.memory_space<vmem>>[vector<16xi32>], vector<16xf32>,
        %add3A_1132 = arith.constant 384 : i32
        %add3A_1133 = vector.broadcast %add3A_1132 : i32 to vector<16xi32>
        %add3A_1134 = arith.addi %iota3A, %add3A_1133 : vector<16xi32>
        %gather3A_1135 = tpu.vector_load_idx %arg7[%add3A_1134, %and3A_952] : memref<512x32xf32, #tpu.memory_space<vmem>>[vector<16xi32>, vector<16xi32>], vector<16xf32>,
        %add3A_1136 = arith.constant 3072 : i32
        %add3A_1137 = vector.broadcast %add3A_1136 : i32 to vector<16xi32>
        %add3A_1138 = arith.addi %add3A_964, %add3A_1137 : vector<16xi32>
        tpu.vector_store_idx %arg9[%add3A_1138], %gather3A_1135 : memref<16384xf32, #tpu.memory_space<vmem>>[vector<16xi32>], vector<16xf32>,
        %add3A_1139 = arith.constant 400 : i32
        %add3A_1140 = vector.broadcast %add3A_1139 : i32 to vector<16xi32>
        %add3A_1141 = arith.addi %iota3A, %add3A_1140 : vector<16xi32>
        %gather3A_1142 = tpu.vector_load_idx %arg7[%add3A_1141, %and3A_952] : memref<512x32xf32, #tpu.memory_space<vmem>>[vector<16xi32>, vector<16xi32>], vector<16xf32>,
        %add3A_1143 = arith.constant 3088 : i32
        %add3A_1144 = vector.broadcast %add3A_1143 : i32 to vector<16xi32>
        %add3A_1145 = arith.addi %add3A_964, %add3A_1144 : vector<16xi32>
        tpu.vector_store_idx %arg9[%add3A_1145], %gather3A_1142 : memref<16384xf32, #tpu.memory_space<vmem>>[vector<16xi32>], vector<16xf32>,
        %add3A_1146 = arith.constant 416 : i32
        %add3A_1147 = vector.broadcast %add3A_1146 : i32 to vector<16xi32>
        %add3A_1148 = arith.addi %iota3A, %add3A_1147 : vector<16xi32>
        %gather3A_1149 = tpu.vector_load_idx %arg7[%add3A_1148, %and3A_952] : memref<512x32xf32, #tpu.memory_space<vmem>>[vector<16xi32>, vector<16xi32>], vector<16xf32>,
        %add3A_1150 = arith.constant 3104 : i32
        %add3A_1151 = vector.broadcast %add3A_1150 : i32 to vector<16xi32>
        %add3A_1152 = arith.addi %add3A_964, %add3A_1151 : vector<16xi32>
        tpu.vector_store_idx %arg9[%add3A_1152], %gather3A_1149 : memref<16384xf32, #tpu.memory_space<vmem>>[vector<16xi32>], vector<16xf32>,
        %add3A_1153 = arith.constant 432 : i32
        %add3A_1154 = vector.broadcast %add3A_1153 : i32 to vector<16xi32>
        %add3A_1155 = arith.addi %iota3A, %add3A_1154 : vector<16xi32>
        %gather3A_1156 = tpu.vector_load_idx %arg7[%add3A_1155, %and3A_952] : memref<512x32xf32, #tpu.memory_space<vmem>>[vector<16xi32>, vector<16xi32>], vector<16xf32>,
        %add3A_1157 = arith.constant 3120 : i32
        %add3A_1158 = vector.broadcast %add3A_1157 : i32 to vector<16xi32>
        %add3A_1159 = arith.addi %add3A_964, %add3A_1158 : vector<16xi32>
        tpu.vector_store_idx %arg9[%add3A_1159], %gather3A_1156 : memref<16384xf32, #tpu.memory_space<vmem>>[vector<16xi32>], vector<16xf32>,
        %add3A_1160 = arith.constant 448 : i32
        %add3A_1161 = vector.broadcast %add3A_1160 : i32 to vector<16xi32>
        %add3A_1162 = arith.addi %iota3A, %add3A_1161 : vector<16xi32>
        %gather3A_1163 = tpu.vector_load_idx %arg7[%add3A_1162, %and3A_952] : memref<512x32xf32, #tpu.memory_space<vmem>>[vector<16xi32>, vector<16xi32>], vector<16xf32>,
        %add3A_1164 = arith.constant 3136 : i32
        %add3A_1165 = vector.broadcast %add3A_1164 : i32 to vector<16xi32>
        %add3A_1166 = arith.addi %add3A_964, %add3A_1165 : vector<16xi32>
        tpu.vector_store_idx %arg9[%add3A_1166], %gather3A_1163 : memref<16384xf32, #tpu.memory_space<vmem>>[vector<16xi32>], vector<16xf32>,
        %add3A_1167 = arith.constant 464 : i32
        %add3A_1168 = vector.broadcast %add3A_1167 : i32 to vector<16xi32>
        %add3A_1169 = arith.addi %iota3A, %add3A_1168 : vector<16xi32>
        %gather3A_1170 = tpu.vector_load_idx %arg7[%add3A_1169, %and3A_952] : memref<512x32xf32, #tpu.memory_space<vmem>>[vector<16xi32>, vector<16xi32>], vector<16xf32>,
        %add3A_1171 = arith.constant 3152 : i32
        %add3A_1172 = vector.broadcast %add3A_1171 : i32 to vector<16xi32>
        %add3A_1173 = arith.addi %add3A_964, %add3A_1172 : vector<16xi32>
        tpu.vector_store_idx %arg9[%add3A_1173], %gather3A_1170 : memref<16384xf32, #tpu.memory_space<vmem>>[vector<16xi32>], vector<16xf32>,
        %add3A_1174 = arith.constant 480 : i32
        %add3A_1175 = vector.broadcast %add3A_1174 : i32 to vector<16xi32>
        %add3A_1176 = arith.addi %iota3A, %add3A_1175 : vector<16xi32>
        %gather3A_1177 = tpu.vector_load_idx %arg7[%add3A_1176, %and3A_952] : memref<512x32xf32, #tpu.memory_space<vmem>>[vector<16xi32>, vector<16xi32>], vector<16xf32>,
        %add3A_1178 = arith.constant 3168 : i32
        %add3A_1179 = vector.broadcast %add3A_1178 : i32 to vector<16xi32>
        %add3A_1180 = arith.addi %add3A_964, %add3A_1179 : vector<16xi32>
        tpu.vector_store_idx %arg9[%add3A_1180], %gather3A_1177 : memref<16384xf32, #tpu.memory_space<vmem>>[vector<16xi32>], vector<16xf32>,
        %add3A_1181 = arith.constant 496 : i32
        %add3A_1182 = vector.broadcast %add3A_1181 : i32 to vector<16xi32>
        %add3A_1183 = arith.addi %iota3A, %add3A_1182 : vector<16xi32>
        %gather3A_1184 = tpu.vector_load_idx %arg7[%add3A_1183, %and3A_952] : memref<512x32xf32, #tpu.memory_space<vmem>>[vector<16xi32>, vector<16xi32>], vector<16xf32>,
        %add3A_1185 = arith.constant 3184 : i32
        %add3A_1186 = vector.broadcast %add3A_1185 : i32 to vector<16xi32>
        %add3A_1187 = arith.addi %add3A_964, %add3A_1186 : vector<16xi32>
        tpu.vector_store_idx %arg9[%add3A_1187], %gather3A_1184 : memref<16384xf32, #tpu.memory_space<vmem>>[vector<16xi32>], vector<16xf32>,
      }
      %scan3A_879 = arith.constant 32 : i32
      %mul3A_880 = arith.constant 4 : i32
      %mul3A_881 = arith.muli %add3A_873, %mul3A_880 : i32
      %add3A_882 = arith.constant 0 : i32
      %add3A_883 = arith.addi %mul3A_881, %add3A_882 : i32
      %mul3A_884 = arith.constant 128 : i32
      %mul3A_885 = arith.muli %add3A_883, %mul3A_884 : i32
      %mul3A_886 = arith.constant 4 : i32
      %mul3A_887 = arith.muli %add3A, %mul3A_886 : i32
      %add3A_888 = arith.addi %mul3A_885, %mul3A_887 : i32
      %mul3A_889 = arith.constant 1024 : i32
      %mul3A_890 = arith.muli %add3A_888, %mul3A_889 : i32
      %dma_start3A_891 = arith.constant 0 : i32
      %dma_start3A_892 = tpu.memref_slice %arg9[%dma_start3A_891] : memref<16384xf32, #tpu.memory_space<vmem>> -> memref<4096xf32, #tpu.memory_space<vmem>>
      %dma_start3A_893 = tpu.memref_slice %arg4[%mul3A_890] : memref<26214400xf32, #tpu.memory_space<hbm>> -> memref<4096xf32, #tpu.memory_space<hbm>>
      %dma_start3A_894 = tpu.memref_slice %arg4[%mul3A_890] : memref<26214400xf32, #tpu.memory_space<hbm>> -> memref<4096xf32, #tpu.memory_space<hbm>>
      %dma_start3A_895 = arith.constant 0 : i32
      %dma_start3A_896 = tpu.memref_slice %arg9[%dma_start3A_895] : memref<16384xf32, #tpu.memory_space<vmem>> -> memref<4096xf32, #tpu.memory_space<vmem>>
      tpu.enqueue_dma source(%dma_start3A_896 : memref<4096xf32, #tpu.memory_space<vmem>>) target(%dma_start3A_894 : memref<4096xf32, #tpu.memory_space<hbm>>) target_semaphore(%arg13 : memref<!tpu.dma_semaphore, #tpu.memory_space<semaphore_mem>>)
      %mul3A_897 = arith.constant 4 : i32
      %mul3A_898 = arith.muli %add3A_873, %mul3A_897 : i32
      %add3A_899 = arith.constant 1 : i32
      %add3A_900 = arith.addi %mul3A_898, %add3A_899 : i32
      %mul3A_901 = arith.constant 128 : i32
      %mul3A_902 = arith.muli %add3A_900, %mul3A_901 : i32
      %mul3A_903 = arith.constant 4 : i32
      %mul3A_904 = arith.muli %add3A, %mul3A_903 : i32
      %add3A_905 = arith.addi %mul3A_902, %mul3A_904 : i32
      %mul3A_906 = arith.constant 1024 : i32
      %mul3A_907 = arith.muli %add3A_905, %mul3A_906 : i32
      %dma_start3A_908 = arith.constant 4096 : i32
      %dma_start3A_909 = tpu.memref_slice %arg9[%dma_start3A_908] : memref<16384xf32, #tpu.memory_space<vmem>> -> memref<4096xf32, #tpu.memory_space<vmem>>
      %dma_start3A_910 = tpu.memref_slice %arg4[%mul3A_907] : memref<26214400xf32, #tpu.memory_space<hbm>> -> memref<4096xf32, #tpu.memory_space<hbm>>
      %dma_start3A_911 = tpu.memref_slice %arg4[%mul3A_907] : memref<26214400xf32, #tpu.memory_space<hbm>> -> memref<4096xf32, #tpu.memory_space<hbm>>
      %dma_start3A_912 = arith.constant 4096 : i32
      %dma_start3A_913 = tpu.memref_slice %arg9[%dma_start3A_912] : memref<16384xf32, #tpu.memory_space<vmem>> -> memref<4096xf32, #tpu.memory_space<vmem>>
      tpu.enqueue_dma source(%dma_start3A_913 : memref<4096xf32, #tpu.memory_space<vmem>>) target(%dma_start3A_911 : memref<4096xf32, #tpu.memory_space<hbm>>) target_semaphore(%arg13 : memref<!tpu.dma_semaphore, #tpu.memory_space<semaphore_mem>>)
      %mul3A_914 = arith.constant 4 : i32
      %mul3A_915 = arith.muli %add3A_873, %mul3A_914 : i32
      %add3A_916 = arith.constant 2 : i32
      %add3A_917 = arith.addi %mul3A_915, %add3A_916 : i32
      %mul3A_918 = arith.constant 128 : i32
      %mul3A_919 = arith.muli %add3A_917, %mul3A_918 : i32
      %mul3A_920 = arith.constant 4 : i32
      %mul3A_921 = arith.muli %add3A, %mul3A_920 : i32
      %add3A_922 = arith.addi %mul3A_919, %mul3A_921 : i32
      %mul3A_923 = arith.constant 1024 : i32
      %mul3A_924 = arith.muli %add3A_922, %mul3A_923 : i32
      %dma_start3A_925 = arith.constant 8192 : i32
      %dma_start3A_926 = tpu.memref_slice %arg9[%dma_start3A_925] : memref<16384xf32, #tpu.memory_space<vmem>> -> memref<4096xf32, #tpu.memory_space<vmem>>
      %dma_start3A_927 = tpu.memref_slice %arg4[%mul3A_924] : memref<26214400xf32, #tpu.memory_space<hbm>> -> memref<4096xf32, #tpu.memory_space<hbm>>
      %dma_start3A_928 = tpu.memref_slice %arg4[%mul3A_924] : memref<26214400xf32, #tpu.memory_space<hbm>> -> memref<4096xf32, #tpu.memory_space<hbm>>
      %dma_start3A_929 = arith.constant 8192 : i32
      %dma_start3A_930 = tpu.memref_slice %arg9[%dma_start3A_929] : memref<16384xf32, #tpu.memory_space<vmem>> -> memref<4096xf32, #tpu.memory_space<vmem>>
      tpu.enqueue_dma source(%dma_start3A_930 : memref<4096xf32, #tpu.memory_space<vmem>>) target(%dma_start3A_928 : memref<4096xf32, #tpu.memory_space<hbm>>) target_semaphore(%arg13 : memref<!tpu.dma_semaphore, #tpu.memory_space<semaphore_mem>>)
      %mul3A_931 = arith.constant 4 : i32
      %mul3A_932 = arith.muli %add3A_873, %mul3A_931 : i32
      %add3A_933 = arith.constant 3 : i32
      %add3A_934 = arith.addi %mul3A_932, %add3A_933 : i32
      %mul3A_935 = arith.constant 128 : i32
      %mul3A_936 = arith.muli %add3A_934, %mul3A_935 : i32
      %mul3A_937 = arith.constant 4 : i32
      %mul3A_938 = arith.muli %add3A, %mul3A_937 : i32
      %add3A_939 = arith.addi %mul3A_936, %mul3A_938 : i32
      %mul3A_940 = arith.constant 1024 : i32
      %mul3A_941 = arith.muli %add3A_939, %mul3A_940 : i32
      %dma_start3A_942 = arith.constant 12288 : i32
      %dma_start3A_943 = tpu.memref_slice %arg9[%dma_start3A_942] : memref<16384xf32, #tpu.memory_space<vmem>> -> memref<4096xf32, #tpu.memory_space<vmem>>
      %dma_start3A_944 = tpu.memref_slice %arg4[%mul3A_941] : memref<26214400xf32, #tpu.memory_space<hbm>> -> memref<4096xf32, #tpu.memory_space<hbm>>
      %dma_start3A_945 = tpu.memref_slice %arg4[%mul3A_941] : memref<26214400xf32, #tpu.memory_space<hbm>> -> memref<4096xf32, #tpu.memory_space<hbm>>
      %dma_start3A_946 = arith.constant 12288 : i32
      %dma_start3A_947 = tpu.memref_slice %arg9[%dma_start3A_946] : memref<16384xf32, #tpu.memory_space<vmem>> -> memref<4096xf32, #tpu.memory_space<vmem>>
      tpu.enqueue_dma source(%dma_start3A_947 : memref<4096xf32, #tpu.memory_space<vmem>>) target(%dma_start3A_945 : memref<4096xf32, #tpu.memory_space<hbm>>) target_semaphore(%arg13 : memref<!tpu.dma_semaphore, #tpu.memory_space<semaphore_mem>>)
    }
    %scan3A_616 = arith.constant 24 : i32
    %dma_start3A_617 = arith.constant 49 : i32
    %dma_start3A_618 = arith.constant 0 : i32
    %dma_start3A_619 = tpu.memref_slice %arg5[%dma_start3A_617, %dma_start3A_618] : memref<50x512xi32, #tpu.memory_space<vmem>> -> memref<1x512xi32, #tpu.memory_space<vmem>>
    %dma_start3A_620 = tpu.memref_squeeze %dma_start3A_619 : memref<1x512xi32, #tpu.memory_space<vmem>> -> memref<512xi32, #tpu.memory_space<vmem>>
    %dma_start3A_621 = arith.constant 0 : i32
    %dma_start3A_622 = arith.constant 0 : i32
    %dma_start3A_623 = tpu.memref_slice %arg3[%dma_start3A_621, %dma_start3A_622] : memref<1000000x32xf32, #tpu.memory_space<hbm>> -> memref<1000000x32xf32, #tpu.memory_space<hbm>>
    tpu.enqueue_indirect_dma source(%dma_start3A_623 : memref<1000000x32xf32, #tpu.memory_space<hbm>>) target(%arg7 : memref<512x32xf32, #tpu.memory_space<vmem>>) offsets(%dma_start3A_620 : memref<512xi32, #tpu.memory_space<vmem>>) semaphore(%arg11 : memref<!tpu.dma_semaphore, #tpu.memory_space<semaphore_mem>>)
    %dma_wait3A_624 = arith.constant 0 : i32
    %dma_wait3A_625 = arith.constant 0 : i32
    %dma_wait3A_626 = tpu.memref_slice %arg3[%dma_wait3A_624, %dma_wait3A_625] : memref<1000000x32xf32, #tpu.memory_space<hbm>> -> memref<512x32xf32, #tpu.memory_space<hbm>>
    %dma_wait3A_627 = arith.constant 0 : i32
    %dma_wait3A_628 = arith.constant 0 : i32
    %dma_wait3A_629 = tpu.memref_slice %arg3[%dma_wait3A_627, %dma_wait3A_628] : memref<1000000x32xf32, #tpu.memory_space<hbm>> -> memref<512x32xf32, #tpu.memory_space<hbm>>
    tpu.wait_dma2 semaphore(%arg10 : memref<!tpu.dma_semaphore, #tpu.memory_space<semaphore_mem>>) src(%dma_wait3A_629 : memref<512x32xf32, #tpu.memory_space<hbm>>) dst(%arg6 : memref<512x32xf32, #tpu.memory_space<vmem>>)
    %dma_wait3A_630 = arith.constant 0 : i32
    %dma_wait3A_631 = tpu.memref_slice %arg4[%dma_wait3A_630] : memref<26214400xf32, #tpu.memory_space<hbm>> -> memref<16384xf32, #tpu.memory_space<hbm>>
    %dma_wait3A_632 = arith.constant 0 : i32
    %dma_wait3A_633 = tpu.memref_slice %arg4[%dma_wait3A_632] : memref<26214400xf32, #tpu.memory_space<hbm>> -> memref<16384xf32, #tpu.memory_space<hbm>>
    tpu.wait_dma2 semaphore(%arg12 : memref<!tpu.dma_semaphore, #tpu.memory_space<semaphore_mem>>) src(%dma_wait3A_633 : memref<16384xf32, #tpu.memory_space<hbm>>) dst(%arg8 : memref<16384xf32, #tpu.memory_space<vmem>>)
    %scan3A_634 = arith.constant 0 : i32
    %scan3A_635 = arith.constant 0 : i32
    %scan3A_636 = arith.constant 32 : i32
    %scan3A_637 = arith.addi %scan3A_635, %scan3A_636 : i32
    %scan3A_638 = arith.constant 1 : i32
    scf.for %scan3A_760 = %scan3A_635 to %scan3A_637 step %scan3A_638  : i32 {
      %add3A_761 = vector.broadcast %scan3A_760 : i32 to vector<16xi32>
      %add3A_762 = arith.addi %add3A_761, %iota3A : vector<16xi32>
      %and3A = arith.constant 31 : i32
      %and3A_763 = vector.broadcast %and3A : i32 to vector<16xi32>
      %and3A_764 = arith.andi %add3A_762, %and3A_763 : vector<16xi32>
      %shift_right_arithmetic3A = arith.constant 3 : i32
      %shift_right_arithmetic3A_765 = vector.broadcast %shift_right_arithmetic3A : i32 to vector<16xi32>
      %shift_right_arithmetic3A_766 = arith.shrsi %and3A_764, %shift_right_arithmetic3A_765 : vector<16xi32>
      %shift_left3A = arith.constant 12 : i32
      %shift_left3A_767 = vector.broadcast %shift_left3A : i32 to vector<16xi32>
      %shift_left3A_768 = arith.shli %shift_right_arithmetic3A_766, %shift_left3A_767 : vector<16xi32>
      %and3A_769 = arith.constant 7 : i32
      %and3A_770 = vector.broadcast %and3A_769 : i32 to vector<16xi32>
      %and3A_771 = arith.andi %and3A_764, %and3A_770 : vector<16xi32>
      %shift_left3A_772 = arith.constant 7 : i32
      %shift_left3A_773 = vector.broadcast %shift_left3A_772 : i32 to vector<16xi32>
      %shift_left3A_774 = arith.shli %and3A_771, %shift_left3A_773 : vector<16xi32>
      %add3A_775 = arith.addi %shift_left3A_768, %shift_left3A_774 : vector<16xi32>
      %add3A_776 = arith.addi %add3A_775, %iota3A : vector<16xi32>
      %add3A_777 = arith.constant 0 : i32
      %add3A_778 = vector.broadcast %add3A_777 : i32 to vector<16xi32>
      %add3A_779 = arith.addi %iota3A, %add3A_778 : vector<16xi32>
      %gather3A = tpu.vector_load_idx %arg6[%add3A_779, %and3A_764] : memref<512x32xf32, #tpu.memory_space<vmem>>[vector<16xi32>, vector<16xi32>], vector<16xf32>,
      %add3A_780 = arith.constant 0 : i32
      %add3A_781 = vector.broadcast %add3A_780 : i32 to vector<16xi32>
      %add3A_782 = arith.addi %add3A_776, %add3A_781 : vector<16xi32>
      tpu.vector_store_idx %arg8[%add3A_782], %gather3A : memref<16384xf32, #tpu.memory_space<vmem>>[vector<16xi32>], vector<16xf32>,
      %add3A_783 = arith.constant 16 : i32
      %add3A_784 = vector.broadcast %add3A_783 : i32 to vector<16xi32>
      %add3A_785 = arith.addi %iota3A, %add3A_784 : vector<16xi32>
      %gather3A_786 = tpu.vector_load_idx %arg6[%add3A_785, %and3A_764] : memref<512x32xf32, #tpu.memory_space<vmem>>[vector<16xi32>, vector<16xi32>], vector<16xf32>,
      %add3A_787 = arith.constant 16 : i32
      %add3A_788 = vector.broadcast %add3A_787 : i32 to vector<16xi32>
      %add3A_789 = arith.addi %add3A_776, %add3A_788 : vector<16xi32>
      tpu.vector_store_idx %arg8[%add3A_789], %gather3A_786 : memref<16384xf32, #tpu.memory_space<vmem>>[vector<16xi32>], vector<16xf32>,
      %add3A_790 = arith.constant 32 : i32
      %add3A_791 = vector.broadcast %add3A_790 : i32 to vector<16xi32>
      %add3A_792 = arith.addi %iota3A, %add3A_791 : vector<16xi32>
      %gather3A_793 = tpu.vector_load_idx %arg6[%add3A_792, %and3A_764] : memref<512x32xf32, #tpu.memory_space<vmem>>[vector<16xi32>, vector<16xi32>], vector<16xf32>,
      %add3A_794 = arith.constant 32 : i32
      %add3A_795 = vector.broadcast %add3A_794 : i32 to vector<16xi32>
      %add3A_796 = arith.addi %add3A_776, %add3A_795 : vector<16xi32>
      tpu.vector_store_idx %arg8[%add3A_796], %gather3A_793 : memref<16384xf32, #tpu.memory_space<vmem>>[vector<16xi32>], vector<16xf32>,
      %add3A_797 = arith.constant 48 : i32
      %add3A_798 = vector.broadcast %add3A_797 : i32 to vector<16xi32>
      %add3A_799 = arith.addi %iota3A, %add3A_798 : vector<16xi32>
      %gather3A_800 = tpu.vector_load_idx %arg6[%add3A_799, %and3A_764] : memref<512x32xf32, #tpu.memory_space<vmem>>[vector<16xi32>, vector<16xi32>], vector<16xf32>,
      %add3A_801 = arith.constant 48 : i32
      %add3A_802 = vector.broadcast %add3A_801 : i32 to vector<16xi32>
      %add3A_803 = arith.addi %add3A_776, %add3A_802 : vector<16xi32>
      tpu.vector_store_idx %arg8[%add3A_803], %gather3A_800 : memref<16384xf32, #tpu.memory_space<vmem>>[vector<16xi32>], vector<16xf32>,
      %add3A_804 = arith.constant 64 : i32
      %add3A_805 = vector.broadcast %add3A_804 : i32 to vector<16xi32>
      %add3A_806 = arith.addi %iota3A, %add3A_805 : vector<16xi32>
      %gather3A_807 = tpu.vector_load_idx %arg6[%add3A_806, %and3A_764] : memref<512x32xf32, #tpu.memory_space<vmem>>[vector<16xi32>, vector<16xi32>], vector<16xf32>,
      %add3A_808 = arith.constant 64 : i32
      %add3A_809 = vector.broadcast %add3A_808 : i32 to vector<16xi32>
      %add3A_810 = arith.addi %add3A_776, %add3A_809 : vector<16xi32>
      tpu.vector_store_idx %arg8[%add3A_810], %gather3A_807 : memref<16384xf32, #tpu.memory_space<vmem>>[vector<16xi32>], vector<16xf32>,
      %add3A_811 = arith.constant 80 : i32
      %add3A_812 = vector.broadcast %add3A_811 : i32 to vector<16xi32>
      %add3A_813 = arith.addi %iota3A, %add3A_812 : vector<16xi32>
      %gather3A_814 = tpu.vector_load_idx %arg6[%add3A_813, %and3A_764] : memref<512x32xf32, #tpu.memory_space<vmem>>[vector<16xi32>, vector<16xi32>], vector<16xf32>,
      %add3A_815 = arith.constant 80 : i32
      %add3A_816 = vector.broadcast %add3A_815 : i32 to vector<16xi32>
      %add3A_817 = arith.addi %add3A_776, %add3A_816 : vector<16xi32>
      tpu.vector_store_idx %arg8[%add3A_817], %gather3A_814 : memref<16384xf32, #tpu.memory_space<vmem>>[vector<16xi32>], vector<16xf32>,
      %add3A_818 = arith.constant 96 : i32
      %add3A_819 = vector.broadcast %add3A_818 : i32 to vector<16xi32>
      %add3A_820 = arith.addi %iota3A, %add3A_819 : vector<16xi32>
      %gather3A_821 = tpu.vector_load_idx %arg6[%add3A_820, %and3A_764] : memref<512x32xf32, #tpu.memory_space<vmem>>[vector<16xi32>, vector<16xi32>], vector<16xf32>,
      %add3A_822 = arith.constant 96 : i32
      %add3A_823 = vector.broadcast %add3A_822 : i32 to vector<16xi32>
      %add3A_824 = arith.addi %add3A_776, %add3A_823 : vector<16xi32>
      tpu.vector_store_idx %arg8[%add3A_824], %gather3A_821 : memref<16384xf32, #tpu.memory_space<vmem>>[vector<16xi32>], vector<16xf32>,
      %add3A_825 = arith.constant 112 : i32
      %add3A_826 = vector.broadcast %add3A_825 : i32 to vector<16xi32>
      %add3A_827 = arith.addi %iota3A, %add3A_826 : vector<16xi32>
      %gather3A_828 = tpu.vector_load_idx %arg6[%add3A_827, %and3A_764] : memref<512x32xf32, #tpu.memory_space<vmem>>[vector<16xi32>, vector<16xi32>], vector<16xf32>,
      %add3A_829 = arith.constant 112 : i32
      %add3A_830 = vector.broadcast %add3A_829 : i32 to vector<16xi32>
      %add3A_831 = arith.addi %add3A_776, %add3A_830 : vector<16xi32>
      tpu.vector_store_idx %arg8[%add3A_831], %gather3A_828 : memref<16384xf32, #tpu.memory_space<vmem>>[vector<16xi32>], vector<16xf32>,
      %add3A_832 = arith.constant 128 : i32
      %add3A_833 = vector.broadcast %add3A_832 : i32 to vector<16xi32>
      %add3A_834 = arith.addi %iota3A, %add3A_833 : vector<16xi32>
      %gather3A_835 = tpu.vector_load_idx %arg6[%add3A_834, %and3A_764] : memref<512x32xf32, #tpu.memory_space<vmem>>[vector<16xi32>, vector<16xi32>], vector<16xf32>,
      %add3A_836 = arith.constant 1024 : i32
      %add3A_837 = vector.broadcast %add3A_836 : i32 to vector<16xi32>
      %add3A_838 = arith.addi %add3A_776, %add3A_837 : vector<16xi32>
      tpu.vector_store_idx %arg8[%add3A_838], %gather3A_835 : memref<16384xf32, #tpu.memory_space<vmem>>[vector<16xi32>], vector<16xf32>,
      %add3A_839 = arith.constant 144 : i32
      %add3A_840 = vector.broadcast %add3A_839 : i32 to vector<16xi32>
      %add3A_841 = arith.addi %iota3A, %add3A_840 : vector<16xi32>
      %gather3A_842 = tpu.vector_load_idx %arg6[%add3A_841, %and3A_764] : memref<512x32xf32, #tpu.memory_space<vmem>>[vector<16xi32>, vector<16xi32>], vector<16xf32>,
      %add3A_843 = arith.constant 1040 : i32
      %add3A_844 = vector.broadcast %add3A_843 : i32 to vector<16xi32>
      %add3A_845 = arith.addi %add3A_776, %add3A_844 : vector<16xi32>
      tpu.vector_store_idx %arg8[%add3A_845], %gather3A_842 : memref<16384xf32, #tpu.memory_space<vmem>>[vector<16xi32>], vector<16xf32>,
      %add3A_846 = arith.constant 160 : i32
      %add3A_847 = vector.broadcast %add3A_846 : i32 to vector<16xi32>
      %add3A_848 = arith.addi %iota3A, %add3A_847 : vector<16xi32>
      %gather3A_849 = tpu.vector_load_idx %arg6[%add3A_848, %and3A_764] : memref<512x32xf32, #tpu.memory_space<vmem>>[vector<16xi32>, vector<16xi32>], vector<16xf32>,
      %add3A_850 = arith.constant 1056 : i32
      %add3A_851 = vector.broadcast %add3A_850 : i32 to vector<16xi32>
      %add3A_852 = arith.addi %add3A_776, %add3A_851 : vector<16xi32>
      tpu.vector_store_idx %arg8[%add3A_852], %gather3A_849 : memref<16384xf32, #tpu.memory_space<vmem>>[vector<16xi32>], vector<16xf32>,
      %add3A_853 = arith.constant 176 : i32
      %add3A_854 = vector.broadcast %add3A_853 : i32 to vector<16xi32>
      %add3A_855 = arith.addi %iota3A, %add3A_854 : vector<16xi32>
      %gather3A_856 = tpu.vector_load_idx %arg6[%add3A_855, %and3A_764] : memref<512x32xf32, #tpu.memory_space<vmem>>[vector<16xi32>, vector<16xi32>], vector<16xf32>,
      %add3A_857 = arith.constant 1072 : i32
      %add3A_858 = vector.broadcast %add3A_857 : i32 to vector<16xi32>
      %add3A_859 = arith.addi %add3A_776, %add3A_858 : vector<16xi32>
      tpu.vector_store_idx %arg8[%add3A_859], %gather3A_856 : memref<16384xf32, #tpu.memory_space<vmem>>[vector<16xi32>], vector<16xf32>,
      %add3A_860 = arith.constant 192 : i32
      %add3A_861 = vector.broadcast %add3A_860 : i32 to vector<16xi32>
      %add3A_862 = arith.addi %iota3A, %add3A_861 : vector<16xi32>
      %gather3A_863 = tpu.vector_load_idx %arg6[%add3A_862, %and3A_764] : memref<512x32xf32, #tpu.memory_space<vmem>>[vector<16xi32>, vector<16xi32>], vector<16xf32>,
      %add3A_864 = arith.constant 1088 : i32
      %add3A_865 = vector.broadcast %add3A_864 : i32 to vector<16xi32>
      %add3A_866 = arith.addi %add3A_776, %add3A_865 : vector<16xi32>
      tpu.vector_store_idx %arg8[%add3A_866], %gather3A_863 : memref<16384xf32, #tpu.memory_space<vmem>>[vector<16xi32>], vector<16xf32>,
      %add3A_867 = arith.constant 208 : i32
      %add3A_868 = vector.broadcast %add3A_867 : i32 to vector<16xi32>
      %add3A_869 = arith.addi %iota3A, %add3A_868 : vector<16xi32>
      %gather3A_870 = tpu.vector_load_idx %arg6[%add3A_869, %and3A_764] : memref<512x32xf32, #tpu.memory_space<vmem>>[vector<16xi32>, vector<16xi32>], vector<16xf32>,
      %add3A_871 = arith.constant 1104 : i32
      %add3A_872 = vector.broadcast %add3A_871 : i32 to vector<16xi32>
      %add3A_873 = arith.addi %add3A_776, %add3A_872 : vector<16xi32>
      tpu.vector_store_idx %arg8[%add3A_873], %gather3A_870 : memref<16384xf32, #tpu.memory_space<vmem>>[vector<16xi32>], vector<16xf32>,
      %add3A_874 = arith.constant 224 : i32
      %add3A_875 = vector.broadcast %add3A_874 : i32 to vector<16xi32>
      %add3A_876 = arith.addi %iota3A, %add3A_875 : vector<16xi32>
      %gather3A_877 = tpu.vector_load_idx %arg6[%add3A_876, %and3A_764] : memref<512x32xf32, #tpu.memory_space<vmem>>[vector<16xi32>, vector<16xi32>], vector<16xf32>,
      %add3A_878 = arith.constant 1120 : i32
      %add3A_879 = vector.broadcast %add3A_878 : i32 to vector<16xi32>
      %add3A_880 = arith.addi %add3A_776, %add3A_879 : vector<16xi32>
      tpu.vector_store_idx %arg8[%add3A_880], %gather3A_877 : memref<16384xf32, #tpu.memory_space<vmem>>[vector<16xi32>], vector<16xf32>,
      %add3A_881 = arith.constant 240 : i32
      %add3A_882 = vector.broadcast %add3A_881 : i32 to vector<16xi32>
      %add3A_883 = arith.addi %iota3A, %add3A_882 : vector<16xi32>
      %gather3A_884 = tpu.vector_load_idx %arg6[%add3A_883, %and3A_764] : memref<512x32xf32, #tpu.memory_space<vmem>>[vector<16xi32>, vector<16xi32>], vector<16xf32>,
      %add3A_885 = arith.constant 1136 : i32
      %add3A_886 = vector.broadcast %add3A_885 : i32 to vector<16xi32>
      %add3A_887 = arith.addi %add3A_776, %add3A_886 : vector<16xi32>
      tpu.vector_store_idx %arg8[%add3A_887], %gather3A_884 : memref<16384xf32, #tpu.memory_space<vmem>>[vector<16xi32>], vector<16xf32>,
      %add3A_888 = arith.constant 256 : i32
      %add3A_889 = vector.broadcast %add3A_888 : i32 to vector<16xi32>
      %add3A_890 = arith.addi %iota3A, %add3A_889 : vector<16xi32>
      %gather3A_891 = tpu.vector_load_idx %arg6[%add3A_890, %and3A_764] : memref<512x32xf32, #tpu.memory_space<vmem>>[vector<16xi32>, vector<16xi32>], vector<16xf32>,
      %add3A_892 = arith.constant 2048 : i32
      %add3A_893 = vector.broadcast %add3A_892 : i32 to vector<16xi32>
      %add3A_894 = arith.addi %add3A_776, %add3A_893 : vector<16xi32>
      tpu.vector_store_idx %arg8[%add3A_894], %gather3A_891 : memref<16384xf32, #tpu.memory_space<vmem>>[vector<16xi32>], vector<16xf32>,
      %add3A_895 = arith.constant 272 : i32
      %add3A_896 = vector.broadcast %add3A_895 : i32 to vector<16xi32>
      %add3A_897 = arith.addi %iota3A, %add3A_896 : vector<16xi32>
      %gather3A_898 = tpu.vector_load_idx %arg6[%add3A_897, %and3A_764] : memref<512x32xf32, #tpu.memory_space<vmem>>[vector<16xi32>, vector<16xi32>], vector<16xf32>,
      %add3A_899 = arith.constant 2064 : i32
      %add3A_900 = vector.broadcast %add3A_899 : i32 to vector<16xi32>
      %add3A_901 = arith.addi %add3A_776, %add3A_900 : vector<16xi32>
      tpu.vector_store_idx %arg8[%add3A_901], %gather3A_898 : memref<16384xf32, #tpu.memory_space<vmem>>[vector<16xi32>], vector<16xf32>,
      %add3A_902 = arith.constant 288 : i32
      %add3A_903 = vector.broadcast %add3A_902 : i32 to vector<16xi32>
      %add3A_904 = arith.addi %iota3A, %add3A_903 : vector<16xi32>
      %gather3A_905 = tpu.vector_load_idx %arg6[%add3A_904, %and3A_764] : memref<512x32xf32, #tpu.memory_space<vmem>>[vector<16xi32>, vector<16xi32>], vector<16xf32>,
      %add3A_906 = arith.constant 2080 : i32
      %add3A_907 = vector.broadcast %add3A_906 : i32 to vector<16xi32>
      %add3A_908 = arith.addi %add3A_776, %add3A_907 : vector<16xi32>
      tpu.vector_store_idx %arg8[%add3A_908], %gather3A_905 : memref<16384xf32, #tpu.memory_space<vmem>>[vector<16xi32>], vector<16xf32>,
      %add3A_909 = arith.constant 304 : i32
      %add3A_910 = vector.broadcast %add3A_909 : i32 to vector<16xi32>
      %add3A_911 = arith.addi %iota3A, %add3A_910 : vector<16xi32>
      %gather3A_912 = tpu.vector_load_idx %arg6[%add3A_911, %and3A_764] : memref<512x32xf32, #tpu.memory_space<vmem>>[vector<16xi32>, vector<16xi32>], vector<16xf32>,
      %add3A_913 = arith.constant 2096 : i32
      %add3A_914 = vector.broadcast %add3A_913 : i32 to vector<16xi32>
      %add3A_915 = arith.addi %add3A_776, %add3A_914 : vector<16xi32>
      tpu.vector_store_idx %arg8[%add3A_915], %gather3A_912 : memref<16384xf32, #tpu.memory_space<vmem>>[vector<16xi32>], vector<16xf32>,
      %add3A_916 = arith.constant 320 : i32
      %add3A_917 = vector.broadcast %add3A_916 : i32 to vector<16xi32>
      %add3A_918 = arith.addi %iota3A, %add3A_917 : vector<16xi32>
      %gather3A_919 = tpu.vector_load_idx %arg6[%add3A_918, %and3A_764] : memref<512x32xf32, #tpu.memory_space<vmem>>[vector<16xi32>, vector<16xi32>], vector<16xf32>,
      %add3A_920 = arith.constant 2112 : i32
      %add3A_921 = vector.broadcast %add3A_920 : i32 to vector<16xi32>
      %add3A_922 = arith.addi %add3A_776, %add3A_921 : vector<16xi32>
      tpu.vector_store_idx %arg8[%add3A_922], %gather3A_919 : memref<16384xf32, #tpu.memory_space<vmem>>[vector<16xi32>], vector<16xf32>,
      %add3A_923 = arith.constant 336 : i32
      %add3A_924 = vector.broadcast %add3A_923 : i32 to vector<16xi32>
      %add3A_925 = arith.addi %iota3A, %add3A_924 : vector<16xi32>
      %gather3A_926 = tpu.vector_load_idx %arg6[%add3A_925, %and3A_764] : memref<512x32xf32, #tpu.memory_space<vmem>>[vector<16xi32>, vector<16xi32>], vector<16xf32>,
      %add3A_927 = arith.constant 2128 : i32
      %add3A_928 = vector.broadcast %add3A_927 : i32 to vector<16xi32>
      %add3A_929 = arith.addi %add3A_776, %add3A_928 : vector<16xi32>
      tpu.vector_store_idx %arg8[%add3A_929], %gather3A_926 : memref<16384xf32, #tpu.memory_space<vmem>>[vector<16xi32>], vector<16xf32>,
      %add3A_930 = arith.constant 352 : i32
      %add3A_931 = vector.broadcast %add3A_930 : i32 to vector<16xi32>
      %add3A_932 = arith.addi %iota3A, %add3A_931 : vector<16xi32>
      %gather3A_933 = tpu.vector_load_idx %arg6[%add3A_932, %and3A_764] : memref<512x32xf32, #tpu.memory_space<vmem>>[vector<16xi32>, vector<16xi32>], vector<16xf32>,
      %add3A_934 = arith.constant 2144 : i32
      %add3A_935 = vector.broadcast %add3A_934 : i32 to vector<16xi32>
      %add3A_936 = arith.addi %add3A_776, %add3A_935 : vector<16xi32>
      tpu.vector_store_idx %arg8[%add3A_936], %gather3A_933 : memref<16384xf32, #tpu.memory_space<vmem>>[vector<16xi32>], vector<16xf32>,
      %add3A_937 = arith.constant 368 : i32
      %add3A_938 = vector.broadcast %add3A_937 : i32 to vector<16xi32>
      %add3A_939 = arith.addi %iota3A, %add3A_938 : vector<16xi32>
      %gather3A_940 = tpu.vector_load_idx %arg6[%add3A_939, %and3A_764] : memref<512x32xf32, #tpu.memory_space<vmem>>[vector<16xi32>, vector<16xi32>], vector<16xf32>,
      %add3A_941 = arith.constant 2160 : i32
      %add3A_942 = vector.broadcast %add3A_941 : i32 to vector<16xi32>
      %add3A_943 = arith.addi %add3A_776, %add3A_942 : vector<16xi32>
      tpu.vector_store_idx %arg8[%add3A_943], %gather3A_940 : memref<16384xf32, #tpu.memory_space<vmem>>[vector<16xi32>], vector<16xf32>,
      %add3A_944 = arith.constant 384 : i32
      %add3A_945 = vector.broadcast %add3A_944 : i32 to vector<16xi32>
      %add3A_946 = arith.addi %iota3A, %add3A_945 : vector<16xi32>
      %gather3A_947 = tpu.vector_load_idx %arg6[%add3A_946, %and3A_764] : memref<512x32xf32, #tpu.memory_space<vmem>>[vector<16xi32>, vector<16xi32>], vector<16xf32>,
      %add3A_948 = arith.constant 3072 : i32
      %add3A_949 = vector.broadcast %add3A_948 : i32 to vector<16xi32>
      %add3A_950 = arith.addi %add3A_776, %add3A_949 : vector<16xi32>
      tpu.vector_store_idx %arg8[%add3A_950], %gather3A_947 : memref<16384xf32, #tpu.memory_space<vmem>>[vector<16xi32>], vector<16xf32>,
      %add3A_951 = arith.constant 400 : i32
      %add3A_952 = vector.broadcast %add3A_951 : i32 to vector<16xi32>
      %add3A_953 = arith.addi %iota3A, %add3A_952 : vector<16xi32>
      %gather3A_954 = tpu.vector_load_idx %arg6[%add3A_953, %and3A_764] : memref<512x32xf32, #tpu.memory_space<vmem>>[vector<16xi32>, vector<16xi32>], vector<16xf32>,
      %add3A_955 = arith.constant 3088 : i32
      %add3A_956 = vector.broadcast %add3A_955 : i32 to vector<16xi32>
      %add3A_957 = arith.addi %add3A_776, %add3A_956 : vector<16xi32>
      tpu.vector_store_idx %arg8[%add3A_957], %gather3A_954 : memref<16384xf32, #tpu.memory_space<vmem>>[vector<16xi32>], vector<16xf32>,
      %add3A_958 = arith.constant 416 : i32
      %add3A_959 = vector.broadcast %add3A_958 : i32 to vector<16xi32>
      %add3A_960 = arith.addi %iota3A, %add3A_959 : vector<16xi32>
      %gather3A_961 = tpu.vector_load_idx %arg6[%add3A_960, %and3A_764] : memref<512x32xf32, #tpu.memory_space<vmem>>[vector<16xi32>, vector<16xi32>], vector<16xf32>,
      %add3A_962 = arith.constant 3104 : i32
      %add3A_963 = vector.broadcast %add3A_962 : i32 to vector<16xi32>
      %add3A_964 = arith.addi %add3A_776, %add3A_963 : vector<16xi32>
      tpu.vector_store_idx %arg8[%add3A_964], %gather3A_961 : memref<16384xf32, #tpu.memory_space<vmem>>[vector<16xi32>], vector<16xf32>,
      %add3A_965 = arith.constant 432 : i32
      %add3A_966 = vector.broadcast %add3A_965 : i32 to vector<16xi32>
      %add3A_967 = arith.addi %iota3A, %add3A_966 : vector<16xi32>
      %gather3A_968 = tpu.vector_load_idx %arg6[%add3A_967, %and3A_764] : memref<512x32xf32, #tpu.memory_space<vmem>>[vector<16xi32>, vector<16xi32>], vector<16xf32>,
      %add3A_969 = arith.constant 3120 : i32
      %add3A_970 = vector.broadcast %add3A_969 : i32 to vector<16xi32>
      %add3A_971 = arith.addi %add3A_776, %add3A_970 : vector<16xi32>
      tpu.vector_store_idx %arg8[%add3A_971], %gather3A_968 : memref<16384xf32, #tpu.memory_space<vmem>>[vector<16xi32>], vector<16xf32>,
      %add3A_972 = arith.constant 448 : i32
      %add3A_973 = vector.broadcast %add3A_972 : i32 to vector<16xi32>
      %add3A_974 = arith.addi %iota3A, %add3A_973 : vector<16xi32>
      %gather3A_975 = tpu.vector_load_idx %arg6[%add3A_974, %and3A_764] : memref<512x32xf32, #tpu.memory_space<vmem>>[vector<16xi32>, vector<16xi32>], vector<16xf32>,
      %add3A_976 = arith.constant 3136 : i32
      %add3A_977 = vector.broadcast %add3A_976 : i32 to vector<16xi32>
      %add3A_978 = arith.addi %add3A_776, %add3A_977 : vector<16xi32>
      tpu.vector_store_idx %arg8[%add3A_978], %gather3A_975 : memref<16384xf32, #tpu.memory_space<vmem>>[vector<16xi32>], vector<16xf32>,
      %add3A_979 = arith.constant 464 : i32
      %add3A_980 = vector.broadcast %add3A_979 : i32 to vector<16xi32>
      %add3A_981 = arith.addi %iota3A, %add3A_980 : vector<16xi32>
      %gather3A_982 = tpu.vector_load_idx %arg6[%add3A_981, %and3A_764] : memref<512x32xf32, #tpu.memory_space<vmem>>[vector<16xi32>, vector<16xi32>], vector<16xf32>,
      %add3A_983 = arith.constant 3152 : i32
      %add3A_984 = vector.broadcast %add3A_983 : i32 to vector<16xi32>
      %add3A_985 = arith.addi %add3A_776, %add3A_984 : vector<16xi32>
      tpu.vector_store_idx %arg8[%add3A_985], %gather3A_982 : memref<16384xf32, #tpu.memory_space<vmem>>[vector<16xi32>], vector<16xf32>,
      %add3A_986 = arith.constant 480 : i32
      %add3A_987 = vector.broadcast %add3A_986 : i32 to vector<16xi32>
      %add3A_988 = arith.addi %iota3A, %add3A_987 : vector<16xi32>
      %gather3A_989 = tpu.vector_load_idx %arg6[%add3A_988, %and3A_764] : memref<512x32xf32, #tpu.memory_space<vmem>>[vector<16xi32>, vector<16xi32>], vector<16xf32>,
      %add3A_990 = arith.constant 3168 : i32
      %add3A_991 = vector.broadcast %add3A_990 : i32 to vector<16xi32>
      %add3A_992 = arith.addi %add3A_776, %add3A_991 : vector<16xi32>
      tpu.vector_store_idx %arg8[%add3A_992], %gather3A_989 : memref<16384xf32, #tpu.memory_space<vmem>>[vector<16xi32>], vector<16xf32>,
      %add3A_993 = arith.constant 496 : i32
      %add3A_994 = vector.broadcast %add3A_993 : i32 to vector<16xi32>
      %add3A_995 = arith.addi %iota3A, %add3A_994 : vector<16xi32>
      %gather3A_996 = tpu.vector_load_idx %arg6[%add3A_995, %and3A_764] : memref<512x32xf32, #tpu.memory_space<vmem>>[vector<16xi32>, vector<16xi32>], vector<16xf32>,
      %add3A_997 = arith.constant 3184 : i32
      %add3A_998 = vector.broadcast %add3A_997 : i32 to vector<16xi32>
      %add3A_999 = arith.addi %add3A_776, %add3A_998 : vector<16xi32>
      tpu.vector_store_idx %arg8[%add3A_999], %gather3A_996 : memref<16384xf32, #tpu.memory_space<vmem>>[vector<16xi32>], vector<16xf32>,
    }
    %scan3A_639 = arith.constant 32 : i32
    %mul3A_640 = arith.constant 4 : i32
    %mul3A_641 = arith.muli %add3A, %mul3A_640 : i32
    %add3A_642 = arith.constant 24576 : i32
    %add3A_643 = arith.addi %add3A_642, %mul3A_641 : i32
    %mul3A_644 = arith.constant 1024 : i32
    %mul3A_645 = arith.muli %add3A_643, %mul3A_644 : i32
    %dma_start3A_646 = arith.constant 0 : i32
    %dma_start3A_647 = tpu.memref_slice %arg8[%dma_start3A_646] : memref<16384xf32, #tpu.memory_space<vmem>> -> memref<4096xf32, #tpu.memory_space<vmem>>
    %dma_start3A_648 = tpu.memref_slice %arg4[%mul3A_645] : memref<26214400xf32, #tpu.memory_space<hbm>> -> memref<4096xf32, #tpu.memory_space<hbm>>
    %dma_start3A_649 = tpu.memref_slice %arg4[%mul3A_645] : memref<26214400xf32, #tpu.memory_space<hbm>> -> memref<4096xf32, #tpu.memory_space<hbm>>
    %dma_start3A_650 = arith.constant 0 : i32
    %dma_start3A_651 = tpu.memref_slice %arg8[%dma_start3A_650] : memref<16384xf32, #tpu.memory_space<vmem>> -> memref<4096xf32, #tpu.memory_space<vmem>>
    tpu.enqueue_dma source(%dma_start3A_651 : memref<4096xf32, #tpu.memory_space<vmem>>) target(%dma_start3A_649 : memref<4096xf32, #tpu.memory_space<hbm>>) target_semaphore(%arg12 : memref<!tpu.dma_semaphore, #tpu.memory_space<semaphore_mem>>)
    %mul3A_652 = arith.constant 4 : i32
    %mul3A_653 = arith.muli %add3A, %mul3A_652 : i32
    %add3A_654 = arith.constant 24704 : i32
    %add3A_655 = arith.addi %add3A_654, %mul3A_653 : i32
    %mul3A_656 = arith.constant 1024 : i32
    %mul3A_657 = arith.muli %add3A_655, %mul3A_656 : i32
    %dma_start3A_658 = arith.constant 4096 : i32
    %dma_start3A_659 = tpu.memref_slice %arg8[%dma_start3A_658] : memref<16384xf32, #tpu.memory_space<vmem>> -> memref<4096xf32, #tpu.memory_space<vmem>>
    %dma_start3A_660 = tpu.memref_slice %arg4[%mul3A_657] : memref<26214400xf32, #tpu.memory_space<hbm>> -> memref<4096xf32, #tpu.memory_space<hbm>>
    %dma_start3A_661 = tpu.memref_slice %arg4[%mul3A_657] : memref<26214400xf32, #tpu.memory_space<hbm>> -> memref<4096xf32, #tpu.memory_space<hbm>>
    %dma_start3A_662 = arith.constant 4096 : i32
    %dma_start3A_663 = tpu.memref_slice %arg8[%dma_start3A_662] : memref<16384xf32, #tpu.memory_space<vmem>> -> memref<4096xf32, #tpu.memory_space<vmem>>
    tpu.enqueue_dma source(%dma_start3A_663 : memref<4096xf32, #tpu.memory_space<vmem>>) target(%dma_start3A_661 : memref<4096xf32, #tpu.memory_space<hbm>>) target_semaphore(%arg12 : memref<!tpu.dma_semaphore, #tpu.memory_space<semaphore_mem>>)
    %mul3A_664 = arith.constant 4 : i32
    %mul3A_665 = arith.muli %add3A, %mul3A_664 : i32
    %add3A_666 = arith.constant 24832 : i32
    %add3A_667 = arith.addi %add3A_666, %mul3A_665 : i32
    %mul3A_668 = arith.constant 1024 : i32
    %mul3A_669 = arith.muli %add3A_667, %mul3A_668 : i32
    %dma_start3A_670 = arith.constant 8192 : i32
    %dma_start3A_671 = tpu.memref_slice %arg8[%dma_start3A_670] : memref<16384xf32, #tpu.memory_space<vmem>> -> memref<4096xf32, #tpu.memory_space<vmem>>
    %dma_start3A_672 = tpu.memref_slice %arg4[%mul3A_669] : memref<26214400xf32, #tpu.memory_space<hbm>> -> memref<4096xf32, #tpu.memory_space<hbm>>
    %dma_start3A_673 = tpu.memref_slice %arg4[%mul3A_669] : memref<26214400xf32, #tpu.memory_space<hbm>> -> memref<4096xf32, #tpu.memory_space<hbm>>
    %dma_start3A_674 = arith.constant 8192 : i32
    %dma_start3A_675 = tpu.memref_slice %arg8[%dma_start3A_674] : memref<16384xf32, #tpu.memory_space<vmem>> -> memref<4096xf32, #tpu.memory_space<vmem>>
    tpu.enqueue_dma source(%dma_start3A_675 : memref<4096xf32, #tpu.memory_space<vmem>>) target(%dma_start3A_673 : memref<4096xf32, #tpu.memory_space<hbm>>) target_semaphore(%arg12 : memref<!tpu.dma_semaphore, #tpu.memory_space<semaphore_mem>>)
    %mul3A_676 = arith.constant 4 : i32
    %mul3A_677 = arith.muli %add3A, %mul3A_676 : i32
    %add3A_678 = arith.constant 24960 : i32
    %add3A_679 = arith.addi %add3A_678, %mul3A_677 : i32
    %mul3A_680 = arith.constant 1024 : i32
    %mul3A_681 = arith.muli %add3A_679, %mul3A_680 : i32
    %dma_start3A_682 = arith.constant 12288 : i32
    %dma_start3A_683 = tpu.memref_slice %arg8[%dma_start3A_682] : memref<16384xf32, #tpu.memory_space<vmem>> -> memref<4096xf32, #tpu.memory_space<vmem>>
    %dma_start3A_684 = tpu.memref_slice %arg4[%mul3A_681] : memref<26214400xf32, #tpu.memory_space<hbm>> -> memref<4096xf32, #tpu.memory_space<hbm>>
    %dma_start3A_685 = tpu.memref_slice %arg4[%mul3A_681] : memref<26214400xf32, #tpu.memory_space<hbm>> -> memref<4096xf32, #tpu.memory_space<hbm>>
    %dma_start3A_686 = arith.constant 12288 : i32
    %dma_start3A_687 = tpu.memref_slice %arg8[%dma_start3A_686] : memref<16384xf32, #tpu.memory_space<vmem>> -> memref<4096xf32, #tpu.memory_space<vmem>>
    tpu.enqueue_dma source(%dma_start3A_687 : memref<4096xf32, #tpu.memory_space<vmem>>) target(%dma_start3A_685 : memref<4096xf32, #tpu.memory_space<hbm>>) target_semaphore(%arg12 : memref<!tpu.dma_semaphore, #tpu.memory_space<semaphore_mem>>)
    %dma_wait3A_688 = arith.constant 0 : i32
    %dma_wait3A_689 = arith.constant 0 : i32
    %dma_wait3A_690 = tpu.memref_slice %arg3[%dma_wait3A_688, %dma_wait3A_689] : memref<1000000x32xf32, #tpu.memory_space<hbm>> -> memref<512x32xf32, #tpu.memory_space<hbm>>
    %dma_wait3A_691 = arith.constant 0 : i32
    %dma_wait3A_692 = arith.constant 0 : i32
    %dma_wait3A_693 = tpu.memref_slice %arg3[%dma_wait3A_691, %dma_wait3A_692] : memref<1000000x32xf32, #tpu.memory_space<hbm>> -> memref<512x32xf32, #tpu.memory_space<hbm>>
    tpu.wait_dma2 semaphore(%arg11 : memref<!tpu.dma_semaphore, #tpu.memory_space<semaphore_mem>>) src(%dma_wait3A_693 : memref<512x32xf32, #tpu.memory_space<hbm>>) dst(%arg7 : memref<512x32xf32, #tpu.memory_space<vmem>>)
    %dma_wait3A_694 = arith.constant 0 : i32
    %dma_wait3A_695 = tpu.memref_slice %arg4[%dma_wait3A_694] : memref<26214400xf32, #tpu.memory_space<hbm>> -> memref<16384xf32, #tpu.memory_space<hbm>>
    %dma_wait3A_696 = arith.constant 0 : i32
    %dma_wait3A_697 = tpu.memref_slice %arg4[%dma_wait3A_696] : memref<26214400xf32, #tpu.memory_space<hbm>> -> memref<16384xf32, #tpu.memory_space<hbm>>
    tpu.wait_dma2 semaphore(%arg13 : memref<!tpu.dma_semaphore, #tpu.memory_space<semaphore_mem>>) src(%dma_wait3A_697 : memref<16384xf32, #tpu.memory_space<hbm>>) dst(%arg9 : memref<16384xf32, #tpu.memory_space<vmem>>)
    %scan3A_698 = arith.constant 0 : i32
    %scan3A_699 = arith.constant 0 : i32
    %scan3A_700 = arith.constant 32 : i32
    %scan3A_701 = arith.addi %scan3A_699, %scan3A_700 : i32
    %scan3A_702 = arith.constant 1 : i32
    scf.for %scan3A_760 = %scan3A_699 to %scan3A_701 step %scan3A_702  : i32 {
      %add3A_761 = vector.broadcast %scan3A_760 : i32 to vector<16xi32>
      %add3A_762 = arith.addi %add3A_761, %iota3A : vector<16xi32>
      %and3A = arith.constant 31 : i32
      %and3A_763 = vector.broadcast %and3A : i32 to vector<16xi32>
      %and3A_764 = arith.andi %add3A_762, %and3A_763 : vector<16xi32>
      %shift_right_arithmetic3A = arith.constant 3 : i32
      %shift_right_arithmetic3A_765 = vector.broadcast %shift_right_arithmetic3A : i32 to vector<16xi32>
      %shift_right_arithmetic3A_766 = arith.shrsi %and3A_764, %shift_right_arithmetic3A_765 : vector<16xi32>
      %shift_left3A = arith.constant 12 : i32
      %shift_left3A_767 = vector.broadcast %shift_left3A : i32 to vector<16xi32>
      %shift_left3A_768 = arith.shli %shift_right_arithmetic3A_766, %shift_left3A_767 : vector<16xi32>
      %and3A_769 = arith.constant 7 : i32
      %and3A_770 = vector.broadcast %and3A_769 : i32 to vector<16xi32>
      %and3A_771 = arith.andi %and3A_764, %and3A_770 : vector<16xi32>
      %shift_left3A_772 = arith.constant 7 : i32
      %shift_left3A_773 = vector.broadcast %shift_left3A_772 : i32 to vector<16xi32>
      %shift_left3A_774 = arith.shli %and3A_771, %shift_left3A_773 : vector<16xi32>
      %add3A_775 = arith.addi %shift_left3A_768, %shift_left3A_774 : vector<16xi32>
      %add3A_776 = arith.addi %add3A_775, %iota3A : vector<16xi32>
      %add3A_777 = arith.constant 0 : i32
      %add3A_778 = vector.broadcast %add3A_777 : i32 to vector<16xi32>
      %add3A_779 = arith.addi %iota3A, %add3A_778 : vector<16xi32>
      %gather3A = tpu.vector_load_idx %arg7[%add3A_779, %and3A_764] : memref<512x32xf32, #tpu.memory_space<vmem>>[vector<16xi32>, vector<16xi32>], vector<16xf32>,
      %add3A_780 = arith.constant 0 : i32
      %add3A_781 = vector.broadcast %add3A_780 : i32 to vector<16xi32>
      %add3A_782 = arith.addi %add3A_776, %add3A_781 : vector<16xi32>
      tpu.vector_store_idx %arg9[%add3A_782], %gather3A : memref<16384xf32, #tpu.memory_space<vmem>>[vector<16xi32>], vector<16xf32>,
      %add3A_783 = arith.constant 16 : i32
      %add3A_784 = vector.broadcast %add3A_783 : i32 to vector<16xi32>
      %add3A_785 = arith.addi %iota3A, %add3A_784 : vector<16xi32>
      %gather3A_786 = tpu.vector_load_idx %arg7[%add3A_785, %and3A_764] : memref<512x32xf32, #tpu.memory_space<vmem>>[vector<16xi32>, vector<16xi32>], vector<16xf32>,
      %add3A_787 = arith.constant 16 : i32
      %add3A_788 = vector.broadcast %add3A_787 : i32 to vector<16xi32>
      %add3A_789 = arith.addi %add3A_776, %add3A_788 : vector<16xi32>
      tpu.vector_store_idx %arg9[%add3A_789], %gather3A_786 : memref<16384xf32, #tpu.memory_space<vmem>>[vector<16xi32>], vector<16xf32>,
      %add3A_790 = arith.constant 32 : i32
      %add3A_791 = vector.broadcast %add3A_790 : i32 to vector<16xi32>
      %add3A_792 = arith.addi %iota3A, %add3A_791 : vector<16xi32>
      %gather3A_793 = tpu.vector_load_idx %arg7[%add3A_792, %and3A_764] : memref<512x32xf32, #tpu.memory_space<vmem>>[vector<16xi32>, vector<16xi32>], vector<16xf32>,
      %add3A_794 = arith.constant 32 : i32
      %add3A_795 = vector.broadcast %add3A_794 : i32 to vector<16xi32>
      %add3A_796 = arith.addi %add3A_776, %add3A_795 : vector<16xi32>
      tpu.vector_store_idx %arg9[%add3A_796], %gather3A_793 : memref<16384xf32, #tpu.memory_space<vmem>>[vector<16xi32>], vector<16xf32>,
      %add3A_797 = arith.constant 48 : i32
      %add3A_798 = vector.broadcast %add3A_797 : i32 to vector<16xi32>
      %add3A_799 = arith.addi %iota3A, %add3A_798 : vector<16xi32>
      %gather3A_800 = tpu.vector_load_idx %arg7[%add3A_799, %and3A_764] : memref<512x32xf32, #tpu.memory_space<vmem>>[vector<16xi32>, vector<16xi32>], vector<16xf32>,
      %add3A_801 = arith.constant 48 : i32
      %add3A_802 = vector.broadcast %add3A_801 : i32 to vector<16xi32>
      %add3A_803 = arith.addi %add3A_776, %add3A_802 : vector<16xi32>
      tpu.vector_store_idx %arg9[%add3A_803], %gather3A_800 : memref<16384xf32, #tpu.memory_space<vmem>>[vector<16xi32>], vector<16xf32>,
      %add3A_804 = arith.constant 64 : i32
      %add3A_805 = vector.broadcast %add3A_804 : i32 to vector<16xi32>
      %add3A_806 = arith.addi %iota3A, %add3A_805 : vector<16xi32>
      %gather3A_807 = tpu.vector_load_idx %arg7[%add3A_806, %and3A_764] : memref<512x32xf32, #tpu.memory_space<vmem>>[vector<16xi32>, vector<16xi32>], vector<16xf32>,
      %add3A_808 = arith.constant 64 : i32
      %add3A_809 = vector.broadcast %add3A_808 : i32 to vector<16xi32>
      %add3A_810 = arith.addi %add3A_776, %add3A_809 : vector<16xi32>
      tpu.vector_store_idx %arg9[%add3A_810], %gather3A_807 : memref<16384xf32, #tpu.memory_space<vmem>>[vector<16xi32>], vector<16xf32>,
      %add3A_811 = arith.constant 80 : i32
      %add3A_812 = vector.broadcast %add3A_811 : i32 to vector<16xi32>
      %add3A_813 = arith.addi %iota3A, %add3A_812 : vector<16xi32>
      %gather3A_814 = tpu.vector_load_idx %arg7[%add3A_813, %and3A_764] : memref<512x32xf32, #tpu.memory_space<vmem>>[vector<16xi32>, vector<16xi32>], vector<16xf32>,
      %add3A_815 = arith.constant 80 : i32
      %add3A_816 = vector.broadcast %add3A_815 : i32 to vector<16xi32>
      %add3A_817 = arith.addi %add3A_776, %add3A_816 : vector<16xi32>
      tpu.vector_store_idx %arg9[%add3A_817], %gather3A_814 : memref<16384xf32, #tpu.memory_space<vmem>>[vector<16xi32>], vector<16xf32>,
      %add3A_818 = arith.constant 96 : i32
      %add3A_819 = vector.broadcast %add3A_818 : i32 to vector<16xi32>
      %add3A_820 = arith.addi %iota3A, %add3A_819 : vector<16xi32>
      %gather3A_821 = tpu.vector_load_idx %arg7[%add3A_820, %and3A_764] : memref<512x32xf32, #tpu.memory_space<vmem>>[vector<16xi32>, vector<16xi32>], vector<16xf32>,
      %add3A_822 = arith.constant 96 : i32
      %add3A_823 = vector.broadcast %add3A_822 : i32 to vector<16xi32>
      %add3A_824 = arith.addi %add3A_776, %add3A_823 : vector<16xi32>
      tpu.vector_store_idx %arg9[%add3A_824], %gather3A_821 : memref<16384xf32, #tpu.memory_space<vmem>>[vector<16xi32>], vector<16xf32>,
      %add3A_825 = arith.constant 112 : i32
      %add3A_826 = vector.broadcast %add3A_825 : i32 to vector<16xi32>
      %add3A_827 = arith.addi %iota3A, %add3A_826 : vector<16xi32>
      %gather3A_828 = tpu.vector_load_idx %arg7[%add3A_827, %and3A_764] : memref<512x32xf32, #tpu.memory_space<vmem>>[vector<16xi32>, vector<16xi32>], vector<16xf32>,
      %add3A_829 = arith.constant 112 : i32
      %add3A_830 = vector.broadcast %add3A_829 : i32 to vector<16xi32>
      %add3A_831 = arith.addi %add3A_776, %add3A_830 : vector<16xi32>
      tpu.vector_store_idx %arg9[%add3A_831], %gather3A_828 : memref<16384xf32, #tpu.memory_space<vmem>>[vector<16xi32>], vector<16xf32>,
      %add3A_832 = arith.constant 128 : i32
      %add3A_833 = vector.broadcast %add3A_832 : i32 to vector<16xi32>
      %add3A_834 = arith.addi %iota3A, %add3A_833 : vector<16xi32>
      %gather3A_835 = tpu.vector_load_idx %arg7[%add3A_834, %and3A_764] : memref<512x32xf32, #tpu.memory_space<vmem>>[vector<16xi32>, vector<16xi32>], vector<16xf32>,
      %add3A_836 = arith.constant 1024 : i32
      %add3A_837 = vector.broadcast %add3A_836 : i32 to vector<16xi32>
      %add3A_838 = arith.addi %add3A_776, %add3A_837 : vector<16xi32>
      tpu.vector_store_idx %arg9[%add3A_838], %gather3A_835 : memref<16384xf32, #tpu.memory_space<vmem>>[vector<16xi32>], vector<16xf32>,
      %add3A_839 = arith.constant 144 : i32
      %add3A_840 = vector.broadcast %add3A_839 : i32 to vector<16xi32>
      %add3A_841 = arith.addi %iota3A, %add3A_840 : vector<16xi32>
      %gather3A_842 = tpu.vector_load_idx %arg7[%add3A_841, %and3A_764] : memref<512x32xf32, #tpu.memory_space<vmem>>[vector<16xi32>, vector<16xi32>], vector<16xf32>,
      %add3A_843 = arith.constant 1040 : i32
      %add3A_844 = vector.broadcast %add3A_843 : i32 to vector<16xi32>
      %add3A_845 = arith.addi %add3A_776, %add3A_844 : vector<16xi32>
      tpu.vector_store_idx %arg9[%add3A_845], %gather3A_842 : memref<16384xf32, #tpu.memory_space<vmem>>[vector<16xi32>], vector<16xf32>,
      %add3A_846 = arith.constant 160 : i32
      %add3A_847 = vector.broadcast %add3A_846 : i32 to vector<16xi32>
      %add3A_848 = arith.addi %iota3A, %add3A_847 : vector<16xi32>
      %gather3A_849 = tpu.vector_load_idx %arg7[%add3A_848, %and3A_764] : memref<512x32xf32, #tpu.memory_space<vmem>>[vector<16xi32>, vector<16xi32>], vector<16xf32>,
      %add3A_850 = arith.constant 1056 : i32
      %add3A_851 = vector.broadcast %add3A_850 : i32 to vector<16xi32>
      %add3A_852 = arith.addi %add3A_776, %add3A_851 : vector<16xi32>
      tpu.vector_store_idx %arg9[%add3A_852], %gather3A_849 : memref<16384xf32, #tpu.memory_space<vmem>>[vector<16xi32>], vector<16xf32>,
      %add3A_853 = arith.constant 176 : i32
      %add3A_854 = vector.broadcast %add3A_853 : i32 to vector<16xi32>
      %add3A_855 = arith.addi %iota3A, %add3A_854 : vector<16xi32>
      %gather3A_856 = tpu.vector_load_idx %arg7[%add3A_855, %and3A_764] : memref<512x32xf32, #tpu.memory_space<vmem>>[vector<16xi32>, vector<16xi32>], vector<16xf32>,
      %add3A_857 = arith.constant 1072 : i32
      %add3A_858 = vector.broadcast %add3A_857 : i32 to vector<16xi32>
      %add3A_859 = arith.addi %add3A_776, %add3A_858 : vector<16xi32>
      tpu.vector_store_idx %arg9[%add3A_859], %gather3A_856 : memref<16384xf32, #tpu.memory_space<vmem>>[vector<16xi32>], vector<16xf32>,
      %add3A_860 = arith.constant 192 : i32
      %add3A_861 = vector.broadcast %add3A_860 : i32 to vector<16xi32>
      %add3A_862 = arith.addi %iota3A, %add3A_861 : vector<16xi32>
      %gather3A_863 = tpu.vector_load_idx %arg7[%add3A_862, %and3A_764] : memref<512x32xf32, #tpu.memory_space<vmem>>[vector<16xi32>, vector<16xi32>], vector<16xf32>,
      %add3A_864 = arith.constant 1088 : i32
      %add3A_865 = vector.broadcast %add3A_864 : i32 to vector<16xi32>
      %add3A_866 = arith.addi %add3A_776, %add3A_865 : vector<16xi32>
      tpu.vector_store_idx %arg9[%add3A_866], %gather3A_863 : memref<16384xf32, #tpu.memory_space<vmem>>[vector<16xi32>], vector<16xf32>,
      %add3A_867 = arith.constant 208 : i32
      %add3A_868 = vector.broadcast %add3A_867 : i32 to vector<16xi32>
      %add3A_869 = arith.addi %iota3A, %add3A_868 : vector<16xi32>
      %gather3A_870 = tpu.vector_load_idx %arg7[%add3A_869, %and3A_764] : memref<512x32xf32, #tpu.memory_space<vmem>>[vector<16xi32>, vector<16xi32>], vector<16xf32>,
      %add3A_871 = arith.constant 1104 : i32
      %add3A_872 = vector.broadcast %add3A_871 : i32 to vector<16xi32>
      %add3A_873 = arith.addi %add3A_776, %add3A_872 : vector<16xi32>
      tpu.vector_store_idx %arg9[%add3A_873], %gather3A_870 : memref<16384xf32, #tpu.memory_space<vmem>>[vector<16xi32>], vector<16xf32>,
      %add3A_874 = arith.constant 224 : i32
      %add3A_875 = vector.broadcast %add3A_874 : i32 to vector<16xi32>
      %add3A_876 = arith.addi %iota3A, %add3A_875 : vector<16xi32>
      %gather3A_877 = tpu.vector_load_idx %arg7[%add3A_876, %and3A_764] : memref<512x32xf32, #tpu.memory_space<vmem>>[vector<16xi32>, vector<16xi32>], vector<16xf32>,
      %add3A_878 = arith.constant 1120 : i32
      %add3A_879 = vector.broadcast %add3A_878 : i32 to vector<16xi32>
      %add3A_880 = arith.addi %add3A_776, %add3A_879 : vector<16xi32>
      tpu.vector_store_idx %arg9[%add3A_880], %gather3A_877 : memref<16384xf32, #tpu.memory_space<vmem>>[vector<16xi32>], vector<16xf32>,
      %add3A_881 = arith.constant 240 : i32
      %add3A_882 = vector.broadcast %add3A_881 : i32 to vector<16xi32>
      %add3A_883 = arith.addi %iota3A, %add3A_882 : vector<16xi32>
      %gather3A_884 = tpu.vector_load_idx %arg7[%add3A_883, %and3A_764] : memref<512x32xf32, #tpu.memory_space<vmem>>[vector<16xi32>, vector<16xi32>], vector<16xf32>,
      %add3A_885 = arith.constant 1136 : i32
      %add3A_886 = vector.broadcast %add3A_885 : i32 to vector<16xi32>
      %add3A_887 = arith.addi %add3A_776, %add3A_886 : vector<16xi32>
      tpu.vector_store_idx %arg9[%add3A_887], %gather3A_884 : memref<16384xf32, #tpu.memory_space<vmem>>[vector<16xi32>], vector<16xf32>,
      %add3A_888 = arith.constant 256 : i32
      %add3A_889 = vector.broadcast %add3A_888 : i32 to vector<16xi32>
      %add3A_890 = arith.addi %iota3A, %add3A_889 : vector<16xi32>
      %gather3A_891 = tpu.vector_load_idx %arg7[%add3A_890, %and3A_764] : memref<512x32xf32, #tpu.memory_space<vmem>>[vector<16xi32>, vector<16xi32>], vector<16xf32>,
      %add3A_892 = arith.constant 2048 : i32
      %add3A_893 = vector.broadcast %add3A_892 : i32 to vector<16xi32>
      %add3A_894 = arith.addi %add3A_776, %add3A_893 : vector<16xi32>
      tpu.vector_store_idx %arg9[%add3A_894], %gather3A_891 : memref<16384xf32, #tpu.memory_space<vmem>>[vector<16xi32>], vector<16xf32>,
      %add3A_895 = arith.constant 272 : i32
      %add3A_896 = vector.broadcast %add3A_895 : i32 to vector<16xi32>
      %add3A_897 = arith.addi %iota3A, %add3A_896 : vector<16xi32>
      %gather3A_898 = tpu.vector_load_idx %arg7[%add3A_897, %and3A_764] : memref<512x32xf32, #tpu.memory_space<vmem>>[vector<16xi32>, vector<16xi32>], vector<16xf32>,
      %add3A_899 = arith.constant 2064 : i32
      %add3A_900 = vector.broadcast %add3A_899 : i32 to vector<16xi32>
      %add3A_901 = arith.addi %add3A_776, %add3A_900 : vector<16xi32>
      tpu.vector_store_idx %arg9[%add3A_901], %gather3A_898 : memref<16384xf32, #tpu.memory_space<vmem>>[vector<16xi32>], vector<16xf32>,
      %add3A_902 = arith.constant 288 : i32
      %add3A_903 = vector.broadcast %add3A_902 : i32 to vector<16xi32>
      %add3A_904 = arith.addi %iota3A, %add3A_903 : vector<16xi32>
      %gather3A_905 = tpu.vector_load_idx %arg7[%add3A_904, %and3A_764] : memref<512x32xf32, #tpu.memory_space<vmem>>[vector<16xi32>, vector<16xi32>], vector<16xf32>,
      %add3A_906 = arith.constant 2080 : i32
      %add3A_907 = vector.broadcast %add3A_906 : i32 to vector<16xi32>
      %add3A_908 = arith.addi %add3A_776, %add3A_907 : vector<16xi32>
      tpu.vector_store_idx %arg9[%add3A_908], %gather3A_905 : memref<16384xf32, #tpu.memory_space<vmem>>[vector<16xi32>], vector<16xf32>,
      %add3A_909 = arith.constant 304 : i32
      %add3A_910 = vector.broadcast %add3A_909 : i32 to vector<16xi32>
      %add3A_911 = arith.addi %iota3A, %add3A_910 : vector<16xi32>
      %gather3A_912 = tpu.vector_load_idx %arg7[%add3A_911, %and3A_764] : memref<512x32xf32, #tpu.memory_space<vmem>>[vector<16xi32>, vector<16xi32>], vector<16xf32>,
      %add3A_913 = arith.constant 2096 : i32
      %add3A_914 = vector.broadcast %add3A_913 : i32 to vector<16xi32>
      %add3A_915 = arith.addi %add3A_776, %add3A_914 : vector<16xi32>
      tpu.vector_store_idx %arg9[%add3A_915], %gather3A_912 : memref<16384xf32, #tpu.memory_space<vmem>>[vector<16xi32>], vector<16xf32>,
      %add3A_916 = arith.constant 320 : i32
      %add3A_917 = vector.broadcast %add3A_916 : i32 to vector<16xi32>
      %add3A_918 = arith.addi %iota3A, %add3A_917 : vector<16xi32>
      %gather3A_919 = tpu.vector_load_idx %arg7[%add3A_918, %and3A_764] : memref<512x32xf32, #tpu.memory_space<vmem>>[vector<16xi32>, vector<16xi32>], vector<16xf32>,
      %add3A_920 = arith.constant 2112 : i32
      %add3A_921 = vector.broadcast %add3A_920 : i32 to vector<16xi32>
      %add3A_922 = arith.addi %add3A_776, %add3A_921 : vector<16xi32>
      tpu.vector_store_idx %arg9[%add3A_922], %gather3A_919 : memref<16384xf32, #tpu.memory_space<vmem>>[vector<16xi32>], vector<16xf32>,
      %add3A_923 = arith.constant 336 : i32
      %add3A_924 = vector.broadcast %add3A_923 : i32 to vector<16xi32>
      %add3A_925 = arith.addi %iota3A, %add3A_924 : vector<16xi32>
      %gather3A_926 = tpu.vector_load_idx %arg7[%add3A_925, %and3A_764] : memref<512x32xf32, #tpu.memory_space<vmem>>[vector<16xi32>, vector<16xi32>], vector<16xf32>,
      %add3A_927 = arith.constant 2128 : i32
      %add3A_928 = vector.broadcast %add3A_927 : i32 to vector<16xi32>
      %add3A_929 = arith.addi %add3A_776, %add3A_928 : vector<16xi32>
      tpu.vector_store_idx %arg9[%add3A_929], %gather3A_926 : memref<16384xf32, #tpu.memory_space<vmem>>[vector<16xi32>], vector<16xf32>,
      %add3A_930 = arith.constant 352 : i32
      %add3A_931 = vector.broadcast %add3A_930 : i32 to vector<16xi32>
      %add3A_932 = arith.addi %iota3A, %add3A_931 : vector<16xi32>
      %gather3A_933 = tpu.vector_load_idx %arg7[%add3A_932, %and3A_764] : memref<512x32xf32, #tpu.memory_space<vmem>>[vector<16xi32>, vector<16xi32>], vector<16xf32>,
      %add3A_934 = arith.constant 2144 : i32
      %add3A_935 = vector.broadcast %add3A_934 : i32 to vector<16xi32>
      %add3A_936 = arith.addi %add3A_776, %add3A_935 : vector<16xi32>
      tpu.vector_store_idx %arg9[%add3A_936], %gather3A_933 : memref<16384xf32, #tpu.memory_space<vmem>>[vector<16xi32>], vector<16xf32>,
      %add3A_937 = arith.constant 368 : i32
      %add3A_938 = vector.broadcast %add3A_937 : i32 to vector<16xi32>
      %add3A_939 = arith.addi %iota3A, %add3A_938 : vector<16xi32>
      %gather3A_940 = tpu.vector_load_idx %arg7[%add3A_939, %and3A_764] : memref<512x32xf32, #tpu.memory_space<vmem>>[vector<16xi32>, vector<16xi32>], vector<16xf32>,
      %add3A_941 = arith.constant 2160 : i32
      %add3A_942 = vector.broadcast %add3A_941 : i32 to vector<16xi32>
      %add3A_943 = arith.addi %add3A_776, %add3A_942 : vector<16xi32>
      tpu.vector_store_idx %arg9[%add3A_943], %gather3A_940 : memref<16384xf32, #tpu.memory_space<vmem>>[vector<16xi32>], vector<16xf32>,
      %add3A_944 = arith.constant 384 : i32
      %add3A_945 = vector.broadcast %add3A_944 : i32 to vector<16xi32>
      %add3A_946 = arith.addi %iota3A, %add3A_945 : vector<16xi32>
      %gather3A_947 = tpu.vector_load_idx %arg7[%add3A_946, %and3A_764] : memref<512x32xf32, #tpu.memory_space<vmem>>[vector<16xi32>, vector<16xi32>], vector<16xf32>,
      %add3A_948 = arith.constant 3072 : i32
      %add3A_949 = vector.broadcast %add3A_948 : i32 to vector<16xi32>
      %add3A_950 = arith.addi %add3A_776, %add3A_949 : vector<16xi32>
      tpu.vector_store_idx %arg9[%add3A_950], %gather3A_947 : memref<16384xf32, #tpu.memory_space<vmem>>[vector<16xi32>], vector<16xf32>,
      %add3A_951 = arith.constant 400 : i32
      %add3A_952 = vector.broadcast %add3A_951 : i32 to vector<16xi32>
      %add3A_953 = arith.addi %iota3A, %add3A_952 : vector<16xi32>
      %gather3A_954 = tpu.vector_load_idx %arg7[%add3A_953, %and3A_764] : memref<512x32xf32, #tpu.memory_space<vmem>>[vector<16xi32>, vector<16xi32>], vector<16xf32>,
      %add3A_955 = arith.constant 3088 : i32
      %add3A_956 = vector.broadcast %add3A_955 : i32 to vector<16xi32>
      %add3A_957 = arith.addi %add3A_776, %add3A_956 : vector<16xi32>
      tpu.vector_store_idx %arg9[%add3A_957], %gather3A_954 : memref<16384xf32, #tpu.memory_space<vmem>>[vector<16xi32>], vector<16xf32>,
      %add3A_958 = arith.constant 416 : i32
      %add3A_959 = vector.broadcast %add3A_958 : i32 to vector<16xi32>
      %add3A_960 = arith.addi %iota3A, %add3A_959 : vector<16xi32>
      %gather3A_961 = tpu.vector_load_idx %arg7[%add3A_960, %and3A_764] : memref<512x32xf32, #tpu.memory_space<vmem>>[vector<16xi32>, vector<16xi32>], vector<16xf32>,
      %add3A_962 = arith.constant 3104 : i32
      %add3A_963 = vector.broadcast %add3A_962 : i32 to vector<16xi32>
      %add3A_964 = arith.addi %add3A_776, %add3A_963 : vector<16xi32>
      tpu.vector_store_idx %arg9[%add3A_964], %gather3A_961 : memref<16384xf32, #tpu.memory_space<vmem>>[vector<16xi32>], vector<16xf32>,
      %add3A_965 = arith.constant 432 : i32
      %add3A_966 = vector.broadcast %add3A_965 : i32 to vector<16xi32>
      %add3A_967 = arith.addi %iota3A, %add3A_966 : vector<16xi32>
      %gather3A_968 = tpu.vector_load_idx %arg7[%add3A_967, %and3A_764] : memref<512x32xf32, #tpu.memory_space<vmem>>[vector<16xi32>, vector<16xi32>], vector<16xf32>,
      %add3A_969 = arith.constant 3120 : i32
      %add3A_970 = vector.broadcast %add3A_969 : i32 to vector<16xi32>
      %add3A_971 = arith.addi %add3A_776, %add3A_970 : vector<16xi32>
      tpu.vector_store_idx %arg9[%add3A_971], %gather3A_968 : memref<16384xf32, #tpu.memory_space<vmem>>[vector<16xi32>], vector<16xf32>,
      %add3A_972 = arith.constant 448 : i32
      %add3A_973 = vector.broadcast %add3A_972 : i32 to vector<16xi32>
      %add3A_974 = arith.addi %iota3A, %add3A_973 : vector<16xi32>
      %gather3A_975 = tpu.vector_load_idx %arg7[%add3A_974, %and3A_764] : memref<512x32xf32, #tpu.memory_space<vmem>>[vector<16xi32>, vector<16xi32>], vector<16xf32>,
      %add3A_976 = arith.constant 3136 : i32
      %add3A_977 = vector.broadcast %add3A_976 : i32 to vector<16xi32>
      %add3A_978 = arith.addi %add3A_776, %add3A_977 : vector<16xi32>
      tpu.vector_store_idx %arg9[%add3A_978], %gather3A_975 : memref<16384xf32, #tpu.memory_space<vmem>>[vector<16xi32>], vector<16xf32>,
      %add3A_979 = arith.constant 464 : i32
      %add3A_980 = vector.broadcast %add3A_979 : i32 to vector<16xi32>
      %add3A_981 = arith.addi %iota3A, %add3A_980 : vector<16xi32>
      %gather3A_982 = tpu.vector_load_idx %arg7[%add3A_981, %and3A_764] : memref<512x32xf32, #tpu.memory_space<vmem>>[vector<16xi32>, vector<16xi32>], vector<16xf32>,
      %add3A_983 = arith.constant 3152 : i32
      %add3A_984 = vector.broadcast %add3A_983 : i32 to vector<16xi32>
      %add3A_985 = arith.addi %add3A_776, %add3A_984 : vector<16xi32>
      tpu.vector_store_idx %arg9[%add3A_985], %gather3A_982 : memref<16384xf32, #tpu.memory_space<vmem>>[vector<16xi32>], vector<16xf32>,
      %add3A_986 = arith.constant 480 : i32
      %add3A_987 = vector.broadcast %add3A_986 : i32 to vector<16xi32>
      %add3A_988 = arith.addi %iota3A, %add3A_987 : vector<16xi32>
      %gather3A_989 = tpu.vector_load_idx %arg7[%add3A_988, %and3A_764] : memref<512x32xf32, #tpu.memory_space<vmem>>[vector<16xi32>, vector<16xi32>], vector<16xf32>,
      %add3A_990 = arith.constant 3168 : i32
      %add3A_991 = vector.broadcast %add3A_990 : i32 to vector<16xi32>
      %add3A_992 = arith.addi %add3A_776, %add3A_991 : vector<16xi32>
      tpu.vector_store_idx %arg9[%add3A_992], %gather3A_989 : memref<16384xf32, #tpu.memory_space<vmem>>[vector<16xi32>], vector<16xf32>,
      %add3A_993 = arith.constant 496 : i32
      %add3A_994 = vector.broadcast %add3A_993 : i32 to vector<16xi32>
      %add3A_995 = arith.addi %iota3A, %add3A_994 : vector<16xi32>
      %gather3A_996 = tpu.vector_load_idx %arg7[%add3A_995, %and3A_764] : memref<512x32xf32, #tpu.memory_space<vmem>>[vector<16xi32>, vector<16xi32>], vector<16xf32>,
      %add3A_997 = arith.constant 3184 : i32
      %add3A_998 = vector.broadcast %add3A_997 : i32 to vector<16xi32>
      %add3A_999 = arith.addi %add3A_776, %add3A_998 : vector<16xi32>
      tpu.vector_store_idx %arg9[%add3A_999], %gather3A_996 : memref<16384xf32, #tpu.memory_space<vmem>>[vector<16xi32>], vector<16xf32>,
    }
    %scan3A_703 = arith.constant 32 : i32
    %mul3A_704 = arith.constant 4 : i32
    %mul3A_705 = arith.muli %add3A, %mul3A_704 : i32
    %add3A_706 = arith.constant 25088 : i32
    %add3A_707 = arith.addi %add3A_706, %mul3A_705 : i32
    %mul3A_708 = arith.constant 1024 : i32
    %mul3A_709 = arith.muli %add3A_707, %mul3A_708 : i32
    %dma_start3A_710 = arith.constant 0 : i32
    %dma_start3A_711 = tpu.memref_slice %arg9[%dma_start3A_710] : memref<16384xf32, #tpu.memory_space<vmem>> -> memref<4096xf32, #tpu.memory_space<vmem>>
    %dma_start3A_712 = tpu.memref_slice %arg4[%mul3A_709] : memref<26214400xf32, #tpu.memory_space<hbm>> -> memref<4096xf32, #tpu.memory_space<hbm>>
    %dma_start3A_713 = tpu.memref_slice %arg4[%mul3A_709] : memref<26214400xf32, #tpu.memory_space<hbm>> -> memref<4096xf32, #tpu.memory_space<hbm>>
    %dma_start3A_714 = arith.constant 0 : i32
    %dma_start3A_715 = tpu.memref_slice %arg9[%dma_start3A_714] : memref<16384xf32, #tpu.memory_space<vmem>> -> memref<4096xf32, #tpu.memory_space<vmem>>
    tpu.enqueue_dma source(%dma_start3A_715 : memref<4096xf32, #tpu.memory_space<vmem>>) target(%dma_start3A_713 : memref<4096xf32, #tpu.memory_space<hbm>>) target_semaphore(%arg13 : memref<!tpu.dma_semaphore, #tpu.memory_space<semaphore_mem>>)
    %mul3A_716 = arith.constant 4 : i32
    %mul3A_717 = arith.muli %add3A, %mul3A_716 : i32
    %add3A_718 = arith.constant 25216 : i32
    %add3A_719 = arith.addi %add3A_718, %mul3A_717 : i32
    %mul3A_720 = arith.constant 1024 : i32
    %mul3A_721 = arith.muli %add3A_719, %mul3A_720 : i32
    %dma_start3A_722 = arith.constant 4096 : i32
    %dma_start3A_723 = tpu.memref_slice %arg9[%dma_start3A_722] : memref<16384xf32, #tpu.memory_space<vmem>> -> memref<4096xf32, #tpu.memory_space<vmem>>
    %dma_start3A_724 = tpu.memref_slice %arg4[%mul3A_721] : memref<26214400xf32, #tpu.memory_space<hbm>> -> memref<4096xf32, #tpu.memory_space<hbm>>
    %dma_start3A_725 = tpu.memref_slice %arg4[%mul3A_721] : memref<26214400xf32, #tpu.memory_space<hbm>> -> memref<4096xf32, #tpu.memory_space<hbm>>
    %dma_start3A_726 = arith.constant 4096 : i32
    %dma_start3A_727 = tpu.memref_slice %arg9[%dma_start3A_726] : memref<16384xf32, #tpu.memory_space<vmem>> -> memref<4096xf32, #tpu.memory_space<vmem>>
    tpu.enqueue_dma source(%dma_start3A_727 : memref<4096xf32, #tpu.memory_space<vmem>>) target(%dma_start3A_725 : memref<4096xf32, #tpu.memory_space<hbm>>) target_semaphore(%arg13 : memref<!tpu.dma_semaphore, #tpu.memory_space<semaphore_mem>>)
    %mul3A_728 = arith.constant 4 : i32
    %mul3A_729 = arith.muli %add3A, %mul3A_728 : i32
    %add3A_730 = arith.constant 25344 : i32
    %add3A_731 = arith.addi %add3A_730, %mul3A_729 : i32
    %mul3A_732 = arith.constant 1024 : i32
    %mul3A_733 = arith.muli %add3A_731, %mul3A_732 : i32
    %dma_start3A_734 = arith.constant 8192 : i32
    %dma_start3A_735 = tpu.memref_slice %arg9[%dma_start3A_734] : memref<16384xf32, #tpu.memory_space<vmem>> -> memref<4096xf32, #tpu.memory_space<vmem>>
    %dma_start3A_736 = tpu.memref_slice %arg4[%mul3A_733] : memref<26214400xf32, #tpu.memory_space<hbm>> -> memref<4096xf32, #tpu.memory_space<hbm>>
    %dma_start3A_737 = tpu.memref_slice %arg4[%mul3A_733] : memref<26214400xf32, #tpu.memory_space<hbm>> -> memref<4096xf32, #tpu.memory_space<hbm>>
    %dma_start3A_738 = arith.constant 8192 : i32
    %dma_start3A_739 = tpu.memref_slice %arg9[%dma_start3A_738] : memref<16384xf32, #tpu.memory_space<vmem>> -> memref<4096xf32, #tpu.memory_space<vmem>>
    tpu.enqueue_dma source(%dma_start3A_739 : memref<4096xf32, #tpu.memory_space<vmem>>) target(%dma_start3A_737 : memref<4096xf32, #tpu.memory_space<hbm>>) target_semaphore(%arg13 : memref<!tpu.dma_semaphore, #tpu.memory_space<semaphore_mem>>)
    %mul3A_740 = arith.constant 4 : i32
    %mul3A_741 = arith.muli %add3A, %mul3A_740 : i32
    %add3A_742 = arith.constant 25472 : i32
    %add3A_743 = arith.addi %add3A_742, %mul3A_741 : i32
    %mul3A_744 = arith.constant 1024 : i32
    %mul3A_745 = arith.muli %add3A_743, %mul3A_744 : i32
    %dma_start3A_746 = arith.constant 12288 : i32
    %dma_start3A_747 = tpu.memref_slice %arg9[%dma_start3A_746] : memref<16384xf32, #tpu.memory_space<vmem>> -> memref<4096xf32, #tpu.memory_space<vmem>>
    %dma_start3A_748 = tpu.memref_slice %arg4[%mul3A_745] : memref<26214400xf32, #tpu.memory_space<hbm>> -> memref<4096xf32, #tpu.memory_space<hbm>>
    %dma_start3A_749 = tpu.memref_slice %arg4[%mul3A_745] : memref<26214400xf32, #tpu.memory_space<hbm>> -> memref<4096xf32, #tpu.memory_space<hbm>>
    %dma_start3A_750 = arith.constant 12288 : i32
    %dma_start3A_751 = tpu.memref_slice %arg9[%dma_start3A_750] : memref<16384xf32, #tpu.memory_space<vmem>> -> memref<4096xf32, #tpu.memory_space<vmem>>
    tpu.enqueue_dma source(%dma_start3A_751 : memref<4096xf32, #tpu.memory_space<vmem>>) target(%dma_start3A_749 : memref<4096xf32, #tpu.memory_space<hbm>>) target_semaphore(%arg13 : memref<!tpu.dma_semaphore, #tpu.memory_space<semaphore_mem>>)
    %dma_wait3A_752 = arith.constant 0 : i32
    %dma_wait3A_753 = tpu.memref_slice %arg4[%dma_wait3A_752] : memref<26214400xf32, #tpu.memory_space<hbm>> -> memref<16384xf32, #tpu.memory_space<hbm>>
    %dma_wait3A_754 = arith.constant 0 : i32
    %dma_wait3A_755 = tpu.memref_slice %arg4[%dma_wait3A_754] : memref<26214400xf32, #tpu.memory_space<hbm>> -> memref<16384xf32, #tpu.memory_space<hbm>>
    tpu.wait_dma2 semaphore(%arg12 : memref<!tpu.dma_semaphore, #tpu.memory_space<semaphore_mem>>) src(%dma_wait3A_755 : memref<16384xf32, #tpu.memory_space<hbm>>) dst(%arg8 : memref<16384xf32, #tpu.memory_space<vmem>>)
    %dma_wait3A_756 = arith.constant 0 : i32
    %dma_wait3A_757 = tpu.memref_slice %arg4[%dma_wait3A_756] : memref<26214400xf32, #tpu.memory_space<hbm>> -> memref<16384xf32, #tpu.memory_space<hbm>>
    %dma_wait3A_758 = arith.constant 0 : i32
    %dma_wait3A_759 = tpu.memref_slice %arg4[%dma_wait3A_758] : memref<26214400xf32, #tpu.memory_space<hbm>> -> memref<16384xf32, #tpu.memory_space<hbm>>
    tpu.wait_dma2 semaphore(%arg13 : memref<!tpu.dma_semaphore, #tpu.memory_space<semaphore_mem>>) src(%dma_wait3A_759 : memref<16384xf32, #tpu.memory_space<hbm>>) dst(%arg9 : memref<16384xf32, #tpu.memory_space<vmem>>)
    return
  }
}

</mosaic_0001>

<sc_bundles>
// kernel: kernel.3.cloned.1.call-start
scs
__scs_entry_jumppad:
0x0: {  	(pc) =	sbr.rel $0x88, $3  }
0x1: {  	(tag) =	ssettag $0x0;
	lr =	simm.s32 $0x1  }
0x2: {  	[smem:$0x3F9F] =	sst lr;
	_ =	strace $0xD0000000  }
0x3: {  	_ = 	snop  }
0x4: {  	_ = 	snop  }
0x5: {  	_ = 	snop  }
0x6: {  	_ = 	snop  }
0x7: {  	_ = 	snop  }
__scs_overlays_trampoline_lowered:
0x8: {  	[smem:$0x3FAE] =	sst s0  }
0x9: {  	[smem:$0x3FAF] =	sst s1  }
0xa: {  	[smem:$0x3FB0] =	sst s2  }
0xb: {  	[smem:$0x3FB1] =	sst s3  }
0xc: {  	[smem:$0x3FB2] =	sst s4  }
0xd: {  	[smem:$0x3FB3] =	sst s5  }
0xe: {  	[smem:$0x3FB4] =	sst s6  }
0xf: {  	[smem:$0x3FB5] =	sst s7  }
0x10: {  	[smem:$0x3FB6] =	sst s8  }
0x11: {  	[smem:$0x3FB7] =	sst s9;
	s0 =	simm.s32 @!p0 $0x0  }
0x12: {  	s1 =	sld [smem:$0x3F9D];
	s0 =	simm.s32 @p0 $0x1  }
0x13: {  	[smem:$0x3FB8] =	sst s0;
	s0 =	simm.s32 @!p1 $0x0  }
0x14: {  	s2 =	sld [smem:$0x3F9C];
	s0 =	simm.s32 @p1 $0x1  }
0x15: {  	[smem:$0x3FB9] =	sst s0;
	s0 =	simm.s32 @!p2 $0x0  }
0x16: {  	s3 =	sld [smem:$0x3FDB];
	s0 =	simm.s32 @p2 $0x1  }
0x17: {  	s4 =	simm.s32 $0x1BF5;
	[smem:$0x3FBB] =	sst s0  }
0x18: {  	s0 =	sld [smem:$0x3F9E];
	_ =	swait.ge [sflag:s4], $0x0  }
0x19: {  	s7 =	sld [smem:$0x3F9F]  }
0x1a: {  	s8 =	sadd.s32 $0xFFFFE003, lr  }
0x1b: {  	s9 =	sadd.s32 $0xFFFFFEF7, lr;
	s5 =	simm.s32 $0xFFFFFFFF;
	p2 =	slt.u32 s8, $0xFFFFF086  }
0x1c: {  	p1 =	slt.u32 s9, $0xF7A;
	s5 =	simm.s32 @!p2 $0x0  }
0x1d: {  	s5 =	simm.s32 @p1 $0x1;
	p0 =	seq.s32 s7, s2  }
0x1e: {  	s7 =	smul.u32 @!p0 $0xF7A, s2;
	p2 =	seq.s32 @!p0 s5, $0x0  }
0x1f: {  	s9 =	smul.u32 $0xF7A, s1;
	s8 =	simm.s32 @!p0 $0x1BF5;
	p2 =	por !p2, p0  }
0x20: {  	[sflag:s8] =	ssyncset.s32 @!p0 $0xFFFFF086;
	s6 =	sadd.s32 @!p0 s3, s7;
	s7 =	simm.s32 @!p0 $0x108  }
0x21: {  	s3 =	sadd.s32 s3, s9;
	s6 =	sadd.s32 @!p0 $0x88, s6;
	s7 =	simm.s32 @p2 $0x1082  }
0x22: {  	[simem:s7], [sflag:s8] =	dma.local @!p0 [hbm:s6], $0xF7A  }
0x23: {  	s9 =	sor.u32 $0xD0000000, s2;
	s6 =	simm.s32 $0x108;
	_ =	swait.ge @!p0 [sflag:s8], $0x0  }
0x24: {  	s3 =	sadd.s32 $0x88, s3;
	s6 =	simm.s32 @!p1 $0x1082;
	[sflag:s4] =	ssyncset.s32 $0xFFFFF086  }
0x25: {  	[simem:s6], [sflag:s4] =	dma.local [hbm:s3], $0xF7A  }
0x26: {  	[smem:$0x3F9F] =	sst s1;
	(tag) =	ssettag s2;
	_ =	strace s9  }
0x27: {  	s1 =	sld [smem:$0x3FAF]  }
0x28: {  	s2 =	sld [smem:$0x3FB0]  }
0x29: {  	s4 =	sld [smem:$0x3FB2]  }
0x2a: {  	p0 =	seq.s32 s5, $0x0;
	s5 =	sld [smem:$0x3FB3]  }
0x2b: {  	s6 =	sld [smem:$0x3FB4]  }
0x2c: {  	s7 =	sld [smem:$0x3FB5]  }
0x2d: {  	s3 =	simm.s32 $0x108;
	s8 =	sld [smem:$0x3FB6]  }
0x2e: {  	s3 =	simm.s32 @!p0 $0x1082;
	s9 =	sld [smem:$0x3FB7]  }
0x2f: {  	lr =	sadd.s32 s0, s3;
	s0 =	sld [smem:$0x3FAE]  }
0x30: {  	s3 =	sld [smem:$0x3FB1]  }
0x31: {  	[smem:$0x3FBA] =	sst s10  }
0x32: {  	s10 =	sld [smem:$0x3FB8];
	_ =	sdelay $0x3  }
0x33: {  	p0 =	seq.s32 s10, $0x1;
	s10 =	sld [smem:$0x3FBA];
	_ =	sdelay $0x3  }
0x34: {  	[smem:$0x3FBA] =	sst s10  }
0x35: {  	s10 =	sld [smem:$0x3FB9];
	_ =	sdelay $0x3  }
0x36: {  	p1 =	seq.s32 s10, $0x1;
	s10 =	sld [smem:$0x3FBA];
	_ =	sdelay $0x3  }
0x37: {  	[smem:$0x3FBA] =	sst s10  }
0x38: {  	s10 =	sld [smem:$0x3FBB]  }
0x39: {  	_ = 	snop;
	(pc) =	sbr.ind lr, $3  }
0x3a: {  	_ = 	snop  }
0x3b: {  	_ = 	snop  }
0x3c: {  	p2 =	seq.s32 s10, $0x1;
	s10 =	sld [smem:$0x3FBA]  }
0x3d: {  	_ =	shalt  }
0x3e: {  	_ =	shalt  }
0x3f: {  	_ =	shalt  }
0x40: {  	_ =	shalt  }
0x41: {  	_ =	shalt  }
0x42: {  	_ =	shalt  }
0x43: {  	_ =	shalt  }
0x44: {  	_ =	shalt  }
0x45: {  	_ =	shalt  }
0x46: {  	_ =	shalt  }
0x47: {  	_ =	shalt  }
0x48: {  	_ =	shalt  }
0x49: {  	_ =	shalt  }
0x4a: {  	_ =	shalt  }
0x4b: {  	_ =	shalt  }
0x4c: {  	_ =	shalt  }
0x4d: {  	_ =	shalt  }
0x4e: {  	_ =	shalt  }
0x4f: {  	_ =	shalt  }
0x50: {  	_ =	shalt  }
0x51: {  	_ =	shalt  }
0x52: {  	_ =	shalt  }
0x53: {  	_ =	shalt  }
0x54: {  	_ =	shalt  }
0x55: {  	_ =	shalt  }
0x56: {  	_ =	shalt  }
0x57: {  	_ =	shalt  }
0x58: {  	_ =	shalt  }
0x59: {  	_ =	shalt  }
0x5a: {  	_ =	shalt  }
0x5b: {  	_ =	shalt  }
0x5c: {  	_ =	shalt  }
0x5d: {  	_ =	shalt  }
0x5e: {  	_ =	shalt  }
0x5f: {  	_ =	shalt  }
0x60: {  	_ =	shalt  }
0x61: {  	_ =	shalt  }
0x62: {  	_ =	shalt  }
0x63: {  	_ =	shalt  }
0x64: {  	_ =	shalt  }
0x65: {  	_ =	shalt  }
0x66: {  	_ =	shalt  }
0x67: {  	_ =	shalt  }
0x68: {  	_ =	shalt  }
0x69: {  	_ =	shalt  }
0x6a: {  	_ =	shalt  }
0x6b: {  	_ =	shalt  }
0x6c: {  	_ =	shalt  }
0x6d: {  	_ =	shalt  }
0x6e: {  	_ =	shalt  }
0x6f: {  	_ =	shalt  }
0x70: {  	_ =	shalt  }
0x71: {  	_ =	shalt  }
0x72: {  	_ =	shalt  }
0x73: {  	_ =	shalt  }
0x74: {  	_ =	shalt  }
0x75: {  	_ =	shalt  }
0x76: {  	_ =	shalt  }
0x77: {  	_ =	shalt  }
0x78: {  	_ =	shalt  }
0x79: {  	_ =	shalt  }
0x7a: {  	_ =	shalt  }
0x7b: {  	_ =	shalt  }
0x7c: {  	_ =	shalt  }
0x7d: {  	_ =	shalt  }
0x7e: {  	_ =	shalt  }
0x7f: {  	_ =	shalt  }
0x80: {  	_ =	shalt  }
0x81: {  	_ =	shalt  }
0x82: {  	_ =	shalt  }
0x83: {  	_ =	shalt  }
0x84: {  	_ =	shalt  }
0x85: {  	_ =	shalt  }
0x86: {  	_ =	shalt  }
0x87: {  	_ =	shalt  }
.Lfunc_end0:
.L_simem_size_0:
called_computation_lowered:
.L_overlay_start_0:
0x88: {  	s2 =	sld [smem:$0x3FD9]  }
0x89: {  	s3 =	sld [smem:$0x3FFE];
	_ =	sdelay $0x1  }
0x8a: {  	s1 =	srdreg.scid  }
0x8b: {  	s0 =	sand.u32 $0x1, s1  }
0x8c: {  	s17 =	sshll.u32 s0, $0xA;
	s2 =	sadd.s32 s3, s2  }
0x8d: {  	s2 =	sadd.s32 s2, s17  }
0x8e: {  	[smem:$0x3FC6] =	sst s2  }
0x8f: {  	_ = 	snop  }
0x90: {  	s2 =	sld [smem:$0x3FD0];
	(tm) =	ssettm $0x1  }
0x91: {  	s18 =	sld [smem:$0x3FFB];
	_ =	sdelay $0x3  }
0x92: {  	_ =	strace s18  }
0x93: {  	s3 =	sld [smem:$0x3FFC];
	_ =	sdelay $0x3  }
0x94: {  	_ =	strace s3  }
0x95: {  	s3 =	sld [smem:$0x3FFD];
	_ =	sdelay $0x3  }
0x96: {  	_ =	strace s3  }
0x97: {  	_ =	strace $0x8FFFFFFF  }
0x98: {  	s19 =	sld [smem:$0x3FDB];
	_ =	sdelay $0x1  }
0x99: {  	s4 =	simm.s32 $_scs_section_size  }
0x9a: {  	s5 =	simm.s32 $_size__tile_overlayer_lowered;
	s6 =	simm.s32 $_tile_overlayer_lowered  }
0x9b: {  	s22 =	simm.s32 $0x1BFF;
	s21 =	sshll.u32 s6, $0x1;
	s3 =	sadd.s32 s4, s19  }
0x9c: {  	s7 =	simm.s32 $0x0;
	s20 =	sshll.u32 s5, $0x1;
	s5 =	sadd.s32 s21, s3  }
0x9d: {  	[timem:s7], [sflag:s22] =	dma.local [hbm:s5], s20  }
0x9e: {  	_ =	swait.ge [sflag:s22], s20  }
0x9f: {  	s4 =	ssub.s32 $0x0, s20;
	[sflag:s22] =	ssyncset.done $0x0  }
0xa0: {  	[sflag:s22] =	ssyncadd.s32 s4;
	_ =	sdelay $0x1  }
0xa1: {  	s23 =	simm.s32 $0x1B8B  }
0xa2: {  	_ =	swait.ge [sflag:s23], $0x1  }
0xa3: {  	[sflag:s23] =	ssyncset.done $0x0  }
0xa4: {  	s25 =	simm.s32 $0x1B8E;
	s24 =	sld [smem:$0x3FFE];
	[sflag:s23] =	ssyncadd.s32 $0xFFFFFFFF  }
0xa5: {  	s26 =	simm.s32 $execute0_lowered;
	[smem:$0x3FD2] =	sst s25  }
0xa6: {  	s5 =	sshll.u32 s26, $0x1;
	_ =	strace $0x80000046;
	[dreg:$0x1] =	wrdreg $0xFFFFFFFF  }
0xa7: {  	s28 =	simm.s32 $_size_execute0_lowered;
	s3 =	sadd.s32 s3, s5;
	[dreg:$0x0] =	wrdreg $0x0  }
0xa8: {  	s5 =	sshll.u32 s28, $0x1;
	[dreg:$0x2] =	wrdreg s3  }
0xa9: {  	[dreg:$0x3] =	wrdreg s5  }
0xaa: {  	[dreg:$0x4] =	wrdreg $0xC0  }
0xab: {  	_ =	task [dreg:s7], $0x5FFFF  }
0xac: {  	[dreg:$0x1] =	wrdreg $0xFFFFFFFF  }
0xad: {  	[dreg:$0x0] =	wrdreg $0x60  }
0xae: {  	[dreg:$0x2] =	wrdreg s24  }
0xaf: {  	[dreg:$0x3] =	wrdreg s2  }
0xb0: {  	[dreg:$0x4] =	wrdreg $0x9  }
0xb1: {  	_ =	task.clear_ibuf [dreg:s7], $0x5FFFF;
	_ =	strace $0x90000046  }
0xb2: {  	s29 =	simm.s32 $0x9;
	_ =	strace $0x80000048  }
0xb3: {  	_ =	swait.ge [sflag:s29], $0x1  }
0xb4: {  	[sflag:s29] =	ssyncadd.s32 $0xFFFFFFFF  }
0xb5: {  	_ =	strace $0x90000048  }
0xb6: {  	_ =	sfence  }
0xb7: {  	s30 =	sld [smem:$0x0];
	_ =	sdelay $0x2  }
0xb8: {  	s31 =	sshll.u32 s1, $0xD;
	s1 =	sshrl.u32 s1, $0x2  }
0xb9: {  	s3 =	sand.u32 $0x4000, s31;
	s1 =	sadd.s32 s1, s30  }
0xba: {  	s0 =	sor.u32 s3, s0;
	s1 =	sshll.u32 s1, $0x11  }
0xbb: {  	s0 =	sor.u32 s1, s0  }
0xbc: {  	s0 =	sadd.s32 $0x8F2B, s0  }
0xbd: {  	[sflag:s0] =	ssyncadd.remote.s32 $0x1  }
0xbe: {  	_ =	sfence.sel $0xFFFF  }
0xbf: {  	[dreg:$0x0] =	wrdreg $0xFFFFFFFF;
	(pc) =	sbr.abs _section_cstart, $3  }
0xc0: {  	[dreg:$0x1] =	wrdreg $0xFFFFFFFF  }
0xc1: {  	_ =	task.clear_ibuf [dreg:s7], $0x2FFFF;
	_ =	strace $0x9FFFFFFF  }
0xc2: {  	(tm) =	ssettm $0x7FFFFFFF  }
0xc3: {  	_ =	shalt  }
tec
execute0_lowered:
.L_overlay_start_1:
0x0: {  	(tag) =	ssettag $0x1  }
0x1: {  	s1 =	srdreg.scid;
	s4 =	stileid.u32  }
0x2: {  	s1 =	sand.u32 $0x1, s1;
	s4 =	sshll.u32 s4, $0x1  }
0x3: {  	s5 =	sor.u32 s1, s4  }
0x4: {  	s0 =	rddreg [dreg:$0x0];
	s3 =	simm.s32 $0x0;
	v2 =	vlaneseq.u32;
	s4 =	sshll.u32 s5, $0x6  }
0x5: {  	[smem:$0x7FF] =	sst s3;
	v7 =	vor.u32 $0xC70, v2;
	s7 =	sadd.s32 s4, s0  }
0x6: {  	s2 =	rddreg [dreg:$0x1];
	v6 =	vor.u32 $0xC50, v2;
	_ =	strace $0x80000047;
	[tilespmem:$0x1FE00] =	vst v7;
	s10 =	sadd.s32 $0x600, s7  }
0x7: {  	v4 =	vor.u32 $0xC60, v2;
	[tilespmem:$0x1FE10] =	vst v6;
	s11 =	sadd.s32 $0xE00, s7;
	[dreg:$0x3] =	wrdreg s10  }
0x8: {  	v40 =	vor.u32 $0x800, v2;
	[tilespmem:$0x1FE20] =	vst v4;
	s12 =	sadd.s32 $0x1600, s7;
	[dreg:$0x4] =	wrdreg s11  }
0x9: {  	v42 =	vor.u32 $0x810, v2;
	[tilespmem:$0x1FE50] =	vst v40;
	s13 =	sadd.s32 $0x1E00, s7;
	[dreg:$0x5] =	wrdreg s12  }
0xa: {  	v44 =	vor.u32 $0x820, v2;
	[tilespmem:$0x1FE60] =	vst v42;
	s14 =	sadd.s32 $0x2600, s7;
	[dreg:$0x6] =	wrdreg s13  }
0xb: {  	v46 =	vor.u32 $0x830, v2;
	[tilespmem:$0x1FE70] =	vst v44;
	s15 =	sadd.s32 $0x2E00, s7;
	[dreg:$0x7] =	wrdreg s14  }
0xc: {  	v48 =	vor.u32 $0x840, v2;
	[tilespmem:$0x1FE80] =	vst v46;
	s16 =	sadd.s32 $0x3600, s7;
	[dreg:$0x8] =	wrdreg s15  }
0xd: {  	v50 =	vor.u32 $0x850, v2;
	[tilespmem:$0x1FE90] =	vst v48;
	s17 =	sadd.s32 $0x3E00, s7;
	[dreg:$0x9] =	wrdreg s16  }
0xe: {  	v52 =	vor.u32 $0x860, v2;
	[tilespmem:$0x1FEA0] =	vst v50;
	s18 =	sadd.s32 $0x4600, s7;
	[dreg:$0xa] =	wrdreg s17  }
0xf: {  	v54 =	vor.u32 $0x870, v2;
	[tilespmem:$0x1FEB0] =	vst v52;
	s19 =	sadd.s32 $0x4E00, s7;
	[dreg:$0xb] =	wrdreg s18  }
0x10: {  	v56 =	vor.u32 $0xC00, v2;
	[tilespmem:$0x1FEC0] =	vst v54;
	s20 =	sadd.s32 $0x5600, s7;
	[dreg:$0xc] =	wrdreg s19  }
0x11: {  	v58 =	vor.u32 $0xC10, v2;
	[tilespmem:$0x1FED0] =	vst v56;
	s21 =	sadd.s32 $0x5E00, s7;
	[dreg:$0xd] =	wrdreg s20  }
0x12: {  	v60 =	vor.u32 $0xC20, v2;
	[tilespmem:$0x1FEE0] =	vst v58;
	s22 =	sadd.s32 $0x6600, s7;
	[dreg:$0xe] =	wrdreg s21  }
0x13: {  	v62 =	vor.u32 $0xC30, v2;
	[tilespmem:$0x1FEF0] =	vst v60;
	s23 =	sadd.s32 $0x6E00, s7;
	[dreg:$0xf] =	wrdreg s22  }
0x14: {  	v0 =	vmul.u32 $0x20, v2;
	v8 =	vor.u32 $0xC40, v2;
	s1 =	ssub.s32 $0x2, s1;
	[tilespmem:$0x1FF00] =	vst v62;
	s24 =	sadd.s32 $0x7600, s7;
	[dreg:$0x10] =	wrdreg s23  }
0x15: {  	[tilespmem:$0x1FF10] =	vst v8;
	s6 =	sshrl.u32 s1, $0x1;
	s25 =	sadd.s32 $0x7E00, s7;
	[dreg:$0x11] =	wrdreg s24  }
0x16: {  	v1 =	vor.u32 $0x200, v0;
	[tilespmem:$0x1FDF0] =	vst v0;
	s4 =	sadd.s32 $0xF42A00, s0;
	s26 =	sadd.s32 $0x8600, s7;
	[dreg:$0x12] =	wrdreg s25  }
0x17: {  	v9 =	vor.u32 $0x3E00, v0;
	s0 =	ssub.s32 s1, s6;
	[tilespmem:$0x1FC10] =	vst v1;
	s6 =	sadd.s32 $0x8E00, s7;
	[dreg:$0x13] =	wrdreg s26  }
0x18: {  	v3 =	vor.u32 $0x3A00, v0;
	[tilespmem:$0x1FE30] =	vst v9;
	s8 =	sadd.s32 $0x9600, s7;
	[dreg:$0x14] =	wrdreg s6  }
0x19: {  	v11 =	vor.u32 $0x400, v0;
	[tilespmem:$0x1FE40] =	vst v3;
	s9 =	sadd.s32 $0x9E00, s7;
	[dreg:$0x15] =	wrdreg s8  }
0x1a: {  	v39 =	vor.u32 $0x2000, v0;
	[tilespmem:$0x1FF20] =	vst v11;
	s0 =	smax.u32 s0, $0x1;
	[dreg:$0x16] =	wrdreg s9  }
0x1b: {  	v41 =	vor.u32 $0x2200, v0;
	[tilespmem:$0x1FF30] =	vst v39;
	s10 =	sadd.s32 $0xA600, s7;
	[smem:$0x7F6] =	sst s0  }
0x1c: {  	v43 =	vor.u32 $0x2400, v0;
	[tilespmem:$0x1FF40] =	vst v41;
	s11 =	sadd.s32 $0xAE00, s7;
	[dreg:$0x17] =	wrdreg s10  }
0x1d: {  	v45 =	vor.u32 $0x2600, v0;
	[tilespmem:$0x1FF50] =	vst v43;
	s12 =	sadd.s32 $0xB600, s7;
	[dreg:$0x18] =	wrdreg s11  }
0x1e: {  	v47 =	vor.u32 $0x2800, v0;
	[tilespmem:$0x1FF60] =	vst v45;
	s13 =	sadd.s32 $0xBE00, s7;
	[dreg:$0x19] =	wrdreg s12  }
0x1f: {  	v49 =	vor.u32 $0x2A00, v0;
	[tilespmem:$0x1FF70] =	vst v47;
	s14 =	sadd.s32 $0xC600, s7;
	[dreg:$0x1a] =	wrdreg s13  }
0x20: {  	v51 =	vor.u32 $0x2C00, v0;
	[tilespmem:$0x1FF80] =	vst v49;
	s15 =	sadd.s32 $0xCE00, s7;
	[dreg:$0x1b] =	wrdreg s14  }
0x21: {  	v53 =	vor.u32 $0x2E00, v0;
	[tilespmem:$0x1FF90] =	vst v51;
	s16 =	sadd.s32 $0xD600, s7;
	[dreg:$0x1c] =	wrdreg s15  }
0x22: {  	v55 =	vor.u32 $0x3000, v0;
	[tilespmem:$0x1FFA0] =	vst v53;
	s17 =	sadd.s32 $0xDE00, s7;
	[dreg:$0x1d] =	wrdreg s16  }
0x23: {  	v57 =	vor.u32 $0x3200, v0;
	[tilespmem:$0x1FFB0] =	vst v55;
	s18 =	sadd.s32 $0xE600, s7;
	[dreg:$0x1e] =	wrdreg s17  }
0x24: {  	v59 =	vor.u32 $0x3400, v0;
	[tilespmem:$0x1FFC0] =	vst v57;
	s19 =	sadd.s32 $0xEE00, s7;
	[dreg:$0x1f] =	wrdreg s18  }
0x25: {  	v61 =	vor.u32 $0x3600, v0;
	[tilespmem:$0x1FFD0] =	vst v59;
	s20 =	sadd.s32 $0xF600, s7;
	[smem:$0x7E1] =	sst s19  }
0x26: {  	v63 =	vor.u32 $0x3800, v0;
	[tilespmem:$0x1FFE0] =	vst v61;
	s21 =	sadd.s32 $0xFE00, s7;
	[smem:$0x7E2] =	sst s20  }
0x27: {  	v1 =	vor.u32 $0x10, v2;
	[tilespmem:$0x1FFF0] =	vst v63;
	s22 =	sadd.s32 $0x10600, s7;
	[smem:$0x7E3] =	sst s21  }
0x28: {  	[tilespmem:$0x1FC20] =	vst v1;
	v1 =	vor.u32 $0x20, v2;
	s23 =	sadd.s32 $0x10E00, s7;
	[smem:$0x7E4] =	sst s22  }
0x29: {  	s24 =	sadd.s32 $0x11600, s7;
	[tilespmem:$0x1FC30] =	vst v1;
	v1 =	vor.u32 $0x600, v0;
	[smem:$0x7E5] =	sst s23  }
0x2a: {  	s25 =	sadd.s32 $0x11E00, s7;
	[smem:$0x7E6] =	sst s24;
	[tilespmem:$0x1FC40] =	vst v1;
	v1 =	vor.u32 $0x30, v2  }
0x2b: {  	s26 =	sadd.s32 $0x12600, s7;
	[smem:$0x7E7] =	sst s25;
	[tilespmem:$0x1FC50] =	vst v1;
	v1 =	vor.u32 $0x800, v0  }
0x2c: {  	s6 =	sadd.s32 $0x12E00, s7;
	[smem:$0x7E8] =	sst s26;
	[tilespmem:$0x1FC60] =	vst v1;
	v1 =	vor.u32 $0x40, v2  }
0x2d: {  	s8 =	sadd.s32 $0x13600, s7;
	[smem:$0x7E9] =	sst s6;
	[tilespmem:$0x1FC70] =	vst v1;
	v1 =	vor.u32 $0xA00, v0  }
0x2e: {  	s9 =	sadd.s32 $0x13E00, s7;
	[smem:$0x7EA] =	sst s8;
	[tilespmem:$0x1FC80] =	vst v1;
	v1 =	vor.u32 $0x50, v2  }
0x2f: {  	[smem:$0x7EB] =	sst s9;
	s10 =	sadd.s32 $0x14600, s7;
	[tilespmem:$0x1FC90] =	vst v1;
	v1 =	vor.u32 $0xC00, v0  }
0x30: {  	s11 =	sadd.s32 $0x14E00, s7;
	[smem:$0x7EC] =	sst s10;
	[tilespmem:$0x1FCA0] =	vst v1;
	v1 =	vor.u32 $0x60, v2  }
0x31: {  	s12 =	sadd.s32 $0x15600, s7;
	[smem:$0x7ED] =	sst s11;
	[tilespmem:$0x1FCB0] =	vst v1;
	v1 =	vor.u32 $0xE00, v0  }
0x32: {  	s13 =	sadd.s32 $0x15E00, s7;
	[smem:$0x7EE] =	sst s12;
	[tilespmem:$0x1FCC0] =	vst v1;
	v1 =	vor.u32 $0x70, v2  }
0x33: {  	s14 =	sadd.s32 $0x16600, s7;
	[smem:$0x7EF] =	sst s13;
	[tilespmem:$0x1FCD0] =	vst v1;
	v1 =	vor.u32 $0x1000, v0  }
0x34: {  	s15 =	sadd.s32 $0x16E00, s7;
	[smem:$0x7F0] =	sst s14;
	[tilespmem:$0x1FCE0] =	vst v1;
	v1 =	vor.u32 $0x400, v2  }
0x35: {  	s16 =	sadd.s32 $0x17600, s7;
	[smem:$0x7F1] =	sst s15;
	[tilespmem:$0x1FCF0] =	vst v1;
	v1 =	vor.u32 $0x1200, v0  }
0x36: {  	s28 =	simm.s32 $0x13400;
	s17 =	sadd.s32 $0x17E00, s7;
	[smem:$0x7F2] =	sst s16;
	[tilespmem:$0x1FD00] =	vst v1;
	v1 =	vor.u32 $0x410, v2  }
0x37: {  	s5 =	sshll.u32 s5, $0x9;
	s18 =	sadd.s32 $0x18600, s7;
	[smem:$0x7F3] =	sst s17;
	[tilespmem:$0x1FD10] =	vst v1;
	v1 =	vor.u32 $0x1400, v0  }
0x38: {  	s0 =	sadd.s32 s2, s5;
	s19 =	sadd.s32 $0x18E00, s7;
	[smem:$0x7F4] =	sst s18;
	[tilespmem:$0x1FD20] =	vst v1;
	v1 =	vor.u32 $0x420, v2  }
0x39: {  	s29 =	simm.s32 $0x14400;
	s20 =	sadd.s32 $0x300000, s0;
	[smem:$0x7F5] =	sst s19;
	[tilespmem:$0x1FD30] =	vst v1;
	v1 =	vor.u32 $0x1600, v0  }
0x3a: {  	s30 =	simm.s32 $0x15400;
	s21 =	sadd.s32 $0x304000, s0;
	[smem:$0x7F7] =	sst s20;
	[tilespmem:$0x1FD40] =	vst v1;
	v1 =	vor.u32 $0x430, v2  }
0x3b: {  	s31 =	sadd.s32 $0x4000, s2;
	s22 =	sadd.s32 $0x308000, s0;
	[smem:$0x7F8] =	sst s21;
	[tilespmem:$0x1FD50] =	vst v1;
	v1 =	vor.u32 $0x1800, v0  }
0x3c: {  	s1 =	sadd.s32 $0x8000, s2;
	s23 =	sadd.s32 $0x30C000, s0;
	[smem:$0x7F9] =	sst s22;
	[tilespmem:$0x1FD60] =	vst v1;
	v1 =	vor.u32 $0x440, v2  }
0x3d: {  	s6 =	sadd.s32 $0xC000, s2;
	s24 =	sadd.s32 $0x310000, s0;
	[smem:$0x7FA] =	sst s23;
	[tilespmem:$0x1FD70] =	vst v1;
	v1 =	vor.u32 $0x1A00, v0  }
0x3e: {  	s25 =	sadd.s32 $0x314000, s0;
	s26 =	sadd.s32 $0x318000, s0;
	[smem:$0x7FB] =	sst s24;
	[tilespmem:$0x1FD80] =	vst v1;
	v1 =	vor.u32 $0x450, v2  }
0x3f: {  	s7 =	simm.s32 $0x3;
	s8 =	simm.s32 $0x4;
	[smem:$0x7FC] =	sst s25;
	[tilespmem:$0x1FD90] =	vst v1;
	v1 =	vor.u32 $0x1C00, v0  }
0x40: {  	s9 =	simm.s32 $0x0;
	[smem:$0x7FD] =	sst s26;
	s14 =	sadd.s32 $0x31C000, s0;
	[tilespmem:$0x1FDA0] =	vst v1;
	v1 =	vor.u32 $0x460, v2  }
0x41: {  	s15 =	simm.s32 $0x200;
	s16 =	simm.s32 $0x6200;
	s17 =	simm.s32 $0x5;
	[tilespmem:$0x1FDB0] =	vst v1;
	v1 =	vor.u32 $0x1E00, v0  }
0x42: {  	s18 =	simm.s32 $0x6400;
	s19 =	simm.s32 $0xA400;
	s20 =	simm.s32 $0x1;
	[tilespmem:$0x1FDC0] =	vst v1;
	v1 =	vor.u32 $0x470, v2  }
0x43: {  	s21 =	simm.s32 $0xE400;
	s22 =	simm.s32 $0xF400;
	s23 =	simm.s32 $0x10400;
	[tilespmem:$0x1FDD0] =	vst v1;
	v1 =	vor.u32 $0x3C00, v0  }
0x44: {  	s24 =	simm.s32 $0x11400;
	s25 =	simm.s32 $0x2;
	s26 =	simm.s32 $0x12400;
	[tilespmem:$0x1FDE0] =	vst v1  }
.LBB2_1:
0x45: {  	s10 =	rddreg [dreg:$0x3]  }
0x46: {  	[tilespmem:s3], [sflag:$0x5] =	stream.linear.gather [hbm4b:s10+s3], $0x200, $0x38;
	[tilespmem:$0x16400] =	vst v63  }
0x47: {  	s12 =	rddreg [dreg:$0x4]  }
0x48: {  	[tilespmem:s15], [sflag:$0x5] =	stream.linear.gather [hbm4b:s12+s3], $0x200, $0x38;
	[tilespmem:$0x16400] =	vst v63  }
0x49: {  	s13 =	rddreg [dreg:$0x5];
	s11 =	simm.s32 $0x400  }
0x4a: {  	[tilespmem:s11], [sflag:$0x5] =	stream.linear.gather [hbm4b:s13+s3], $0x200, $0x38;
	[tilespmem:$0x16400] =	vst v63  }
0x4b: {  	s12 =	rddreg [dreg:$0x6];
	s13 =	simm.s32 $0x600  }
0x4c: {  	[tilespmem:s13], [sflag:$0x5] =	stream.linear.gather [hbm4b:s12+s3], $0x200, $0x38;
	[tilespmem:$0x16400] =	vst v63  }
0x4d: {  	s12 =	rddreg [dreg:$0x7];
	s13 =	simm.s32 $0x800  }
0x4e: {  	[tilespmem:s13], [sflag:$0x5] =	stream.linear.gather [hbm4b:s12+s3], $0x200, $0x38;
	[tilespmem:$0x16400] =	vst v63  }
0x4f: {  	s12 =	rddreg [dreg:$0x8];
	s13 =	simm.s32 $0xA00  }
0x50: {  	[tilespmem:s13], [sflag:$0x5] =	stream.linear.gather [hbm4b:s12+s3], $0x200, $0x38;
	[tilespmem:$0x16400] =	vst v63  }
0x51: {  	s12 =	rddreg [dreg:$0x9];
	s13 =	simm.s32 $0xC00  }
0x52: {  	[tilespmem:s13], [sflag:$0x5] =	stream.linear.gather [hbm4b:s12+s3], $0x200, $0x38;
	[tilespmem:$0x16400] =	vst v63  }
0x53: {  	s12 =	rddreg [dreg:$0xa];
	s13 =	simm.s32 $0xE00  }
0x54: {  	[tilespmem:s13], [sflag:$0x5] =	stream.linear.gather [hbm4b:s12+s3], $0x200, $0x38;
	[tilespmem:$0x16400] =	vst v63  }
0x55: {  	s12 =	rddreg [dreg:$0xb];
	s13 =	simm.s32 $0x1000  }
0x56: {  	[tilespmem:s13], [sflag:$0x5] =	stream.linear.gather [hbm4b:s12+s3], $0x200, $0x38;
	[tilespmem:$0x16400] =	vst v63  }
0x57: {  	s12 =	rddreg [dreg:$0xc];
	s13 =	simm.s32 $0x1200  }
0x58: {  	[tilespmem:s13], [sflag:$0x5] =	stream.linear.gather [hbm4b:s12+s3], $0x200, $0x38;
	[tilespmem:$0x16400] =	vst v63  }
0x59: {  	s12 =	rddreg [dreg:$0xd];
	s13 =	simm.s32 $0x1400  }
0x5a: {  	[tilespmem:s13], [sflag:$0x5] =	stream.linear.gather [hbm4b:s12+s3], $0x200, $0x38;
	[tilespmem:$0x16400] =	vst v63  }
0x5b: {  	s12 =	rddreg [dreg:$0xe];
	s13 =	simm.s32 $0x1600  }
0x5c: {  	[tilespmem:s13], [sflag:$0x5] =	stream.linear.gather [hbm4b:s12+s3], $0x200, $0x38;
	[tilespmem:$0x16400] =	vst v63  }
0x5d: {  	s12 =	rddreg [dreg:$0xf];
	s13 =	simm.s32 $0x1800  }
0x5e: {  	[tilespmem:s13], [sflag:$0x5] =	stream.linear.gather [hbm4b:s12+s3], $0x200, $0x38;
	[tilespmem:$0x16400] =	vst v63  }
0x5f: {  	s12 =	rddreg [dreg:$0x10];
	s13 =	simm.s32 $0x1A00  }
0x60: {  	[tilespmem:s13], [sflag:$0x5] =	stream.linear.gather [hbm4b:s12+s3], $0x200, $0x38;
	[tilespmem:$0x16400] =	vst v63  }
0x61: {  	s12 =	rddreg [dreg:$0x11];
	s13 =	simm.s32 $0x1C00  }
0x62: {  	[tilespmem:s13], [sflag:$0x5] =	stream.linear.gather [hbm4b:s12+s3], $0x200, $0x38;
	[tilespmem:$0x16400] =	vst v63  }
0x63: {  	s12 =	rddreg [dreg:$0x12];
	s13 =	simm.s32 $0x1E00  }
0x64: {  	[tilespmem:s13], [sflag:$0x5] =	stream.linear.gather [hbm4b:s12+s3], $0x200, $0x38;
	[tilespmem:$0x16400] =	vst v63  }
0x65: {  	s12 =	rddreg [dreg:$0x13];
	s13 =	simm.s32 $0x2000  }
0x66: {  	[tilespmem:s13], [sflag:$0x5] =	stream.linear.gather [hbm4b:s12+s3], $0x200, $0x38;
	[tilespmem:$0x16400] =	vst v63  }
0x67: {  	s12 =	rddreg [dreg:$0x14];
	s13 =	simm.s32 $0x2200  }
0x68: {  	[tilespmem:s13], [sflag:$0x5] =	stream.linear.gather [hbm4b:s12+s3], $0x200, $0x38;
	[tilespmem:$0x16400] =	vst v63  }
0x69: {  	s12 =	rddreg [dreg:$0x15];
	s13 =	simm.s32 $0x2400  }
0x6a: {  	[tilespmem:s13], [sflag:$0x5] =	stream.linear.gather [hbm4b:s12+s3], $0x200, $0x38;
	[tilespmem:$0x16400] =	vst v63  }
0x6b: {  	s12 =	rddreg [dreg:$0x16];
	s13 =	simm.s32 $0x2600  }
0x6c: {  	[tilespmem:s13], [sflag:$0x5] =	stream.linear.gather [hbm4b:s12+s3], $0x200, $0x38;
	[tilespmem:$0x16400] =	vst v63  }
0x6d: {  	s12 =	rddreg [dreg:$0x17];
	s13 =	simm.s32 $0x2800  }
0x6e: {  	[tilespmem:s13], [sflag:$0x5] =	stream.linear.gather [hbm4b:s12+s3], $0x200, $0x38;
	[tilespmem:$0x16400] =	vst v63  }
0x6f: {  	s12 =	rddreg [dreg:$0x18];
	s13 =	simm.s32 $0x2A00  }
0x70: {  	[tilespmem:s13], [sflag:$0x5] =	stream.linear.gather [hbm4b:s12+s3], $0x200, $0x38;
	[tilespmem:$0x16400] =	vst v63  }
0x71: {  	s12 =	rddreg [dreg:$0x19];
	s13 =	simm.s32 $0x2C00  }
0x72: {  	[tilespmem:s13], [sflag:$0x5] =	stream.linear.gather [hbm4b:s12+s3], $0x200, $0x38;
	[tilespmem:$0x16400] =	vst v63  }
0x73: {  	s12 =	rddreg [dreg:$0x1a];
	s13 =	simm.s32 $0x2E00  }
0x74: {  	[tilespmem:s13], [sflag:$0x5] =	stream.linear.gather [hbm4b:s12+s3], $0x200, $0x38;
	[tilespmem:$0x16400] =	vst v63  }
0x75: {  	s12 =	rddreg [dreg:$0x1b];
	s13 =	simm.s32 $0x3000  }
0x76: {  	[tilespmem:s13], [sflag:$0x5] =	stream.linear.gather [hbm4b:s12+s3], $0x200, $0x38;
	[tilespmem:$0x16400] =	vst v63  }
0x77: {  	s12 =	rddreg [dreg:$0x1c];
	s13 =	simm.s32 $0x3200  }
0x78: {  	[tilespmem:s13], [sflag:$0x5] =	stream.linear.gather [hbm4b:s12+s3], $0x200, $0x38;
	[tilespmem:$0x16400] =	vst v63  }
0x79: {  	s12 =	rddreg [dreg:$0x1d];
	s13 =	simm.s32 $0x3400  }
0x7a: {  	[tilespmem:s13], [sflag:$0x5] =	stream.linear.gather [hbm4b:s12+s3], $0x200, $0x38;
	[tilespmem:$0x16400] =	vst v63  }
0x7b: {  	s12 =	rddreg [dreg:$0x1e];
	s13 =	simm.s32 $0x3600  }
0x7c: {  	[tilespmem:s13], [sflag:$0x5] =	stream.linear.gather [hbm4b:s12+s3], $0x200, $0x38;
	[tilespmem:$0x16400] =	vst v63  }
0x7d: {  	s12 =	rddreg [dreg:$0x1f];
	s13 =	simm.s32 $0x3800  }
0x7e: {  	[tilespmem:s13], [sflag:$0x5] =	stream.linear.gather [hbm4b:s12+s3], $0x200, $0x38;
	[tilespmem:$0x16400] =	vst v63  }
0x7f: {  	s12 =	sld [smem:$0x7E1];
	_ =	sdelay $0x1  }
0x80: {  	s13 =	simm.s32 $0x3A00  }
0x81: {  	[tilespmem:s13], [sflag:$0x5] =	stream.linear.gather [hbm4b:s12+s3], $0x200, $0x38;
	[tilespmem:$0x16400] =	vst v63  }
0x82: {  	s12 =	sld [smem:$0x7E2];
	_ =	sdelay $0x1  }
0x83: {  	s13 =	simm.s32 $0x3C00  }
0x84: {  	[tilespmem:s13], [sflag:$0x5] =	stream.linear.gather [hbm4b:s12+s3], $0x200, $0x38;
	[tilespmem:$0x16400] =	vst v63  }
0x85: {  	s12 =	sld [smem:$0x7E3];
	_ =	sdelay $0x1  }
0x86: {  	s13 =	simm.s32 $0x3E00  }
0x87: {  	[tilespmem:s13], [sflag:$0x5] =	stream.linear.gather [hbm4b:s12+s3], $0x200, $0x38;
	[tilespmem:$0x16400] =	vst v63  }
0x88: {  	s12 =	sld [smem:$0x7E4];
	_ =	sdelay $0x1  }
0x89: {  	s13 =	simm.s32 $0x4000  }
0x8a: {  	[tilespmem:s13], [sflag:$0x5] =	stream.linear.gather [hbm4b:s12+s3], $0x200, $0x38;
	[tilespmem:$0x16400] =	vst v63  }
0x8b: {  	s12 =	sld [smem:$0x7E5];
	_ =	sdelay $0x1  }
0x8c: {  	s13 =	simm.s32 $0x4200  }
0x8d: {  	[tilespmem:s13], [sflag:$0x5] =	stream.linear.gather [hbm4b:s12+s3], $0x200, $0x38;
	[tilespmem:$0x16400] =	vst v63  }
0x8e: {  	s12 =	sld [smem:$0x7E6];
	_ =	sdelay $0x1  }
0x8f: {  	s13 =	simm.s32 $0x4400  }
0x90: {  	[tilespmem:s13], [sflag:$0x5] =	stream.linear.gather [hbm4b:s12+s3], $0x200, $0x38;
	[tilespmem:$0x16400] =	vst v63  }
0x91: {  	s12 =	sld [smem:$0x7E7];
	_ =	sdelay $0x1  }
0x92: {  	s13 =	simm.s32 $0x4600  }
0x93: {  	[tilespmem:s13], [sflag:$0x5] =	stream.linear.gather [hbm4b:s12+s3], $0x200, $0x38;
	[tilespmem:$0x16400] =	vst v63  }
0x94: {  	s12 =	sld [smem:$0x7E8];
	_ =	sdelay $0x1  }
0x95: {  	s13 =	simm.s32 $0x4800  }
0x96: {  	[tilespmem:s13], [sflag:$0x5] =	stream.linear.gather [hbm4b:s12+s3], $0x200, $0x38;
	[tilespmem:$0x16400] =	vst v63  }
0x97: {  	s12 =	sld [smem:$0x7E9];
	_ =	sdelay $0x1  }
0x98: {  	s13 =	simm.s32 $0x4A00  }
0x99: {  	[tilespmem:s13], [sflag:$0x5] =	stream.linear.gather [hbm4b:s12+s3], $0x200, $0x38;
	[tilespmem:$0x16400] =	vst v63  }
0x9a: {  	s12 =	sld [smem:$0x7EA];
	_ =	sdelay $0x1  }
0x9b: {  	s13 =	simm.s32 $0x4C00  }
0x9c: {  	[tilespmem:s13], [sflag:$0x5] =	stream.linear.gather [hbm4b:s12+s3], $0x200, $0x38;
	[tilespmem:$0x16400] =	vst v63  }
0x9d: {  	s12 =	sld [smem:$0x7EB];
	_ =	sdelay $0x1  }
0x9e: {  	s13 =	simm.s32 $0x4E00  }
0x9f: {  	[tilespmem:s13], [sflag:$0x5] =	stream.linear.gather [hbm4b:s12+s3], $0x200, $0x38;
	[tilespmem:$0x16400] =	vst v63  }
0xa0: {  	s12 =	sld [smem:$0x7EC];
	_ =	sdelay $0x1  }
0xa1: {  	s13 =	simm.s32 $0x5000  }
0xa2: {  	[tilespmem:s13], [sflag:$0x5] =	stream.linear.gather [hbm4b:s12+s3], $0x200, $0x38;
	[tilespmem:$0x16400] =	vst v63  }
0xa3: {  	s12 =	sld [smem:$0x7ED];
	_ =	sdelay $0x1  }
0xa4: {  	s13 =	simm.s32 $0x5200  }
0xa5: {  	[tilespmem:s13], [sflag:$0x5] =	stream.linear.gather [hbm4b:s12+s3], $0x200, $0x38;
	[tilespmem:$0x16400] =	vst v63  }
0xa6: {  	s12 =	sld [smem:$0x7EE];
	_ =	sdelay $0x1  }
0xa7: {  	s13 =	simm.s32 $0x5400  }
0xa8: {  	[tilespmem:s13], [sflag:$0x5] =	stream.linear.gather [hbm4b:s12+s3], $0x200, $0x38;
	[tilespmem:$0x16400] =	vst v63  }
0xa9: {  	s12 =	sld [smem:$0x7EF];
	_ =	sdelay $0x1  }
0xaa: {  	s13 =	simm.s32 $0x5600  }
0xab: {  	[tilespmem:s13], [sflag:$0x5] =	stream.linear.gather [hbm4b:s12+s3], $0x200, $0x38;
	[tilespmem:$0x16400] =	vst v63  }
0xac: {  	s12 =	sld [smem:$0x7F0];
	_ =	sdelay $0x1  }
0xad: {  	s13 =	simm.s32 $0x5800  }
0xae: {  	[tilespmem:s13], [sflag:$0x5] =	stream.linear.gather [hbm4b:s12+s3], $0x200, $0x38;
	[tilespmem:$0x16400] =	vst v63  }
0xaf: {  	s12 =	sld [smem:$0x7F1];
	_ =	sdelay $0x1  }
0xb0: {  	s13 =	simm.s32 $0x5A00  }
0xb1: {  	[tilespmem:s13], [sflag:$0x5] =	stream.linear.gather [hbm4b:s12+s3], $0x200, $0x38;
	[tilespmem:$0x16400] =	vst v63  }
0xb2: {  	s12 =	sld [smem:$0x7F2];
	_ =	sdelay $0x1  }
0xb3: {  	s13 =	simm.s32 $0x5C00  }
0xb4: {  	[tilespmem:s13], [sflag:$0x5] =	stream.linear.gather [hbm4b:s12+s3], $0x200, $0x38;
	[tilespmem:$0x16400] =	vst v63  }
0xb5: {  	s12 =	sld [smem:$0x7F3];
	_ =	sdelay $0x1  }
0xb6: {  	s11 =	sld [smem:$0x7F4];
	s13 =	simm.s32 $0x5E00  }
0xb7: {  	[tilespmem:s13], [sflag:$0x5] =	stream.linear.gather [hbm4b:s12+s3], $0x200, $0x38;
	[tilespmem:$0x16400] =	vst v63  }
0xb8: {  	s12 =	simm.s32 $0x6000;
	s13 =	sld [smem:$0x7F5]  }
0xb9: {  	[tilespmem:s12], [sflag:$0x5] =	stream.linear.gather [hbm4b:s11+s3], $0x200, $0x38;
	[tilespmem:$0x16400] =	vst v63  }
0xba: {  	_ = 	snop  }
0xbb: {  	[tilespmem:s16], [sflag:$0x5] =	stream.linear.gather [hbm4b:s13+s3], $0x200, $0x38;
	[tilespmem:$0x16400] =	vst v63  }
0xbc: {  	_ =	swait.ge [sflag:s17], $0x6400  }
0xbd: {  	[sflag:s17] =	ssyncset.done $0x0  }
0xbe: {  	s10 =	simm.s32 $0x0;
	[sflag:s17] =	ssyncadd.s32 $0xFFFF9C00  }
0xbf: {  	v7 =	vmov v8;
	[tilespmem:s18], [sflag:$0x1] =	stream.indirect.gather [hbm4b:s4+s15], $0x20, s3, s15, $0xb8;
	[tilespmem:$0x16400] =	vst v63  }
.LBB2_2:
0xc0: {  	s11 =	sshllo.u32 s10, $0x1  }
0xc1: {  	s12 =	sshll.u32 s11, $0x9  }
0xc2: {  	s12 =	sand.u32 $0x3FFFFE00, s12  }
0xc3: {  	[tilespmem:s19], [sflag:$0x2] =	stream.indirect.gather [hbm4b:s4+s15], $0x20, s12, s15, $0xb8;
	[tilespmem:$0x16400] =	vst v63  }
0xc4: {  	s13 =	simm.s32 $0x0;
	_ =	swait.ge [sflag:s20], $0x4000  }
0xc5: {  	v0 =	vadd.s32 s13, v2;
	v2 =	vld [tilespmem:$0x1FDF0];
	_ =	sdelay $0x3  }
0xc6: {  	v1 =	vand.u32 $0x1F, v0  }
0xc7: {  	p0 =	seq.s32 s10, $0x0;
	[sflag:s20] =	ssyncset.done $0x0;
	v2 =	vor.u32 v2, v1  }
0xc8: {  	s12 =	simm.s32 @!p0 $0x3;
	[sflag:s20] =	ssyncadd.s32 $0xFFFFC000  }
0xc9: {  	_ =	swait.ge @!p0 [sflag:s12], $0x4000  }
0xca: {  	[sflag:s12] =	ssyncset.done @!p0 $0x0  }
0xcb: {  	v6 =	vmov v3;
	v3 =	vshll.u32 v0, $0x9;
	v0 =	vshll.u32 v0, $0x7;
	[sflag:s12] =	ssyncadd.s32 @!p0 $0xFFFFC000  }
0xcc: {  	v3 =	vand.u32 $0x3000, v3;
	v0 =	vand.u32 $0x380, v0;
	v2 =	vld.idx.msk [tilespmem:v2+s18+$0x0], $0xffff  }
0xcd: {  	v5 =	vlaneseq.u32;
	v0 =	vor.u32 v0, v3  }
0xce: {  	v3 =	vor.u32 v5, v0;
	v5 =	vld [tilespmem:$0x1FC10];
	_ =	sdelay $0x2  }
0xcf: {  	[tilespmem:$0x1FBF0] =	vst v2  }
0xd0: {  	v8 =	vld [tilespmem:$0x1FBF0]  }
0xd1: {  	v2 =	vor.u32 v5, v1;
	_ =	sdelay $0x3  }
0xd2: {  	[tilespmem:v3+s21+$0x0] =	vst.idx.msk $0xffff, v8  }
0xd3: {  	v2 =	vld.idx.msk [tilespmem:v2+s18+$0x0], $0xffff  }
0xd4: {  	v8 =	vld [tilespmem:$0x1FC20];
	_ =	sdelay $0x3  }
0xd5: {  	[tilespmem:$0x1FC00] =	vst v2  }
0xd6: {  	v3 =	vor.u32 v8, v0;
	v10 =	vld [tilespmem:$0x1FC00]  }
0xd7: {  	v12 =	vld [tilespmem:$0x1FC30];
	v2 =	vor.u32 v11, v1  }
0xd8: {  	v13 =	vld [tilespmem:$0x1FC40];
	_ =	sdelay $0x2  }
0xd9: {  	[tilespmem:v3+s21+$0x0] =	vst.idx.msk $0xffff, v10  }
0xda: {  	v3 =	vor.u32 v12, v0;
	v10 =	vld.idx.msk [tilespmem:v2+s18+$0x0], $0xffff  }
0xdb: {  	v14 =	vld [tilespmem:$0x1FC50];
	v2 =	vor.u32 v13, v1  }
0xdc: {  	v15 =	vld [tilespmem:$0x1FC60];
	_ =	sdelay $0x2  }
0xdd: {  	[tilespmem:v3+s21+$0x0] =	vst.idx.msk $0xffff, v10  }
0xde: {  	v3 =	vor.u32 v14, v0;
	v10 =	vld.idx.msk [tilespmem:v2+s18+$0x0], $0xffff  }
0xdf: {  	v16 =	vld [tilespmem:$0x1FC70];
	v2 =	vor.u32 v15, v1  }
0xe0: {  	v17 =	vld [tilespmem:$0x1FC80];
	_ =	sdelay $0x2  }
0xe1: {  	[tilespmem:v3+s21+$0x0] =	vst.idx.msk $0xffff, v10  }
0xe2: {  	v3 =	vor.u32 v16, v0;
	v10 =	vld.idx.msk [tilespmem:v2+s18+$0x0], $0xffff  }
0xe3: {  	v18 =	vld [tilespmem:$0x1FC90];
	v2 =	vor.u32 v17, v1  }
0xe4: {  	v19 =	vld [tilespmem:$0x1FCA0];
	_ =	sdelay $0x2  }
0xe5: {  	[tilespmem:v3+s21+$0x0] =	vst.idx.msk $0xffff, v10  }
0xe6: {  	v3 =	vor.u32 v18, v0;
	v10 =	vld.idx.msk [tilespmem:v2+s18+$0x0], $0xffff  }
0xe7: {  	v20 =	vld [tilespmem:$0x1FCB0];
	v2 =	vor.u32 v19, v1  }
0xe8: {  	v21 =	vld [tilespmem:$0x1FCC0];
	_ =	sdelay $0x2  }
0xe9: {  	[tilespmem:v3+s21+$0x0] =	vst.idx.msk $0xffff, v10  }
0xea: {  	v3 =	vor.u32 v20, v0;
	v10 =	vld.idx.msk [tilespmem:v2+s18+$0x0], $0xffff  }
0xeb: {  	v22 =	vld [tilespmem:$0x1FCD0];
	v2 =	vor.u32 v21, v1  }
0xec: {  	v23 =	vld [tilespmem:$0x1FCE0];
	_ =	sdelay $0x2  }
0xed: {  	[tilespmem:v3+s21+$0x0] =	vst.idx.msk $0xffff, v10  }
0xee: {  	v3 =	vor.u32 v22, v0;
	v10 =	vld.idx.msk [tilespmem:v2+s18+$0x0], $0xffff  }
0xef: {  	v24 =	vld [tilespmem:$0x1FCF0];
	v2 =	vor.u32 v23, v1  }
0xf0: {  	v25 =	vld [tilespmem:$0x1FD00];
	_ =	sdelay $0x2  }
0xf1: {  	[tilespmem:v3+s21+$0x0] =	vst.idx.msk $0xffff, v10  }
0xf2: {  	v3 =	vor.u32 v24, v0;
	v10 =	vld.idx.msk [tilespmem:v2+s18+$0x0], $0xffff  }
0xf3: {  	v26 =	vld [tilespmem:$0x1FD10];
	v2 =	vor.u32 v25, v1  }
0xf4: {  	v27 =	vld [tilespmem:$0x1FD20];
	_ =	sdelay $0x2  }
0xf5: {  	[tilespmem:v3+s21+$0x0] =	vst.idx.msk $0xffff, v10  }
0xf6: {  	v3 =	vor.u32 v26, v0;
	v10 =	vld.idx.msk [tilespmem:v2+s18+$0x0], $0xffff  }
0xf7: {  	v28 =	vld [tilespmem:$0x1FD30];
	v2 =	vor.u32 v27, v1  }
0xf8: {  	v29 =	vld [tilespmem:$0x1FD40];
	_ =	sdelay $0x2  }
0xf9: {  	[tilespmem:v3+s21+$0x0] =	vst.idx.msk $0xffff, v10  }
0xfa: {  	v3 =	vor.u32 v28, v0;
	v10 =	vld.idx.msk [tilespmem:v2+s18+$0x0], $0xffff  }
0xfb: {  	v30 =	vld [tilespmem:$0x1FD50];
	v2 =	vor.u32 v29, v1  }
0xfc: {  	v31 =	vld [tilespmem:$0x1FD60];
	_ =	sdelay $0x2  }
0xfd: {  	[tilespmem:v3+s21+$0x0] =	vst.idx.msk $0xffff, v10  }
0xfe: {  	v3 =	vor.u32 v30, v0;
	v10 =	vld.idx.msk [tilespmem:v2+s18+$0x0], $0xffff  }
0xff: {  	v32 =	vld [tilespmem:$0x1FD70];
	v2 =	vor.u32 v31, v1  }
0x100: {  	v33 =	vld [tilespmem:$0x1FD80];
	_ =	sdelay $0x2  }
0x101: {  	[tilespmem:v3+s21+$0x0] =	vst.idx.msk $0xffff, v10  }
0x102: {  	v3 =	vor.u32 v32, v0;
	v10 =	vld.idx.msk [tilespmem:v2+s18+$0x0], $0xffff  }
0x103: {  	v34 =	vld [tilespmem:$0x1FD90];
	v2 =	vor.u32 v33, v1  }
0x104: {  	v35 =	vld [tilespmem:$0x1FDA0];
	_ =	sdelay $0x2  }
0x105: {  	[tilespmem:v3+s21+$0x0] =	vst.idx.msk $0xffff, v10  }
0x106: {  	v3 =	vor.u32 v34, v0;
	v10 =	vld.idx.msk [tilespmem:v2+s18+$0x0], $0xffff  }
0x107: {  	v36 =	vld [tilespmem:$0x1FDB0];
	v2 =	vor.u32 v35, v1  }
0x108: {  	v37 =	vld [tilespmem:$0x1FDC0];
	_ =	sdelay $0x2  }
0x109: {  	[tilespmem:v3+s21+$0x0] =	vst.idx.msk $0xffff, v10  }
0x10a: {  	v3 =	vor.u32 v36, v0;
	v10 =	vld.idx.msk [tilespmem:v2+s18+$0x0], $0xffff  }
0x10b: {  	v38 =	vld [tilespmem:$0x1FDD0];
	v2 =	vor.u32 v37, v1;
	_ =	sdelay $0x3  }
0x10c: {  	[tilespmem:v3+s21+$0x0] =	vst.idx.msk $0xffff, v10  }
0x10d: {  	v3 =	vor.u32 v38, v0;
	v10 =	vld.idx.msk [tilespmem:v2+s18+$0x0], $0xffff  }
0x10e: {  	v2 =	vor.u32 v39, v1;
	_ =	sdelay $0x3  }
0x10f: {  	[tilespmem:v3+s21+$0x0] =	vst.idx.msk $0xffff, v10  }
0x110: {  	v3 =	vor.u32 v40, v0;
	v10 =	vld.idx.msk [tilespmem:v2+s18+$0x0], $0xffff  }
0x111: {  	v2 =	vor.u32 v41, v1;
	_ =	sdelay $0x3  }
0x112: {  	[tilespmem:v3+s21+$0x0] =	vst.idx.msk $0xffff, v10  }
0x113: {  	v3 =	vor.u32 v42, v0;
	v10 =	vld.idx.msk [tilespmem:v2+s18+$0x0], $0xffff  }
0x114: {  	v2 =	vor.u32 v43, v1;
	_ =	sdelay $0x3  }
0x115: {  	[tilespmem:v3+s21+$0x0] =	vst.idx.msk $0xffff, v10  }
0x116: {  	v3 =	vor.u32 v44, v0;
	v10 =	vld.idx.msk [tilespmem:v2+s18+$0x0], $0xffff  }
0x117: {  	v2 =	vor.u32 v45, v1;
	_ =	sdelay $0x3  }
0x118: {  	[tilespmem:v3+s21+$0x0] =	vst.idx.msk $0xffff, v10  }
0x119: {  	v3 =	vor.u32 v46, v0;
	v10 =	vld.idx.msk [tilespmem:v2+s18+$0x0], $0xffff  }
0x11a: {  	v2 =	vor.u32 v47, v1;
	_ =	sdelay $0x3  }
0x11b: {  	[tilespmem:v3+s21+$0x0] =	vst.idx.msk $0xffff, v10  }
0x11c: {  	v3 =	vor.u32 v48, v0;
	v10 =	vld.idx.msk [tilespmem:v2+s18+$0x0], $0xffff  }
0x11d: {  	v2 =	vor.u32 v49, v1;
	_ =	sdelay $0x3  }
0x11e: {  	[tilespmem:v3+s21+$0x0] =	vst.idx.msk $0xffff, v10  }
0x11f: {  	v3 =	vor.u32 v50, v0;
	v10 =	vld.idx.msk [tilespmem:v2+s18+$0x0], $0xffff  }
0x120: {  	v2 =	vor.u32 v51, v1;
	_ =	sdelay $0x3  }
0x121: {  	[tilespmem:v3+s21+$0x0] =	vst.idx.msk $0xffff, v10  }
0x122: {  	v3 =	vor.u32 v52, v0;
	v10 =	vld.idx.msk [tilespmem:v2+s18+$0x0], $0xffff  }
0x123: {  	v2 =	vor.u32 v53, v1;
	_ =	sdelay $0x3  }
0x124: {  	[tilespmem:v3+s21+$0x0] =	vst.idx.msk $0xffff, v10  }
0x125: {  	v3 =	vor.u32 v54, v0;
	v10 =	vld.idx.msk [tilespmem:v2+s18+$0x0], $0xffff  }
0x126: {  	v2 =	vor.u32 v55, v1;
	_ =	sdelay $0x3  }
0x127: {  	[tilespmem:v3+s21+$0x0] =	vst.idx.msk $0xffff, v10  }
0x128: {  	v3 =	vor.u32 v56, v0;
	v10 =	vld.idx.msk [tilespmem:v2+s18+$0x0], $0xffff  }
0x129: {  	v2 =	vor.u32 v57, v1;
	_ =	sdelay $0x3  }
0x12a: {  	[tilespmem:v3+s21+$0x0] =	vst.idx.msk $0xffff, v10  }
0x12b: {  	v3 =	vor.u32 v58, v0;
	v10 =	vld.idx.msk [tilespmem:v2+s18+$0x0], $0xffff  }
0x12c: {  	v2 =	vor.u32 v59, v1;
	_ =	sdelay $0x3  }
0x12d: {  	[tilespmem:v3+s21+$0x0] =	vst.idx.msk $0xffff, v10  }
0x12e: {  	v3 =	vor.u32 v60, v0;
	v10 =	vld.idx.msk [tilespmem:v2+s18+$0x0], $0xffff  }
0x12f: {  	v2 =	vor.u32 v61, v1;
	_ =	sdelay $0x3  }
0x130: {  	[tilespmem:v3+s21+$0x0] =	vst.idx.msk $0xffff, v10  }
0x131: {  	v3 =	vor.u32 v62, v0;
	v10 =	vld.idx.msk [tilespmem:v2+s18+$0x0], $0xffff  }
0x132: {  	v2 =	vor.u32 v63, v1;
	_ =	sdelay $0x3  }
0x133: {  	[tilespmem:v3+s21+$0x0] =	vst.idx.msk $0xffff, v10  }
0x134: {  	v3 =	vor.u32 v7, v0;
	v10 =	vld.idx.msk [tilespmem:v2+s18+$0x0], $0xffff  }
0x135: {  	v2 =	vor.u32 v6, v1;
	_ =	sdelay $0x3  }
0x136: {  	[tilespmem:v3+s21+$0x0] =	vst.idx.msk $0xffff, v10  }
0x137: {  	v6 =	vld.idx.msk [tilespmem:v2+s18+$0x0], $0xffff  }
0x138: {  	v2 =	vld [tilespmem:$0x1FE10];
	_ =	sdelay $0x4  }
0x139: {  	v3 =	vor.u32 v2, v0;
	v2 =	vld [tilespmem:$0x1FDE0];
	_ =	sdelay $0x4  }
0x13a: {  	v2 =	vor.u32 v2, v1;
	_ =	sdelay $0x3  }
0x13b: {  	[tilespmem:v3+s21+$0x0] =	vst.idx.msk $0xffff, v6  }
0x13c: {  	v3 =	vor.u32 v4, v0;
	v2 =	vld.idx.msk [tilespmem:v2+s18+$0x0], $0xffff  }
0x13d: {  	v1 =	vor.u32 v9, v1;
	_ =	sdelay $0x3  }
0x13e: {  	s13 =	simm.s32 $0x1;
	v10 =	vmov v8;
	v8 =	vld [tilespmem:$0x1FE00];
	[tilespmem:v3+s21+$0x0] =	vst.idx.msk $0xffff, v2;
	v2 =	vlaneseq.u32  }
0x13f: {  	s12 =	simm.s32 $0x2;
	v9 =	vmov v5;
	v6 =	vlaneseq.u32;
	v3 =	vadd.s32 s13, v2;
	v2 =	vld.idx.msk [tilespmem:v1+s18+$0x0], $0xffff  }
.LBB2_3:
0x140: {  	v4 =	vld [tilespmem:$0x1FDF0];
	_ =	sdelay $0x3  }
0x141: {  	v1 =	vand.u32 $0x1F, v3;
	v0 =	vor.u32 v8, v0  }
0x142: {  	v4 =	vor.u32 v4, v1;
	_ =	sdelay $0x1  }
0x143: {  	v5 =	vshll.u32 v3, $0x9;
	v3 =	vshll.u32 v3, $0x7  }
0x144: {  	v5 =	vand.u32 $0x3000, v5;
	v3 =	vand.u32 $0x380, v3  }
0x145: {  	[tilespmem:v0+s21+$0x0] =	vst.idx.msk $0xffff, v2;
	v0 =	vor.u32 v3, v5  }
0x146: {  	v3 =	vor.u32 v6, v0;
	v2 =	vld.idx.msk [tilespmem:v4+s18+$0x0], $0xffff  }
0x147: {  	v4 =	vor.u32 v9, v1;
	_ =	sdelay $0x3  }
0x148: {  	[tilespmem:v3+s21+$0x0] =	vst.idx.msk $0xffff, v2  }
0x149: {  	v3 =	vor.u32 v10, v0;
	v2 =	vld.idx.msk [tilespmem:v4+s18+$0x0], $0xffff  }
0x14a: {  	v4 =	vor.u32 v11, v1;
	_ =	sdelay $0x3  }
0x14b: {  	[tilespmem:v3+s21+$0x0] =	vst.idx.msk $0xffff, v2  }
0x14c: {  	v3 =	vor.u32 v12, v0;
	v2 =	vld.idx.msk [tilespmem:v4+s18+$0x0], $0xffff  }
0x14d: {  	v4 =	vor.u32 v13, v1;
	_ =	sdelay $0x3  }
0x14e: {  	[tilespmem:v3+s21+$0x0] =	vst.idx.msk $0xffff, v2  }
0x14f: {  	v3 =	vor.u32 v14, v0;
	v2 =	vld.idx.msk [tilespmem:v4+s18+$0x0], $0xffff  }
0x150: {  	v4 =	vor.u32 v15, v1;
	_ =	sdelay $0x3  }
0x151: {  	[tilespmem:v3+s21+$0x0] =	vst.idx.msk $0xffff, v2  }
0x152: {  	v3 =	vor.u32 v16, v0;
	v2 =	vld.idx.msk [tilespmem:v4+s18+$0x0], $0xffff  }
0x153: {  	v4 =	vor.u32 v17, v1;
	_ =	sdelay $0x3  }
0x154: {  	[tilespmem:v3+s21+$0x0] =	vst.idx.msk $0xffff, v2  }
0x155: {  	v3 =	vor.u32 v18, v0;
	v2 =	vld.idx.msk [tilespmem:v4+s18+$0x0], $0xffff  }
0x156: {  	v4 =	vor.u32 v19, v1;
	_ =	sdelay $0x3  }
0x157: {  	[tilespmem:v3+s21+$0x0] =	vst.idx.msk $0xffff, v2  }
0x158: {  	v3 =	vor.u32 v20, v0;
	v2 =	vld.idx.msk [tilespmem:v4+s18+$0x0], $0xffff  }
0x159: {  	v4 =	vor.u32 v21, v1;
	_ =	sdelay $0x3  }
0x15a: {  	[tilespmem:v3+s21+$0x0] =	vst.idx.msk $0xffff, v2  }
0x15b: {  	v3 =	vor.u32 v22, v0;
	v2 =	vld.idx.msk [tilespmem:v4+s18+$0x0], $0xffff  }
0x15c: {  	v4 =	vor.u32 v23, v1;
	_ =	sdelay $0x3  }
0x15d: {  	[tilespmem:v3+s21+$0x0] =	vst.idx.msk $0xffff, v2  }
0x15e: {  	v3 =	vor.u32 v24, v0;
	v2 =	vld.idx.msk [tilespmem:v4+s18+$0x0], $0xffff  }
0x15f: {  	v4 =	vor.u32 v25, v1;
	_ =	sdelay $0x3  }
0x160: {  	[tilespmem:v3+s21+$0x0] =	vst.idx.msk $0xffff, v2  }
0x161: {  	v3 =	vor.u32 v26, v0;
	v2 =	vld.idx.msk [tilespmem:v4+s18+$0x0], $0xffff  }
0x162: {  	v4 =	vor.u32 v27, v1;
	_ =	sdelay $0x3  }
0x163: {  	[tilespmem:v3+s21+$0x0] =	vst.idx.msk $0xffff, v2  }
0x164: {  	v3 =	vor.u32 v28, v0;
	v2 =	vld.idx.msk [tilespmem:v4+s18+$0x0], $0xffff  }
0x165: {  	v4 =	vor.u32 v29, v1;
	_ =	sdelay $0x3  }
0x166: {  	[tilespmem:v3+s21+$0x0] =	vst.idx.msk $0xffff, v2  }
0x167: {  	v3 =	vor.u32 v30, v0;
	v2 =	vld.idx.msk [tilespmem:v4+s18+$0x0], $0xffff  }
0x168: {  	v4 =	vor.u32 v31, v1;
	_ =	sdelay $0x3  }
0x169: {  	[tilespmem:v3+s21+$0x0] =	vst.idx.msk $0xffff, v2  }
0x16a: {  	v3 =	vor.u32 v32, v0;
	v2 =	vld.idx.msk [tilespmem:v4+s18+$0x0], $0xffff  }
0x16b: {  	v4 =	vor.u32 v33, v1;
	_ =	sdelay $0x3  }
0x16c: {  	[tilespmem:v3+s21+$0x0] =	vst.idx.msk $0xffff, v2  }
0x16d: {  	v3 =	vor.u32 v34, v0;
	v2 =	vld.idx.msk [tilespmem:v4+s18+$0x0], $0xffff  }
0x16e: {  	v4 =	vor.u32 v35, v1;
	_ =	sdelay $0x3  }
0x16f: {  	[tilespmem:v3+s21+$0x0] =	vst.idx.msk $0xffff, v2  }
0x170: {  	v3 =	vor.u32 v36, v0;
	v2 =	vld.idx.msk [tilespmem:v4+s18+$0x0], $0xffff  }
0x171: {  	v4 =	vor.u32 v37, v1;
	_ =	sdelay $0x3  }
0x172: {  	[tilespmem:v3+s21+$0x0] =	vst.idx.msk $0xffff, v2  }
0x173: {  	v3 =	vor.u32 v38, v0;
	v2 =	vld.idx.msk [tilespmem:v4+s18+$0x0], $0xffff  }
0x174: {  	v4 =	vor.u32 v39, v1;
	_ =	sdelay $0x3  }
0x175: {  	[tilespmem:v3+s21+$0x0] =	vst.idx.msk $0xffff, v2  }
0x176: {  	v3 =	vor.u32 v40, v0;
	v2 =	vld.idx.msk [tilespmem:v4+s18+$0x0], $0xffff  }
0x177: {  	v4 =	vor.u32 v41, v1;
	_ =	sdelay $0x3  }
0x178: {  	[tilespmem:v3+s21+$0x0] =	vst.idx.msk $0xffff, v2  }
0x179: {  	v3 =	vor.u32 v42, v0;
	v2 =	vld.idx.msk [tilespmem:v4+s18+$0x0], $0xffff  }
0x17a: {  	v4 =	vor.u32 v43, v1;
	_ =	sdelay $0x3  }
0x17b: {  	[tilespmem:v3+s21+$0x0] =	vst.idx.msk $0xffff, v2  }
0x17c: {  	v3 =	vor.u32 v44, v0;
	v2 =	vld.idx.msk [tilespmem:v4+s18+$0x0], $0xffff  }
0x17d: {  	v4 =	vor.u32 v45, v1;
	_ =	sdelay $0x3  }
0x17e: {  	[tilespmem:v3+s21+$0x0] =	vst.idx.msk $0xffff, v2  }
0x17f: {  	v3 =	vor.u32 v46, v0;
	v2 =	vld.idx.msk [tilespmem:v4+s18+$0x0], $0xffff  }
0x180: {  	v4 =	vor.u32 v47, v1;
	_ =	sdelay $0x3  }
0x181: {  	[tilespmem:v3+s21+$0x0] =	vst.idx.msk $0xffff, v2  }
0x182: {  	v3 =	vor.u32 v48, v0;
	v2 =	vld.idx.msk [tilespmem:v4+s18+$0x0], $0xffff  }
0x183: {  	v4 =	vor.u32 v49, v1;
	_ =	sdelay $0x3  }
0x184: {  	[tilespmem:v3+s21+$0x0] =	vst.idx.msk $0xffff, v2  }
0x185: {  	v3 =	vor.u32 v50, v0;
	v2 =	vld.idx.msk [tilespmem:v4+s18+$0x0], $0xffff  }
0x186: {  	v4 =	vor.u32 v51, v1;
	_ =	sdelay $0x3  }
0x187: {  	[tilespmem:v3+s21+$0x0] =	vst.idx.msk $0xffff, v2  }
0x188: {  	v3 =	vor.u32 v52, v0;
	v2 =	vld.idx.msk [tilespmem:v4+s18+$0x0], $0xffff  }
0x189: {  	v4 =	vor.u32 v53, v1;
	_ =	sdelay $0x3  }
0x18a: {  	[tilespmem:v3+s21+$0x0] =	vst.idx.msk $0xffff, v2  }
0x18b: {  	v3 =	vor.u32 v54, v0;
	v2 =	vld.idx.msk [tilespmem:v4+s18+$0x0], $0xffff  }
0x18c: {  	v4 =	vor.u32 v55, v1;
	_ =	sdelay $0x3  }
0x18d: {  	[tilespmem:v3+s21+$0x0] =	vst.idx.msk $0xffff, v2  }
0x18e: {  	v3 =	vor.u32 v56, v0;
	v2 =	vld.idx.msk [tilespmem:v4+s18+$0x0], $0xffff  }
0x18f: {  	v4 =	vor.u32 v57, v1;
	_ =	sdelay $0x3  }
0x190: {  	[tilespmem:v3+s21+$0x0] =	vst.idx.msk $0xffff, v2  }
0x191: {  	v3 =	vor.u32 v58, v0;
	v2 =	vld.idx.msk [tilespmem:v4+s18+$0x0], $0xffff  }
0x192: {  	v4 =	vor.u32 v59, v1;
	_ =	sdelay $0x3  }
0x193: {  	[tilespmem:v3+s21+$0x0] =	vst.idx.msk $0xffff, v2  }
0x194: {  	v3 =	vor.u32 v60, v0;
	v2 =	vld.idx.msk [tilespmem:v4+s18+$0x0], $0xffff  }
0x195: {  	v4 =	vor.u32 v61, v1;
	_ =	sdelay $0x3  }
0x196: {  	[tilespmem:v3+s21+$0x0] =	vst.idx.msk $0xffff, v2  }
0x197: {  	v3 =	vor.u32 v62, v0;
	v2 =	vld.idx.msk [tilespmem:v4+s18+$0x0], $0xffff  }
0x198: {  	v4 =	vor.u32 v63, v1;
	_ =	sdelay $0x3  }
0x199: {  	[tilespmem:v3+s21+$0x0] =	vst.idx.msk $0xffff, v2  }
0x19a: {  	v2 =	vld.idx.msk [tilespmem:v4+s18+$0x0], $0xffff  }
0x19b: {  	v4 =	vld [tilespmem:$0x1FE40]  }
0x19c: {  	v3 =	vor.u32 v7, v0;
	_ =	sdelay $0x3  }
0x19d: {  	v4 =	vor.u32 v4, v1  }
0x19e: {  	[tilespmem:v3+s21+$0x0] =	vst.idx.msk $0xffff, v2;
	v3 =	vld [tilespmem:$0x1FE10];
	_ =	sdelay $0x3  }
0x19f: {  	v2 =	vld.idx.msk [tilespmem:v4+s18+$0x0], $0xffff  }
0x1a0: {  	v3 =	vor.u32 v3, v0;
	v4 =	vld [tilespmem:$0x1FDE0];
	_ =	sdelay $0x4  }
0x1a1: {  	v4 =	vor.u32 v4, v1;
	[tilespmem:v3+s21+$0x0] =	vst.idx.msk $0xffff, v2;
	v3 =	vld [tilespmem:$0x1FE20]  }
0x1a2: {  	v5 =	vld [tilespmem:$0x1FE30];
	_ =	sdelay $0x3  }
0x1a3: {  	v2 =	vld.idx.msk [tilespmem:v4+s18+$0x0], $0xffff;
	v3 =	vor.u32 v3, v0  }
0x1a4: {  	p1 =	sne.s32 s12, $0x1F;
	v1 =	vor.u32 v5, v1  }
.Ltmp0:
0x1a5: {  	_ = 	snop;
	(pc) =	sbr.rel @p1 .LBB2_3-.Ltmp0, $3  }
0x1a6: {  	_ =	sdelay $0x1  }
0x1a7: {  	v4 =	vld [tilespmem:$0x1FDF0];
	[tilespmem:v3+s21+$0x0] =	vst.idx.msk $0xffff, v2  }
0x1a8: {  	v3 =	vadd.s32 s12, v6;
	s12 =	sadd.s32 $0x1, s12;
	v2 =	vld.idx.msk [tilespmem:v1+s18+$0x0], $0xffff  }
0x1a9: {  	_ =	sdelay $0x1  }
0x1aa: {  	v1 =	vand.u32 $0x1F, v3;
	v0 =	vor.u32 v8, v0  }
0x1ab: {  	v4 =	vor.u32 v4, v1;
	_ =	sdelay $0x1  }
0x1ac: {  	v5 =	vshll.u32 v3, $0x9;
	v3 =	vshll.u32 v3, $0x7  }
0x1ad: {  	v5 =	vand.u32 $0x3000, v5;
	v3 =	vand.u32 $0x380, v3  }
0x1ae: {  	[tilespmem:v0+s21+$0x0] =	vst.idx.msk $0xffff, v2;
	v0 =	vor.u32 v3, v5  }
0x1af: {  	v3 =	vor.u32 v6, v0;
	v2 =	vld.idx.msk [tilespmem:v4+s18+$0x0], $0xffff  }
0x1b0: {  	v4 =	vor.u32 v9, v1;
	_ =	sdelay $0x3  }
0x1b1: {  	[tilespmem:v3+s21+$0x0] =	vst.idx.msk $0xffff, v2  }
0x1b2: {  	v3 =	vor.u32 v10, v0;
	v2 =	vld.idx.msk [tilespmem:v4+s18+$0x0], $0xffff  }
0x1b3: {  	v4 =	vor.u32 v11, v1;
	_ =	sdelay $0x3  }
0x1b4: {  	[tilespmem:v3+s21+$0x0] =	vst.idx.msk $0xffff, v2  }
0x1b5: {  	v3 =	vor.u32 v12, v0;
	v2 =	vld.idx.msk [tilespmem:v4+s18+$0x0], $0xffff  }
0x1b6: {  	v4 =	vor.u32 v13, v1;
	_ =	sdelay $0x3  }
0x1b7: {  	[tilespmem:v3+s21+$0x0] =	vst.idx.msk $0xffff, v2  }
0x1b8: {  	v3 =	vor.u32 v14, v0;
	v2 =	vld.idx.msk [tilespmem:v4+s18+$0x0], $0xffff  }
0x1b9: {  	v4 =	vor.u32 v15, v1;
	_ =	sdelay $0x3  }
0x1ba: {  	[tilespmem:v3+s21+$0x0] =	vst.idx.msk $0xffff, v2  }
0x1bb: {  	v3 =	vor.u32 v16, v0;
	v2 =	vld.idx.msk [tilespmem:v4+s18+$0x0], $0xffff  }
0x1bc: {  	v4 =	vor.u32 v17, v1;
	_ =	sdelay $0x3  }
0x1bd: {  	[tilespmem:v3+s21+$0x0] =	vst.idx.msk $0xffff, v2  }
0x1be: {  	v3 =	vor.u32 v18, v0;
	v2 =	vld.idx.msk [tilespmem:v4+s18+$0x0], $0xffff  }
0x1bf: {  	v4 =	vor.u32 v19, v1;
	_ =	sdelay $0x3  }
0x1c0: {  	[tilespmem:v3+s21+$0x0] =	vst.idx.msk $0xffff, v2  }
0x1c1: {  	v3 =	vor.u32 v20, v0;
	v2 =	vld.idx.msk [tilespmem:v4+s18+$0x0], $0xffff  }
0x1c2: {  	v4 =	vor.u32 v21, v1;
	_ =	sdelay $0x3  }
0x1c3: {  	[tilespmem:v3+s21+$0x0] =	vst.idx.msk $0xffff, v2  }
0x1c4: {  	v3 =	vor.u32 v22, v0;
	v2 =	vld.idx.msk [tilespmem:v4+s18+$0x0], $0xffff  }
0x1c5: {  	v4 =	vor.u32 v23, v1;
	_ =	sdelay $0x3  }
0x1c6: {  	[tilespmem:v3+s21+$0x0] =	vst.idx.msk $0xffff, v2  }
0x1c7: {  	v3 =	vor.u32 v24, v0;
	v2 =	vld.idx.msk [tilespmem:v4+s18+$0x0], $0xffff  }
0x1c8: {  	v4 =	vor.u32 v25, v1;
	_ =	sdelay $0x3  }
0x1c9: {  	[tilespmem:v3+s21+$0x0] =	vst.idx.msk $0xffff, v2  }
0x1ca: {  	v3 =	vor.u32 v26, v0;
	v2 =	vld.idx.msk [tilespmem:v4+s18+$0x0], $0xffff  }
0x1cb: {  	v4 =	vor.u32 v27, v1;
	_ =	sdelay $0x3  }
0x1cc: {  	[tilespmem:v3+s21+$0x0] =	vst.idx.msk $0xffff, v2  }
0x1cd: {  	v3 =	vor.u32 v28, v0;
	v2 =	vld.idx.msk [tilespmem:v4+s18+$0x0], $0xffff  }
0x1ce: {  	v4 =	vor.u32 v29, v1;
	_ =	sdelay $0x3  }
0x1cf: {  	[tilespmem:v3+s21+$0x0] =	vst.idx.msk $0xffff, v2  }
0x1d0: {  	v3 =	vor.u32 v30, v0;
	v2 =	vld.idx.msk [tilespmem:v4+s18+$0x0], $0xffff  }
0x1d1: {  	v4 =	vor.u32 v31, v1;
	_ =	sdelay $0x3  }
0x1d2: {  	[tilespmem:v3+s21+$0x0] =	vst.idx.msk $0xffff, v2  }
0x1d3: {  	v3 =	vor.u32 v32, v0;
	v2 =	vld.idx.msk [tilespmem:v4+s18+$0x0], $0xffff  }
0x1d4: {  	v4 =	vor.u32 v33, v1;
	_ =	sdelay $0x3  }
0x1d5: {  	[tilespmem:v3+s21+$0x0] =	vst.idx.msk $0xffff, v2  }
0x1d6: {  	v3 =	vor.u32 v34, v0;
	v2 =	vld.idx.msk [tilespmem:v4+s18+$0x0], $0xffff  }
0x1d7: {  	v4 =	vor.u32 v35, v1;
	_ =	sdelay $0x3  }
0x1d8: {  	[tilespmem:v3+s21+$0x0] =	vst.idx.msk $0xffff, v2  }
0x1d9: {  	v3 =	vor.u32 v36, v0;
	v2 =	vld.idx.msk [tilespmem:v4+s18+$0x0], $0xffff  }
0x1da: {  	v4 =	vor.u32 v37, v1;
	_ =	sdelay $0x3  }
0x1db: {  	[tilespmem:v3+s21+$0x0] =	vst.idx.msk $0xffff, v2  }
0x1dc: {  	v3 =	vor.u32 v38, v0;
	v2 =	vld.idx.msk [tilespmem:v4+s18+$0x0], $0xffff  }
0x1dd: {  	v4 =	vor.u32 v39, v1;
	_ =	sdelay $0x3  }
0x1de: {  	[tilespmem:v3+s21+$0x0] =	vst.idx.msk $0xffff, v2  }
0x1df: {  	v3 =	vor.u32 v40, v0;
	v2 =	vld.idx.msk [tilespmem:v4+s18+$0x0], $0xffff  }
0x1e0: {  	v4 =	vor.u32 v41, v1;
	_ =	sdelay $0x3  }
0x1e1: {  	[tilespmem:v3+s21+$0x0] =	vst.idx.msk $0xffff, v2  }
0x1e2: {  	v3 =	vor.u32 v42, v0;
	v2 =	vld.idx.msk [tilespmem:v4+s18+$0x0], $0xffff  }
0x1e3: {  	v4 =	vor.u32 v43, v1;
	_ =	sdelay $0x3  }
0x1e4: {  	[tilespmem:v3+s21+$0x0] =	vst.idx.msk $0xffff, v2  }
0x1e5: {  	v3 =	vor.u32 v44, v0;
	v2 =	vld.idx.msk [tilespmem:v4+s18+$0x0], $0xffff  }
0x1e6: {  	v4 =	vor.u32 v45, v1;
	_ =	sdelay $0x3  }
0x1e7: {  	[tilespmem:v3+s21+$0x0] =	vst.idx.msk $0xffff, v2  }
0x1e8: {  	v3 =	vor.u32 v46, v0;
	v2 =	vld.idx.msk [tilespmem:v4+s18+$0x0], $0xffff  }
0x1e9: {  	v4 =	vor.u32 v47, v1;
	_ =	sdelay $0x3  }
0x1ea: {  	[tilespmem:v3+s21+$0x0] =	vst.idx.msk $0xffff, v2  }
0x1eb: {  	v3 =	vor.u32 v48, v0;
	v2 =	vld.idx.msk [tilespmem:v4+s18+$0x0], $0xffff  }
0x1ec: {  	v4 =	vor.u32 v49, v1;
	_ =	sdelay $0x3  }
0x1ed: {  	[tilespmem:v3+s21+$0x0] =	vst.idx.msk $0xffff, v2  }
0x1ee: {  	v3 =	vor.u32 v50, v0;
	v2 =	vld.idx.msk [tilespmem:v4+s18+$0x0], $0xffff  }
0x1ef: {  	v4 =	vor.u32 v51, v1;
	_ =	sdelay $0x3  }
0x1f0: {  	[tilespmem:v3+s21+$0x0] =	vst.idx.msk $0xffff, v2  }
0x1f1: {  	v3 =	vor.u32 v52, v0;
	v2 =	vld.idx.msk [tilespmem:v4+s18+$0x0], $0xffff  }
0x1f2: {  	v4 =	vor.u32 v53, v1;
	_ =	sdelay $0x3  }
0x1f3: {  	[tilespmem:v3+s21+$0x0] =	vst.idx.msk $0xffff, v2  }
0x1f4: {  	v3 =	vor.u32 v54, v0;
	v2 =	vld.idx.msk [tilespmem:v4+s18+$0x0], $0xffff  }
0x1f5: {  	v4 =	vor.u32 v55, v1;
	_ =	sdelay $0x3  }
0x1f6: {  	[tilespmem:v3+s21+$0x0] =	vst.idx.msk $0xffff, v2  }
0x1f7: {  	v3 =	vor.u32 v56, v0;
	v2 =	vld.idx.msk [tilespmem:v4+s18+$0x0], $0xffff  }
0x1f8: {  	v4 =	vor.u32 v57, v1;
	_ =	sdelay $0x3  }
0x1f9: {  	[tilespmem:v3+s21+$0x0] =	vst.idx.msk $0xffff, v2  }
0x1fa: {  	v3 =	vor.u32 v58, v0;
	v2 =	vld.idx.msk [tilespmem:v4+s18+$0x0], $0xffff  }
0x1fb: {  	v4 =	vor.u32 v59, v1;
	_ =	sdelay $0x3  }
0x1fc: {  	[tilespmem:v3+s21+$0x0] =	vst.idx.msk $0xffff, v2  }
0x1fd: {  	v3 =	vor.u32 v60, v0;
	v2 =	vld.idx.msk [tilespmem:v4+s18+$0x0], $0xffff  }
0x1fe: {  	v4 =	vor.u32 v61, v1;
	_ =	sdelay $0x3  }
0x1ff: {  	[tilespmem:v3+s21+$0x0] =	vst.idx.msk $0xffff, v2  }
0x200: {  	v3 =	vor.u32 v62, v0;
	v2 =	vld.idx.msk [tilespmem:v4+s18+$0x0], $0xffff  }
0x201: {  	v4 =	vor.u32 v63, v1;
	_ =	sdelay $0x3  }
0x202: {  	[tilespmem:v3+s21+$0x0] =	vst.idx.msk $0xffff, v2  }
0x203: {  	v2 =	vld.idx.msk [tilespmem:v4+s18+$0x0], $0xffff  }
0x204: {  	v3 =	vor.u32 v7, v0;
	v4 =	vld [tilespmem:$0x1FE40];
	_ =	sdelay $0x4  }
0x205: {  	v4 =	vor.u32 v4, v1;
	[tilespmem:v3+s21+$0x0] =	vst.idx.msk $0xffff, v2;
	v3 =	vld [tilespmem:$0x1FE10];
	_ =	sdelay $0x3  }
0x206: {  	v5 =	vld [tilespmem:$0x1FDE0]  }
0x207: {  	v2 =	vld.idx.msk [tilespmem:v4+s18+$0x0], $0xffff;
	v3 =	vor.u32 v3, v0;
	_ =	sdelay $0x3  }
0x208: {  	v4 =	vor.u32 v5, v1  }
0x209: {  	[tilespmem:v3+s21+$0x0] =	vst.idx.msk $0xffff, v2;
	v3 =	vld [tilespmem:$0x1FE20];
	_ =	sdelay $0x3  }
0x20a: {  	v2 =	vld.idx.msk [tilespmem:v4+s18+$0x0], $0xffff  }
0x20b: {  	v4 =	vld [tilespmem:$0x1FE30];
	v3 =	vor.u32 v3, v0;
	_ =	sdelay $0x4  }
0x20c: {  	v1 =	vor.u32 v4, v1;
	[tilespmem:v3+s21+$0x0] =	vst.idx.msk $0xffff, v2;
	v2 =	vld [tilespmem:$0x1FE00];
	_ =	sdelay $0x4  }
0x20d: {  	v1 =	vld.idx.msk [tilespmem:v1+s18+$0x0], $0xffff;
	v0 =	vor.u32 v2, v0;
	_ =	sdelay $0x2  }
0x20e: {  	s12 =	sshll.u32 s10, $0x11  }
0x20f: {  	s12 =	sor.u32 s5, s12  }
0x210: {  	s13 =	sadd.s32 s2, s12;
	[tilespmem:v0+s21+$0x0] =	vst.idx.msk $0xffff, v1  }
0x211: {  	[hbm4b:s13+s3] =	stream.linear.scatter [tilespmem:s21], [sflag:$0x3], $0x1000, $0x38;
	[tilespmem:$0x16400] =	vst v63  }
0x212: {  	s13 =	sadd.s32 s12, s31  }
0x213: {  	[hbm4b:s13+s3] =	stream.linear.scatter [tilespmem:s22], [sflag:$0x3], $0x1000, $0x38;
	[tilespmem:$0x16400] =	vst v63  }
0x214: {  	s13 =	sadd.s32 s12, s1  }
0x215: {  	[hbm4b:s13+s3] =	stream.linear.scatter [tilespmem:s23], [sflag:$0x3], $0x1000, $0x38;
	[tilespmem:$0x16400] =	vst v63  }
0x216: {  	s12 =	sadd.s32 s12, s6;
	s13 =	sshll.u32 s10, $0xA  }
0x217: {  	[hbm4b:s12+s3] =	stream.linear.scatter [tilespmem:s24], [sflag:$0x3], $0x1000, $0x38;
	[tilespmem:$0x16400] =	vst v63  }
0x218: {  	s12 =	sand.u32 $0x3FFFFC00, s13  }
0x219: {  	s12 =	sadd.s32 $0x400, s12  }
0x21a: {  	[tilespmem:s18], [sflag:$0x1] =	stream.indirect.gather [hbm4b:s4+s15], $0x20, s12, s15, $0xb8;
	[tilespmem:$0x16400] =	vst v63  }
0x21b: {  	_ =	swait.ge [sflag:s25], $0x4000  }
0x21c: {  	v2 =	vld [tilespmem:$0x1FDF0];
	_ =	sdelay $0x1  }
0x21d: {  	s13 =	simm.s32 $0x0  }
0x21e: {  	v0 =	vadd.s32 s13, v6;
	[sflag:s25] =	ssyncset.done $0x0  }
0x21f: {  	v1 =	vand.u32 $0x1F, v0;
	s12 =	simm.s32 @!p0 $0x4;
	[sflag:s25] =	ssyncadd.s32 $0xFFFFC000  }
0x220: {  	_ =	swait.ge @!p0 [sflag:s12], $0x4000;
	v2 =	vor.u32 v2, v1  }
0x221: {  	v4 =	vld [tilespmem:$0x1FC10]  }
0x222: {  	v3 =	vshll.u32 v0, $0x9;
	v0 =	vshll.u32 v0, $0x7  }
0x223: {  	v3 =	vand.u32 $0x3000, v3;
	v0 =	vand.u32 $0x380, v0;
	[sflag:s12] =	ssyncset.done @!p0 $0x0  }
0x224: {  	v0 =	vor.u32 v0, v3;
	[sflag:s12] =	ssyncadd.s32 @!p0 $0xFFFFC000  }
0x225: {  	v3 =	vor.u32 v6, v0;
	v2 =	vld.idx.msk [tilespmem:v2+s19+$0x0], $0xffff  }
0x226: {  	v4 =	vor.u32 v4, v1;
	_ =	sdelay $0x3  }
0x227: {  	[tilespmem:v3+s26+$0x0] =	vst.idx.msk $0xffff, v2;
	v3 =	vld [tilespmem:$0x1FC20]  }
0x228: {  	v2 =	vld.idx.msk [tilespmem:v4+s19+$0x0], $0xffff  }
0x229: {  	v4 =	vld [tilespmem:$0x1FF20];
	_ =	sdelay $0x3  }
0x22a: {  	v3 =	vor.u32 v3, v0  }
0x22b: {  	v4 =	vor.u32 v4, v1;
	_ =	sdelay $0x3  }
0x22c: {  	[tilespmem:v3+s26+$0x0] =	vst.idx.msk $0xffff, v2;
	v3 =	vld [tilespmem:$0x1FC30]  }
0x22d: {  	v2 =	vld.idx.msk [tilespmem:v4+s19+$0x0], $0xffff  }
0x22e: {  	v4 =	vld [tilespmem:$0x1FC40];
	_ =	sdelay $0x3  }
0x22f: {  	v3 =	vor.u32 v3, v0  }
0x230: {  	v4 =	vor.u32 v4, v1;
	_ =	sdelay $0x3  }
0x231: {  	[tilespmem:v3+s26+$0x0] =	vst.idx.msk $0xffff, v2;
	v3 =	vld [tilespmem:$0x1FC50]  }
0x232: {  	v2 =	vld.idx.msk [tilespmem:v4+s19+$0x0], $0xffff  }
0x233: {  	v4 =	vld [tilespmem:$0x1FC60];
	_ =	sdelay $0x3  }
0x234: {  	v3 =	vor.u32 v3, v0  }
0x235: {  	v4 =	vor.u32 v4, v1;
	_ =	sdelay $0x3  }
0x236: {  	[tilespmem:v3+s26+$0x0] =	vst.idx.msk $0xffff, v2;
	v3 =	vld [tilespmem:$0x1FC70]  }
0x237: {  	v2 =	vld.idx.msk [tilespmem:v4+s19+$0x0], $0xffff  }
0x238: {  	v4 =	vld [tilespmem:$0x1FC80];
	_ =	sdelay $0x3  }
0x239: {  	v3 =	vor.u32 v3, v0  }
0x23a: {  	v4 =	vor.u32 v4, v1;
	_ =	sdelay $0x3  }
0x23b: {  	[tilespmem:v3+s26+$0x0] =	vst.idx.msk $0xffff, v2;
	v3 =	vld [tilespmem:$0x1FC90]  }
0x23c: {  	v2 =	vld.idx.msk [tilespmem:v4+s19+$0x0], $0xffff  }
0x23d: {  	v4 =	vld [tilespmem:$0x1FCA0];
	_ =	sdelay $0x3  }
0x23e: {  	v3 =	vor.u32 v3, v0  }
0x23f: {  	v4 =	vor.u32 v4, v1;
	_ =	sdelay $0x3  }
0x240: {  	[tilespmem:v3+s26+$0x0] =	vst.idx.msk $0xffff, v2;
	v3 =	vld [tilespmem:$0x1FCB0]  }
0x241: {  	v2 =	vld.idx.msk [tilespmem:v4+s19+$0x0], $0xffff  }
0x242: {  	v4 =	vld [tilespmem:$0x1FCC0];
	_ =	sdelay $0x3  }
0x243: {  	v3 =	vor.u32 v3, v0  }
0x244: {  	v4 =	vor.u32 v4, v1;
	_ =	sdelay $0x3  }
0x245: {  	[tilespmem:v3+s26+$0x0] =	vst.idx.msk $0xffff, v2;
	v3 =	vld [tilespmem:$0x1FCD0]  }
0x246: {  	v2 =	vld.idx.msk [tilespmem:v4+s19+$0x0], $0xffff  }
0x247: {  	v4 =	vld [tilespmem:$0x1FCE0];
	_ =	sdelay $0x3  }
0x248: {  	v3 =	vor.u32 v3, v0  }
0x249: {  	v4 =	vor.u32 v4, v1;
	_ =	sdelay $0x3  }
0x24a: {  	[tilespmem:v3+s26+$0x0] =	vst.idx.msk $0xffff, v2;
	v3 =	vld [tilespmem:$0x1FCF0]  }
0x24b: {  	v2 =	vld.idx.msk [tilespmem:v4+s19+$0x0], $0xffff  }
0x24c: {  	v4 =	vld [tilespmem:$0x1FD00];
	_ =	sdelay $0x3  }
0x24d: {  	v3 =	vor.u32 v3, v0  }
0x24e: {  	v4 =	vor.u32 v4, v1;
	_ =	sdelay $0x3  }
0x24f: {  	[tilespmem:v3+s26+$0x0] =	vst.idx.msk $0xffff, v2;
	v3 =	vld [tilespmem:$0x1FD10]  }
0x250: {  	v2 =	vld.idx.msk [tilespmem:v4+s19+$0x0], $0xffff  }
0x251: {  	v4 =	vld [tilespmem:$0x1FD20];
	_ =	sdelay $0x3  }
0x252: {  	v3 =	vor.u32 v3, v0  }
0x253: {  	v4 =	vor.u32 v4, v1;
	_ =	sdelay $0x3  }
0x254: {  	[tilespmem:v3+s26+$0x0] =	vst.idx.msk $0xffff, v2;
	v3 =	vld [tilespmem:$0x1FD30]  }
0x255: {  	v2 =	vld.idx.msk [tilespmem:v4+s19+$0x0], $0xffff  }
0x256: {  	v4 =	vld [tilespmem:$0x1FD40];
	_ =	sdelay $0x3  }
0x257: {  	v3 =	vor.u32 v3, v0  }
0x258: {  	v4 =	vor.u32 v4, v1;
	_ =	sdelay $0x3  }
0x259: {  	[tilespmem:v3+s26+$0x0] =	vst.idx.msk $0xffff, v2;
	v3 =	vld [tilespmem:$0x1FD50]  }
0x25a: {  	v2 =	vld.idx.msk [tilespmem:v4+s19+$0x0], $0xffff  }
0x25b: {  	v4 =	vld [tilespmem:$0x1FD60];
	_ =	sdelay $0x3  }
0x25c: {  	v3 =	vor.u32 v3, v0  }
0x25d: {  	v4 =	vor.u32 v4, v1;
	_ =	sdelay $0x3  }
0x25e: {  	[tilespmem:v3+s26+$0x0] =	vst.idx.msk $0xffff, v2;
	v3 =	vld [tilespmem:$0x1FD70]  }
0x25f: {  	v2 =	vld.idx.msk [tilespmem:v4+s19+$0x0], $0xffff  }
0x260: {  	v4 =	vld [tilespmem:$0x1FD80];
	_ =	sdelay $0x3  }
0x261: {  	v3 =	vor.u32 v3, v0  }
0x262: {  	v4 =	vor.u32 v4, v1;
	_ =	sdelay $0x3  }
0x263: {  	[tilespmem:v3+s26+$0x0] =	vst.idx.msk $0xffff, v2;
	v3 =	vld [tilespmem:$0x1FD90]  }
0x264: {  	v2 =	vld.idx.msk [tilespmem:v4+s19+$0x0], $0xffff  }
0x265: {  	v4 =	vld [tilespmem:$0x1FDA0];
	_ =	sdelay $0x3  }
0x266: {  	v3 =	vor.u32 v3, v0  }
0x267: {  	v4 =	vor.u32 v4, v1;
	_ =	sdelay $0x3  }
0x268: {  	[tilespmem:v3+s26+$0x0] =	vst.idx.msk $0xffff, v2;
	v3 =	vld [tilespmem:$0x1FDB0]  }
0x269: {  	v2 =	vld.idx.msk [tilespmem:v4+s19+$0x0], $0xffff  }
0x26a: {  	v4 =	vld [tilespmem:$0x1FDC0];
	_ =	sdelay $0x3  }
0x26b: {  	v3 =	vor.u32 v3, v0  }
0x26c: {  	v4 =	vor.u32 v4, v1;
	_ =	sdelay $0x3  }
0x26d: {  	[tilespmem:v3+s26+$0x0] =	vst.idx.msk $0xffff, v2;
	v3 =	vld [tilespmem:$0x1FDD0]  }
0x26e: {  	v2 =	vld.idx.msk [tilespmem:v4+s19+$0x0], $0xffff  }
0x26f: {  	v4 =	vld [tilespmem:$0x1FF30];
	_ =	sdelay $0x3  }
0x270: {  	v3 =	vor.u32 v3, v0  }
0x271: {  	v4 =	vor.u32 v4, v1;
	_ =	sdelay $0x3  }
0x272: {  	[tilespmem:v3+s26+$0x0] =	vst.idx.msk $0xffff, v2;
	v3 =	vld [tilespmem:$0x1FE50]  }
0x273: {  	v2 =	vld.idx.msk [tilespmem:v4+s19+$0x0], $0xffff  }
0x274: {  	v4 =	vld [tilespmem:$0x1FF40];
	_ =	sdelay $0x3  }
0x275: {  	v3 =	vor.u32 v3, v0  }
0x276: {  	v4 =	vor.u32 v4, v1;
	_ =	sdelay $0x3  }
0x277: {  	[tilespmem:v3+s26+$0x0] =	vst.idx.msk $0xffff, v2;
	v3 =	vld [tilespmem:$0x1FE60]  }
0x278: {  	v2 =	vld.idx.msk [tilespmem:v4+s19+$0x0], $0xffff  }
0x279: {  	v4 =	vld [tilespmem:$0x1FF50];
	_ =	sdelay $0x3  }
0x27a: {  	v3 =	vor.u32 v3, v0  }
0x27b: {  	v4 =	vor.u32 v4, v1;
	_ =	sdelay $0x3  }
0x27c: {  	[tilespmem:v3+s26+$0x0] =	vst.idx.msk $0xffff, v2;
	v3 =	vld [tilespmem:$0x1FE70]  }
0x27d: {  	v2 =	vld.idx.msk [tilespmem:v4+s19+$0x0], $0xffff  }
0x27e: {  	v4 =	vld [tilespmem:$0x1FF60];
	_ =	sdelay $0x3  }
0x27f: {  	v3 =	vor.u32 v3, v0  }
0x280: {  	v4 =	vor.u32 v4, v1;
	_ =	sdelay $0x3  }
0x281: {  	[tilespmem:v3+s26+$0x0] =	vst.idx.msk $0xffff, v2;
	v3 =	vld [tilespmem:$0x1FE80]  }
0x282: {  	v2 =	vld.idx.msk [tilespmem:v4+s19+$0x0], $0xffff  }
0x283: {  	v4 =	vld [tilespmem:$0x1FF70];
	_ =	sdelay $0x3  }
0x284: {  	v3 =	vor.u32 v3, v0  }
0x285: {  	v4 =	vor.u32 v4, v1;
	_ =	sdelay $0x3  }
0x286: {  	[tilespmem:v3+s26+$0x0] =	vst.idx.msk $0xffff, v2;
	v3 =	vld [tilespmem:$0x1FE90]  }
0x287: {  	v2 =	vld.idx.msk [tilespmem:v4+s19+$0x0], $0xffff  }
0x288: {  	v4 =	vld [tilespmem:$0x1FF80];
	_ =	sdelay $0x3  }
0x289: {  	v3 =	vor.u32 v3, v0  }
0x28a: {  	v4 =	vor.u32 v4, v1;
	_ =	sdelay $0x3  }
0x28b: {  	[tilespmem:v3+s26+$0x0] =	vst.idx.msk $0xffff, v2;
	v3 =	vld [tilespmem:$0x1FEA0]  }
0x28c: {  	v2 =	vld.idx.msk [tilespmem:v4+s19+$0x0], $0xffff  }
0x28d: {  	v4 =	vld [tilespmem:$0x1FF90];
	_ =	sdelay $0x3  }
0x28e: {  	v3 =	vor.u32 v3, v0  }
0x28f: {  	v4 =	vor.u32 v4, v1;
	_ =	sdelay $0x3  }
0x290: {  	[tilespmem:v3+s26+$0x0] =	vst.idx.msk $0xffff, v2;
	v3 =	vld [tilespmem:$0x1FEB0]  }
0x291: {  	v2 =	vld.idx.msk [tilespmem:v4+s19+$0x0], $0xffff  }
0x292: {  	v4 =	vld [tilespmem:$0x1FFA0];
	_ =	sdelay $0x3  }
0x293: {  	v3 =	vor.u32 v3, v0  }
0x294: {  	v4 =	vor.u32 v4, v1;
	_ =	sdelay $0x3  }
0x295: {  	[tilespmem:v3+s26+$0x0] =	vst.idx.msk $0xffff, v2;
	v3 =	vld [tilespmem:$0x1FEC0]  }
0x296: {  	v2 =	vld.idx.msk [tilespmem:v4+s19+$0x0], $0xffff  }
0x297: {  	v4 =	vld [tilespmem:$0x1FFB0];
	_ =	sdelay $0x3  }
0x298: {  	v3 =	vor.u32 v3, v0  }
0x299: {  	v4 =	vor.u32 v4, v1;
	_ =	sdelay $0x3  }
0x29a: {  	[tilespmem:v3+s26+$0x0] =	vst.idx.msk $0xffff, v2;
	v3 =	vld [tilespmem:$0x1FED0]  }
0x29b: {  	v2 =	vld.idx.msk [tilespmem:v4+s19+$0x0], $0xffff  }
0x29c: {  	v4 =	vld [tilespmem:$0x1FFC0];
	_ =	sdelay $0x3  }
0x29d: {  	v3 =	vor.u32 v3, v0  }
0x29e: {  	v4 =	vor.u32 v4, v1;
	_ =	sdelay $0x3  }
0x29f: {  	[tilespmem:v3+s26+$0x0] =	vst.idx.msk $0xffff, v2;
	v3 =	vld [tilespmem:$0x1FEE0]  }
0x2a0: {  	v2 =	vld.idx.msk [tilespmem:v4+s19+$0x0], $0xffff  }
0x2a1: {  	v4 =	vld [tilespmem:$0x1FFD0];
	_ =	sdelay $0x2  }
0x2a2: {  	v3 =	vor.u32 v3, v0;
	_ =	sdelay $0x1  }
0x2a3: {  	v4 =	vor.u32 v4, v1;
	_ =	sdelay $0x2  }
0x2a4: {  	[tilespmem:v3+s26+$0x0] =	vst.idx.msk $0xffff, v2;
	v3 =	vld [tilespmem:$0x1FEF0];
	_ =	sdelay $0x1  }
0x2a5: {  	v2 =	vld.idx.msk [tilespmem:v4+s19+$0x0], $0xffff  }
0x2a6: {  	v4 =	vld [tilespmem:$0x1FFE0];
	_ =	sdelay $0x1  }
0x2a7: {  	v3 =	vor.u32 v3, v0;
	_ =	sdelay $0x2  }
0x2a8: {  	v4 =	vor.u32 v4, v1;
	_ =	sdelay $0x1  }
0x2a9: {  	[tilespmem:v3+s26+$0x0] =	vst.idx.msk $0xffff, v2;
	v3 =	vld [tilespmem:$0x1FF00];
	_ =	sdelay $0x2  }
0x2aa: {  	v2 =	vld.idx.msk [tilespmem:v4+s19+$0x0], $0xffff  }
0x2ab: {  	v4 =	vld [tilespmem:$0x1FFF0]  }
0x2ac: {  	v3 =	vor.u32 v3, v0;
	_ =	sdelay $0x3  }
0x2ad: {  	v4 =	vor.u32 v4, v1  }
0x2ae: {  	[tilespmem:v3+s26+$0x0] =	vst.idx.msk $0xffff, v2;
	v3 =	vld [tilespmem:$0x1FF10];
	_ =	sdelay $0x3  }
0x2af: {  	v2 =	vld.idx.msk [tilespmem:v4+s19+$0x0], $0xffff  }
0x2b0: {  	v4 =	vld [tilespmem:$0x1FE40];
	v3 =	vor.u32 v3, v0;
	_ =	sdelay $0x4  }
0x2b1: {  	v4 =	vor.u32 v4, v1;
	[tilespmem:v3+s26+$0x0] =	vst.idx.msk $0xffff, v2;
	v3 =	vld [tilespmem:$0x1FE10];
	_ =	sdelay $0x4  }
0x2b2: {  	v2 =	vld.idx.msk [tilespmem:v4+s19+$0x0], $0xffff;
	v3 =	vor.u32 v3, v0  }
0x2b3: {  	v4 =	vor.u32 v5, v1;
	_ =	sdelay $0x3  }
0x2b4: {  	[tilespmem:v3+s26+$0x0] =	vst.idx.msk $0xffff, v2;
	v3 =	vld [tilespmem:$0x1FE20]  }
0x2b5: {  	v2 =	vld.idx.msk [tilespmem:v4+s19+$0x0], $0xffff  }
0x2b6: {  	v4 =	vld [tilespmem:$0x1FE30];
	_ =	sdelay $0x3  }
0x2b7: {  	v3 =	vor.u32 v3, v0  }
0x2b8: {  	v1 =	vor.u32 v4, v1;
	_ =	sdelay $0x3  }
0x2b9: {  	s13 =	simm.s32 $0x1;
	[tilespmem:v3+s26+$0x0] =	vst.idx.msk $0xffff, v2  }
0x2ba: {  	s12 =	simm.s32 $0x2;
	v3 =	vadd.s32 s13, v6;
	v2 =	vld.idx.msk [tilespmem:v1+s19+$0x0], $0xffff  }
.LBB2_5:
0x2bb: {  	v4 =	vld [tilespmem:$0x1FDF0];
	_ =	sdelay $0x3  }
0x2bc: {  	v1 =	vand.u32 $0x1F, v3;
	v0 =	vor.u32 v8, v0  }
0x2bd: {  	v4 =	vor.u32 v4, v1;
	_ =	sdelay $0x1  }
0x2be: {  	v5 =	vshll.u32 v3, $0x9;
	v3 =	vshll.u32 v3, $0x7  }
0x2bf: {  	v5 =	vand.u32 $0x3000, v5;
	v3 =	vand.u32 $0x380, v3  }
0x2c0: {  	[tilespmem:v0+s26+$0x0] =	vst.idx.msk $0xffff, v2;
	v0 =	vor.u32 v3, v5  }
0x2c1: {  	v3 =	vor.u32 v6, v0;
	v2 =	vld.idx.msk [tilespmem:v4+s19+$0x0], $0xffff  }
0x2c2: {  	v4 =	vor.u32 v9, v1;
	_ =	sdelay $0x3  }
0x2c3: {  	[tilespmem:v3+s26+$0x0] =	vst.idx.msk $0xffff, v2  }
0x2c4: {  	v3 =	vor.u32 v10, v0;
	v2 =	vld.idx.msk [tilespmem:v4+s19+$0x0], $0xffff  }
0x2c5: {  	v4 =	vor.u32 v11, v1;
	_ =	sdelay $0x3  }
0x2c6: {  	[tilespmem:v3+s26+$0x0] =	vst.idx.msk $0xffff, v2  }
0x2c7: {  	v3 =	vor.u32 v12, v0;
	v2 =	vld.idx.msk [tilespmem:v4+s19+$0x0], $0xffff  }
0x2c8: {  	v4 =	vor.u32 v13, v1;
	_ =	sdelay $0x3  }
0x2c9: {  	[tilespmem:v3+s26+$0x0] =	vst.idx.msk $0xffff, v2  }
0x2ca: {  	v3 =	vor.u32 v14, v0;
	v2 =	vld.idx.msk [tilespmem:v4+s19+$0x0], $0xffff  }
0x2cb: {  	v4 =	vor.u32 v15, v1;
	_ =	sdelay $0x3  }
0x2cc: {  	[tilespmem:v3+s26+$0x0] =	vst.idx.msk $0xffff, v2  }
0x2cd: {  	v3 =	vor.u32 v16, v0;
	v2 =	vld.idx.msk [tilespmem:v4+s19+$0x0], $0xffff  }
0x2ce: {  	v4 =	vor.u32 v17, v1;
	_ =	sdelay $0x3  }
0x2cf: {  	[tilespmem:v3+s26+$0x0] =	vst.idx.msk $0xffff, v2  }
0x2d0: {  	v3 =	vor.u32 v18, v0;
	v2 =	vld.idx.msk [tilespmem:v4+s19+$0x0], $0xffff  }
0x2d1: {  	v4 =	vor.u32 v19, v1;
	_ =	sdelay $0x3  }
0x2d2: {  	[tilespmem:v3+s26+$0x0] =	vst.idx.msk $0xffff, v2  }
0x2d3: {  	v3 =	vor.u32 v20, v0;
	v2 =	vld.idx.msk [tilespmem:v4+s19+$0x0], $0xffff  }
0x2d4: {  	v4 =	vor.u32 v21, v1;
	_ =	sdelay $0x3  }
0x2d5: {  	[tilespmem:v3+s26+$0x0] =	vst.idx.msk $0xffff, v2  }
0x2d6: {  	v3 =	vor.u32 v22, v0;
	v2 =	vld.idx.msk [tilespmem:v4+s19+$0x0], $0xffff  }
0x2d7: {  	v4 =	vor.u32 v23, v1;
	_ =	sdelay $0x3  }
0x2d8: {  	[tilespmem:v3+s26+$0x0] =	vst.idx.msk $0xffff, v2  }
0x2d9: {  	v3 =	vor.u32 v24, v0;
	v2 =	vld.idx.msk [tilespmem:v4+s19+$0x0], $0xffff  }
0x2da: {  	v4 =	vor.u32 v25, v1;
	_ =	sdelay $0x3  }
0x2db: {  	[tilespmem:v3+s26+$0x0] =	vst.idx.msk $0xffff, v2  }
0x2dc: {  	v3 =	vor.u32 v26, v0;
	v2 =	vld.idx.msk [tilespmem:v4+s19+$0x0], $0xffff  }
0x2dd: {  	v4 =	vor.u32 v27, v1;
	_ =	sdelay $0x3  }
0x2de: {  	[tilespmem:v3+s26+$0x0] =	vst.idx.msk $0xffff, v2  }
0x2df: {  	v3 =	vor.u32 v28, v0;
	v2 =	vld.idx.msk [tilespmem:v4+s19+$0x0], $0xffff  }
0x2e0: {  	v4 =	vor.u32 v29, v1;
	_ =	sdelay $0x3  }
0x2e1: {  	[tilespmem:v3+s26+$0x0] =	vst.idx.msk $0xffff, v2  }
0x2e2: {  	v3 =	vor.u32 v30, v0;
	v2 =	vld.idx.msk [tilespmem:v4+s19+$0x0], $0xffff  }
0x2e3: {  	v4 =	vor.u32 v31, v1;
	_ =	sdelay $0x3  }
0x2e4: {  	[tilespmem:v3+s26+$0x0] =	vst.idx.msk $0xffff, v2  }
0x2e5: {  	v3 =	vor.u32 v32, v0;
	v2 =	vld.idx.msk [tilespmem:v4+s19+$0x0], $0xffff  }
0x2e6: {  	v4 =	vor.u32 v33, v1;
	_ =	sdelay $0x3  }
0x2e7: {  	[tilespmem:v3+s26+$0x0] =	vst.idx.msk $0xffff, v2  }
0x2e8: {  	v3 =	vor.u32 v34, v0;
	v2 =	vld.idx.msk [tilespmem:v4+s19+$0x0], $0xffff  }
0x2e9: {  	v4 =	vor.u32 v35, v1;
	_ =	sdelay $0x3  }
0x2ea: {  	[tilespmem:v3+s26+$0x0] =	vst.idx.msk $0xffff, v2  }
0x2eb: {  	v3 =	vor.u32 v36, v0;
	v2 =	vld.idx.msk [tilespmem:v4+s19+$0x0], $0xffff  }
0x2ec: {  	v4 =	vor.u32 v37, v1;
	_ =	sdelay $0x3  }
0x2ed: {  	[tilespmem:v3+s26+$0x0] =	vst.idx.msk $0xffff, v2  }
0x2ee: {  	v3 =	vor.u32 v38, v0;
	v2 =	vld.idx.msk [tilespmem:v4+s19+$0x0], $0xffff  }
0x2ef: {  	v4 =	vor.u32 v39, v1;
	_ =	sdelay $0x3  }
0x2f0: {  	[tilespmem:v3+s26+$0x0] =	vst.idx.msk $0xffff, v2  }
0x2f1: {  	v3 =	vor.u32 v40, v0;
	v2 =	vld.idx.msk [tilespmem:v4+s19+$0x0], $0xffff  }
0x2f2: {  	v4 =	vor.u32 v41, v1;
	_ =	sdelay $0x3  }
0x2f3: {  	[tilespmem:v3+s26+$0x0] =	vst.idx.msk $0xffff, v2  }
0x2f4: {  	v3 =	vor.u32 v42, v0;
	v2 =	vld.idx.msk [tilespmem:v4+s19+$0x0], $0xffff  }
0x2f5: {  	v4 =	vor.u32 v43, v1;
	_ =	sdelay $0x3  }
0x2f6: {  	[tilespmem:v3+s26+$0x0] =	vst.idx.msk $0xffff, v2  }
0x2f7: {  	v3 =	vor.u32 v44, v0;
	v2 =	vld.idx.msk [tilespmem:v4+s19+$0x0], $0xffff  }
0x2f8: {  	v4 =	vor.u32 v45, v1;
	_ =	sdelay $0x3  }
0x2f9: {  	[tilespmem:v3+s26+$0x0] =	vst.idx.msk $0xffff, v2  }
0x2fa: {  	v3 =	vor.u32 v46, v0;
	v2 =	vld.idx.msk [tilespmem:v4+s19+$0x0], $0xffff  }
0x2fb: {  	v4 =	vor.u32 v47, v1;
	_ =	sdelay $0x3  }
0x2fc: {  	[tilespmem:v3+s26+$0x0] =	vst.idx.msk $0xffff, v2  }
0x2fd: {  	v3 =	vor.u32 v48, v0;
	v2 =	vld.idx.msk [tilespmem:v4+s19+$0x0], $0xffff  }
0x2fe: {  	v4 =	vor.u32 v49, v1;
	_ =	sdelay $0x3  }
0x2ff: {  	[tilespmem:v3+s26+$0x0] =	vst.idx.msk $0xffff, v2  }
0x300: {  	v3 =	vor.u32 v50, v0;
	v2 =	vld.idx.msk [tilespmem:v4+s19+$0x0], $0xffff  }
0x301: {  	v4 =	vor.u32 v51, v1;
	_ =	sdelay $0x3  }
0x302: {  	[tilespmem:v3+s26+$0x0] =	vst.idx.msk $0xffff, v2  }
0x303: {  	v3 =	vor.u32 v52, v0;
	v2 =	vld.idx.msk [tilespmem:v4+s19+$0x0], $0xffff  }
0x304: {  	v4 =	vor.u32 v53, v1;
	_ =	sdelay $0x3  }
0x305: {  	[tilespmem:v3+s26+$0x0] =	vst.idx.msk $0xffff, v2  }
0x306: {  	v3 =	vor.u32 v54, v0;
	v2 =	vld.idx.msk [tilespmem:v4+s19+$0x0], $0xffff  }
0x307: {  	v4 =	vor.u32 v55, v1;
	_ =	sdelay $0x3  }
0x308: {  	[tilespmem:v3+s26+$0x0] =	vst.idx.msk $0xffff, v2  }
0x309: {  	v3 =	vor.u32 v56, v0;
	v2 =	vld.idx.msk [tilespmem:v4+s19+$0x0], $0xffff  }
0x30a: {  	v4 =	vor.u32 v57, v1;
	_ =	sdelay $0x3  }
0x30b: {  	[tilespmem:v3+s26+$0x0] =	vst.idx.msk $0xffff, v2  }
0x30c: {  	v3 =	vor.u32 v58, v0;
	v2 =	vld.idx.msk [tilespmem:v4+s19+$0x0], $0xffff  }
0x30d: {  	v4 =	vor.u32 v59, v1;
	_ =	sdelay $0x3  }
0x30e: {  	[tilespmem:v3+s26+$0x0] =	vst.idx.msk $0xffff, v2  }
0x30f: {  	v3 =	vor.u32 v60, v0;
	v2 =	vld.idx.msk [tilespmem:v4+s19+$0x0], $0xffff  }
0x310: {  	v4 =	vor.u32 v61, v1;
	_ =	sdelay $0x3  }
0x311: {  	[tilespmem:v3+s26+$0x0] =	vst.idx.msk $0xffff, v2  }
0x312: {  	v3 =	vor.u32 v62, v0;
	v2 =	vld.idx.msk [tilespmem:v4+s19+$0x0], $0xffff  }
0x313: {  	v4 =	vor.u32 v63, v1;
	_ =	sdelay $0x3  }
0x314: {  	[tilespmem:v3+s26+$0x0] =	vst.idx.msk $0xffff, v2  }
0x315: {  	v2 =	vld.idx.msk [tilespmem:v4+s19+$0x0], $0xffff  }
0x316: {  	v4 =	vld [tilespmem:$0x1FE40];
	_ =	sdelay $0x3  }
0x317: {  	v3 =	vor.u32 v7, v0  }
0x318: {  	v4 =	vor.u32 v4, v1;
	_ =	sdelay $0x3  }
0x319: {  	[tilespmem:v3+s26+$0x0] =	vst.idx.msk $0xffff, v2;
	v3 =	vld [tilespmem:$0x1FE10]  }
0x31a: {  	v2 =	vld.idx.msk [tilespmem:v4+s19+$0x0], $0xffff  }
0x31b: {  	v4 =	vld [tilespmem:$0x1FDE0];
	_ =	sdelay $0x3  }
0x31c: {  	v3 =	vor.u32 v3, v0  }
0x31d: {  	v4 =	vor.u32 v4, v1;
	_ =	sdelay $0x3  }
0x31e: {  	[tilespmem:v3+s26+$0x0] =	vst.idx.msk $0xffff, v2;
	v3 =	vld [tilespmem:$0x1FE20]  }
0x31f: {  	v2 =	vld.idx.msk [tilespmem:v4+s19+$0x0], $0xffff  }
0x320: {  	v4 =	vld [tilespmem:$0x1FE30];
	_ =	sdelay $0x3  }
0x321: {  	v3 =	vor.u32 v3, v0  }
0x322: {  	p0 =	sne.s32 s12, $0x1F;
	v1 =	vor.u32 v4, v1  }
.Ltmp1:
0x323: {  	_ = 	snop;
	(pc) =	sbr.rel @p0 .LBB2_5-.Ltmp1, $3  }
0x324: {  	_ =	sdelay $0x1  }
0x325: {  	[tilespmem:v3+s26+$0x0] =	vst.idx.msk $0xffff, v2  }
0x326: {  	v3 =	vadd.s32 s12, v6;
	s12 =	sadd.s32 $0x1, s12;
	v2 =	vld.idx.msk [tilespmem:v1+s19+$0x0], $0xffff  }
0x327: {  	v4 =	vld [tilespmem:$0x1FDF0];
	_ =	sdelay $0x3  }
0x328: {  	v1 =	vand.u32 $0x1F, v3;
	v0 =	vor.u32 v8, v0  }
0x329: {  	v4 =	vor.u32 v4, v1;
	_ =	sdelay $0x1  }
0x32a: {  	v5 =	vshll.u32 v3, $0x9;
	v3 =	vshll.u32 v3, $0x7  }
0x32b: {  	v5 =	vand.u32 $0x3000, v5;
	v3 =	vand.u32 $0x380, v3  }
0x32c: {  	[tilespmem:v0+s26+$0x0] =	vst.idx.msk $0xffff, v2;
	v0 =	vor.u32 v3, v5  }
0x32d: {  	v3 =	vor.u32 v6, v0;
	v2 =	vld.idx.msk [tilespmem:v4+s19+$0x0], $0xffff  }
0x32e: {  	v4 =	vor.u32 v9, v1;
	_ =	sdelay $0x3  }
0x32f: {  	[tilespmem:v3+s26+$0x0] =	vst.idx.msk $0xffff, v2  }
0x330: {  	v3 =	vor.u32 v10, v0;
	v2 =	vld.idx.msk [tilespmem:v4+s19+$0x0], $0xffff  }
0x331: {  	v4 =	vor.u32 v11, v1;
	_ =	sdelay $0x3  }
0x332: {  	[tilespmem:v3+s26+$0x0] =	vst.idx.msk $0xffff, v2  }
0x333: {  	v3 =	vor.u32 v12, v0;
	v2 =	vld.idx.msk [tilespmem:v4+s19+$0x0], $0xffff  }
0x334: {  	v4 =	vor.u32 v13, v1;
	_ =	sdelay $0x3  }
0x335: {  	[tilespmem:v3+s26+$0x0] =	vst.idx.msk $0xffff, v2  }
0x336: {  	v3 =	vor.u32 v14, v0;
	v2 =	vld.idx.msk [tilespmem:v4+s19+$0x0], $0xffff  }
0x337: {  	v4 =	vor.u32 v15, v1;
	_ =	sdelay $0x3  }
0x338: {  	[tilespmem:v3+s26+$0x0] =	vst.idx.msk $0xffff, v2  }
0x339: {  	v3 =	vor.u32 v16, v0;
	v2 =	vld.idx.msk [tilespmem:v4+s19+$0x0], $0xffff  }
0x33a: {  	v4 =	vor.u32 v17, v1;
	_ =	sdelay $0x3  }
0x33b: {  	[tilespmem:v3+s26+$0x0] =	vst.idx.msk $0xffff, v2  }
0x33c: {  	v3 =	vor.u32 v18, v0;
	v2 =	vld.idx.msk [tilespmem:v4+s19+$0x0], $0xffff  }
0x33d: {  	v4 =	vor.u32 v19, v1;
	_ =	sdelay $0x3  }
0x33e: {  	[tilespmem:v3+s26+$0x0] =	vst.idx.msk $0xffff, v2  }
0x33f: {  	v3 =	vor.u32 v20, v0;
	v2 =	vld.idx.msk [tilespmem:v4+s19+$0x0], $0xffff  }
0x340: {  	v4 =	vor.u32 v21, v1;
	_ =	sdelay $0x3  }
0x341: {  	[tilespmem:v3+s26+$0x0] =	vst.idx.msk $0xffff, v2  }
0x342: {  	v3 =	vor.u32 v22, v0;
	v2 =	vld.idx.msk [tilespmem:v4+s19+$0x0], $0xffff  }
0x343: {  	v4 =	vor.u32 v23, v1;
	_ =	sdelay $0x3  }
0x344: {  	[tilespmem:v3+s26+$0x0] =	vst.idx.msk $0xffff, v2  }
0x345: {  	v3 =	vor.u32 v24, v0;
	v2 =	vld.idx.msk [tilespmem:v4+s19+$0x0], $0xffff  }
0x346: {  	v4 =	vor.u32 v25, v1;
	_ =	sdelay $0x3  }
0x347: {  	[tilespmem:v3+s26+$0x0] =	vst.idx.msk $0xffff, v2  }
0x348: {  	v3 =	vor.u32 v26, v0;
	v2 =	vld.idx.msk [tilespmem:v4+s19+$0x0], $0xffff  }
0x349: {  	v4 =	vor.u32 v27, v1;
	_ =	sdelay $0x3  }
0x34a: {  	[tilespmem:v3+s26+$0x0] =	vst.idx.msk $0xffff, v2  }
0x34b: {  	v3 =	vor.u32 v28, v0;
	v2 =	vld.idx.msk [tilespmem:v4+s19+$0x0], $0xffff  }
0x34c: {  	v4 =	vor.u32 v29, v1;
	_ =	sdelay $0x3  }
0x34d: {  	[tilespmem:v3+s26+$0x0] =	vst.idx.msk $0xffff, v2  }
0x34e: {  	v3 =	vor.u32 v30, v0;
	v2 =	vld.idx.msk [tilespmem:v4+s19+$0x0], $0xffff  }
0x34f: {  	v4 =	vor.u32 v31, v1;
	_ =	sdelay $0x3  }
0x350: {  	[tilespmem:v3+s26+$0x0] =	vst.idx.msk $0xffff, v2  }
0x351: {  	v3 =	vor.u32 v32, v0;
	v2 =	vld.idx.msk [tilespmem:v4+s19+$0x0], $0xffff  }
0x352: {  	v4 =	vor.u32 v33, v1;
	_ =	sdelay $0x3  }
0x353: {  	[tilespmem:v3+s26+$0x0] =	vst.idx.msk $0xffff, v2  }
0x354: {  	v3 =	vor.u32 v34, v0;
	v2 =	vld.idx.msk [tilespmem:v4+s19+$0x0], $0xffff  }
0x355: {  	v4 =	vor.u32 v35, v1;
	_ =	sdelay $0x3  }
0x356: {  	[tilespmem:v3+s26+$0x0] =	vst.idx.msk $0xffff, v2  }
0x357: {  	v3 =	vor.u32 v36, v0;
	v2 =	vld.idx.msk [tilespmem:v4+s19+$0x0], $0xffff  }
0x358: {  	v4 =	vor.u32 v37, v1;
	_ =	sdelay $0x3  }
0x359: {  	[tilespmem:v3+s26+$0x0] =	vst.idx.msk $0xffff, v2  }
0x35a: {  	v3 =	vor.u32 v38, v0;
	v2 =	vld.idx.msk [tilespmem:v4+s19+$0x0], $0xffff  }
0x35b: {  	v4 =	vor.u32 v39, v1;
	_ =	sdelay $0x3  }
0x35c: {  	[tilespmem:v3+s26+$0x0] =	vst.idx.msk $0xffff, v2  }
0x35d: {  	v3 =	vor.u32 v40, v0;
	v2 =	vld.idx.msk [tilespmem:v4+s19+$0x0], $0xffff  }
0x35e: {  	v4 =	vor.u32 v41, v1;
	_ =	sdelay $0x3  }
0x35f: {  	[tilespmem:v3+s26+$0x0] =	vst.idx.msk $0xffff, v2  }
0x360: {  	v3 =	vor.u32 v42, v0;
	v2 =	vld.idx.msk [tilespmem:v4+s19+$0x0], $0xffff  }
0x361: {  	v4 =	vor.u32 v43, v1;
	_ =	sdelay $0x3  }
0x362: {  	[tilespmem:v3+s26+$0x0] =	vst.idx.msk $0xffff, v2  }
0x363: {  	v3 =	vor.u32 v44, v0;
	v2 =	vld.idx.msk [tilespmem:v4+s19+$0x0], $0xffff  }
0x364: {  	v4 =	vor.u32 v45, v1;
	_ =	sdelay $0x3  }
0x365: {  	[tilespmem:v3+s26+$0x0] =	vst.idx.msk $0xffff, v2  }
0x366: {  	v3 =	vor.u32 v46, v0;
	v2 =	vld.idx.msk [tilespmem:v4+s19+$0x0], $0xffff  }
0x367: {  	v4 =	vor.u32 v47, v1;
	_ =	sdelay $0x3  }
0x368: {  	[tilespmem:v3+s26+$0x0] =	vst.idx.msk $0xffff, v2  }
0x369: {  	v3 =	vor.u32 v48, v0;
	v2 =	vld.idx.msk [tilespmem:v4+s19+$0x0], $0xffff  }
0x36a: {  	v4 =	vor.u32 v49, v1;
	_ =	sdelay $0x3  }
0x36b: {  	[tilespmem:v3+s26+$0x0] =	vst.idx.msk $0xffff, v2  }
0x36c: {  	v3 =	vor.u32 v50, v0;
	v2 =	vld.idx.msk [tilespmem:v4+s19+$0x0], $0xffff  }
0x36d: {  	v4 =	vor.u32 v51, v1;
	_ =	sdelay $0x3  }
0x36e: {  	[tilespmem:v3+s26+$0x0] =	vst.idx.msk $0xffff, v2  }
0x36f: {  	v3 =	vor.u32 v52, v0;
	v2 =	vld.idx.msk [tilespmem:v4+s19+$0x0], $0xffff  }
0x370: {  	v4 =	vor.u32 v53, v1;
	_ =	sdelay $0x3  }
0x371: {  	[tilespmem:v3+s26+$0x0] =	vst.idx.msk $0xffff, v2  }
0x372: {  	v3 =	vor.u32 v54, v0;
	v2 =	vld.idx.msk [tilespmem:v4+s19+$0x0], $0xffff  }
0x373: {  	v4 =	vor.u32 v55, v1;
	_ =	sdelay $0x3  }
0x374: {  	[tilespmem:v3+s26+$0x0] =	vst.idx.msk $0xffff, v2  }
0x375: {  	v3 =	vor.u32 v56, v0;
	v2 =	vld.idx.msk [tilespmem:v4+s19+$0x0], $0xffff  }
0x376: {  	v4 =	vor.u32 v57, v1;
	_ =	sdelay $0x3  }
0x377: {  	[tilespmem:v3+s26+$0x0] =	vst.idx.msk $0xffff, v2  }
0x378: {  	v3 =	vor.u32 v58, v0;
	v2 =	vld.idx.msk [tilespmem:v4+s19+$0x0], $0xffff  }
0x379: {  	v4 =	vor.u32 v59, v1;
	_ =	sdelay $0x3  }
0x37a: {  	[tilespmem:v3+s26+$0x0] =	vst.idx.msk $0xffff, v2  }
0x37b: {  	v3 =	vor.u32 v60, v0;
	v2 =	vld.idx.msk [tilespmem:v4+s19+$0x0], $0xffff  }
0x37c: {  	v4 =	vor.u32 v61, v1;
	_ =	sdelay $0x3  }
0x37d: {  	[tilespmem:v3+s26+$0x0] =	vst.idx.msk $0xffff, v2  }
0x37e: {  	v3 =	vor.u32 v62, v0;
	v2 =	vld.idx.msk [tilespmem:v4+s19+$0x0], $0xffff  }
0x37f: {  	v4 =	vor.u32 v63, v1  }
0x380: {  	v5 =	vld [tilespmem:$0x1FE40];
	_ =	sdelay $0x2  }
0x381: {  	[tilespmem:v3+s26+$0x0] =	vst.idx.msk $0xffff, v2  }
0x382: {  	v3 =	vor.u32 v7, v0;
	v2 =	vld.idx.msk [tilespmem:v4+s19+$0x0], $0xffff  }
0x383: {  	v4 =	vor.u32 v5, v1;
	_ =	sdelay $0x3  }
0x384: {  	v6 =	vld [tilespmem:$0x1FE10];
	[tilespmem:v3+s26+$0x0] =	vst.idx.msk $0xffff, v2  }
0x385: {  	v2 =	vld.idx.msk [tilespmem:v4+s19+$0x0], $0xffff  }
0x386: {  	v4 =	vld [tilespmem:$0x1FDE0];
	_ =	sdelay $0x3  }
0x387: {  	v3 =	vor.u32 v6, v0  }
0x388: {  	v4 =	vor.u32 v4, v1;
	_ =	sdelay $0x3  }
0x389: {  	[tilespmem:v3+s26+$0x0] =	vst.idx.msk $0xffff, v2  }
0x38a: {  	v2 =	vld.idx.msk [tilespmem:v4+s19+$0x0], $0xffff  }
0x38b: {  	v4 =	vld [tilespmem:$0x1FE20];
	_ =	sdelay $0x4  }
0x38c: {  	v9 =	vld [tilespmem:$0x1FE30];
	v3 =	vor.u32 v4, v0;
	_ =	sdelay $0x4  }
0x38d: {  	v1 =	vor.u32 v9, v1;
	[tilespmem:v3+s26+$0x0] =	vst.idx.msk $0xffff, v2;
	v2 =	vld [tilespmem:$0x1FE00];
	_ =	sdelay $0x4  }
0x38e: {  	v1 =	vld.idx.msk [tilespmem:v1+s19+$0x0], $0xffff;
	v0 =	vor.u32 v2, v0;
	_ =	sdelay $0x3  }
0x38f: {  	s11 =	sshll.u32 s11, $0x10  }
0x390: {  	s10 =	sadd.s32 $0x1, s10;
	s12 =	sadd.s32 s11, s0;
	s11 =	sor.u32 s5, s11;
	[tilespmem:v0+s26+$0x0] =	vst.idx.msk $0xffff, v1  }
0x391: {  	[hbm4b:s12+s3] =	stream.linear.scatter [tilespmem:s26], [sflag:$0x4], $0x1000, $0x38;
	[tilespmem:$0x16400] =	vst v63  }
0x392: {  	p0 =	sne.s32 s10, $0x18;
	s13 =	sadd.s32 s11, s31  }
0x393: {  	[hbm4b:s13+s3] =	stream.linear.scatter [tilespmem:s28], [sflag:$0x4], $0x1000, $0x38;
	[tilespmem:$0x16400] =	vst v63  }
.Ltmp2:
0x394: {  	_ = 	snop;
	(pc) =	sbr.rel @p0 .LBB2_2-.Ltmp2, $4  }
0x395: {  	s13 =	sadd.s32 s11, s1  }
0x396: {  	[hbm4b:s13+s3] =	stream.linear.scatter [tilespmem:s29], [sflag:$0x4], $0x1000, $0x38;
	[tilespmem:$0x16400] =	vst v63  }
0x397: {  	s11 =	sadd.s32 s11, s6  }
0x398: {  	v3 =	vmov v5;
	v2 =	vlaneseq.u32;
	[hbm4b:s11+s3] =	stream.linear.scatter [tilespmem:s30], [sflag:$0x4], $0x1000, $0x38;
	[tilespmem:$0x16400] =	vst v63  }
0x399: {  	[tilespmem:s19], [sflag:$0x2] =	stream.indirect.gather [hbm4b:s4+s15], $0x20, s16, s15, $0xb8;
	[tilespmem:$0x16400] =	vst v63  }
0x39a: {  	s10 =	simm.s32 $0x0;
	_ =	swait.ge [sflag:s20], $0x4000  }
0x39b: {  	v0 =	vadd.s32 s10, v2;
	v2 =	vld [tilespmem:$0x1FDF0];
	_ =	sdelay $0x2  }
0x39c: {  	[sflag:s20] =	ssyncset.done $0x0  }
0x39d: {  	v1 =	vand.u32 $0x1F, v0;
	[sflag:s20] =	ssyncadd.s32 $0xFFFFC000  }
0x39e: {  	_ =	swait.ge [sflag:s7], $0x4000;
	v2 =	vor.u32 v2, v1  }
0x39f: {  	v13 =	vmov v11;
	v11 =	vld [tilespmem:$0x1FC10]  }
0x3a0: {  	v3 =	vshll.u32 v0, $0x9;
	v0 =	vshll.u32 v0, $0x7  }
0x3a1: {  	v3 =	vand.u32 $0x3000, v3;
	v0 =	vand.u32 $0x380, v0;
	[sflag:s7] =	ssyncset.done $0x0  }
0x3a2: {  	v8 =	vlaneseq.u32;
	v0 =	vor.u32 v0, v3;
	[sflag:s7] =	ssyncadd.s32 $0xFFFFC000  }
0x3a3: {  	v3 =	vor.u32 v8, v0;
	v2 =	vld.idx.msk [tilespmem:v2+s18+$0x0], $0xffff  }
0x3a4: {  	v10 =	vmov v4;
	v12 =	vld [tilespmem:$0x1FC20];
	v4 =	vor.u32 v11, v1;
	_ =	sdelay $0x3  }
0x3a5: {  	[tilespmem:v3+s21+$0x0] =	vst.idx.msk $0xffff, v2  }
0x3a6: {  	v3 =	vor.u32 v12, v0;
	v2 =	vld.idx.msk [tilespmem:v4+s18+$0x0], $0xffff  }
0x3a7: {  	v14 =	vld [tilespmem:$0x1FC30];
	v4 =	vor.u32 v13, v1  }
0x3a8: {  	v15 =	vld [tilespmem:$0x1FC40];
	_ =	sdelay $0x2  }
0x3a9: {  	[tilespmem:v3+s21+$0x0] =	vst.idx.msk $0xffff, v2  }
0x3aa: {  	v3 =	vor.u32 v14, v0;
	v2 =	vld.idx.msk [tilespmem:v4+s18+$0x0], $0xffff  }
0x3ab: {  	v16 =	vld [tilespmem:$0x1FC50];
	v4 =	vor.u32 v15, v1  }
0x3ac: {  	v17 =	vld [tilespmem:$0x1FC60];
	_ =	sdelay $0x2  }
0x3ad: {  	[tilespmem:v3+s21+$0x0] =	vst.idx.msk $0xffff, v2  }
0x3ae: {  	v3 =	vor.u32 v16, v0;
	v2 =	vld.idx.msk [tilespmem:v4+s18+$0x0], $0xffff  }
0x3af: {  	v18 =	vld [tilespmem:$0x1FC70];
	v4 =	vor.u32 v17, v1  }
0x3b0: {  	v19 =	vld [tilespmem:$0x1FC80];
	_ =	sdelay $0x2  }
0x3b1: {  	[tilespmem:v3+s21+$0x0] =	vst.idx.msk $0xffff, v2  }
0x3b2: {  	v3 =	vor.u32 v18, v0;
	v2 =	vld.idx.msk [tilespmem:v4+s18+$0x0], $0xffff  }
0x3b3: {  	v20 =	vld [tilespmem:$0x1FC90];
	v4 =	vor.u32 v19, v1  }
0x3b4: {  	v21 =	vld [tilespmem:$0x1FCA0];
	_ =	sdelay $0x2  }
0x3b5: {  	[tilespmem:v3+s21+$0x0] =	vst.idx.msk $0xffff, v2  }
0x3b6: {  	v3 =	vor.u32 v20, v0;
	v2 =	vld.idx.msk [tilespmem:v4+s18+$0x0], $0xffff  }
0x3b7: {  	v22 =	vld [tilespmem:$0x1FCB0];
	v4 =	vor.u32 v21, v1  }
0x3b8: {  	v23 =	vld [tilespmem:$0x1FCC0];
	_ =	sdelay $0x2  }
0x3b9: {  	[tilespmem:v3+s21+$0x0] =	vst.idx.msk $0xffff, v2  }
0x3ba: {  	v3 =	vor.u32 v22, v0;
	v2 =	vld.idx.msk [tilespmem:v4+s18+$0x0], $0xffff  }
0x3bb: {  	v24 =	vld [tilespmem:$0x1FCD0];
	v4 =	vor.u32 v23, v1  }
0x3bc: {  	v25 =	vld [tilespmem:$0x1FCE0];
	_ =	sdelay $0x2  }
0x3bd: {  	[tilespmem:v3+s21+$0x0] =	vst.idx.msk $0xffff, v2  }
0x3be: {  	v3 =	vor.u32 v24, v0;
	v2 =	vld.idx.msk [tilespmem:v4+s18+$0x0], $0xffff  }
0x3bf: {  	v26 =	vld [tilespmem:$0x1FCF0];
	v4 =	vor.u32 v25, v1  }
0x3c0: {  	v27 =	vld [tilespmem:$0x1FD00];
	_ =	sdelay $0x2  }
0x3c1: {  	[tilespmem:v3+s21+$0x0] =	vst.idx.msk $0xffff, v2  }
0x3c2: {  	v3 =	vor.u32 v26, v0;
	v2 =	vld.idx.msk [tilespmem:v4+s18+$0x0], $0xffff  }
0x3c3: {  	v28 =	vld [tilespmem:$0x1FD10];
	v4 =	vor.u32 v27, v1  }
0x3c4: {  	v29 =	vld [tilespmem:$0x1FD20];
	_ =	sdelay $0x2  }
0x3c5: {  	[tilespmem:v3+s21+$0x0] =	vst.idx.msk $0xffff, v2  }
0x3c6: {  	v3 =	vor.u32 v28, v0;
	v2 =	vld.idx.msk [tilespmem:v4+s18+$0x0], $0xffff  }
0x3c7: {  	v30 =	vld [tilespmem:$0x1FD30];
	v4 =	vor.u32 v29, v1  }
0x3c8: {  	v31 =	vld [tilespmem:$0x1FD40];
	_ =	sdelay $0x2  }
0x3c9: {  	[tilespmem:v3+s21+$0x0] =	vst.idx.msk $0xffff, v2  }
0x3ca: {  	v3 =	vor.u32 v30, v0;
	v2 =	vld.idx.msk [tilespmem:v4+s18+$0x0], $0xffff  }
0x3cb: {  	v32 =	vld [tilespmem:$0x1FD50];
	v4 =	vor.u32 v31, v1  }
0x3cc: {  	v33 =	vld [tilespmem:$0x1FD60];
	_ =	sdelay $0x2  }
0x3cd: {  	[tilespmem:v3+s21+$0x0] =	vst.idx.msk $0xffff, v2  }
0x3ce: {  	v3 =	vor.u32 v32, v0;
	v2 =	vld.idx.msk [tilespmem:v4+s18+$0x0], $0xffff  }
0x3cf: {  	v34 =	vld [tilespmem:$0x1FD70];
	v4 =	vor.u32 v33, v1  }
0x3d0: {  	v35 =	vld [tilespmem:$0x1FD80];
	_ =	sdelay $0x2  }
0x3d1: {  	[tilespmem:v3+s21+$0x0] =	vst.idx.msk $0xffff, v2  }
0x3d2: {  	v3 =	vor.u32 v34, v0;
	v2 =	vld.idx.msk [tilespmem:v4+s18+$0x0], $0xffff  }
0x3d3: {  	v36 =	vld [tilespmem:$0x1FD90];
	v4 =	vor.u32 v35, v1  }
0x3d4: {  	v37 =	vld [tilespmem:$0x1FDA0];
	_ =	sdelay $0x2  }
0x3d5: {  	[tilespmem:v3+s21+$0x0] =	vst.idx.msk $0xffff, v2  }
0x3d6: {  	v3 =	vor.u32 v36, v0;
	v2 =	vld.idx.msk [tilespmem:v4+s18+$0x0], $0xffff  }
0x3d7: {  	v8 =	vmovc v53;
	v53 =	vmov v51;
	v51 =	vmov v49;
	v38 =	vld [tilespmem:$0x1FDB0];
	v4 =	vor.u32 v37, v1  }
0x3d8: {  	v49 =	vmovc v47;
	v47 =	vmovc v45;
	v45 =	vmov v43;
	v43 =	vmov v41;
	v41 =	vmov v39;
	v39 =	vld [tilespmem:$0x1FDC0];
	_ =	sdelay $0x2  }
0x3d9: {  	v5 =	vmovc v62;
	v62 =	vmov v60;
	v60 =	vmov v58;
	v58 =	vmov v56;
	[tilespmem:v3+s21+$0x0] =	vst.idx.msk $0xffff, v2  }
0x3da: {  	v56 =	vmovc v54;
	v54 =	vmovc v52;
	v52 =	vmov v50;
	v50 =	vmov v48;
	v3 =	vor.u32 v38, v0;
	v2 =	vld.idx.msk [tilespmem:v4+s18+$0x0], $0xffff  }
0x3db: {  	v48 =	vmovc v46;
	v46 =	vmovc v44;
	v44 =	vmov v42;
	v42 =	vmov v40;
	v40 =	vld [tilespmem:$0x1FDD0];
	v4 =	vor.u32 v39, v1;
	_ =	sdelay $0x3  }
0x3dc: {  	[tilespmem:v3+s21+$0x0] =	vst.idx.msk $0xffff, v2  }
0x3dd: {  	v3 =	vor.u32 v40, v0;
	v2 =	vld.idx.msk [tilespmem:v4+s18+$0x0], $0xffff  }
0x3de: {  	v4 =	vor.u32 v41, v1;
	_ =	sdelay $0x3  }
0x3df: {  	[tilespmem:v3+s21+$0x0] =	vst.idx.msk $0xffff, v2  }
0x3e0: {  	v3 =	vor.u32 v42, v0;
	v2 =	vld.idx.msk [tilespmem:v4+s18+$0x0], $0xffff  }
0x3e1: {  	v4 =	vor.u32 v43, v1;
	_ =	sdelay $0x3  }
0x3e2: {  	[tilespmem:v3+s21+$0x0] =	vst.idx.msk $0xffff, v2  }
0x3e3: {  	v3 =	vor.u32 v44, v0;
	v2 =	vld.idx.msk [tilespmem:v4+s18+$0x0], $0xffff  }
0x3e4: {  	v4 =	vor.u32 v45, v1;
	_ =	sdelay $0x3  }
0x3e5: {  	[tilespmem:v3+s21+$0x0] =	vst.idx.msk $0xffff, v2  }
0x3e6: {  	v3 =	vor.u32 v46, v0;
	v2 =	vld.idx.msk [tilespmem:v4+s18+$0x0], $0xffff  }
0x3e7: {  	v4 =	vor.u32 v47, v1;
	_ =	sdelay $0x3  }
0x3e8: {  	[tilespmem:v3+s21+$0x0] =	vst.idx.msk $0xffff, v2  }
0x3e9: {  	v3 =	vor.u32 v48, v0;
	v2 =	vld.idx.msk [tilespmem:v4+s18+$0x0], $0xffff  }
0x3ea: {  	v4 =	vor.u32 v49, v1;
	_ =	sdelay $0x3  }
0x3eb: {  	[tilespmem:v3+s21+$0x0] =	vst.idx.msk $0xffff, v2  }
0x3ec: {  	v3 =	vor.u32 v50, v0;
	v2 =	vld.idx.msk [tilespmem:v4+s18+$0x0], $0xffff  }
0x3ed: {  	v4 =	vor.u32 v51, v1;
	_ =	sdelay $0x3  }
0x3ee: {  	[tilespmem:v3+s21+$0x0] =	vst.idx.msk $0xffff, v2  }
0x3ef: {  	v3 =	vor.u32 v52, v0;
	v2 =	vld.idx.msk [tilespmem:v4+s18+$0x0], $0xffff  }
0x3f0: {  	v4 =	vor.u32 v53, v1;
	_ =	sdelay $0x3  }
0x3f1: {  	[tilespmem:v3+s21+$0x0] =	vst.idx.msk $0xffff, v2  }
0x3f2: {  	v3 =	vor.u32 v54, v0;
	v2 =	vld.idx.msk [tilespmem:v4+s18+$0x0], $0xffff  }
0x3f3: {  	v4 =	vor.u32 v8, v1;
	_ =	sdelay $0x3  }
0x3f4: {  	[tilespmem:v3+s21+$0x0] =	vst.idx.msk $0xffff, v2  }
0x3f5: {  	v63 =	vmovc v61;
	v61 =	vmovc v59;
	v59 =	vmov v57;
	v57 =	vmov v55;
	v3 =	vor.u32 v56, v0;
	v2 =	vld.idx.msk [tilespmem:v4+s18+$0x0], $0xffff  }
0x3f6: {  	v4 =	vor.u32 v57, v1;
	_ =	sdelay $0x3  }
0x3f7: {  	[tilespmem:v3+s21+$0x0] =	vst.idx.msk $0xffff, v2  }
0x3f8: {  	v3 =	vor.u32 v58, v0;
	v2 =	vld.idx.msk [tilespmem:v4+s18+$0x0], $0xffff  }
0x3f9: {  	v4 =	vor.u32 v59, v1;
	_ =	sdelay $0x3  }
0x3fa: {  	[tilespmem:v3+s21+$0x0] =	vst.idx.msk $0xffff, v2  }
0x3fb: {  	v3 =	vor.u32 v60, v0;
	v2 =	vld.idx.msk [tilespmem:v4+s18+$0x0], $0xffff  }
0x3fc: {  	v4 =	vor.u32 v61, v1;
	_ =	sdelay $0x3  }
0x3fd: {  	[tilespmem:v3+s21+$0x0] =	vst.idx.msk $0xffff, v2  }
0x3fe: {  	v3 =	vor.u32 v62, v0;
	v2 =	vld.idx.msk [tilespmem:v4+s18+$0x0], $0xffff  }
0x3ff: {  	v55 =	vmovc v9;
	v29 =	vmov v30;
	v30 =	vmov v31;
	v4 =	vor.u32 v63, v1  }
0x400: {  	v9 =	vld [tilespmem:$0x1FFF0];
	v31 =	vmovc v32;
	v32 =	vmovc v33;
	v33 =	vmov v34;
	v34 =	vmov v35;
	v35 =	vmov v36  }
0x401: {  	v36 =	vmovc v37;
	v37 =	vmovc v38;
	v38 =	vmov v39;
	v39 =	vmov v40;
	v40 =	vmov v41  }
0x402: {  	v41 =	vmovc v42;
	v42 =	vmovc v43;
	v43 =	vmov v44;
	v44 =	vmov v45;
	v45 =	vmov v46  }
0x403: {  	v46 =	vmovc v47;
	v47 =	vmovc v48;
	v48 =	vmov v49;
	v49 =	vmov v50;
	v50 =	vmov v51;
	[tilespmem:v3+s21+$0x0] =	vst.idx.msk $0xffff, v2  }
0x404: {  	v51 =	vmovc v52;
	v52 =	vmovc v53;
	v53 =	vmov v54;
	v54 =	vmov v8;
	v3 =	vor.u32 v5, v0;
	v2 =	vld.idx.msk [tilespmem:v4+s18+$0x0], $0xffff  }
0x405: {  	v8 =	vmovc v56;
	v56 =	vmovc v57;
	v57 =	vmov v58;
	v58 =	vmov v59;
	v4 =	vor.u32 v9, v1  }
0x406: {  	v59 =	vmovc v60;
	v60 =	vmovc v61;
	v61 =	vmov v62;
	v62 =	vmov v63;
	v63 =	vmov v5;
	v5 =	vld [tilespmem:$0x1FE40];
	_ =	sdelay $0x2  }
0x407: {  	[tilespmem:v3+s21+$0x0] =	vst.idx.msk $0xffff, v2  }
0x408: {  	v3 =	vor.u32 v7, v0;
	v2 =	vld.idx.msk [tilespmem:v4+s18+$0x0], $0xffff  }
0x409: {  	v4 =	vor.u32 v5, v1;
	_ =	sdelay $0x3  }
0x40a: {  	[tilespmem:v3+s21+$0x0] =	vst.idx.msk $0xffff, v2  }
0x40b: {  	v2 =	vld.idx.msk [tilespmem:v4+s18+$0x0], $0xffff  }
0x40c: {  	v4 =	vld [tilespmem:$0x1FDE0];
	_ =	sdelay $0x3  }
0x40d: {  	v3 =	vor.u32 v6, v0  }
0x40e: {  	v4 =	vor.u32 v4, v1;
	_ =	sdelay $0x3  }
0x40f: {  	[tilespmem:v3+s21+$0x0] =	vst.idx.msk $0xffff, v2  }
0x410: {  	v3 =	vor.u32 v10, v0;
	v2 =	vld.idx.msk [tilespmem:v4+s18+$0x0], $0xffff  }
0x411: {  	v1 =	vor.u32 v55, v1;
	v10 =	vmovc v11;
	v11 =	vmov v12;
	v12 =	vmov v13  }
0x412: {  	v13 =	vmovc v14;
	v14 =	vmovc v15;
	v15 =	vmov v16;
	v16 =	vmov v17;
	v17 =	vmov v18  }
0x413: {  	v18 =	vmovc v19;
	v19 =	vmovc v20;
	v20 =	vmov v21;
	v21 =	vmov v22;
	v22 =	vmov v23  }
0x414: {  	v23 =	vmovc v24;
	v24 =	vmovc v25;
	v25 =	vmov v26;
	v26 =	vmov v27;
	v27 =	vmov v28;
	v28 =	vld [tilespmem:$0x1FD20]  }
0x415: {  	s13 =	simm.s32 $0x1;
	v55 =	vmov v8;
	v8 =	vmov v7;
	v7 =	vld [tilespmem:$0x1FE00];
	[tilespmem:v3+s21+$0x0] =	vst.idx.msk $0xffff, v2;
	v2 =	vlaneseq.u32  }
0x416: {  	s10 =	simm.s32 $0x2;
	v6 =	vlaneseq.u32;
	v3 =	vadd.s32 s13, v2;
	v2 =	vld.idx.msk [tilespmem:v1+s18+$0x0], $0xffff  }
.LBB2_8:
0x417: {  	v4 =	vld [tilespmem:$0x1FDF0];
	_ =	sdelay $0x3  }
0x418: {  	v1 =	vand.u32 $0x1F, v3;
	v0 =	vor.u32 v7, v0  }
0x419: {  	v4 =	vor.u32 v4, v1;
	_ =	sdelay $0x1  }
0x41a: {  	v5 =	vshll.u32 v3, $0x9;
	v3 =	vshll.u32 v3, $0x7  }
0x41b: {  	v5 =	vand.u32 $0x3000, v5;
	v3 =	vand.u32 $0x380, v3  }
0x41c: {  	[tilespmem:v0+s21+$0x0] =	vst.idx.msk $0xffff, v2;
	v0 =	vor.u32 v3, v5  }
0x41d: {  	v3 =	vor.u32 v6, v0;
	v2 =	vld.idx.msk [tilespmem:v4+s18+$0x0], $0xffff  }
0x41e: {  	v4 =	vor.u32 v10, v1;
	_ =	sdelay $0x3  }
0x41f: {  	[tilespmem:v3+s21+$0x0] =	vst.idx.msk $0xffff, v2  }
0x420: {  	v3 =	vor.u32 v11, v0;
	v2 =	vld.idx.msk [tilespmem:v4+s18+$0x0], $0xffff  }
0x421: {  	v4 =	vor.u32 v12, v1;
	_ =	sdelay $0x3  }
0x422: {  	[tilespmem:v3+s21+$0x0] =	vst.idx.msk $0xffff, v2  }
0x423: {  	v3 =	vor.u32 v13, v0;
	v2 =	vld.idx.msk [tilespmem:v4+s18+$0x0], $0xffff  }
0x424: {  	v4 =	vor.u32 v14, v1;
	_ =	sdelay $0x3  }
0x425: {  	[tilespmem:v3+s21+$0x0] =	vst.idx.msk $0xffff, v2  }
0x426: {  	v3 =	vor.u32 v15, v0;
	v2 =	vld.idx.msk [tilespmem:v4+s18+$0x0], $0xffff  }
0x427: {  	v4 =	vor.u32 v16, v1;
	_ =	sdelay $0x3  }
0x428: {  	[tilespmem:v3+s21+$0x0] =	vst.idx.msk $0xffff, v2  }
0x429: {  	v3 =	vor.u32 v17, v0;
	v2 =	vld.idx.msk [tilespmem:v4+s18+$0x0], $0xffff  }
0x42a: {  	v4 =	vor.u32 v18, v1;
	_ =	sdelay $0x3  }
0x42b: {  	[tilespmem:v3+s21+$0x0] =	vst.idx.msk $0xffff, v2  }
0x42c: {  	v3 =	vor.u32 v19, v0;
	v2 =	vld.idx.msk [tilespmem:v4+s18+$0x0], $0xffff  }
0x42d: {  	v4 =	vor.u32 v20, v1;
	_ =	sdelay $0x3  }
0x42e: {  	[tilespmem:v3+s21+$0x0] =	vst.idx.msk $0xffff, v2  }
0x42f: {  	v3 =	vor.u32 v21, v0;
	v2 =	vld.idx.msk [tilespmem:v4+s18+$0x0], $0xffff  }
0x430: {  	v4 =	vor.u32 v22, v1;
	_ =	sdelay $0x3  }
0x431: {  	[tilespmem:v3+s21+$0x0] =	vst.idx.msk $0xffff, v2  }
0x432: {  	v3 =	vor.u32 v23, v0;
	v2 =	vld.idx.msk [tilespmem:v4+s18+$0x0], $0xffff  }
0x433: {  	v4 =	vor.u32 v24, v1;
	_ =	sdelay $0x3  }
0x434: {  	[tilespmem:v3+s21+$0x0] =	vst.idx.msk $0xffff, v2  }
0x435: {  	v3 =	vor.u32 v25, v0;
	v2 =	vld.idx.msk [tilespmem:v4+s18+$0x0], $0xffff  }
0x436: {  	v4 =	vor.u32 v26, v1;
	_ =	sdelay $0x3  }
0x437: {  	[tilespmem:v3+s21+$0x0] =	vst.idx.msk $0xffff, v2  }
0x438: {  	v3 =	vor.u32 v27, v0;
	v2 =	vld.idx.msk [tilespmem:v4+s18+$0x0], $0xffff  }
0x439: {  	v4 =	vor.u32 v28, v1;
	_ =	sdelay $0x3  }
0x43a: {  	[tilespmem:v3+s21+$0x0] =	vst.idx.msk $0xffff, v2  }
0x43b: {  	v3 =	vor.u32 v29, v0;
	v2 =	vld.idx.msk [tilespmem:v4+s18+$0x0], $0xffff  }
0x43c: {  	v4 =	vor.u32 v30, v1;
	_ =	sdelay $0x3  }
0x43d: {  	[tilespmem:v3+s21+$0x0] =	vst.idx.msk $0xffff, v2  }
0x43e: {  	v3 =	vor.u32 v31, v0;
	v2 =	vld.idx.msk [tilespmem:v4+s18+$0x0], $0xffff  }
0x43f: {  	v4 =	vor.u32 v32, v1;
	_ =	sdelay $0x3  }
0x440: {  	[tilespmem:v3+s21+$0x0] =	vst.idx.msk $0xffff, v2  }
0x441: {  	v3 =	vor.u32 v33, v0;
	v2 =	vld.idx.msk [tilespmem:v4+s18+$0x0], $0xffff  }
0x442: {  	v4 =	vor.u32 v34, v1;
	_ =	sdelay $0x3  }
0x443: {  	[tilespmem:v3+s21+$0x0] =	vst.idx.msk $0xffff, v2  }
0x444: {  	v3 =	vor.u32 v35, v0;
	v2 =	vld.idx.msk [tilespmem:v4+s18+$0x0], $0xffff  }
0x445: {  	v4 =	vor.u32 v36, v1;
	_ =	sdelay $0x3  }
0x446: {  	[tilespmem:v3+s21+$0x0] =	vst.idx.msk $0xffff, v2  }
0x447: {  	v3 =	vor.u32 v37, v0;
	v2 =	vld.idx.msk [tilespmem:v4+s18+$0x0], $0xffff  }
0x448: {  	v4 =	vor.u32 v38, v1;
	_ =	sdelay $0x3  }
0x449: {  	[tilespmem:v3+s21+$0x0] =	vst.idx.msk $0xffff, v2  }
0x44a: {  	v3 =	vor.u32 v39, v0;
	v2 =	vld.idx.msk [tilespmem:v4+s18+$0x0], $0xffff  }
0x44b: {  	v4 =	vor.u32 v40, v1;
	_ =	sdelay $0x3  }
0x44c: {  	[tilespmem:v3+s21+$0x0] =	vst.idx.msk $0xffff, v2  }
0x44d: {  	v3 =	vor.u32 v41, v0;
	v2 =	vld.idx.msk [tilespmem:v4+s18+$0x0], $0xffff  }
0x44e: {  	v4 =	vor.u32 v42, v1;
	_ =	sdelay $0x3  }
0x44f: {  	[tilespmem:v3+s21+$0x0] =	vst.idx.msk $0xffff, v2  }
0x450: {  	v3 =	vor.u32 v43, v0;
	v2 =	vld.idx.msk [tilespmem:v4+s18+$0x0], $0xffff  }
0x451: {  	v4 =	vor.u32 v44, v1;
	_ =	sdelay $0x3  }
0x452: {  	[tilespmem:v3+s21+$0x0] =	vst.idx.msk $0xffff, v2  }
0x453: {  	v3 =	vor.u32 v45, v0;
	v2 =	vld.idx.msk [tilespmem:v4+s18+$0x0], $0xffff  }
0x454: {  	v4 =	vor.u32 v46, v1;
	_ =	sdelay $0x3  }
0x455: {  	[tilespmem:v3+s21+$0x0] =	vst.idx.msk $0xffff, v2  }
0x456: {  	v3 =	vor.u32 v47, v0;
	v2 =	vld.idx.msk [tilespmem:v4+s18+$0x0], $0xffff  }
0x457: {  	v4 =	vor.u32 v48, v1;
	_ =	sdelay $0x3  }
0x458: {  	[tilespmem:v3+s21+$0x0] =	vst.idx.msk $0xffff, v2  }
0x459: {  	v3 =	vor.u32 v49, v0;
	v2 =	vld.idx.msk [tilespmem:v4+s18+$0x0], $0xffff  }
0x45a: {  	v4 =	vor.u32 v50, v1;
	_ =	sdelay $0x3  }
0x45b: {  	[tilespmem:v3+s21+$0x0] =	vst.idx.msk $0xffff, v2  }
0x45c: {  	v3 =	vor.u32 v51, v0;
	v2 =	vld.idx.msk [tilespmem:v4+s18+$0x0], $0xffff  }
0x45d: {  	v4 =	vor.u32 v52, v1;
	_ =	sdelay $0x3  }
0x45e: {  	[tilespmem:v3+s21+$0x0] =	vst.idx.msk $0xffff, v2  }
0x45f: {  	v3 =	vor.u32 v53, v0;
	v2 =	vld.idx.msk [tilespmem:v4+s18+$0x0], $0xffff  }
0x460: {  	v4 =	vor.u32 v54, v1;
	_ =	sdelay $0x3  }
0x461: {  	[tilespmem:v3+s21+$0x0] =	vst.idx.msk $0xffff, v2  }
0x462: {  	v3 =	vor.u32 v55, v0;
	v2 =	vld.idx.msk [tilespmem:v4+s18+$0x0], $0xffff  }
0x463: {  	v4 =	vor.u32 v56, v1;
	_ =	sdelay $0x3  }
0x464: {  	[tilespmem:v3+s21+$0x0] =	vst.idx.msk $0xffff, v2  }
0x465: {  	v3 =	vor.u32 v57, v0;
	v2 =	vld.idx.msk [tilespmem:v4+s18+$0x0], $0xffff  }
0x466: {  	v4 =	vor.u32 v58, v1;
	_ =	sdelay $0x3  }
0x467: {  	[tilespmem:v3+s21+$0x0] =	vst.idx.msk $0xffff, v2  }
0x468: {  	v3 =	vor.u32 v59, v0;
	v2 =	vld.idx.msk [tilespmem:v4+s18+$0x0], $0xffff  }
0x469: {  	v4 =	vor.u32 v60, v1;
	_ =	sdelay $0x3  }
0x46a: {  	[tilespmem:v3+s21+$0x0] =	vst.idx.msk $0xffff, v2  }
0x46b: {  	v3 =	vor.u32 v61, v0;
	v2 =	vld.idx.msk [tilespmem:v4+s18+$0x0], $0xffff  }
0x46c: {  	v4 =	vor.u32 v62, v1;
	_ =	sdelay $0x3  }
0x46d: {  	[tilespmem:v3+s21+$0x0] =	vst.idx.msk $0xffff, v2  }
0x46e: {  	v3 =	vor.u32 v63, v0;
	v2 =	vld.idx.msk [tilespmem:v4+s18+$0x0], $0xffff  }
0x46f: {  	v4 =	vor.u32 v9, v1;
	_ =	sdelay $0x3  }
0x470: {  	[tilespmem:v3+s21+$0x0] =	vst.idx.msk $0xffff, v2  }
0x471: {  	v2 =	vld.idx.msk [tilespmem:v4+s18+$0x0], $0xffff  }
0x472: {  	v4 =	vld [tilespmem:$0x1FE40];
	_ =	sdelay $0x3  }
0x473: {  	v3 =	vor.u32 v8, v0  }
0x474: {  	v4 =	vor.u32 v4, v1;
	_ =	sdelay $0x3  }
0x475: {  	[tilespmem:v3+s21+$0x0] =	vst.idx.msk $0xffff, v2;
	v3 =	vld [tilespmem:$0x1FE10]  }
0x476: {  	v2 =	vld.idx.msk [tilespmem:v4+s18+$0x0], $0xffff  }
0x477: {  	v4 =	vld [tilespmem:$0x1FDE0];
	_ =	sdelay $0x3  }
0x478: {  	v3 =	vor.u32 v3, v0  }
0x479: {  	v4 =	vor.u32 v4, v1;
	_ =	sdelay $0x3  }
0x47a: {  	[tilespmem:v3+s21+$0x0] =	vst.idx.msk $0xffff, v2;
	v3 =	vld [tilespmem:$0x1FE20]  }
0x47b: {  	v2 =	vld.idx.msk [tilespmem:v4+s18+$0x0], $0xffff  }
0x47c: {  	v4 =	vld [tilespmem:$0x1FE30];
	_ =	sdelay $0x3  }
0x47d: {  	v3 =	vor.u32 v3, v0  }
0x47e: {  	p0 =	sne.s32 s10, $0x1F;
	v1 =	vor.u32 v4, v1  }
.Ltmp3:
0x47f: {  	_ = 	snop;
	(pc) =	sbr.rel @p0 .LBB2_8-.Ltmp3, $3  }
0x480: {  	_ =	sdelay $0x1  }
0x481: {  	[tilespmem:v3+s21+$0x0] =	vst.idx.msk $0xffff, v2  }
0x482: {  	v3 =	vadd.s32 s10, v6;
	s10 =	sadd.s32 $0x1, s10;
	v2 =	vld.idx.msk [tilespmem:v1+s18+$0x0], $0xffff  }
0x483: {  	v4 =	vld [tilespmem:$0x1FDF0];
	_ =	sdelay $0x3  }
0x484: {  	v1 =	vand.u32 $0x1F, v3;
	v0 =	vor.u32 v7, v0  }
0x485: {  	v4 =	vor.u32 v4, v1;
	_ =	sdelay $0x1  }
0x486: {  	v5 =	vshll.u32 v3, $0x9;
	v3 =	vshll.u32 v3, $0x7  }
0x487: {  	v5 =	vand.u32 $0x3000, v5;
	v3 =	vand.u32 $0x380, v3  }
0x488: {  	[tilespmem:v0+s21+$0x0] =	vst.idx.msk $0xffff, v2;
	v0 =	vor.u32 v3, v5  }
0x489: {  	v3 =	vor.u32 v6, v0;
	v2 =	vld.idx.msk [tilespmem:v4+s18+$0x0], $0xffff  }
0x48a: {  	v4 =	vor.u32 v10, v1;
	_ =	sdelay $0x3  }
0x48b: {  	[tilespmem:v3+s21+$0x0] =	vst.idx.msk $0xffff, v2  }
0x48c: {  	v3 =	vor.u32 v11, v0;
	v2 =	vld.idx.msk [tilespmem:v4+s18+$0x0], $0xffff  }
0x48d: {  	v4 =	vor.u32 v12, v1;
	_ =	sdelay $0x3  }
0x48e: {  	[tilespmem:v3+s21+$0x0] =	vst.idx.msk $0xffff, v2  }
0x48f: {  	v3 =	vor.u32 v13, v0;
	v2 =	vld.idx.msk [tilespmem:v4+s18+$0x0], $0xffff  }
0x490: {  	v4 =	vor.u32 v14, v1;
	_ =	sdelay $0x3  }
0x491: {  	[tilespmem:v3+s21+$0x0] =	vst.idx.msk $0xffff, v2  }
0x492: {  	v3 =	vor.u32 v15, v0;
	v2 =	vld.idx.msk [tilespmem:v4+s18+$0x0], $0xffff  }
0x493: {  	v4 =	vor.u32 v16, v1;
	_ =	sdelay $0x3  }
0x494: {  	[tilespmem:v3+s21+$0x0] =	vst.idx.msk $0xffff, v2  }
0x495: {  	v3 =	vor.u32 v17, v0;
	v2 =	vld.idx.msk [tilespmem:v4+s18+$0x0], $0xffff  }
0x496: {  	v4 =	vor.u32 v18, v1;
	_ =	sdelay $0x3  }
0x497: {  	[tilespmem:v3+s21+$0x0] =	vst.idx.msk $0xffff, v2  }
0x498: {  	v3 =	vor.u32 v19, v0;
	v2 =	vld.idx.msk [tilespmem:v4+s18+$0x0], $0xffff  }
0x499: {  	v4 =	vor.u32 v20, v1;
	_ =	sdelay $0x3  }
0x49a: {  	[tilespmem:v3+s21+$0x0] =	vst.idx.msk $0xffff, v2  }
0x49b: {  	v3 =	vor.u32 v21, v0;
	v2 =	vld.idx.msk [tilespmem:v4+s18+$0x0], $0xffff  }
0x49c: {  	v4 =	vor.u32 v22, v1;
	_ =	sdelay $0x3  }
0x49d: {  	[tilespmem:v3+s21+$0x0] =	vst.idx.msk $0xffff, v2  }
0x49e: {  	v3 =	vor.u32 v23, v0;
	v2 =	vld.idx.msk [tilespmem:v4+s18+$0x0], $0xffff  }
0x49f: {  	v4 =	vor.u32 v24, v1;
	_ =	sdelay $0x3  }
0x4a0: {  	[tilespmem:v3+s21+$0x0] =	vst.idx.msk $0xffff, v2  }
0x4a1: {  	v3 =	vor.u32 v25, v0;
	v2 =	vld.idx.msk [tilespmem:v4+s18+$0x0], $0xffff  }
0x4a2: {  	v4 =	vor.u32 v26, v1;
	_ =	sdelay $0x3  }
0x4a3: {  	[tilespmem:v3+s21+$0x0] =	vst.idx.msk $0xffff, v2  }
0x4a4: {  	v3 =	vor.u32 v27, v0;
	v2 =	vld.idx.msk [tilespmem:v4+s18+$0x0], $0xffff  }
0x4a5: {  	v4 =	vor.u32 v28, v1;
	_ =	sdelay $0x3  }
0x4a6: {  	[tilespmem:v3+s21+$0x0] =	vst.idx.msk $0xffff, v2  }
0x4a7: {  	v3 =	vor.u32 v29, v0;
	v2 =	vld.idx.msk [tilespmem:v4+s18+$0x0], $0xffff  }
0x4a8: {  	v4 =	vor.u32 v30, v1;
	_ =	sdelay $0x3  }
0x4a9: {  	[tilespmem:v3+s21+$0x0] =	vst.idx.msk $0xffff, v2  }
0x4aa: {  	v3 =	vor.u32 v31, v0;
	v2 =	vld.idx.msk [tilespmem:v4+s18+$0x0], $0xffff  }
0x4ab: {  	v4 =	vor.u32 v32, v1;
	_ =	sdelay $0x3  }
0x4ac: {  	[tilespmem:v3+s21+$0x0] =	vst.idx.msk $0xffff, v2  }
0x4ad: {  	v3 =	vor.u32 v33, v0;
	v2 =	vld.idx.msk [tilespmem:v4+s18+$0x0], $0xffff  }
0x4ae: {  	v4 =	vor.u32 v34, v1;
	_ =	sdelay $0x3  }
0x4af: {  	[tilespmem:v3+s21+$0x0] =	vst.idx.msk $0xffff, v2  }
0x4b0: {  	v3 =	vor.u32 v35, v0;
	v2 =	vld.idx.msk [tilespmem:v4+s18+$0x0], $0xffff  }
0x4b1: {  	v4 =	vor.u32 v36, v1;
	_ =	sdelay $0x3  }
0x4b2: {  	[tilespmem:v3+s21+$0x0] =	vst.idx.msk $0xffff, v2  }
0x4b3: {  	v3 =	vor.u32 v37, v0;
	v2 =	vld.idx.msk [tilespmem:v4+s18+$0x0], $0xffff  }
0x4b4: {  	v4 =	vor.u32 v38, v1;
	_ =	sdelay $0x3  }
0x4b5: {  	[tilespmem:v3+s21+$0x0] =	vst.idx.msk $0xffff, v2  }
0x4b6: {  	v3 =	vor.u32 v39, v0;
	v2 =	vld.idx.msk [tilespmem:v4+s18+$0x0], $0xffff  }
0x4b7: {  	v4 =	vor.u32 v40, v1;
	_ =	sdelay $0x3  }
0x4b8: {  	[tilespmem:v3+s21+$0x0] =	vst.idx.msk $0xffff, v2  }
0x4b9: {  	v3 =	vor.u32 v41, v0;
	v2 =	vld.idx.msk [tilespmem:v4+s18+$0x0], $0xffff  }
0x4ba: {  	v4 =	vor.u32 v42, v1;
	_ =	sdelay $0x3  }
0x4bb: {  	[tilespmem:v3+s21+$0x0] =	vst.idx.msk $0xffff, v2  }
0x4bc: {  	v3 =	vor.u32 v43, v0;
	v2 =	vld.idx.msk [tilespmem:v4+s18+$0x0], $0xffff  }
0x4bd: {  	v4 =	vor.u32 v44, v1;
	_ =	sdelay $0x3  }
0x4be: {  	[tilespmem:v3+s21+$0x0] =	vst.idx.msk $0xffff, v2  }
0x4bf: {  	v3 =	vor.u32 v45, v0;
	v2 =	vld.idx.msk [tilespmem:v4+s18+$0x0], $0xffff  }
0x4c0: {  	v4 =	vor.u32 v46, v1;
	_ =	sdelay $0x3  }
0x4c1: {  	[tilespmem:v3+s21+$0x0] =	vst.idx.msk $0xffff, v2  }
0x4c2: {  	v3 =	vor.u32 v47, v0;
	v2 =	vld.idx.msk [tilespmem:v4+s18+$0x0], $0xffff  }
0x4c3: {  	v4 =	vor.u32 v48, v1;
	_ =	sdelay $0x3  }
0x4c4: {  	[tilespmem:v3+s21+$0x0] =	vst.idx.msk $0xffff, v2  }
0x4c5: {  	v3 =	vor.u32 v49, v0;
	v2 =	vld.idx.msk [tilespmem:v4+s18+$0x0], $0xffff  }
0x4c6: {  	v4 =	vor.u32 v50, v1;
	_ =	sdelay $0x3  }
0x4c7: {  	[tilespmem:v3+s21+$0x0] =	vst.idx.msk $0xffff, v2  }
0x4c8: {  	v3 =	vor.u32 v51, v0;
	v2 =	vld.idx.msk [tilespmem:v4+s18+$0x0], $0xffff  }
0x4c9: {  	v4 =	vor.u32 v52, v1;
	_ =	sdelay $0x3  }
0x4ca: {  	[tilespmem:v3+s21+$0x0] =	vst.idx.msk $0xffff, v2  }
0x4cb: {  	v3 =	vor.u32 v53, v0;
	v2 =	vld.idx.msk [tilespmem:v4+s18+$0x0], $0xffff  }
0x4cc: {  	v4 =	vor.u32 v54, v1;
	_ =	sdelay $0x3  }
0x4cd: {  	[tilespmem:v3+s21+$0x0] =	vst.idx.msk $0xffff, v2  }
0x4ce: {  	v3 =	vor.u32 v55, v0;
	v2 =	vld.idx.msk [tilespmem:v4+s18+$0x0], $0xffff  }
0x4cf: {  	v4 =	vor.u32 v56, v1;
	_ =	sdelay $0x3  }
0x4d0: {  	[tilespmem:v3+s21+$0x0] =	vst.idx.msk $0xffff, v2  }
0x4d1: {  	v3 =	vor.u32 v57, v0;
	v2 =	vld.idx.msk [tilespmem:v4+s18+$0x0], $0xffff  }
0x4d2: {  	v4 =	vor.u32 v58, v1;
	_ =	sdelay $0x3  }
0x4d3: {  	[tilespmem:v3+s21+$0x0] =	vst.idx.msk $0xffff, v2  }
0x4d4: {  	v3 =	vor.u32 v59, v0;
	v2 =	vld.idx.msk [tilespmem:v4+s18+$0x0], $0xffff  }
0x4d5: {  	v4 =	vor.u32 v60, v1;
	_ =	sdelay $0x3  }
0x4d6: {  	[tilespmem:v3+s21+$0x0] =	vst.idx.msk $0xffff, v2  }
0x4d7: {  	v3 =	vor.u32 v61, v0;
	v2 =	vld.idx.msk [tilespmem:v4+s18+$0x0], $0xffff  }
0x4d8: {  	v4 =	vor.u32 v62, v1;
	_ =	sdelay $0x3  }
0x4d9: {  	[tilespmem:v3+s21+$0x0] =	vst.idx.msk $0xffff, v2  }
0x4da: {  	v3 =	vor.u32 v63, v0;
	v2 =	vld.idx.msk [tilespmem:v4+s18+$0x0], $0xffff  }
0x4db: {  	v4 =	vor.u32 v9, v1;
	_ =	sdelay $0x3  }
0x4dc: {  	[tilespmem:v3+s21+$0x0] =	vst.idx.msk $0xffff, v2  }
0x4dd: {  	v2 =	vld.idx.msk [tilespmem:v4+s18+$0x0], $0xffff  }
0x4de: {  	v3 =	vor.u32 v8, v0;
	v4 =	vld [tilespmem:$0x1FE40];
	_ =	sdelay $0x4  }
0x4df: {  	v4 =	vor.u32 v4, v1;
	[tilespmem:v3+s21+$0x0] =	vst.idx.msk $0xffff, v2;
	v3 =	vld [tilespmem:$0x1FE10];
	_ =	sdelay $0x3  }
0x4e0: {  	v5 =	vld [tilespmem:$0x1FDE0]  }
0x4e1: {  	v2 =	vld.idx.msk [tilespmem:v4+s18+$0x0], $0xffff;
	v3 =	vor.u32 v3, v0;
	_ =	sdelay $0x3  }
0x4e2: {  	v4 =	vor.u32 v5, v1  }
0x4e3: {  	[tilespmem:v3+s21+$0x0] =	vst.idx.msk $0xffff, v2;
	v3 =	vld [tilespmem:$0x1FE20];
	_ =	sdelay $0x3  }
0x4e4: {  	v2 =	vld.idx.msk [tilespmem:v4+s18+$0x0], $0xffff  }
0x4e5: {  	v4 =	vld [tilespmem:$0x1FE30];
	v3 =	vor.u32 v3, v0;
	_ =	sdelay $0x4  }
0x4e6: {  	v1 =	vor.u32 v4, v1;
	[tilespmem:v3+s21+$0x0] =	vst.idx.msk $0xffff, v2;
	v2 =	vld [tilespmem:$0x1FE00];
	_ =	sdelay $0x4  }
0x4e7: {  	v1 =	vld.idx.msk [tilespmem:v1+s18+$0x0], $0xffff;
	v0 =	vor.u32 v2, v0;
	_ =	sdelay $0x2  }
0x4e8: {  	s11 =	sld [smem:$0x7F7];
	_ =	sdelay $0x1  }
0x4e9: {  	s10 =	simm.s32 $0x0;
	s12 =	sld [smem:$0x7F8];
	[tilespmem:v0+s21+$0x0] =	vst.idx.msk $0xffff, v1  }
0x4ea: {  	[hbm4b:s11+s10] =	stream.linear.scatter [tilespmem:s21], [sflag:$0x3], $0x1000, $0x38;
	[tilespmem:$0x16400] =	vst v63  }
0x4eb: {  	s13 =	sld [smem:$0x7F9]  }
0x4ec: {  	[hbm4b:s12+s10] =	stream.linear.scatter [tilespmem:s22], [sflag:$0x3], $0x1000, $0x38;
	[tilespmem:$0x16400] =	vst v63  }
0x4ed: {  	s12 =	sld [smem:$0x7FA]  }
0x4ee: {  	[hbm4b:s13+s10] =	stream.linear.scatter [tilespmem:s23], [sflag:$0x3], $0x1000, $0x38;
	[tilespmem:$0x16400] =	vst v63  }
0x4ef: {  	_ = 	snop  }
0x4f0: {  	[hbm4b:s12+s10] =	stream.linear.scatter [tilespmem:s24], [sflag:$0x3], $0x1000, $0x38;
	[tilespmem:$0x16400] =	vst v63  }
0x4f1: {  	_ =	swait.ge [sflag:s25], $0x4000  }
0x4f2: {  	v2 =	vld [tilespmem:$0x1FDF0];
	_ =	sdelay $0x2  }
0x4f3: {  	v0 =	vadd.s32 s10, v6;
	[sflag:s25] =	ssyncset.done $0x0  }
0x4f4: {  	v1 =	vand.u32 $0x1F, v0;
	[sflag:s25] =	ssyncadd.s32 $0xFFFFC000  }
0x4f5: {  	_ =	swait.ge [sflag:s8], $0x4000;
	v2 =	vor.u32 v2, v1  }
0x4f6: {  	v4 =	vld [tilespmem:$0x1FC10]  }
0x4f7: {  	v3 =	vshll.u32 v0, $0x9;
	v0 =	vshll.u32 v0, $0x7  }
0x4f8: {  	v3 =	vand.u32 $0x3000, v3;
	v0 =	vand.u32 $0x380, v0;
	[sflag:s8] =	ssyncset.done $0x0  }
0x4f9: {  	v0 =	vor.u32 v0, v3;
	[sflag:s8] =	ssyncadd.s32 $0xFFFFC000  }
0x4fa: {  	v3 =	vor.u32 v6, v0;
	v2 =	vld.idx.msk [tilespmem:v2+s19+$0x0], $0xffff  }
0x4fb: {  	v4 =	vor.u32 v4, v1;
	_ =	sdelay $0x3  }
0x4fc: {  	[tilespmem:v3+s26+$0x0] =	vst.idx.msk $0xffff, v2;
	v3 =	vld [tilespmem:$0x1FC20]  }
0x4fd: {  	v2 =	vld.idx.msk [tilespmem:v4+s19+$0x0], $0xffff  }
0x4fe: {  	v4 =	vld [tilespmem:$0x1FF20];
	_ =	sdelay $0x3  }
0x4ff: {  	v3 =	vor.u32 v3, v0  }
0x500: {  	v4 =	vor.u32 v4, v1;
	_ =	sdelay $0x3  }
0x501: {  	[tilespmem:v3+s26+$0x0] =	vst.idx.msk $0xffff, v2;
	v3 =	vld [tilespmem:$0x1FC30]  }
0x502: {  	v2 =	vld.idx.msk [tilespmem:v4+s19+$0x0], $0xffff  }
0x503: {  	v4 =	vld [tilespmem:$0x1FC40];
	_ =	sdelay $0x3  }
0x504: {  	v3 =	vor.u32 v3, v0  }
0x505: {  	v4 =	vor.u32 v4, v1;
	_ =	sdelay $0x3  }
0x506: {  	[tilespmem:v3+s26+$0x0] =	vst.idx.msk $0xffff, v2;
	v3 =	vld [tilespmem:$0x1FC50]  }
0x507: {  	v2 =	vld.idx.msk [tilespmem:v4+s19+$0x0], $0xffff  }
0x508: {  	v4 =	vld [tilespmem:$0x1FC60];
	_ =	sdelay $0x3  }
0x509: {  	v3 =	vor.u32 v3, v0  }
0x50a: {  	v4 =	vor.u32 v4, v1;
	_ =	sdelay $0x3  }
0x50b: {  	[tilespmem:v3+s26+$0x0] =	vst.idx.msk $0xffff, v2;
	v3 =	vld [tilespmem:$0x1FC70]  }
0x50c: {  	v2 =	vld.idx.msk [tilespmem:v4+s19+$0x0], $0xffff  }
0x50d: {  	v4 =	vld [tilespmem:$0x1FC80];
	_ =	sdelay $0x3  }
0x50e: {  	v3 =	vor.u32 v3, v0  }
0x50f: {  	v4 =	vor.u32 v4, v1;
	_ =	sdelay $0x3  }
0x510: {  	[tilespmem:v3+s26+$0x0] =	vst.idx.msk $0xffff, v2;
	v3 =	vld [tilespmem:$0x1FC90]  }
0x511: {  	v2 =	vld.idx.msk [tilespmem:v4+s19+$0x0], $0xffff  }
0x512: {  	v4 =	vld [tilespmem:$0x1FCA0];
	_ =	sdelay $0x3  }
0x513: {  	v3 =	vor.u32 v3, v0  }
0x514: {  	v4 =	vor.u32 v4, v1;
	_ =	sdelay $0x3  }
0x515: {  	[tilespmem:v3+s26+$0x0] =	vst.idx.msk $0xffff, v2;
	v3 =	vld [tilespmem:$0x1FCB0]  }
0x516: {  	v2 =	vld.idx.msk [tilespmem:v4+s19+$0x0], $0xffff  }
0x517: {  	v4 =	vld [tilespmem:$0x1FCC0];
	_ =	sdelay $0x3  }
0x518: {  	v3 =	vor.u32 v3, v0  }
0x519: {  	v4 =	vor.u32 v4, v1;
	_ =	sdelay $0x3  }
0x51a: {  	[tilespmem:v3+s26+$0x0] =	vst.idx.msk $0xffff, v2;
	v3 =	vld [tilespmem:$0x1FCD0]  }
0x51b: {  	v2 =	vld.idx.msk [tilespmem:v4+s19+$0x0], $0xffff  }
0x51c: {  	v4 =	vld [tilespmem:$0x1FCE0];
	_ =	sdelay $0x3  }
0x51d: {  	v3 =	vor.u32 v3, v0  }
0x51e: {  	v4 =	vor.u32 v4, v1;
	_ =	sdelay $0x3  }
0x51f: {  	[tilespmem:v3+s26+$0x0] =	vst.idx.msk $0xffff, v2;
	v3 =	vld [tilespmem:$0x1FCF0]  }
0x520: {  	v2 =	vld.idx.msk [tilespmem:v4+s19+$0x0], $0xffff  }
0x521: {  	v4 =	vld [tilespmem:$0x1FD00];
	_ =	sdelay $0x3  }
0x522: {  	v3 =	vor.u32 v3, v0  }
0x523: {  	v4 =	vor.u32 v4, v1;
	_ =	sdelay $0x3  }
0x524: {  	[tilespmem:v3+s26+$0x0] =	vst.idx.msk $0xffff, v2;
	v3 =	vld [tilespmem:$0x1FD10]  }
0x525: {  	v2 =	vld.idx.msk [tilespmem:v4+s19+$0x0], $0xffff  }
0x526: {  	v4 =	vld [tilespmem:$0x1FD20];
	_ =	sdelay $0x3  }
0x527: {  	v3 =	vor.u32 v3, v0  }
0x528: {  	v4 =	vor.u32 v4, v1;
	_ =	sdelay $0x3  }
0x529: {  	[tilespmem:v3+s26+$0x0] =	vst.idx.msk $0xffff, v2;
	v3 =	vld [tilespmem:$0x1FD30]  }
0x52a: {  	v2 =	vld.idx.msk [tilespmem:v4+s19+$0x0], $0xffff  }
0x52b: {  	v4 =	vld [tilespmem:$0x1FD40];
	_ =	sdelay $0x3  }
0x52c: {  	v3 =	vor.u32 v3, v0  }
0x52d: {  	v4 =	vor.u32 v4, v1;
	_ =	sdelay $0x3  }
0x52e: {  	[tilespmem:v3+s26+$0x0] =	vst.idx.msk $0xffff, v2;
	v3 =	vld [tilespmem:$0x1FD50]  }
0x52f: {  	v2 =	vld.idx.msk [tilespmem:v4+s19+$0x0], $0xffff  }
0x530: {  	v4 =	vld [tilespmem:$0x1FD60];
	_ =	sdelay $0x3  }
0x531: {  	v3 =	vor.u32 v3, v0  }
0x532: {  	v4 =	vor.u32 v4, v1;
	_ =	sdelay $0x3  }
0x533: {  	[tilespmem:v3+s26+$0x0] =	vst.idx.msk $0xffff, v2;
	v3 =	vld [tilespmem:$0x1FD70]  }
0x534: {  	v2 =	vld.idx.msk [tilespmem:v4+s19+$0x0], $0xffff  }
0x535: {  	v4 =	vld [tilespmem:$0x1FD80];
	_ =	sdelay $0x3  }
0x536: {  	v3 =	vor.u32 v3, v0  }
0x537: {  	v4 =	vor.u32 v4, v1;
	_ =	sdelay $0x3  }
0x538: {  	[tilespmem:v3+s26+$0x0] =	vst.idx.msk $0xffff, v2;
	v3 =	vld [tilespmem:$0x1FD90]  }
0x539: {  	v2 =	vld.idx.msk [tilespmem:v4+s19+$0x0], $0xffff  }
0x53a: {  	v4 =	vld [tilespmem:$0x1FDA0];
	_ =	sdelay $0x3  }
0x53b: {  	v3 =	vor.u32 v3, v0  }
0x53c: {  	v4 =	vor.u32 v4, v1;
	_ =	sdelay $0x3  }
0x53d: {  	[tilespmem:v3+s26+$0x0] =	vst.idx.msk $0xffff, v2;
	v3 =	vld [tilespmem:$0x1FDB0]  }
0x53e: {  	v2 =	vld.idx.msk [tilespmem:v4+s19+$0x0], $0xffff  }
0x53f: {  	v4 =	vld [tilespmem:$0x1FDC0];
	_ =	sdelay $0x3  }
0x540: {  	v3 =	vor.u32 v3, v0  }
0x541: {  	v4 =	vor.u32 v4, v1;
	_ =	sdelay $0x3  }
0x542: {  	[tilespmem:v3+s26+$0x0] =	vst.idx.msk $0xffff, v2;
	v3 =	vld [tilespmem:$0x1FDD0]  }
0x543: {  	v2 =	vld.idx.msk [tilespmem:v4+s19+$0x0], $0xffff  }
0x544: {  	v4 =	vld [tilespmem:$0x1FF30];
	_ =	sdelay $0x3  }
0x545: {  	v3 =	vor.u32 v3, v0  }
0x546: {  	v4 =	vor.u32 v4, v1;
	_ =	sdelay $0x3  }
0x547: {  	[tilespmem:v3+s26+$0x0] =	vst.idx.msk $0xffff, v2;
	v3 =	vld [tilespmem:$0x1FE50]  }
0x548: {  	v2 =	vld.idx.msk [tilespmem:v4+s19+$0x0], $0xffff  }
0x549: {  	v4 =	vld [tilespmem:$0x1FF40];
	_ =	sdelay $0x3  }
0x54a: {  	v3 =	vor.u32 v3, v0  }
0x54b: {  	v4 =	vor.u32 v4, v1;
	_ =	sdelay $0x3  }
0x54c: {  	[tilespmem:v3+s26+$0x0] =	vst.idx.msk $0xffff, v2;
	v3 =	vld [tilespmem:$0x1FE60]  }
0x54d: {  	v2 =	vld.idx.msk [tilespmem:v4+s19+$0x0], $0xffff  }
0x54e: {  	v4 =	vld [tilespmem:$0x1FF50];
	_ =	sdelay $0x3  }
0x54f: {  	v3 =	vor.u32 v3, v0  }
0x550: {  	v4 =	vor.u32 v4, v1;
	_ =	sdelay $0x3  }
0x551: {  	[tilespmem:v3+s26+$0x0] =	vst.idx.msk $0xffff, v2;
	v3 =	vld [tilespmem:$0x1FE70]  }
0x552: {  	v2 =	vld.idx.msk [tilespmem:v4+s19+$0x0], $0xffff  }
0x553: {  	v4 =	vld [tilespmem:$0x1FF60];
	_ =	sdelay $0x3  }
0x554: {  	v3 =	vor.u32 v3, v0  }
0x555: {  	v4 =	vor.u32 v4, v1;
	_ =	sdelay $0x3  }
0x556: {  	[tilespmem:v3+s26+$0x0] =	vst.idx.msk $0xffff, v2;
	v3 =	vld [tilespmem:$0x1FE80]  }
0x557: {  	v2 =	vld.idx.msk [tilespmem:v4+s19+$0x0], $0xffff  }
0x558: {  	v4 =	vld [tilespmem:$0x1FF70];
	_ =	sdelay $0x3  }
0x559: {  	v3 =	vor.u32 v3, v0  }
0x55a: {  	v4 =	vor.u32 v4, v1;
	_ =	sdelay $0x3  }
0x55b: {  	[tilespmem:v3+s26+$0x0] =	vst.idx.msk $0xffff, v2;
	v3 =	vld [tilespmem:$0x1FE90]  }
0x55c: {  	v2 =	vld.idx.msk [tilespmem:v4+s19+$0x0], $0xffff  }
0x55d: {  	v4 =	vld [tilespmem:$0x1FF80];
	_ =	sdelay $0x3  }
0x55e: {  	v3 =	vor.u32 v3, v0  }
0x55f: {  	v4 =	vor.u32 v4, v1;
	_ =	sdelay $0x3  }
0x560: {  	[tilespmem:v3+s26+$0x0] =	vst.idx.msk $0xffff, v2;
	v3 =	vld [tilespmem:$0x1FEA0]  }
0x561: {  	v2 =	vld.idx.msk [tilespmem:v4+s19+$0x0], $0xffff  }
0x562: {  	v4 =	vld [tilespmem:$0x1FF90];
	_ =	sdelay $0x3  }
0x563: {  	v3 =	vor.u32 v3, v0  }
0x564: {  	v4 =	vor.u32 v4, v1;
	_ =	sdelay $0x3  }
0x565: {  	[tilespmem:v3+s26+$0x0] =	vst.idx.msk $0xffff, v2;
	v3 =	vld [tilespmem:$0x1FEB0]  }
0x566: {  	v2 =	vld.idx.msk [tilespmem:v4+s19+$0x0], $0xffff  }
0x567: {  	v4 =	vld [tilespmem:$0x1FFA0];
	_ =	sdelay $0x3  }
0x568: {  	v3 =	vor.u32 v3, v0  }
0x569: {  	v4 =	vor.u32 v4, v1;
	_ =	sdelay $0x3  }
0x56a: {  	[tilespmem:v3+s26+$0x0] =	vst.idx.msk $0xffff, v2;
	v3 =	vld [tilespmem:$0x1FEC0]  }
0x56b: {  	v2 =	vld.idx.msk [tilespmem:v4+s19+$0x0], $0xffff  }
0x56c: {  	v4 =	vld [tilespmem:$0x1FFB0];
	_ =	sdelay $0x3  }
0x56d: {  	v3 =	vor.u32 v3, v0  }
0x56e: {  	v4 =	vor.u32 v4, v1;
	_ =	sdelay $0x3  }
0x56f: {  	[tilespmem:v3+s26+$0x0] =	vst.idx.msk $0xffff, v2;
	v3 =	vld [tilespmem:$0x1FED0]  }
0x570: {  	v2 =	vld.idx.msk [tilespmem:v4+s19+$0x0], $0xffff  }
0x571: {  	v4 =	vld [tilespmem:$0x1FFC0];
	_ =	sdelay $0x3  }
0x572: {  	v3 =	vor.u32 v3, v0  }
0x573: {  	v4 =	vor.u32 v4, v1;
	_ =	sdelay $0x3  }
0x574: {  	[tilespmem:v3+s26+$0x0] =	vst.idx.msk $0xffff, v2;
	v3 =	vld [tilespmem:$0x1FEE0]  }
0x575: {  	v2 =	vld.idx.msk [tilespmem:v4+s19+$0x0], $0xffff  }
0x576: {  	v4 =	vld [tilespmem:$0x1FFD0];
	_ =	sdelay $0x2  }
0x577: {  	v3 =	vor.u32 v3, v0;
	_ =	sdelay $0x1  }
0x578: {  	v4 =	vor.u32 v4, v1;
	_ =	sdelay $0x2  }
0x579: {  	[tilespmem:v3+s26+$0x0] =	vst.idx.msk $0xffff, v2;
	v3 =	vld [tilespmem:$0x1FEF0];
	_ =	sdelay $0x1  }
0x57a: {  	v2 =	vld.idx.msk [tilespmem:v4+s19+$0x0], $0xffff  }
0x57b: {  	v4 =	vld [tilespmem:$0x1FFE0];
	_ =	sdelay $0x1  }
0x57c: {  	v3 =	vor.u32 v3, v0;
	_ =	sdelay $0x2  }
0x57d: {  	v4 =	vor.u32 v4, v1;
	_ =	sdelay $0x1  }
0x57e: {  	[tilespmem:v3+s26+$0x0] =	vst.idx.msk $0xffff, v2;
	v3 =	vld [tilespmem:$0x1FF00];
	_ =	sdelay $0x2  }
0x57f: {  	v2 =	vld.idx.msk [tilespmem:v4+s19+$0x0], $0xffff  }
0x580: {  	v4 =	vld [tilespmem:$0x1FFF0]  }
0x581: {  	v3 =	vor.u32 v3, v0;
	_ =	sdelay $0x3  }
0x582: {  	v4 =	vor.u32 v4, v1  }
0x583: {  	[tilespmem:v3+s26+$0x0] =	vst.idx.msk $0xffff, v2;
	v3 =	vld [tilespmem:$0x1FF10];
	_ =	sdelay $0x3  }
0x584: {  	v2 =	vld.idx.msk [tilespmem:v4+s19+$0x0], $0xffff  }
0x585: {  	v4 =	vld [tilespmem:$0x1FE40];
	v3 =	vor.u32 v3, v0;
	_ =	sdelay $0x4  }
0x586: {  	v4 =	vor.u32 v4, v1;
	[tilespmem:v3+s26+$0x0] =	vst.idx.msk $0xffff, v2;
	v3 =	vld [tilespmem:$0x1FE10];
	_ =	sdelay $0x4  }
0x587: {  	v2 =	vld.idx.msk [tilespmem:v4+s19+$0x0], $0xffff;
	v3 =	vor.u32 v3, v0  }
0x588: {  	v4 =	vor.u32 v5, v1;
	_ =	sdelay $0x3  }
0x589: {  	[tilespmem:v3+s26+$0x0] =	vst.idx.msk $0xffff, v2;
	v3 =	vld [tilespmem:$0x1FE20]  }
0x58a: {  	v2 =	vld.idx.msk [tilespmem:v4+s19+$0x0], $0xffff  }
0x58b: {  	v4 =	vld [tilespmem:$0x1FE30];
	_ =	sdelay $0x3  }
0x58c: {  	v3 =	vor.u32 v3, v0  }
0x58d: {  	v1 =	vor.u32 v4, v1;
	_ =	sdelay $0x3  }
0x58e: {  	s13 =	simm.s32 $0x1;
	[tilespmem:v3+s26+$0x0] =	vst.idx.msk $0xffff, v2  }
0x58f: {  	s10 =	simm.s32 $0x2;
	v3 =	vadd.s32 s13, v6;
	v2 =	vld.idx.msk [tilespmem:v1+s19+$0x0], $0xffff  }
.LBB2_10:
0x590: {  	v4 =	vld [tilespmem:$0x1FDF0];
	_ =	sdelay $0x3  }
0x591: {  	v1 =	vand.u32 $0x1F, v3;
	v0 =	vor.u32 v7, v0  }
0x592: {  	v4 =	vor.u32 v4, v1;
	_ =	sdelay $0x1  }
0x593: {  	v5 =	vshll.u32 v3, $0x9;
	v3 =	vshll.u32 v3, $0x7  }
0x594: {  	v5 =	vand.u32 $0x3000, v5;
	v3 =	vand.u32 $0x380, v3  }
0x595: {  	[tilespmem:v0+s26+$0x0] =	vst.idx.msk $0xffff, v2;
	v0 =	vor.u32 v3, v5  }
0x596: {  	v3 =	vor.u32 v6, v0;
	v2 =	vld.idx.msk [tilespmem:v4+s19+$0x0], $0xffff  }
0x597: {  	v4 =	vor.u32 v10, v1;
	_ =	sdelay $0x3  }
0x598: {  	[tilespmem:v3+s26+$0x0] =	vst.idx.msk $0xffff, v2  }
0x599: {  	v3 =	vor.u32 v11, v0;
	v2 =	vld.idx.msk [tilespmem:v4+s19+$0x0], $0xffff  }
0x59a: {  	v4 =	vor.u32 v12, v1;
	_ =	sdelay $0x3  }
0x59b: {  	[tilespmem:v3+s26+$0x0] =	vst.idx.msk $0xffff, v2  }
0x59c: {  	v3 =	vor.u32 v13, v0;
	v2 =	vld.idx.msk [tilespmem:v4+s19+$0x0], $0xffff  }
0x59d: {  	v4 =	vor.u32 v14, v1;
	_ =	sdelay $0x3  }
0x59e: {  	[tilespmem:v3+s26+$0x0] =	vst.idx.msk $0xffff, v2  }
0x59f: {  	v3 =	vor.u32 v15, v0;
	v2 =	vld.idx.msk [tilespmem:v4+s19+$0x0], $0xffff  }
0x5a0: {  	v4 =	vor.u32 v16, v1;
	_ =	sdelay $0x3  }
0x5a1: {  	[tilespmem:v3+s26+$0x0] =	vst.idx.msk $0xffff, v2  }
0x5a2: {  	v3 =	vor.u32 v17, v0;
	v2 =	vld.idx.msk [tilespmem:v4+s19+$0x0], $0xffff  }
0x5a3: {  	v4 =	vor.u32 v18, v1;
	_ =	sdelay $0x3  }
0x5a4: {  	[tilespmem:v3+s26+$0x0] =	vst.idx.msk $0xffff, v2  }
0x5a5: {  	v3 =	vor.u32 v19, v0;
	v2 =	vld.idx.msk [tilespmem:v4+s19+$0x0], $0xffff  }
0x5a6: {  	v4 =	vor.u32 v20, v1;
	_ =	sdelay $0x3  }
0x5a7: {  	[tilespmem:v3+s26+$0x0] =	vst.idx.msk $0xffff, v2  }
0x5a8: {  	v3 =	vor.u32 v21, v0;
	v2 =	vld.idx.msk [tilespmem:v4+s19+$0x0], $0xffff  }
0x5a9: {  	v4 =	vor.u32 v22, v1;
	_ =	sdelay $0x3  }
0x5aa: {  	[tilespmem:v3+s26+$0x0] =	vst.idx.msk $0xffff, v2  }
0x5ab: {  	v3 =	vor.u32 v23, v0;
	v2 =	vld.idx.msk [tilespmem:v4+s19+$0x0], $0xffff  }
0x5ac: {  	v4 =	vor.u32 v24, v1;
	_ =	sdelay $0x3  }
0x5ad: {  	[tilespmem:v3+s26+$0x0] =	vst.idx.msk $0xffff, v2  }
0x5ae: {  	v3 =	vor.u32 v25, v0;
	v2 =	vld.idx.msk [tilespmem:v4+s19+$0x0], $0xffff  }
0x5af: {  	v4 =	vor.u32 v26, v1;
	_ =	sdelay $0x3  }
0x5b0: {  	[tilespmem:v3+s26+$0x0] =	vst.idx.msk $0xffff, v2  }
0x5b1: {  	v3 =	vor.u32 v27, v0;
	v2 =	vld.idx.msk [tilespmem:v4+s19+$0x0], $0xffff  }
0x5b2: {  	v4 =	vor.u32 v28, v1;
	_ =	sdelay $0x3  }
0x5b3: {  	[tilespmem:v3+s26+$0x0] =	vst.idx.msk $0xffff, v2  }
0x5b4: {  	v3 =	vor.u32 v29, v0;
	v2 =	vld.idx.msk [tilespmem:v4+s19+$0x0], $0xffff  }
0x5b5: {  	v4 =	vor.u32 v30, v1;
	_ =	sdelay $0x3  }
0x5b6: {  	[tilespmem:v3+s26+$0x0] =	vst.idx.msk $0xffff, v2  }
0x5b7: {  	v3 =	vor.u32 v31, v0;
	v2 =	vld.idx.msk [tilespmem:v4+s19+$0x0], $0xffff  }
0x5b8: {  	v4 =	vor.u32 v32, v1;
	_ =	sdelay $0x3  }
0x5b9: {  	[tilespmem:v3+s26+$0x0] =	vst.idx.msk $0xffff, v2  }
0x5ba: {  	v3 =	vor.u32 v33, v0;
	v2 =	vld.idx.msk [tilespmem:v4+s19+$0x0], $0xffff  }
0x5bb: {  	v4 =	vor.u32 v34, v1;
	_ =	sdelay $0x3  }
0x5bc: {  	[tilespmem:v3+s26+$0x0] =	vst.idx.msk $0xffff, v2  }
0x5bd: {  	v3 =	vor.u32 v35, v0;
	v2 =	vld.idx.msk [tilespmem:v4+s19+$0x0], $0xffff  }
0x5be: {  	v4 =	vor.u32 v36, v1;
	_ =	sdelay $0x3  }
0x5bf: {  	[tilespmem:v3+s26+$0x0] =	vst.idx.msk $0xffff, v2  }
0x5c0: {  	v3 =	vor.u32 v37, v0;
	v2 =	vld.idx.msk [tilespmem:v4+s19+$0x0], $0xffff  }
0x5c1: {  	v4 =	vor.u32 v38, v1;
	_ =	sdelay $0x3  }
0x5c2: {  	[tilespmem:v3+s26+$0x0] =	vst.idx.msk $0xffff, v2  }
0x5c3: {  	v3 =	vor.u32 v39, v0;
	v2 =	vld.idx.msk [tilespmem:v4+s19+$0x0], $0xffff  }
0x5c4: {  	v4 =	vor.u32 v40, v1;
	_ =	sdelay $0x3  }
0x5c5: {  	[tilespmem:v3+s26+$0x0] =	vst.idx.msk $0xffff, v2  }
0x5c6: {  	v3 =	vor.u32 v41, v0;
	v2 =	vld.idx.msk [tilespmem:v4+s19+$0x0], $0xffff  }
0x5c7: {  	v4 =	vor.u32 v42, v1;
	_ =	sdelay $0x3  }
0x5c8: {  	[tilespmem:v3+s26+$0x0] =	vst.idx.msk $0xffff, v2  }
0x5c9: {  	v3 =	vor.u32 v43, v0;
	v2 =	vld.idx.msk [tilespmem:v4+s19+$0x0], $0xffff  }
0x5ca: {  	v4 =	vor.u32 v44, v1;
	_ =	sdelay $0x3  }
0x5cb: {  	[tilespmem:v3+s26+$0x0] =	vst.idx.msk $0xffff, v2  }
0x5cc: {  	v3 =	vor.u32 v45, v0;
	v2 =	vld.idx.msk [tilespmem:v4+s19+$0x0], $0xffff  }
0x5cd: {  	v4 =	vor.u32 v46, v1;
	_ =	sdelay $0x3  }
0x5ce: {  	[tilespmem:v3+s26+$0x0] =	vst.idx.msk $0xffff, v2  }
0x5cf: {  	v3 =	vor.u32 v47, v0;
	v2 =	vld.idx.msk [tilespmem:v4+s19+$0x0], $0xffff  }
0x5d0: {  	v4 =	vor.u32 v48, v1;
	_ =	sdelay $0x3  }
0x5d1: {  	[tilespmem:v3+s26+$0x0] =	vst.idx.msk $0xffff, v2  }
0x5d2: {  	v3 =	vor.u32 v49, v0;
	v2 =	vld.idx.msk [tilespmem:v4+s19+$0x0], $0xffff  }
0x5d3: {  	v4 =	vor.u32 v50, v1;
	_ =	sdelay $0x3  }
0x5d4: {  	[tilespmem:v3+s26+$0x0] =	vst.idx.msk $0xffff, v2  }
0x5d5: {  	v3 =	vor.u32 v51, v0;
	v2 =	vld.idx.msk [tilespmem:v4+s19+$0x0], $0xffff  }
0x5d6: {  	v4 =	vor.u32 v52, v1;
	_ =	sdelay $0x3  }
0x5d7: {  	[tilespmem:v3+s26+$0x0] =	vst.idx.msk $0xffff, v2  }
0x5d8: {  	v3 =	vor.u32 v53, v0;
	v2 =	vld.idx.msk [tilespmem:v4+s19+$0x0], $0xffff  }
0x5d9: {  	v4 =	vor.u32 v54, v1;
	_ =	sdelay $0x3  }
0x5da: {  	[tilespmem:v3+s26+$0x0] =	vst.idx.msk $0xffff, v2  }
0x5db: {  	v3 =	vor.u32 v55, v0;
	v2 =	vld.idx.msk [tilespmem:v4+s19+$0x0], $0xffff  }
0x5dc: {  	v4 =	vor.u32 v56, v1;
	_ =	sdelay $0x3  }
0x5dd: {  	[tilespmem:v3+s26+$0x0] =	vst.idx.msk $0xffff, v2  }
0x5de: {  	v3 =	vor.u32 v57, v0;
	v2 =	vld.idx.msk [tilespmem:v4+s19+$0x0], $0xffff  }
0x5df: {  	v4 =	vor.u32 v58, v1;
	_ =	sdelay $0x3  }
0x5e0: {  	[tilespmem:v3+s26+$0x0] =	vst.idx.msk $0xffff, v2  }
0x5e1: {  	v3 =	vor.u32 v59, v0;
	v2 =	vld.idx.msk [tilespmem:v4+s19+$0x0], $0xffff  }
0x5e2: {  	v4 =	vor.u32 v60, v1;
	_ =	sdelay $0x3  }
0x5e3: {  	[tilespmem:v3+s26+$0x0] =	vst.idx.msk $0xffff, v2  }
0x5e4: {  	v3 =	vor.u32 v61, v0;
	v2 =	vld.idx.msk [tilespmem:v4+s19+$0x0], $0xffff  }
0x5e5: {  	v4 =	vor.u32 v62, v1;
	_ =	sdelay $0x3  }
0x5e6: {  	[tilespmem:v3+s26+$0x0] =	vst.idx.msk $0xffff, v2  }
0x5e7: {  	v3 =	vor.u32 v63, v0;
	v2 =	vld.idx.msk [tilespmem:v4+s19+$0x0], $0xffff  }
0x5e8: {  	v4 =	vor.u32 v9, v1;
	_ =	sdelay $0x3  }
0x5e9: {  	[tilespmem:v3+s26+$0x0] =	vst.idx.msk $0xffff, v2  }
0x5ea: {  	v2 =	vld.idx.msk [tilespmem:v4+s19+$0x0], $0xffff  }
0x5eb: {  	v4 =	vld [tilespmem:$0x1FE40];
	_ =	sdelay $0x3  }
0x5ec: {  	v3 =	vor.u32 v8, v0  }
0x5ed: {  	v4 =	vor.u32 v4, v1;
	_ =	sdelay $0x3  }
0x5ee: {  	[tilespmem:v3+s26+$0x0] =	vst.idx.msk $0xffff, v2;
	v3 =	vld [tilespmem:$0x1FE10]  }
0x5ef: {  	v2 =	vld.idx.msk [tilespmem:v4+s19+$0x0], $0xffff  }
0x5f0: {  	v4 =	vld [tilespmem:$0x1FDE0];
	_ =	sdelay $0x3  }
0x5f1: {  	v3 =	vor.u32 v3, v0  }
0x5f2: {  	v4 =	vor.u32 v4, v1;
	_ =	sdelay $0x3  }
0x5f3: {  	[tilespmem:v3+s26+$0x0] =	vst.idx.msk $0xffff, v2;
	v3 =	vld [tilespmem:$0x1FE20]  }
0x5f4: {  	v2 =	vld.idx.msk [tilespmem:v4+s19+$0x0], $0xffff  }
0x5f5: {  	v4 =	vld [tilespmem:$0x1FE30];
	_ =	sdelay $0x3  }
0x5f6: {  	v3 =	vor.u32 v3, v0  }
0x5f7: {  	p0 =	sne.s32 s10, $0x1F;
	v1 =	vor.u32 v4, v1  }
.Ltmp4:
0x5f8: {  	_ = 	snop;
	(pc) =	sbr.rel @p0 .LBB2_10-.Ltmp4, $3  }
0x5f9: {  	_ =	sdelay $0x1  }
0x5fa: {  	[tilespmem:v3+s26+$0x0] =	vst.idx.msk $0xffff, v2  }
0x5fb: {  	v3 =	vadd.s32 s10, v6;
	s10 =	sadd.s32 $0x1, s10;
	v2 =	vld.idx.msk [tilespmem:v1+s19+$0x0], $0xffff  }
0x5fc: {  	v4 =	vld [tilespmem:$0x1FDF0];
	_ =	sdelay $0x3  }
0x5fd: {  	v1 =	vand.u32 $0x1F, v3;
	v0 =	vor.u32 v7, v0  }
0x5fe: {  	v4 =	vor.u32 v4, v1;
	_ =	sdelay $0x1  }
0x5ff: {  	v5 =	vshll.u32 v3, $0x9;
	v3 =	vshll.u32 v3, $0x7  }
0x600: {  	v5 =	vand.u32 $0x3000, v5;
	v3 =	vand.u32 $0x380, v3  }
0x601: {  	[tilespmem:v0+s26+$0x0] =	vst.idx.msk $0xffff, v2;
	v0 =	vor.u32 v3, v5  }
0x602: {  	v3 =	vor.u32 v6, v0;
	v2 =	vld.idx.msk [tilespmem:v4+s19+$0x0], $0xffff  }
0x603: {  	v4 =	vor.u32 v10, v1;
	_ =	sdelay $0x3  }
0x604: {  	[tilespmem:v3+s26+$0x0] =	vst.idx.msk $0xffff, v2  }
0x605: {  	v3 =	vor.u32 v11, v0;
	v2 =	vld.idx.msk [tilespmem:v4+s19+$0x0], $0xffff  }
0x606: {  	v4 =	vor.u32 v12, v1;
	_ =	sdelay $0x3  }
0x607: {  	[tilespmem:v3+s26+$0x0] =	vst.idx.msk $0xffff, v2  }
0x608: {  	v3 =	vor.u32 v13, v0;
	v2 =	vld.idx.msk [tilespmem:v4+s19+$0x0], $0xffff  }
0x609: {  	v4 =	vor.u32 v14, v1;
	_ =	sdelay $0x3  }
0x60a: {  	[tilespmem:v3+s26+$0x0] =	vst.idx.msk $0xffff, v2  }
0x60b: {  	v3 =	vor.u32 v15, v0;
	v2 =	vld.idx.msk [tilespmem:v4+s19+$0x0], $0xffff  }
0x60c: {  	v4 =	vor.u32 v16, v1;
	_ =	sdelay $0x3  }
0x60d: {  	[tilespmem:v3+s26+$0x0] =	vst.idx.msk $0xffff, v2  }
0x60e: {  	v3 =	vor.u32 v17, v0;
	v2 =	vld.idx.msk [tilespmem:v4+s19+$0x0], $0xffff  }
0x60f: {  	v4 =	vor.u32 v18, v1;
	_ =	sdelay $0x3  }
0x610: {  	[tilespmem:v3+s26+$0x0] =	vst.idx.msk $0xffff, v2  }
0x611: {  	v3 =	vor.u32 v19, v0;
	v2 =	vld.idx.msk [tilespmem:v4+s19+$0x0], $0xffff  }
0x612: {  	v4 =	vor.u32 v20, v1;
	_ =	sdelay $0x3  }
0x613: {  	[tilespmem:v3+s26+$0x0] =	vst.idx.msk $0xffff, v2  }
0x614: {  	v3 =	vor.u32 v21, v0;
	v2 =	vld.idx.msk [tilespmem:v4+s19+$0x0], $0xffff  }
0x615: {  	v4 =	vor.u32 v22, v1;
	_ =	sdelay $0x3  }
0x616: {  	[tilespmem:v3+s26+$0x0] =	vst.idx.msk $0xffff, v2  }
0x617: {  	v3 =	vor.u32 v23, v0;
	v2 =	vld.idx.msk [tilespmem:v4+s19+$0x0], $0xffff  }
0x618: {  	v4 =	vor.u32 v24, v1;
	_ =	sdelay $0x3  }
0x619: {  	[tilespmem:v3+s26+$0x0] =	vst.idx.msk $0xffff, v2  }
0x61a: {  	v3 =	vor.u32 v25, v0;
	v2 =	vld.idx.msk [tilespmem:v4+s19+$0x0], $0xffff  }
0x61b: {  	v4 =	vor.u32 v26, v1;
	_ =	sdelay $0x3  }
0x61c: {  	[tilespmem:v3+s26+$0x0] =	vst.idx.msk $0xffff, v2  }
0x61d: {  	v3 =	vor.u32 v27, v0;
	v2 =	vld.idx.msk [tilespmem:v4+s19+$0x0], $0xffff  }
0x61e: {  	v4 =	vor.u32 v28, v1;
	_ =	sdelay $0x3  }
0x61f: {  	[tilespmem:v3+s26+$0x0] =	vst.idx.msk $0xffff, v2  }
0x620: {  	v3 =	vor.u32 v29, v0;
	v2 =	vld.idx.msk [tilespmem:v4+s19+$0x0], $0xffff  }
0x621: {  	v4 =	vor.u32 v30, v1;
	_ =	sdelay $0x3  }
0x622: {  	[tilespmem:v3+s26+$0x0] =	vst.idx.msk $0xffff, v2  }
0x623: {  	v3 =	vor.u32 v31, v0;
	v2 =	vld.idx.msk [tilespmem:v4+s19+$0x0], $0xffff  }
0x624: {  	v4 =	vor.u32 v32, v1;
	_ =	sdelay $0x3  }
0x625: {  	[tilespmem:v3+s26+$0x0] =	vst.idx.msk $0xffff, v2  }
0x626: {  	v3 =	vor.u32 v33, v0;
	v2 =	vld.idx.msk [tilespmem:v4+s19+$0x0], $0xffff  }
0x627: {  	v4 =	vor.u32 v34, v1;
	_ =	sdelay $0x3  }
0x628: {  	[tilespmem:v3+s26+$0x0] =	vst.idx.msk $0xffff, v2  }
0x629: {  	v3 =	vor.u32 v35, v0;
	v2 =	vld.idx.msk [tilespmem:v4+s19+$0x0], $0xffff  }
0x62a: {  	v4 =	vor.u32 v36, v1;
	_ =	sdelay $0x3  }
0x62b: {  	[tilespmem:v3+s26+$0x0] =	vst.idx.msk $0xffff, v2  }
0x62c: {  	v3 =	vor.u32 v37, v0;
	v2 =	vld.idx.msk [tilespmem:v4+s19+$0x0], $0xffff  }
0x62d: {  	v4 =	vor.u32 v38, v1;
	_ =	sdelay $0x3  }
0x62e: {  	[tilespmem:v3+s26+$0x0] =	vst.idx.msk $0xffff, v2  }
0x62f: {  	v3 =	vor.u32 v39, v0;
	v2 =	vld.idx.msk [tilespmem:v4+s19+$0x0], $0xffff  }
0x630: {  	v4 =	vor.u32 v40, v1;
	_ =	sdelay $0x3  }
0x631: {  	[tilespmem:v3+s26+$0x0] =	vst.idx.msk $0xffff, v2  }
0x632: {  	v3 =	vor.u32 v41, v0;
	v2 =	vld.idx.msk [tilespmem:v4+s19+$0x0], $0xffff  }
0x633: {  	v4 =	vor.u32 v42, v1;
	_ =	sdelay $0x3  }
0x634: {  	[tilespmem:v3+s26+$0x0] =	vst.idx.msk $0xffff, v2  }
0x635: {  	v3 =	vor.u32 v43, v0;
	v2 =	vld.idx.msk [tilespmem:v4+s19+$0x0], $0xffff  }
0x636: {  	v4 =	vor.u32 v44, v1;
	_ =	sdelay $0x3  }
0x637: {  	[tilespmem:v3+s26+$0x0] =	vst.idx.msk $0xffff, v2  }
0x638: {  	v3 =	vor.u32 v45, v0;
	v2 =	vld.idx.msk [tilespmem:v4+s19+$0x0], $0xffff  }
0x639: {  	v4 =	vor.u32 v46, v1;
	_ =	sdelay $0x3  }
0x63a: {  	[tilespmem:v3+s26+$0x0] =	vst.idx.msk $0xffff, v2  }
0x63b: {  	v3 =	vor.u32 v47, v0;
	v2 =	vld.idx.msk [tilespmem:v4+s19+$0x0], $0xffff  }
0x63c: {  	v4 =	vor.u32 v48, v1;
	_ =	sdelay $0x3  }
0x63d: {  	[tilespmem:v3+s26+$0x0] =	vst.idx.msk $0xffff, v2  }
0x63e: {  	v3 =	vor.u32 v49, v0;
	v2 =	vld.idx.msk [tilespmem:v4+s19+$0x0], $0xffff  }
0x63f: {  	v4 =	vor.u32 v50, v1;
	_ =	sdelay $0x3  }
0x640: {  	[tilespmem:v3+s26+$0x0] =	vst.idx.msk $0xffff, v2  }
0x641: {  	v3 =	vor.u32 v51, v0;
	v2 =	vld.idx.msk [tilespmem:v4+s19+$0x0], $0xffff  }
0x642: {  	v4 =	vor.u32 v52, v1;
	_ =	sdelay $0x3  }
0x643: {  	[tilespmem:v3+s26+$0x0] =	vst.idx.msk $0xffff, v2  }
0x644: {  	v3 =	vor.u32 v53, v0;
	v2 =	vld.idx.msk [tilespmem:v4+s19+$0x0], $0xffff  }
0x645: {  	v4 =	vor.u32 v54, v1;
	_ =	sdelay $0x3  }
0x646: {  	[tilespmem:v3+s26+$0x0] =	vst.idx.msk $0xffff, v2  }
0x647: {  	v3 =	vor.u32 v55, v0;
	v2 =	vld.idx.msk [tilespmem:v4+s19+$0x0], $0xffff  }
0x648: {  	v4 =	vor.u32 v56, v1;
	_ =	sdelay $0x3  }
0x649: {  	[tilespmem:v3+s26+$0x0] =	vst.idx.msk $0xffff, v2  }
0x64a: {  	v3 =	vor.u32 v57, v0;
	v2 =	vld.idx.msk [tilespmem:v4+s19+$0x0], $0xffff  }
0x64b: {  	v4 =	vor.u32 v58, v1;
	_ =	sdelay $0x3  }
0x64c: {  	[tilespmem:v3+s26+$0x0] =	vst.idx.msk $0xffff, v2  }
0x64d: {  	v3 =	vor.u32 v59, v0;
	v2 =	vld.idx.msk [tilespmem:v4+s19+$0x0], $0xffff  }
0x64e: {  	v4 =	vor.u32 v60, v1;
	_ =	sdelay $0x3  }
0x64f: {  	[tilespmem:v3+s26+$0x0] =	vst.idx.msk $0xffff, v2  }
0x650: {  	v3 =	vor.u32 v61, v0;
	v2 =	vld.idx.msk [tilespmem:v4+s19+$0x0], $0xffff  }
0x651: {  	v4 =	vor.u32 v62, v1;
	_ =	sdelay $0x3  }
0x652: {  	[tilespmem:v3+s26+$0x0] =	vst.idx.msk $0xffff, v2  }
0x653: {  	v3 =	vor.u32 v63, v0;
	v2 =	vld.idx.msk [tilespmem:v4+s19+$0x0], $0xffff  }
0x654: {  	v4 =	vor.u32 v9, v1  }
0x655: {  	v5 =	vld [tilespmem:$0x1FE40];
	_ =	sdelay $0x2  }
0x656: {  	[tilespmem:v3+s26+$0x0] =	vst.idx.msk $0xffff, v2  }
0x657: {  	v3 =	vor.u32 v8, v0;
	v2 =	vld.idx.msk [tilespmem:v4+s19+$0x0], $0xffff  }
0x658: {  	v4 =	vor.u32 v5, v1;
	_ =	sdelay $0x3  }
0x659: {  	v6 =	vld [tilespmem:$0x1FE10];
	[tilespmem:v3+s26+$0x0] =	vst.idx.msk $0xffff, v2  }
0x65a: {  	v2 =	vld.idx.msk [tilespmem:v4+s19+$0x0], $0xffff  }
0x65b: {  	v4 =	vld [tilespmem:$0x1FDE0];
	_ =	sdelay $0x3  }
0x65c: {  	v3 =	vor.u32 v6, v0  }
0x65d: {  	v4 =	vor.u32 v4, v1;
	_ =	sdelay $0x3  }
0x65e: {  	[tilespmem:v3+s26+$0x0] =	vst.idx.msk $0xffff, v2  }
0x65f: {  	v2 =	vld.idx.msk [tilespmem:v4+s19+$0x0], $0xffff  }
0x660: {  	v39 =	vmov v40;
	v4 =	vld [tilespmem:$0x1FE20]  }
0x661: {  	v40 =	vmovc v41;
	v41 =	vmovc v42;
	v42 =	vmov v43;
	v43 =	vmov v44;
	v44 =	vmov v45  }
0x662: {  	v45 =	vmovc v46;
	v46 =	vmovc v47;
	v47 =	vmov v48;
	v48 =	vmov v49;
	v49 =	vmov v50  }
0x663: {  	v50 =	vmovc v51;
	v51 =	vmovc v52;
	v52 =	vmov v53;
	v53 =	vmov v54;
	v54 =	vmov v55  }
0x664: {  	v55 =	vmovc v56;
	v56 =	vmovc v57;
	v57 =	vmov v58;
	v58 =	vmov v59;
	v59 =	vmov v60  }
0x665: {  	v60 =	vmovc v61;
	v61 =	vmovc v62;
	v62 =	vmov v63;
	v63 =	vmov v9;
	v9 =	vld [tilespmem:$0x1FE30];
	v3 =	vor.u32 v4, v0;
	_ =	sdelay $0x4  }
0x666: {  	v1 =	vor.u32 v9, v1;
	[tilespmem:v3+s26+$0x0] =	vst.idx.msk $0xffff, v2;
	v2 =	vld [tilespmem:$0x1FE00];
	_ =	sdelay $0x4  }
0x667: {  	v1 =	vld.idx.msk [tilespmem:v1+s19+$0x0], $0xffff;
	v0 =	vor.u32 v2, v0;
	_ =	sdelay $0x2  }
0x668: {  	s10 =	sld [smem:$0x7FB];
	_ =	sdelay $0x1  }
0x669: {  	s11 =	sld [smem:$0x7FC];
	[tilespmem:v0+s26+$0x0] =	vst.idx.msk $0xffff, v1  }
0x66a: {  	[hbm4b:s10+s3] =	stream.linear.scatter [tilespmem:s26], [sflag:$0x4], $0x1000, $0x38;
	[tilespmem:$0x16400] =	vst v63  }
0x66b: {  	s12 =	sld [smem:$0x7FD]  }
0x66c: {  	[hbm4b:s11+s3] =	stream.linear.scatter [tilespmem:s28], [sflag:$0x4], $0x1000, $0x38;
	[tilespmem:$0x16400] =	vst v63  }
0x66d: {  	_ = 	snop  }
0x66e: {  	[hbm4b:s12+s3] =	stream.linear.scatter [tilespmem:s29], [sflag:$0x4], $0x1000, $0x38;
	[tilespmem:$0x16400] =	vst v63  }
0x66f: {  	_ = 	snop  }
0x670: {  	[hbm4b:s14+s3] =	stream.linear.scatter [tilespmem:s30], [sflag:$0x4], $0x1000, $0x38;
	[tilespmem:$0x16400] =	vst v63  }
0x671: {  	_ =	swait.ge [sflag:s7], $0x4000  }
0x672: {  	[sflag:s7] =	ssyncset.done $0x0  }
0x673: {  	[sflag:s7] =	ssyncadd.s32 $0xFFFFC000  }
0x674: {  	_ =	swait.ge [sflag:s8], $0x4000  }
0x675: {  	s13 =	sld [smem:$0x7F6];
	_ =	sdelay $0x1  }
0x676: {  	s9 =	sadd.s32 $0x1, s9  }
0x677: {  	p0 =	sne.s32 s9, s13  }
.Ltmp5:
0x678: {  	_ = 	snop;
	(pc) =	sbr.rel @p0 .LBB2_1-.Ltmp5, $3  }
0x679: {  	_ =	sdelay $0x1  }
0x67a: {  	[sflag:s8] =	ssyncset.done $0x0  }
0x67b: {  	v11 =	vmov v12;
	v3 =	vmov v5;
	v2 =	vlaneseq.u32;
	[sflag:s8] =	ssyncadd.s32 $0xFFFFC000  }
0x67c: {  	_ =	sfence.sel $0x180000  }
0x67d: {  	[bflag:$0x0] =	sbarrier.arrive $0xFFFF  }
0x67e: {  	_ =	strace $0x90000047  }
0x67f: {  	s0 =	stileid.u32;
	[bflag:$0x2] =	sbarrier.arrive $0xFFFF  }
0x680: {  	p0 =	sne.s32 s0, $0x0;
	s0 =	rddreg [dreg:$0x2]  }
0x681: {  	s0 =	sadd.s32 @!p0 $0x100000, s0  }
0x682: {  	[sflag:s0] =	ssyncadd.tile.s32 @!p0 $0x1;
	_ =	shalt  }
.Lfunc_end2:
_tile_overlayer_lowered:
.L_overlay_start_2:
0x683: {  	(tag) =	ssettag $0x2  }
0x684: {  	s0 =	rddreg [dreg:$0x0];
	s2 =	stileid.u32  }
0x685: {  	s1 =	rddreg [dreg:$0x1];
	p0 =	sne.s32 s2, $0x0  }
0x686: {  	s3 =	rddreg [dreg:$0x2];
	[bflag:$0x3] =	sbarrier.arrive $0xFFFF;
	s2 =	simm.s32 @!p0 $0x1C06  }
0x687: {  	[timem:s3], [sflag:s2] =	dma.local @!p0 [hbm:s0], s1  }
0x688: {  	s0 =	simm.s32 @!p0 $0x6  }
0x689: {  	_ =	swait.ge @!p0 [sflag:s0], s1  }
0x68a: {  	s1 =	ssub.s32 @!p0 $0x0, s1;
	[sflag:s0] =	ssyncset.done @!p0 $0x0  }
0x68b: {  	[sflag:s0] =	ssyncadd.s32 @!p0 s1  }
0x68c: {  	[bflag:$0x3] =	sbarrier.arrive $0xFFFF  }
0x68d: {  	_ =	shalt  }

</sc_bundles>
